<compile_context>
chip_gen: v7x
topology: tpu7x:2x2x1
jax: 0.10.2.dev20260603
libtpu: 0.0.44.dev20260713+nightly
codegen_flags: <defaults>
</compile_context>

<pallas_src>
import functools

import jax
import jax.numpy as jnp
from jax import lax
from jax.experimental import pallas as pl
from jax.experimental.pallas import tpu as pltpu
from jax.experimental.pallas import tpu_sc as plsc

NC = 2
NS = 16
CHUNK = 128


def _round_up(v, m):
    return (v + m - 1) // m * m


def _make_deg_kernel(n_pad, tot, zp, zpb):
    rt = tot // NS
    mesh = plsc.VectorSubcoreMesh(core_axis_name="c", subcore_axis_name="s")

    @functools.partial(
        pl.kernel,
        out_type=jax.ShapeDtypeStruct((NC, n_pad), jnp.float32),
        mesh=mesh,
        scratch_types=[
            pltpu.VMEM((rt, CHUNK), jnp.int32),
            pltpu.VMEM((CHUNK,), jnp.float32),
            pltpu.VMEM((zpb,), jnp.float32),
            pltpu.VMEM_SHARED((n_pad,), jnp.float32),
        ],
    )
    def deg_kernel(src_hbm, dst_hbm, z1_hbm, out_hbm, idx_v, ones_v, zv,
                   acc_s):
        c = lax.axis_index("c")
        s = lax.axis_index("s")
        for j in range(CHUNK // 16):
            ones_v[pl.ds(j * 16, 16)] = jnp.ones((16,), jnp.float32)
        pltpu.sync_copy(z1_hbm, zv)
        base = s * zp
        pltpu.sync_copy(zv.at[pl.ds(0, zp)], acc_s.at[pl.ds(base, zp)])

        @pl.when(c == 0)
        def _():
            pltpu.sync_copy(src_hbm.at[pl.ds(s * rt, rt)], idx_v)

        @pl.when(c == 1)
        def _():
            pltpu.sync_copy(dst_hbm.at[pl.ds(s * rt, rt)], idx_v)

        plsc.subcore_barrier()

        def body(i, carry):
            pltpu.sync_copy(ones_v, acc_s.at[idx_v.at[i]], add=True)
            return carry

        lax.fori_loop(0, rt, body, 0)
        plsc.subcore_barrier()
        pltpu.sync_copy(acc_s.at[pl.ds(base, zp)], zv.at[pl.ds(0, zp)])
        pltpu.sync_copy(zv.at[pl.ds(0, zp)],
                        out_hbm.at[c].at[pl.ds(base, zp)])

    return deg_kernel


def _make_edge_kernel(n_pad, tot, rw, zp, zpb, d, ec, with_u):
    mesh = plsc.VectorSubcoreMesh(core_axis_name="c", subcore_axis_name="s")
    scratch = [
        pltpu.VMEM((8, ec), jnp.int32),
        pltpu.VMEM((8, ec), jnp.int32),
        pltpu.VMEM((8, ec), jnp.int32),
        pltpu.VMEM((8, ec), jnp.int32),
        pltpu.VMEM((ec, d), jnp.float32),
        pltpu.VMEM((ec, d), jnp.float32),
        pltpu.VMEM((8, d), jnp.float32),
        pltpu.SemaphoreType.DMA,
        pltpu.SemaphoreType.DMA,
        pltpu.SemaphoreType.DMA,
        pltpu.SemaphoreType.DMA,
        pltpu.SemaphoreType.DMA,
        pltpu.SemaphoreType.DMA,
        pltpu.VMEM_SHARED((n_pad, d), jnp.float32),
    ]
    out_type = [jax.ShapeDtypeStruct((NC, n_pad, d), jnp.float32)]
    if with_u:
        scratch += [
            pltpu.VMEM((ec,), jnp.float32),
            pltpu.VMEM((ec,), jnp.float32),
            pltpu.VMEM((zpb,), jnp.float32),
            pltpu.SemaphoreType.DMA,
            pltpu.SemaphoreType.DMA,
            pltpu.SemaphoreType.DMA,
            pltpu.SemaphoreType.DMA,
            pltpu.VMEM_SHARED((n_pad,), jnp.float32),
        ]
        out_type.append(jax.ShapeDtypeStruct((NC, n_pad), jnp.float32))

    mk = functools.partial(pl.kernel, out_type=tuple(out_type), mesh=mesh,
                           scratch_types=scratch)

    def common(c, s, g_hbm, src_hbm, dst_hbm, z2_hbm, agg_hbm, svs, dvs,
               bufs, zrow, isems, gsems, ssems, acc_s, uprefetch, uconsume,
               urefill, ufin):
        w = s * NC + c
        base = s * zp
        wbase = w * rw
        nb = rw // 8
        pltpu.sync_copy(z2_hbm, zrow)

        def zbody(k, carry):
            pltpu.sync_copy(zrow, acc_s.at[pl.ds(base + k * 8, 8)])
            return carry

        lax.fori_loop(0, zp // 8, zbody, 0)

        def load_idx(q, bb):
            off = wbase + bb * 8
            pltpu.async_copy(src_hbm.at[pl.ds(off, 8)], svs[q], isems[q])
            pltpu.async_copy(dst_hbm.at[pl.ds(off, 8)], dvs[q], isems[q])

        def wait_idx(q):
            pltpu.make_async_copy(src_hbm.at[pl.ds(wbase, 8)], svs[q],
                                  isems[q]).wait()
            pltpu.make_async_copy(dst_hbm.at[pl.ds(wbase, 8)], dvs[q],
                                  isems[q]).wait()

        pltpu.sync_copy(src_hbm.at[pl.ds(wbase, 8)], svs[0])
        pltpu.sync_copy(dst_hbm.at[pl.ds(wbase, 8)], dvs[0])
        load_idx(1, 1)
        plsc.subcore_barrier()

        def gath(sv, j, p):
            pltpu.async_copy(g_hbm.at[sv.at[j]], bufs[p], gsems[p])

        def wait_g(p):
            pltpu.make_async_copy(g_hbm.at[svs[0].at[0]], bufs[p],
                                  gsems[p]).wait()

        def scat(dv, j, p):
            pltpu.async_copy(bufs[p], acc_s.at[dv.at[j]], ssems[p], add=True)

        def wait_s(p):
            pltpu.make_async_copy(bufs[p], acc_s.at[dvs[0].at[0]],
                                  ssems[p]).wait()

        gath(svs[0], 0, 0)
        gath(svs[0], 1, 1)
        uprefetch(dvs[0], 0, 0)
        uprefetch(dvs[0], 1, 1)

        def process_block(q):
            sv, dv = svs[q], dvs[q]
            svn, dvn = svs[1 - q], dvs[1 - q]
            for j in range(8):
                p = j & 1
                if j == 6:
                    wait_idx(1 - q)
                wait_g(p)
                scat(dv, j, p)
                uconsume(dv, sv, j, p)
                wait_s(p)
                if j < 6:
                    gath(sv, j + 2, p)
                    urefill(dv, j + 2, p)
                else:
                    gath(svn, j - 6, p)
                    urefill(dvn, j - 6, p)

        def body(b2, carry):
            bb0 = 2 * b2
            process_block(0)
            load_idx(0, jnp.minimum(bb0 + 2, nb - 1))
            process_block(1)
            load_idx(1, jnp.minimum(bb0 + 3, nb - 1))
            return carry

        lax.fori_loop(0, nb // 2, body, 0)
        for p in (0, 1):
            wait_g(p)
        wait_idx(1)
        plsc.subcore_barrier()
        nfull = zp // ec
        rem = zp - nfull * ec
        for k in range(nfull + 1):
            span = ec if k < nfull else rem
            if span:
                pltpu.sync_copy(acc_s.at[pl.ds(base + k * ec, span)],
                                bufs[0].at[pl.ds(0, span)])
                pltpu.sync_copy(bufs[0].at[pl.ds(0, span)],
                                agg_hbm.at[c].at[pl.ds(base + k * ec, span)])
        ufin(c, base)

    if with_u:
        @mk
        def edge_kernel(g_hbm, src_hbm, dst_hbm, z2_hbm, b_hbm, z1_hbm,
                        agg_hbm, u_hbm, sv0, sv1, dv0, dv1, bufa, bufb, zrow,
                        i0, i1, ga, gb, sa, sb, acc_s, ubufa, ubufb, zv,
                        uga, ugb, usa, usb, uacc_s):
            c = lax.axis_index("c")
            s = lax.axis_index("s")
            base = s * zp
            ubufs, ugs, uss = (ubufa, ubufb), (uga, ugb), (usa, usb)
            pltpu.sync_copy(z1_hbm, zv)
            pltpu.sync_copy(zv.at[pl.ds(0, zp)], uacc_s.at[pl.ds(base, zp)])

            def uprefetch(dv, j, p):
                pltpu.async_copy(b_hbm.at[dv.at[j]], ubufs[p], ugs[p])

            def uconsume(dv, sv, j, p):
                pltpu.make_async_copy(b_hbm.at[dv.at[j]], ubufs[p],
                                      ugs[p]).wait()
                pltpu.async_copy(ubufs[p], uacc_s.at[sv.at[j]],
                                 uss[p], add=True)

            def urefill(dv, j, p):
                pltpu.make_async_copy(ubufs[p], uacc_s.at[sv0.at[0]],
                                      uss[p]).wait()
                uprefetch(dv, j, p)

            def ufin(cc, bb):
                pltpu.sync_copy(uacc_s.at[pl.ds(bb, zp)], zv.at[pl.ds(0, zp)])
                pltpu.sync_copy(zv.at[pl.ds(0, zp)],
                                u_hbm.at[cc].at[pl.ds(bb, zp)])

            common(c, s, g_hbm, src_hbm, dst_hbm, z2_hbm, agg_hbm,
                   (sv0, sv1), (dv0, dv1), (bufa, bufb), zrow, (i0, i1),
                   (ga, gb), (sa, sb), acc_s, uprefetch, uconsume, urefill,
                   ufin)
            for p in (0, 1):
                pltpu.make_async_copy(b_hbm.at[dv0.at[0]], ubufs[p],
                                      ugs[p]).wait()
    else:
        @mk
        def edge_kernel(g_hbm, src_hbm, dst_hbm, z2_hbm, agg_hbm,
                        sv0, sv1, dv0, dv1, bufa, bufb, zrow,
                        i0, i1, ga, gb, sa, sb, acc_s):
            c = lax.axis_index("c")
            s = lax.axis_index("s")
            common(c, s, g_hbm, src_hbm, dst_hbm, z2_hbm, agg_hbm,
                   (sv0, sv1), (dv0, dv1), (bufa, bufb), zrow, (i0, i1),
                   (ga, gb), (sa, sb), acc_s,
                   lambda dv, j, p: None, lambda dv, sv, j, p: None,
                   lambda dv, j, p: None, lambda cc, bb: None)

    return edge_kernel


def _premul_body(x_ref, win_ref, bin_ref, w1_ref, g_ref):
    t = jnp.dot(x_ref[...], win_ref[...],
                preferred_element_type=jnp.float32) + bin_ref[...]
    g_ref[...] = jnp.dot(t, w1_ref[...], preferred_element_type=jnp.float32)


def _scale_body(n_real, dego_ref, degi_ref, gu_ref, g_ref, a_ref, b_ref):
    i = pl.program_id(0)
    blk = dego_ref.shape[0]
    a = lax.rsqrt(jnp.maximum(dego_ref[...], 1.0))
    rows = lax.broadcasted_iota(jnp.int32, (blk, 1), 0) + i * blk
    b = jnp.where(rows < n_real,
                  lax.rsqrt(jnp.maximum(degi_ref[...], 1.0)), 0.0)
    g_ref[...] = a * gu_ref[...]
    a_ref[...] = a
    b_ref[...] = b


def _mid_body(agg_ref, a_ref, b_ref, b1_ref, w2_ref, g_ref):
    ssum = agg_ref[0] + agg_ref[1]
    h = jnp.maximum(b_ref[...] * ssum + b1_ref[...], 0.0)
    g_ref[...] = a_ref[...] * jnp.dot(h, w2_ref[...],
                                      preferred_element_type=jnp.float32)


def _final_body(n_real, agg_ref, u_ref, a_ref, b_ref, b2_ref, w3_ref, b3_ref,
                wo_ref, bo_ref, out_ref, acc_ref):
    i = pl.program_id(0)

    @pl.when(i == 0)
    def _():
        acc_ref[...] = jnp.zeros_like(acc_ref)

    ssum = agg_ref[0] + agg_ref[1]
    h2 = jnp.maximum(b_ref[...] * ssum + b2_ref[...], 0.0)
    wv = a_ref[...] * (u_ref[0] + u_ref[1])
    acc_ref[0:1, :] += jnp.sum(wv * h2, axis=0, keepdims=True)

    @pl.when(i == pl.num_programs(0) - 1)
    def _():
        p = acc_ref[0:1, :]
        t = (jnp.dot(p, w3_ref[...], preferred_element_type=jnp.float32)
             + jnp.float32(n_real) * b3_ref[...])
        out_ref[...] = (jnp.dot(t, wo_ref[...],
                                preferred_element_type=jnp.float32)
                        + bo_ref[...])


def kernel(x, edge_index, W_in, b_in, W1, b1, W2, b2, W3, b3, W_out, b_out):
    n, d = x.shape
    e = edge_index.shape[1]
    nw = NC * NS
    e_pad = _round_up(e, nw * CHUNK * 8)
    tot = e_pad // CHUNK
    ec = CHUNK
    rw = tot // nw
    n_pad = _round_up(n + 16, 1280)
    zp = n_pad // NS
    zpb = _round_up(zp, 16)
    grid = 8
    blk = n_pad // grid

    f32 = jnp.float32
    src = edge_index[0]
    dst = edge_index[1]
    padc = e_pad - e
    if padc:
        pidx = (n + (jnp.arange(padc, dtype=jnp.int32) % 16)).astype(jnp.int32)
        src = jnp.concatenate([src, pidx])
        dst = jnp.concatenate([dst, pidx])
    src2 = src.reshape(tot, CHUNK)
    dst2 = dst.reshape(tot, CHUNK)
    z2 = jnp.zeros((8, d), f32)
    z1 = jnp.zeros((zpb,), f32)
    x_pad = jnp.concatenate([x, jnp.zeros((n_pad - n, d), f32)], axis=0)

    deg = _make_deg_kernel(n_pad, tot, zp, zpb)(src2, dst2, z1)
    dego = deg[0].reshape(n_pad, 1)
    degi = deg[1].reshape(n_pad, 1)

    col_spec = pl.BlockSpec((blk, 1), lambda i: (i, 0))
    row_spec = pl.BlockSpec((blk, d), lambda i: (i, 0))
    mat_spec = pl.BlockSpec((d, d), lambda i: (0, 0))
    vec_spec = pl.BlockSpec((1, d), lambda i: (0, 0))
    g0u = pl.pallas_call(
        _premul_body,
        grid=(grid,),
        in_specs=[row_spec, mat_spec, vec_spec, mat_spec],
        out_specs=row_spec,
        out_shape=jax.ShapeDtypeStruct((n_pad, d), f32),
    )(x_pad, W_in, b_in.reshape(1, d), W1)

    g0p, a_col, b_col = pl.pallas_call(
        functools.partial(_scale_body, n),
        grid=(grid,),
        in_specs=[col_spec, col_spec, row_spec],
        out_specs=[row_spec, col_spec, col_spec],
        out_shape=[jax.ShapeDtypeStruct((n_pad, d), f32),
                   jax.ShapeDtypeStruct((n_pad, 1), f32),
                   jax.ShapeDtypeStruct((n_pad, 1), f32)],
    )(dego, degi, g0u)

    agg1, u = _make_edge_kernel(n_pad, tot, rw, zp, zpb, d, ec, True)(
        g0p, src2, dst2, z2, b_col.reshape(n_pad), z1)

    agg_spec = pl.BlockSpec((2, blk, d), lambda i: (0, i, 0))
    g1p = pl.pallas_call(
        _mid_body,
        grid=(grid,),
        in_specs=[agg_spec, col_spec, col_spec, vec_spec, mat_spec],
        out_specs=row_spec,
        out_shape=jax.ShapeDtypeStruct((n_pad, d), f32),
    )(agg1, a_col, b_col, b1.reshape(1, d), W2)

    (agg2,) = _make_edge_kernel(n_pad, tot, rw, zp, zpb, d, ec, False)(
        g1p, src2, dst2, z2)

    u_spec = pl.BlockSpec((2, blk, 1), lambda i: (0, i, 0))
    out = pl.pallas_call(
        functools.partial(_final_body, n),
        grid=(grid,),
        in_specs=[agg_spec, u_spec, col_spec, col_spec, vec_spec, mat_spec,
                  vec_spec, mat_spec, vec_spec],
        out_specs=pl.BlockSpec((1, d), lambda i: (0, 0)),
        out_shape=jax.ShapeDtypeStruct((1, d), f32),
        scratch_shapes=[pltpu.VMEM((8, d), f32)],
    )(agg2, u.reshape(NC, n_pad, 1), a_col, b_col,
      b2.reshape(1, d), W3, b3.reshape(1, d), W_out, b_out.reshape(1, d))
    return out.reshape(d)

# --- scband reference (transcript-rebuilt; emitter-appended) ---
"""Pipeline reference for scband-feed-forward-dgl-55800215109773 (READ-ONLY COPY).

The authoritative reference and input builder live on the scoring server;
editing this copy changes nothing except your own understanding.
"""

import jax, jax.numpy as jnp
import numpy as np

N = 10000
E = 320000
D = 128


def setup_inputs(seed: int = 0) -> dict:
    key = jax.random.key(seed)
    ks = jax.random.split(key, 16)
    inp = {}
    inp['x'] = jax.random.normal(ks[0], (N, D), dtype=jnp.float32)
    inp['edge_index'] = jax.random.randint(ks[1], (2, E), 0, N, dtype=jnp.int32)
    s = 1.0 / np.sqrt(D)
    # in_linear: in_dim -> hidden_dims[0]
    inp['W_in'] = jax.random.normal(ks[2], (D, D), dtype=jnp.float32) * s
    inp['b_in'] = jnp.zeros((D,), dtype=jnp.float32)
    # depth = len(hidden_dims)+1 = 3 GCN layers, all 128->128
    inp['W1'] = jax.random.normal(ks[3], (D, D), dtype=jnp.float32) * s
    inp['b1'] = jnp.zeros((D,), dtype=jnp.float32)
    inp['W2'] = jax.random.normal(ks[4], (D, D), dtype=jnp.float32) * s
    inp['b2'] = jnp.zeros((D,), dtype=jnp.float32)
    inp['W3'] = jax.random.normal(ks[5], (D, D), dtype=jnp.float32) * s
    inp['b3'] = jnp.zeros((D,), dtype=jnp.float32)
    # out_linear: out_pool_dim (=out_dim for sum pooling) -> hidden_dims[-1]
    inp['W_out'] = jax.random.normal(ks[6], (D, D), dtype=jnp.float32) * s
    inp['b_out'] = jnp.zeros((D,), dtype=jnp.float32)
    return inp


def _gcn_layer(h, src, dst, norm, W, b, act):
    # symmetric-normalized GCN message passing (Kipf & Welling)
    m = h[src] * norm[:, None]                      # gather + per-edge scale
    agg = jnp.zeros_like(h).at[dst].add(m)          # scatter-add to dst nodes
    out = agg @ W + b
    return act(out)


def reference(x, edge_index, W_in, b_in, W1, b1, W2, b2, W3, b3, W_out, b_out):
    src = edge_index[0]
    dst = edge_index[1]
    n = x.shape[0]
    deg_out = jnp.zeros((n,), dtype=jnp.float32).at[src].add(1.0)
    deg_in = jnp.zeros((n,), dtype=jnp.float32).at[dst].add(1.0)
    deg_out = jnp.maximum(deg_out, 1.0)
    deg_in = jnp.maximum(deg_in, 1.0)
    norm = jax.lax.rsqrt(deg_out[src]) * jax.lax.rsqrt(deg_in[dst])
    # _forward_pre_layers: in_linear
    h = x @ W_in + b_in
    # GCN stack (activation=relu, last_activation=none, dropout off in eval)
    h = _gcn_layer(h, src, dst, norm, W1, b1, jax.nn.relu)
    h = _gcn_layer(h, src, dst, norm, W2, b2, jax.nn.relu)
    h = _gcn_layer(h, src, dst, norm, W3, b3, lambda t: t)
    # _forward_post_layers: global sum pooling (single graph) + out_linear
    pooled = jnp.sum(h, axis=0)
    out = pooled @ W_out + b_out
    return out

if __name__ == "__main__":
    import jax
    _d = setup_inputs()
    print(jax.jit(kernel)(*tuple(_d.values())))

</pallas_src>

<mosaic_0001>
#map = affine_map<(d0, d1) -> (0, 0)>
#map1 = affine_map<(d0, d1) -> (0)>
module attributes {stable_mosaic.version = 14 : i64} {
  func.func @deg_kernel(%arg0: i32, %arg1: i32, %arg2: memref<2560x128xi32, #tpu.memory_space<hbm>>, %arg3: memref<2560x128xi32, #tpu.memory_space<hbm>>, %arg4: memref<640xf32, #tpu.memory_space<hbm>>, %arg5: memref<2x10240xf32, #tpu.memory_space<hbm>>, %arg6: memref<160x128xi32, #tpu.memory_space<vmem>>, %arg7: memref<128xf32, #tpu.memory_space<vmem>>, %arg8: memref<640xf32, #tpu.memory_space<vmem>>, %arg9: memref<10240xf32, #tpu.memory_space<vmem_shared>>) attributes {dimension_semantics = [#tpu.dimension_semantics<core_parallel>, #tpu.dimension_semantics<subcore_parallel>], iteration_bounds = array<i64: 2, 16>, scalar_prefetch = 0 : i64, scratch_operands = 4 : i64, tpu.core_type = #tpu.core_type<sc_vector_subcore>, window_params = [{transform_indices = #map}, {transform_indices = #map}, {transform_indices = #map1}, {transform_indices = #map}]} {
    %broadcast_in_dim3A = arith.constant 1.000000e+00 : f32
    %broadcast_in_dim3A_0 = vector.broadcast %broadcast_in_dim3A : f32 to vector<16xf32>
    %swap3A = arith.constant 0 : index
    %swap3A_1 = tpu.vector_load %arg7[%swap3A] {strides = array<i32>} : memref<128xf32, #tpu.memory_space<vmem>>, vector<16xf32>,
    %swap3A_2 = vector.shape_cast %swap3A_1 : vector<16xf32> to vector<16xf32>
    %swap3A_3 = vector.shape_cast %broadcast_in_dim3A_0 : vector<16xf32> to vector<16xf32>
    tpu.vector_store %arg7[%swap3A], %swap3A_3 {strides = array<i32>} : memref<128xf32, #tpu.memory_space<vmem>>, vector<16xf32>,
    %broadcast_in_dim3A_4 = arith.constant 1.000000e+00 : f32
    %broadcast_in_dim3A_5 = vector.broadcast %broadcast_in_dim3A_4 : f32 to vector<16xf32>
    %swap3A_6 = arith.constant 16 : index
    %swap3A_7 = tpu.vector_load %arg7[%swap3A_6] {strides = array<i32>} : memref<128xf32, #tpu.memory_space<vmem>>, vector<16xf32>,
    %swap3A_8 = vector.shape_cast %swap3A_7 : vector<16xf32> to vector<16xf32>
    %swap3A_9 = vector.shape_cast %broadcast_in_dim3A_5 : vector<16xf32> to vector<16xf32>
    tpu.vector_store %arg7[%swap3A_6], %swap3A_9 {strides = array<i32>} : memref<128xf32, #tpu.memory_space<vmem>>, vector<16xf32>,
    %broadcast_in_dim3A_10 = arith.constant 1.000000e+00 : f32
    %broadcast_in_dim3A_11 = vector.broadcast %broadcast_in_dim3A_10 : f32 to vector<16xf32>
    %swap3A_12 = arith.constant 32 : index
    %swap3A_13 = tpu.vector_load %arg7[%swap3A_12] {strides = array<i32>} : memref<128xf32, #tpu.memory_space<vmem>>, vector<16xf32>,
    %swap3A_14 = vector.shape_cast %swap3A_13 : vector<16xf32> to vector<16xf32>
    %swap3A_15 = vector.shape_cast %broadcast_in_dim3A_11 : vector<16xf32> to vector<16xf32>
    tpu.vector_store %arg7[%swap3A_12], %swap3A_15 {strides = array<i32>} : memref<128xf32, #tpu.memory_space<vmem>>, vector<16xf32>,
    %broadcast_in_dim3A_16 = arith.constant 1.000000e+00 : f32
    %broadcast_in_dim3A_17 = vector.broadcast %broadcast_in_dim3A_16 : f32 to vector<16xf32>
    %swap3A_18 = arith.constant 48 : index
    %swap3A_19 = tpu.vector_load %arg7[%swap3A_18] {strides = array<i32>} : memref<128xf32, #tpu.memory_space<vmem>>, vector<16xf32>,
    %swap3A_20 = vector.shape_cast %swap3A_19 : vector<16xf32> to vector<16xf32>
    %swap3A_21 = vector.shape_cast %broadcast_in_dim3A_17 : vector<16xf32> to vector<16xf32>
    tpu.vector_store %arg7[%swap3A_18], %swap3A_21 {strides = array<i32>} : memref<128xf32, #tpu.memory_space<vmem>>, vector<16xf32>,
    %broadcast_in_dim3A_22 = arith.constant 1.000000e+00 : f32
    %broadcast_in_dim3A_23 = vector.broadcast %broadcast_in_dim3A_22 : f32 to vector<16xf32>
    %swap3A_24 = arith.constant 64 : index
    %swap3A_25 = tpu.vector_load %arg7[%swap3A_24] {strides = array<i32>} : memref<128xf32, #tpu.memory_space<vmem>>, vector<16xf32>,
    %swap3A_26 = vector.shape_cast %swap3A_25 : vector<16xf32> to vector<16xf32>
    %swap3A_27 = vector.shape_cast %broadcast_in_dim3A_23 : vector<16xf32> to vector<16xf32>
    tpu.vector_store %arg7[%swap3A_24], %swap3A_27 {strides = array<i32>} : memref<128xf32, #tpu.memory_space<vmem>>, vector<16xf32>,
    %broadcast_in_dim3A_28 = arith.constant 1.000000e+00 : f32
    %broadcast_in_dim3A_29 = vector.broadcast %broadcast_in_dim3A_28 : f32 to vector<16xf32>
    %swap3A_30 = arith.constant 80 : index
    %swap3A_31 = tpu.vector_load %arg7[%swap3A_30] {strides = array<i32>} : memref<128xf32, #tpu.memory_space<vmem>>, vector<16xf32>,
    %swap3A_32 = vector.shape_cast %swap3A_31 : vector<16xf32> to vector<16xf32>
    %swap3A_33 = vector.shape_cast %broadcast_in_dim3A_29 : vector<16xf32> to vector<16xf32>
    tpu.vector_store %arg7[%swap3A_30], %swap3A_33 {strides = array<i32>} : memref<128xf32, #tpu.memory_space<vmem>>, vector<16xf32>,
    %broadcast_in_dim3A_34 = arith.constant 1.000000e+00 : f32
    %broadcast_in_dim3A_35 = vector.broadcast %broadcast_in_dim3A_34 : f32 to vector<16xf32>
    %swap3A_36 = arith.constant 96 : index
    %swap3A_37 = tpu.vector_load %arg7[%swap3A_36] {strides = array<i32>} : memref<128xf32, #tpu.memory_space<vmem>>, vector<16xf32>,
    %swap3A_38 = vector.shape_cast %swap3A_37 : vector<16xf32> to vector<16xf32>
    %swap3A_39 = vector.shape_cast %broadcast_in_dim3A_35 : vector<16xf32> to vector<16xf32>
    tpu.vector_store %arg7[%swap3A_36], %swap3A_39 {strides = array<i32>} : memref<128xf32, #tpu.memory_space<vmem>>, vector<16xf32>,
    %broadcast_in_dim3A_40 = arith.constant 1.000000e+00 : f32
    %broadcast_in_dim3A_41 = vector.broadcast %broadcast_in_dim3A_40 : f32 to vector<16xf32>
    %swap3A_42 = arith.constant 112 : index
    %swap3A_43 = tpu.vector_load %arg7[%swap3A_42] {strides = array<i32>} : memref<128xf32, #tpu.memory_space<vmem>>, vector<16xf32>,
    %swap3A_44 = vector.shape_cast %swap3A_43 : vector<16xf32> to vector<16xf32>
    %swap3A_45 = vector.shape_cast %broadcast_in_dim3A_41 : vector<16xf32> to vector<16xf32>
    tpu.vector_store %arg7[%swap3A_42], %swap3A_45 {strides = array<i32>} : memref<128xf32, #tpu.memory_space<vmem>>, vector<16xf32>,
    "tpu.region"() ({
      %run_scoped3A = tpu.sem_alloc : memref<!tpu.dma_semaphore, #tpu.memory_space<semaphore_mem>>
      tpu.enqueue_dma source(%arg4 : memref<640xf32, #tpu.memory_space<hbm>>) target(%arg8 : memref<640xf32, #tpu.memory_space<vmem>>) target_semaphore(%run_scoped3A : memref<!tpu.dma_semaphore, #tpu.memory_space<semaphore_mem>>)
      tpu.wait_dma2 semaphore(%run_scoped3A : memref<!tpu.dma_semaphore, #tpu.memory_space<semaphore_mem>>) src(%arg4 : memref<640xf32, #tpu.memory_space<hbm>>) dst(%arg8 : memref<640xf32, #tpu.memory_space<vmem>>)
      tpu.yield
    }) : () -> ()
    %mul3A = arith.constant 640 : i32
    %mul3A_46 = arith.muli %arg1, %mul3A : i32
    "tpu.region"() ({
      %run_scoped3A = tpu.sem_alloc : memref<!tpu.dma_semaphore, #tpu.memory_space<semaphore_mem>>
      %dma_start3A = arith.constant 0 : i32
      %dma_start3A_60 = tpu.memref_slice %arg8[%dma_start3A] : memref<640xf32, #tpu.memory_space<vmem>> -> memref<640xf32, #tpu.memory_space<vmem>>
      %dma_start3A_61 = tpu.memref_slice %arg9[%mul3A_46] : memref<10240xf32, #tpu.memory_space<vmem_shared>> -> memref<640xf32, #tpu.memory_space<vmem_shared>>
      %dma_start3A_62 = tpu.memref_slice %arg9[%mul3A_46] : memref<10240xf32, #tpu.memory_space<vmem_shared>> -> memref<640xf32, #tpu.memory_space<vmem_shared>>
      %dma_start3A_63 = arith.constant 0 : i32
      %dma_start3A_64 = tpu.memref_slice %arg8[%dma_start3A_63] : memref<640xf32, #tpu.memory_space<vmem>> -> memref<640xf32, #tpu.memory_space<vmem>>
      tpu.enqueue_dma source(%dma_start3A_64 : memref<640xf32, #tpu.memory_space<vmem>>) target(%dma_start3A_62 : memref<640xf32, #tpu.memory_space<vmem_shared>>) target_semaphore(%run_scoped3A : memref<!tpu.dma_semaphore, #tpu.memory_space<semaphore_mem>>)
      %dma_wait3A = arith.constant 0 : i32
      %dma_wait3A_65 = tpu.memref_slice %arg8[%dma_wait3A] : memref<640xf32, #tpu.memory_space<vmem>> -> memref<640xf32, #tpu.memory_space<vmem>>
      %dma_wait3A_66 = tpu.memref_slice %arg9[%mul3A_46] : memref<10240xf32, #tpu.memory_space<vmem_shared>> -> memref<640xf32, #tpu.memory_space<vmem_shared>>
      %dma_wait3A_67 = tpu.memref_slice %arg9[%mul3A_46] : memref<10240xf32, #tpu.memory_space<vmem_shared>> -> memref<640xf32, #tpu.memory_space<vmem_shared>>
      %dma_wait3A_68 = arith.constant 0 : i32
      %dma_wait3A_69 = tpu.memref_slice %arg8[%dma_wait3A_68] : memref<640xf32, #tpu.memory_space<vmem>> -> memref<640xf32, #tpu.memory_space<vmem>>
      tpu.wait_dma2 semaphore(%run_scoped3A : memref<!tpu.dma_semaphore, #tpu.memory_space<semaphore_mem>>) src(%dma_wait3A_69 : memref<640xf32, #tpu.memory_space<vmem>>) dst(%dma_wait3A_67 : memref<640xf32, #tpu.memory_space<vmem_shared>>)
      tpu.yield
    }) : () -> ()
    %eq3A = arith.constant 0 : i32
    %eq3A_47 = arith.cmpi eq, %arg0, %eq3A : i32
    %convert_element_type3A = arith.extui %eq3A_47 : i1 to i32
    %cond3A = arith.constant 0 : i32
    %cond3A_48 = arith.cmpi ne, %convert_element_type3A, %cond3A : i32
    scf.if %cond3A_48 {
      %mul3A_60 = arith.constant 160 : i32
      %mul3A_61 = arith.muli %arg1, %mul3A_60 : i32
      "tpu.region"() ({
        %run_scoped3A = tpu.sem_alloc : memref<!tpu.dma_semaphore, #tpu.memory_space<semaphore_mem>>
        %dma_start3A = arith.constant 0 : i32
        %dma_start3A_62 = tpu.memref_slice %arg2[%mul3A_61, %dma_start3A] : memref<2560x128xi32, #tpu.memory_space<hbm>> -> memref<160x128xi32, #tpu.memory_space<hbm>>
        %dma_start3A_63 = arith.constant 0 : i32
        %dma_start3A_64 = tpu.memref_slice %arg2[%mul3A_61, %dma_start3A_63] : memref<2560x128xi32, #tpu.memory_space<hbm>> -> memref<160x128xi32, #tpu.memory_space<hbm>>
        tpu.enqueue_dma source(%dma_start3A_64 : memref<160x128xi32, #tpu.memory_space<hbm>>) target(%arg6 : memref<160x128xi32, #tpu.memory_space<vmem>>) target_semaphore(%run_scoped3A : memref<!tpu.dma_semaphore, #tpu.memory_space<semaphore_mem>>)
        %dma_wait3A = arith.constant 0 : i32
        %dma_wait3A_65 = tpu.memref_slice %arg2[%mul3A_61, %dma_wait3A] : memref<2560x128xi32, #tpu.memory_space<hbm>> -> memref<160x128xi32, #tpu.memory_space<hbm>>
        %dma_wait3A_66 = arith.constant 0 : i32
        %dma_wait3A_67 = tpu.memref_slice %arg2[%mul3A_61, %dma_wait3A_66] : memref<2560x128xi32, #tpu.memory_space<hbm>> -> memref<160x128xi32, #tpu.memory_space<hbm>>
        tpu.wait_dma2 semaphore(%run_scoped3A : memref<!tpu.dma_semaphore, #tpu.memory_space<semaphore_mem>>) src(%dma_wait3A_67 : memref<160x128xi32, #tpu.memory_space<hbm>>) dst(%arg6 : memref<160x128xi32, #tpu.memory_space<vmem>>)
        tpu.yield
      }) : () -> ()
    } else {
    }
    %eq3A_49 = arith.constant 1 : i32
    %eq3A_50 = arith.cmpi eq, %arg0, %eq3A_49 : i32
    %convert_element_type3A_51 = arith.extui %eq3A_50 : i1 to i32
    %cond3A_52 = arith.constant 0 : i32
    %cond3A_53 = arith.cmpi ne, %convert_element_type3A_51, %cond3A_52 : i32
    scf.if %cond3A_53 {
      %mul3A_60 = arith.constant 160 : i32
      %mul3A_61 = arith.muli %arg1, %mul3A_60 : i32
      "tpu.region"() ({
        %run_scoped3A = tpu.sem_alloc : memref<!tpu.dma_semaphore, #tpu.memory_space<semaphore_mem>>
        %dma_start3A = arith.constant 0 : i32
        %dma_start3A_62 = tpu.memref_slice %arg3[%mul3A_61, %dma_start3A] : memref<2560x128xi32, #tpu.memory_space<hbm>> -> memref<160x128xi32, #tpu.memory_space<hbm>>
        %dma_start3A_63 = arith.constant 0 : i32
        %dma_start3A_64 = tpu.memref_slice %arg3[%mul3A_61, %dma_start3A_63] : memref<2560x128xi32, #tpu.memory_space<hbm>> -> memref<160x128xi32, #tpu.memory_space<hbm>>
        tpu.enqueue_dma source(%dma_start3A_64 : memref<160x128xi32, #tpu.memory_space<hbm>>) target(%arg6 : memref<160x128xi32, #tpu.memory_space<vmem>>) target_semaphore(%run_scoped3A : memref<!tpu.dma_semaphore, #tpu.memory_space<semaphore_mem>>)
        %dma_wait3A = arith.constant 0 : i32
        %dma_wait3A_65 = tpu.memref_slice %arg3[%mul3A_61, %dma_wait3A] : memref<2560x128xi32, #tpu.memory_space<hbm>> -> memref<160x128xi32, #tpu.memory_space<hbm>>
        %dma_wait3A_66 = arith.constant 0 : i32
        %dma_wait3A_67 = tpu.memref_slice %arg3[%mul3A_61, %dma_wait3A_66] : memref<2560x128xi32, #tpu.memory_space<hbm>> -> memref<160x128xi32, #tpu.memory_space<hbm>>
        tpu.wait_dma2 semaphore(%run_scoped3A : memref<!tpu.dma_semaphore, #tpu.memory_space<semaphore_mem>>) src(%dma_wait3A_67 : memref<160x128xi32, #tpu.memory_space<hbm>>) dst(%arg6 : memref<160x128xi32, #tpu.memory_space<vmem>>)
        tpu.yield
      }) : () -> ()
    } else {
    }
    %barrier3A = arith.constant 0 : index
    tpu.barrier barrier_id(%barrier3A)
    %scan3A = arith.constant 0 : i32
    %scan3A_54 = arith.constant 0 : i32
    %scan3A_55 = arith.constant 160 : i32
    %scan3A_56 = arith.addi %scan3A_54, %scan3A_55 : i32
    %scan3A_57 = arith.constant 1 : i32
    scf.for %scan3A_60 = %scan3A_54 to %scan3A_56 step %scan3A_57  : i32 {
      "tpu.region"() ({
        %run_scoped3A = tpu.sem_alloc : memref<!tpu.dma_semaphore, #tpu.memory_space<semaphore_mem>>
        %dma_start3A = arith.constant 0 : i32
        %dma_start3A_61 = tpu.memref_slice %arg6[%scan3A_60, %dma_start3A] : memref<160x128xi32, #tpu.memory_space<vmem>> -> memref<1x128xi32, #tpu.memory_space<vmem>>
        %dma_start3A_62 = tpu.memref_squeeze %dma_start3A_61 : memref<1x128xi32, #tpu.memory_space<vmem>> -> memref<128xi32, #tpu.memory_space<vmem>>
        %dma_start3A_63 = arith.constant 0 : i32
        %dma_start3A_64 = tpu.memref_slice %arg9[%dma_start3A_63] : memref<10240xf32, #tpu.memory_space<vmem_shared>> -> memref<10240xf32, #tpu.memory_space<vmem_shared>>
        tpu.enqueue_indirect_dma source(%arg7 : memref<128xf32, #tpu.memory_space<vmem>>) target(%dma_start3A_64 : memref<10240xf32, #tpu.memory_space<vmem_shared>>) offsets(%dma_start3A_62 : memref<128xi32, #tpu.memory_space<vmem>>) semaphore(%run_scoped3A : memref<!tpu.dma_semaphore, #tpu.memory_space<semaphore_mem>>) {add = true}
        %dma_wait3A = arith.constant 0 : i32
        %dma_wait3A_65 = tpu.memref_slice %arg6[%scan3A_60, %dma_wait3A] : memref<160x128xi32, #tpu.memory_space<vmem>> -> memref<1x128xi32, #tpu.memory_space<vmem>>
        %dma_wait3A_66 = tpu.memref_squeeze %dma_wait3A_65 : memref<1x128xi32, #tpu.memory_space<vmem>> -> memref<128xi32, #tpu.memory_space<vmem>>
        %dma_wait3A_67 = arith.constant 0 : i32
        %dma_wait3A_68 = tpu.memref_slice %arg9[%dma_wait3A_67] : memref<10240xf32, #tpu.memory_space<vmem_shared>> -> memref<10240xf32, #tpu.memory_space<vmem_shared>>
        tpu.wait_indirect_dma semaphore(%run_scoped3A : memref<!tpu.dma_semaphore, #tpu.memory_space<semaphore_mem>>) src(%arg7 : memref<128xf32, #tpu.memory_space<vmem>>) dst(%dma_wait3A_68 : memref<10240xf32, #tpu.memory_space<vmem_shared>>)
        tpu.yield
      }) : () -> ()
    }
    %scan3A_58 = arith.constant 160 : i32
    %barrier3A_59 = arith.constant 0 : index
    tpu.barrier barrier_id(%barrier3A_59)
    "tpu.region"() ({
      %run_scoped3A = tpu.sem_alloc : memref<!tpu.dma_semaphore, #tpu.memory_space<semaphore_mem>>
      %dma_start3A = arith.constant 0 : i32
      %dma_start3A_60 = tpu.memref_slice %arg8[%dma_start3A] : memref<640xf32, #tpu.memory_space<vmem>> -> memref<640xf32, #tpu.memory_space<vmem>>
      %dma_start3A_61 = tpu.memref_slice %arg9[%mul3A_46] : memref<10240xf32, #tpu.memory_space<vmem_shared>> -> memref<640xf32, #tpu.memory_space<vmem_shared>>
      %dma_start3A_62 = arith.constant 0 : i32
      %dma_start3A_63 = tpu.memref_slice %arg8[%dma_start3A_62] : memref<640xf32, #tpu.memory_space<vmem>> -> memref<640xf32, #tpu.memory_space<vmem>>
      %dma_start3A_64 = tpu.memref_slice %arg9[%mul3A_46] : memref<10240xf32, #tpu.memory_space<vmem_shared>> -> memref<640xf32, #tpu.memory_space<vmem_shared>>
      tpu.enqueue_dma source(%dma_start3A_64 : memref<640xf32, #tpu.memory_space<vmem_shared>>) target(%dma_start3A_63 : memref<640xf32, #tpu.memory_space<vmem>>) target_semaphore(%run_scoped3A : memref<!tpu.dma_semaphore, #tpu.memory_space<semaphore_mem>>)
      %dma_wait3A = arith.constant 0 : i32
      %dma_wait3A_65 = tpu.memref_slice %arg8[%dma_wait3A] : memref<640xf32, #tpu.memory_space<vmem>> -> memref<640xf32, #tpu.memory_space<vmem>>
      %dma_wait3A_66 = tpu.memref_slice %arg9[%mul3A_46] : memref<10240xf32, #tpu.memory_space<vmem_shared>> -> memref<640xf32, #tpu.memory_space<vmem_shared>>
      %dma_wait3A_67 = arith.constant 0 : i32
      %dma_wait3A_68 = tpu.memref_slice %arg8[%dma_wait3A_67] : memref<640xf32, #tpu.memory_space<vmem>> -> memref<640xf32, #tpu.memory_space<vmem>>
      %dma_wait3A_69 = tpu.memref_slice %arg9[%mul3A_46] : memref<10240xf32, #tpu.memory_space<vmem_shared>> -> memref<640xf32, #tpu.memory_space<vmem_shared>>
      tpu.wait_dma2 semaphore(%run_scoped3A : memref<!tpu.dma_semaphore, #tpu.memory_space<semaphore_mem>>) src(%dma_wait3A_69 : memref<640xf32, #tpu.memory_space<vmem_shared>>) dst(%dma_wait3A_68 : memref<640xf32, #tpu.memory_space<vmem>>)
      tpu.yield
    }) : () -> ()
    "tpu.region"() ({
      %run_scoped3A = tpu.sem_alloc : memref<!tpu.dma_semaphore, #tpu.memory_space<semaphore_mem>>
      %dma_start3A = arith.constant 0 : i32
      %dma_start3A_60 = tpu.memref_slice %arg8[%dma_start3A] : memref<640xf32, #tpu.memory_space<vmem>> -> memref<640xf32, #tpu.memory_space<vmem>>
      %dma_start3A_61 = arith.constant 0 : i32
      %dma_start3A_62 = tpu.memref_slice %arg5[%arg0, %dma_start3A_61] : memref<2x10240xf32, #tpu.memory_space<hbm>> -> memref<1x10240xf32, #tpu.memory_space<hbm>>
      %dma_start3A_63 = tpu.memref_squeeze %dma_start3A_62 : memref<1x10240xf32, #tpu.memory_space<hbm>> -> memref<10240xf32, #tpu.memory_space<hbm>>
      %dma_start3A_64 = tpu.memref_slice %dma_start3A_63[%mul3A_46] : memref<10240xf32, #tpu.memory_space<hbm>> -> memref<640xf32, #tpu.memory_space<hbm>>
      %dma_start3A_65 = arith.constant 0 : i32
      %dma_start3A_66 = tpu.memref_slice %arg5[%arg0, %dma_start3A_65] : memref<2x10240xf32, #tpu.memory_space<hbm>> -> memref<1x10240xf32, #tpu.memory_space<hbm>>
      %dma_start3A_67 = tpu.memref_squeeze %dma_start3A_66 : memref<1x10240xf32, #tpu.memory_space<hbm>> -> memref<10240xf32, #tpu.memory_space<hbm>>
      %dma_start3A_68 = tpu.memref_slice %dma_start3A_67[%mul3A_46] : memref<10240xf32, #tpu.memory_space<hbm>> -> memref<640xf32, #tpu.memory_space<hbm>>
      %dma_start3A_69 = arith.constant 0 : i32
      %dma_start3A_70 = tpu.memref_slice %arg8[%dma_start3A_69] : memref<640xf32, #tpu.memory_space<vmem>> -> memref<640xf32, #tpu.memory_space<vmem>>
      tpu.enqueue_dma source(%dma_start3A_70 : memref<640xf32, #tpu.memory_space<vmem>>) target(%dma_start3A_68 : memref<640xf32, #tpu.memory_space<hbm>>) target_semaphore(%run_scoped3A : memref<!tpu.dma_semaphore, #tpu.memory_space<semaphore_mem>>)
      %dma_wait3A = arith.constant 0 : i32
      %dma_wait3A_71 = tpu.memref_slice %arg8[%dma_wait3A] : memref<640xf32, #tpu.memory_space<vmem>> -> memref<640xf32, #tpu.memory_space<vmem>>
      %dma_wait3A_72 = arith.constant 0 : i32
      %dma_wait3A_73 = tpu.memref_slice %arg5[%arg0, %dma_wait3A_72] : memref<2x10240xf32, #tpu.memory_space<hbm>> -> memref<1x10240xf32, #tpu.memory_space<hbm>>
      %dma_wait3A_74 = tpu.memref_squeeze %dma_wait3A_73 : memref<1x10240xf32, #tpu.memory_space<hbm>> -> memref<10240xf32, #tpu.memory_space<hbm>>
      %dma_wait3A_75 = tpu.memref_slice %dma_wait3A_74[%mul3A_46] : memref<10240xf32, #tpu.memory_space<hbm>> -> memref<640xf32, #tpu.memory_space<hbm>>
      %dma_wait3A_76 = arith.constant 0 : i32
      %dma_wait3A_77 = tpu.memref_slice %arg5[%arg0, %dma_wait3A_76] : memref<2x10240xf32, #tpu.memory_space<hbm>> -> memref<1x10240xf32, #tpu.memory_space<hbm>>
      %dma_wait3A_78 = tpu.memref_squeeze %dma_wait3A_77 : memref<1x10240xf32, #tpu.memory_space<hbm>> -> memref<10240xf32, #tpu.memory_space<hbm>>
      %dma_wait3A_79 = tpu.memref_slice %dma_wait3A_78[%mul3A_46] : memref<10240xf32, #tpu.memory_space<hbm>> -> memref<640xf32, #tpu.memory_space<hbm>>
      %dma_wait3A_80 = arith.constant 0 : i32
      %dma_wait3A_81 = tpu.memref_slice %arg8[%dma_wait3A_80] : memref<640xf32, #tpu.memory_space<vmem>> -> memref<640xf32, #tpu.memory_space<vmem>>
      tpu.wait_dma2 semaphore(%run_scoped3A : memref<!tpu.dma_semaphore, #tpu.memory_space<semaphore_mem>>) src(%dma_wait3A_81 : memref<640xf32, #tpu.memory_space<vmem>>) dst(%dma_wait3A_79 : memref<640xf32, #tpu.memory_space<hbm>>)
      tpu.yield
    }) : () -> ()
    return
  }
}

#map = affine_map<(d0, d1) -> (0, 0)>
#map1 = affine_map<(d0, d1) -> (0)>
#map2 = affine_map<(d0, d1) -> (0, 0, 0)>
module attributes {stable_mosaic.version = 14 : i64} {
  func.func @edge_kernel(%arg0: i32, %arg1: i32, %arg2: memref<10240x128xf32, #tpu.memory_space<hbm>>, %arg3: memref<2560x128xi32, #tpu.memory_space<hbm>>, %arg4: memref<2560x128xi32, #tpu.memory_space<hbm>>, %arg5: memref<8x128xf32, #tpu.memory_space<hbm>>, %arg6: memref<10240xf32, #tpu.memory_space<hbm>>, %arg7: memref<640xf32, #tpu.memory_space<hbm>>, %arg8: memref<2x10240x128xf32, #tpu.memory_space<hbm>>, %arg9: memref<2x10240xf32, #tpu.memory_space<hbm>>, %arg10: memref<8x128xi32, #tpu.memory_space<vmem>>, %arg11: memref<8x128xi32, #tpu.memory_space<vmem>>, %arg12: memref<8x128xi32, #tpu.memory_space<vmem>>, %arg13: memref<8x128xi32, #tpu.memory_space<vmem>>, %arg14: memref<128x128xf32, #tpu.memory_space<vmem>>, %arg15: memref<128x128xf32, #tpu.memory_space<vmem>>, %arg16: memref<8x128xf32, #tpu.memory_space<vmem>>, %arg17: memref<!tpu.dma_semaphore, #tpu.memory_space<semaphore_mem>>, %arg18: memref<!tpu.dma_semaphore, #tpu.memory_space<semaphore_mem>>, %arg19: memref<!tpu.dma_semaphore, #tpu.memory_space<semaphore_mem>>, %arg20: memref<!tpu.dma_semaphore, #tpu.memory_space<semaphore_mem>>, %arg21: memref<!tpu.dma_semaphore, #tpu.memory_space<semaphore_mem>>, %arg22: memref<!tpu.dma_semaphore, #tpu.memory_space<semaphore_mem>>, %arg23: memref<10240x128xf32, #tpu.memory_space<vmem_shared>>, %arg24: memref<128xf32, #tpu.memory_space<vmem>>, %arg25: memref<128xf32, #tpu.memory_space<vmem>>, %arg26: memref<640xf32, #tpu.memory_space<vmem>>, %arg27: memref<!tpu.dma_semaphore, #tpu.memory_space<semaphore_mem>>, %arg28: memref<!tpu.dma_semaphore, #tpu.memory_space<semaphore_mem>>, %arg29: memref<!tpu.dma_semaphore, #tpu.memory_space<semaphore_mem>>, %arg30: memref<!tpu.dma_semaphore, #tpu.memory_space<semaphore_mem>>, %arg31: memref<10240xf32, #tpu.memory_space<vmem_shared>>) attributes {dimension_semantics = [#tpu.dimension_semantics<core_parallel>, #tpu.dimension_semantics<subcore_parallel>], iteration_bounds = array<i64: 2, 16>, scalar_prefetch = 0 : i64, scratch_operands = 22 : i64, tpu.core_type = #tpu.core_type<sc_vector_subcore>, window_params = [{transform_indices = #map}, {transform_indices = #map}, {transform_indices = #map}, {transform_indices = #map}, {transform_indices = #map1}, {transform_indices = #map1}, {transform_indices = #map2}, {transform_indices = #map}]} {
    %mul3A = arith.constant 640 : i32
    %mul3A_0 = arith.muli %arg1, %mul3A : i32
    "tpu.region"() ({
      %run_scoped3A = tpu.sem_alloc : memref<!tpu.dma_semaphore, #tpu.memory_space<semaphore_mem>>
      tpu.enqueue_dma source(%arg7 : memref<640xf32, #tpu.memory_space<hbm>>) target(%arg26 : memref<640xf32, #tpu.memory_space<vmem>>) target_semaphore(%run_scoped3A : memref<!tpu.dma_semaphore, #tpu.memory_space<semaphore_mem>>)
      tpu.wait_dma2 semaphore(%run_scoped3A : memref<!tpu.dma_semaphore, #tpu.memory_space<semaphore_mem>>) src(%arg7 : memref<640xf32, #tpu.memory_space<hbm>>) dst(%arg26 : memref<640xf32, #tpu.memory_space<vmem>>)
      tpu.yield
    }) : () -> ()
    "tpu.region"() ({
      %run_scoped3A = tpu.sem_alloc : memref<!tpu.dma_semaphore, #tpu.memory_space<semaphore_mem>>
      %dma_start3A_107 = arith.constant 0 : i32
      %dma_start3A_108 = tpu.memref_slice %arg26[%dma_start3A_107] : memref<640xf32, #tpu.memory_space<vmem>> -> memref<640xf32, #tpu.memory_space<vmem>>
      %dma_start3A_109 = tpu.memref_slice %arg31[%mul3A_0] : memref<10240xf32, #tpu.memory_space<vmem_shared>> -> memref<640xf32, #tpu.memory_space<vmem_shared>>
      %dma_start3A_110 = tpu.memref_slice %arg31[%mul3A_0] : memref<10240xf32, #tpu.memory_space<vmem_shared>> -> memref<640xf32, #tpu.memory_space<vmem_shared>>
      %dma_start3A_111 = arith.constant 0 : i32
      %dma_start3A_112 = tpu.memref_slice %arg26[%dma_start3A_111] : memref<640xf32, #tpu.memory_space<vmem>> -> memref<640xf32, #tpu.memory_space<vmem>>
      tpu.enqueue_dma source(%dma_start3A_112 : memref<640xf32, #tpu.memory_space<vmem>>) target(%dma_start3A_110 : memref<640xf32, #tpu.memory_space<vmem_shared>>) target_semaphore(%run_scoped3A : memref<!tpu.dma_semaphore, #tpu.memory_space<semaphore_mem>>)
      %dma_wait3A_113 = arith.constant 0 : i32
      %dma_wait3A_114 = tpu.memref_slice %arg26[%dma_wait3A_113] : memref<640xf32, #tpu.memory_space<vmem>> -> memref<640xf32, #tpu.memory_space<vmem>>
      %dma_wait3A_115 = tpu.memref_slice %arg31[%mul3A_0] : memref<10240xf32, #tpu.memory_space<vmem_shared>> -> memref<640xf32, #tpu.memory_space<vmem_shared>>
      %dma_wait3A_116 = tpu.memref_slice %arg31[%mul3A_0] : memref<10240xf32, #tpu.memory_space<vmem_shared>> -> memref<640xf32, #tpu.memory_space<vmem_shared>>
      %dma_wait3A_117 = arith.constant 0 : i32
      %dma_wait3A_118 = tpu.memref_slice %arg26[%dma_wait3A_117] : memref<640xf32, #tpu.memory_space<vmem>> -> memref<640xf32, #tpu.memory_space<vmem>>
      tpu.wait_dma2 semaphore(%run_scoped3A : memref<!tpu.dma_semaphore, #tpu.memory_space<semaphore_mem>>) src(%dma_wait3A_118 : memref<640xf32, #tpu.memory_space<vmem>>) dst(%dma_wait3A_116 : memref<640xf32, #tpu.memory_space<vmem_shared>>)
      tpu.yield
    }) : () -> ()
    %mul3A_1 = arith.constant 2 : i32
    %mul3A_2 = arith.muli %arg1, %mul3A_1 : i32
    %add3A = arith.addi %mul3A_2, %arg0 : i32
    %mul3A_3 = arith.constant 640 : i32
    %mul3A_4 = arith.muli %arg1, %mul3A_3 : i32
    %mul3A_5 = arith.constant 80 : i32
    %mul3A_6 = arith.muli %add3A, %mul3A_5 : i32
    "tpu.region"() ({
      %run_scoped3A = tpu.sem_alloc : memref<!tpu.dma_semaphore, #tpu.memory_space<semaphore_mem>>
      tpu.enqueue_dma source(%arg5 : memref<8x128xf32, #tpu.memory_space<hbm>>) target(%arg16 : memref<8x128xf32, #tpu.memory_space<vmem>>) target_semaphore(%run_scoped3A : memref<!tpu.dma_semaphore, #tpu.memory_space<semaphore_mem>>)
      tpu.wait_dma2 semaphore(%run_scoped3A : memref<!tpu.dma_semaphore, #tpu.memory_space<semaphore_mem>>) src(%arg5 : memref<8x128xf32, #tpu.memory_space<hbm>>) dst(%arg16 : memref<8x128xf32, #tpu.memory_space<vmem>>)
      tpu.yield
    }) : () -> ()
    %scan3A = arith.constant 0 : i32
    %scan3A_7 = arith.constant 0 : i32
    %scan3A_8 = arith.constant 80 : i32
    %scan3A_9 = arith.addi %scan3A_7, %scan3A_8 : i32
    %scan3A_10 = arith.constant 1 : i32
    scf.for %scan3A_107 = %scan3A_7 to %scan3A_9 step %scan3A_10  : i32 {
      %mul3A_108 = arith.constant 8 : i32
      %mul3A_109 = arith.muli %scan3A_107, %mul3A_108 : i32
      %add3A_110 = arith.addi %mul3A_4, %mul3A_109 : i32
      "tpu.region"() ({
        %run_scoped3A = tpu.sem_alloc : memref<!tpu.dma_semaphore, #tpu.memory_space<semaphore_mem>>
        %dma_start3A_111 = arith.constant 0 : i32
        %dma_start3A_112 = tpu.memref_slice %arg23[%add3A_110, %dma_start3A_111] : memref<10240x128xf32, #tpu.memory_space<vmem_shared>> -> memref<8x128xf32, #tpu.memory_space<vmem_shared>>
        %dma_start3A_113 = arith.constant 0 : i32
        %dma_start3A_114 = tpu.memref_slice %arg23[%add3A_110, %dma_start3A_113] : memref<10240x128xf32, #tpu.memory_space<vmem_shared>> -> memref<8x128xf32, #tpu.memory_space<vmem_shared>>
        tpu.enqueue_dma source(%arg16 : memref<8x128xf32, #tpu.memory_space<vmem>>) target(%dma_start3A_114 : memref<8x128xf32, #tpu.memory_space<vmem_shared>>) target_semaphore(%run_scoped3A : memref<!tpu.dma_semaphore, #tpu.memory_space<semaphore_mem>>)
        %dma_wait3A_115 = arith.constant 0 : i32
        %dma_wait3A_116 = tpu.memref_slice %arg23[%add3A_110, %dma_wait3A_115] : memref<10240x128xf32, #tpu.memory_space<vmem_shared>> -> memref<8x128xf32, #tpu.memory_space<vmem_shared>>
        %dma_wait3A_117 = arith.constant 0 : i32
        %dma_wait3A_118 = tpu.memref_slice %arg23[%add3A_110, %dma_wait3A_117] : memref<10240x128xf32, #tpu.memory_space<vmem_shared>> -> memref<8x128xf32, #tpu.memory_space<vmem_shared>>
        tpu.wait_dma2 semaphore(%run_scoped3A : memref<!tpu.dma_semaphore, #tpu.memory_space<semaphore_mem>>) src(%arg16 : memref<8x128xf32, #tpu.memory_space<vmem>>) dst(%dma_wait3A_118 : memref<8x128xf32, #tpu.memory_space<vmem_shared>>)
        tpu.yield
      }) : () -> ()
    }
    %scan3A_11 = arith.constant 80 : i32
    "tpu.region"() ({
      %run_scoped3A = tpu.sem_alloc : memref<!tpu.dma_semaphore, #tpu.memory_space<semaphore_mem>>
      %dma_start3A_107 = arith.constant 0 : i32
      %dma_start3A_108 = tpu.memref_slice %arg3[%mul3A_6, %dma_start3A_107] : memref<2560x128xi32, #tpu.memory_space<hbm>> -> memref<8x128xi32, #tpu.memory_space<hbm>>
      %dma_start3A_109 = arith.constant 0 : i32
      %dma_start3A_110 = tpu.memref_slice %arg3[%mul3A_6, %dma_start3A_109] : memref<2560x128xi32, #tpu.memory_space<hbm>> -> memref<8x128xi32, #tpu.memory_space<hbm>>
      tpu.enqueue_dma source(%dma_start3A_110 : memref<8x128xi32, #tpu.memory_space<hbm>>) target(%arg10 : memref<8x128xi32, #tpu.memory_space<vmem>>) target_semaphore(%run_scoped3A : memref<!tpu.dma_semaphore, #tpu.memory_space<semaphore_mem>>)
      %dma_wait3A_111 = arith.constant 0 : i32
      %dma_wait3A_112 = tpu.memref_slice %arg3[%mul3A_6, %dma_wait3A_111] : memref<2560x128xi32, #tpu.memory_space<hbm>> -> memref<8x128xi32, #tpu.memory_space<hbm>>
      %dma_wait3A_113 = arith.constant 0 : i32
      %dma_wait3A_114 = tpu.memref_slice %arg3[%mul3A_6, %dma_wait3A_113] : memref<2560x128xi32, #tpu.memory_space<hbm>> -> memref<8x128xi32, #tpu.memory_space<hbm>>
      tpu.wait_dma2 semaphore(%run_scoped3A : memref<!tpu.dma_semaphore, #tpu.memory_space<semaphore_mem>>) src(%dma_wait3A_114 : memref<8x128xi32, #tpu.memory_space<hbm>>) dst(%arg10 : memref<8x128xi32, #tpu.memory_space<vmem>>)
      tpu.yield
    }) : () -> ()
    "tpu.region"() ({
      %run_scoped3A = tpu.sem_alloc : memref<!tpu.dma_semaphore, #tpu.memory_space<semaphore_mem>>
      %dma_start3A_107 = arith.constant 0 : i32
      %dma_start3A_108 = tpu.memref_slice %arg4[%mul3A_6, %dma_start3A_107] : memref<2560x128xi32, #tpu.memory_space<hbm>> -> memref<8x128xi32, #tpu.memory_space<hbm>>
      %dma_start3A_109 = arith.constant 0 : i32
      %dma_start3A_110 = tpu.memref_slice %arg4[%mul3A_6, %dma_start3A_109] : memref<2560x128xi32, #tpu.memory_space<hbm>> -> memref<8x128xi32, #tpu.memory_space<hbm>>
      tpu.enqueue_dma source(%dma_start3A_110 : memref<8x128xi32, #tpu.memory_space<hbm>>) target(%arg12 : memref<8x128xi32, #tpu.memory_space<vmem>>) target_semaphore(%run_scoped3A : memref<!tpu.dma_semaphore, #tpu.memory_space<semaphore_mem>>)
      %dma_wait3A_111 = arith.constant 0 : i32
      %dma_wait3A_112 = tpu.memref_slice %arg4[%mul3A_6, %dma_wait3A_111] : memref<2560x128xi32, #tpu.memory_space<hbm>> -> memref<8x128xi32, #tpu.memory_space<hbm>>
      %dma_wait3A_113 = arith.constant 0 : i32
      %dma_wait3A_114 = tpu.memref_slice %arg4[%mul3A_6, %dma_wait3A_113] : memref<2560x128xi32, #tpu.memory_space<hbm>> -> memref<8x128xi32, #tpu.memory_space<hbm>>
      tpu.wait_dma2 semaphore(%run_scoped3A : memref<!tpu.dma_semaphore, #tpu.memory_space<semaphore_mem>>) src(%dma_wait3A_114 : memref<8x128xi32, #tpu.memory_space<hbm>>) dst(%arg12 : memref<8x128xi32, #tpu.memory_space<vmem>>)
      tpu.yield
    }) : () -> ()
    %add3A_12 = arith.constant 8 : i32
    %add3A_13 = arith.addi %mul3A_6, %add3A_12 : i32
    %dma_start3A = arith.constant 0 : i32
    %dma_start3A_14 = tpu.memref_slice %arg3[%add3A_13, %dma_start3A] : memref<2560x128xi32, #tpu.memory_space<hbm>> -> memref<8x128xi32, #tpu.memory_space<hbm>>
    %dma_start3A_15 = arith.constant 0 : i32
    %dma_start3A_16 = tpu.memref_slice %arg3[%add3A_13, %dma_start3A_15] : memref<2560x128xi32, #tpu.memory_space<hbm>> -> memref<8x128xi32, #tpu.memory_space<hbm>>
    tpu.enqueue_dma source(%dma_start3A_16 : memref<8x128xi32, #tpu.memory_space<hbm>>) target(%arg11 : memref<8x128xi32, #tpu.memory_space<vmem>>) target_semaphore(%arg18 : memref<!tpu.dma_semaphore, #tpu.memory_space<semaphore_mem>>)
    %dma_start3A_17 = arith.constant 0 : i32
    %dma_start3A_18 = tpu.memref_slice %arg4[%add3A_13, %dma_start3A_17] : memref<2560x128xi32, #tpu.memory_space<hbm>> -> memref<8x128xi32, #tpu.memory_space<hbm>>
    %dma_start3A_19 = arith.constant 0 : i32
    %dma_start3A_20 = tpu.memref_slice %arg4[%add3A_13, %dma_start3A_19] : memref<2560x128xi32, #tpu.memory_space<hbm>> -> memref<8x128xi32, #tpu.memory_space<hbm>>
    tpu.enqueue_dma source(%dma_start3A_20 : memref<8x128xi32, #tpu.memory_space<hbm>>) target(%arg13 : memref<8x128xi32, #tpu.memory_space<vmem>>) target_semaphore(%arg18 : memref<!tpu.dma_semaphore, #tpu.memory_space<semaphore_mem>>)
    %barrier3A = arith.constant 0 : index
    tpu.barrier barrier_id(%barrier3A)
    %dma_start3A_21 = arith.constant 0 : i32
    %dma_start3A_22 = arith.constant 0 : i32
    %dma_start3A_23 = tpu.memref_slice %arg10[%dma_start3A_21, %dma_start3A_22] : memref<8x128xi32, #tpu.memory_space<vmem>> -> memref<1x128xi32, #tpu.memory_space<vmem>>
    %dma_start3A_24 = tpu.memref_squeeze %dma_start3A_23 : memref<1x128xi32, #tpu.memory_space<vmem>> -> memref<128xi32, #tpu.memory_space<vmem>>
    %dma_start3A_25 = arith.constant 0 : i32
    %dma_start3A_26 = arith.constant 0 : i32
    %dma_start3A_27 = tpu.memref_slice %arg2[%dma_start3A_25, %dma_start3A_26] : memref<10240x128xf32, #tpu.memory_space<hbm>> -> memref<10240x128xf32, #tpu.memory_space<hbm>>
    tpu.enqueue_indirect_dma source(%dma_start3A_27 : memref<10240x128xf32, #tpu.memory_space<hbm>>) target(%arg14 : memref<128x128xf32, #tpu.memory_space<vmem>>) offsets(%dma_start3A_24 : memref<128xi32, #tpu.memory_space<vmem>>) semaphore(%arg19 : memref<!tpu.dma_semaphore, #tpu.memory_space<semaphore_mem>>)
    %dma_start3A_28 = arith.constant 1 : i32
    %dma_start3A_29 = arith.constant 0 : i32
    %dma_start3A_30 = tpu.memref_slice %arg10[%dma_start3A_28, %dma_start3A_29] : memref<8x128xi32, #tpu.memory_space<vmem>> -> memref<1x128xi32, #tpu.memory_space<vmem>>
    %dma_start3A_31 = tpu.memref_squeeze %dma_start3A_30 : memref<1x128xi32, #tpu.memory_space<vmem>> -> memref<128xi32, #tpu.memory_space<vmem>>
    %dma_start3A_32 = arith.constant 0 : i32
    %dma_start3A_33 = arith.constant 0 : i32
    %dma_start3A_34 = tpu.memref_slice %arg2[%dma_start3A_32, %dma_start3A_33] : memref<10240x128xf32, #tpu.memory_space<hbm>> -> memref<10240x128xf32, #tpu.memory_space<hbm>>
    tpu.enqueue_indirect_dma source(%dma_start3A_34 : memref<10240x128xf32, #tpu.memory_space<hbm>>) target(%arg15 : memref<128x128xf32, #tpu.memory_space<vmem>>) offsets(%dma_start3A_31 : memref<128xi32, #tpu.memory_space<vmem>>) semaphore(%arg20 : memref<!tpu.dma_semaphore, #tpu.memory_space<semaphore_mem>>)
    %dma_start3A_35 = arith.constant 0 : i32
    %dma_start3A_36 = arith.constant 0 : i32
    %dma_start3A_37 = tpu.memref_slice %arg12[%dma_start3A_35, %dma_start3A_36] : memref<8x128xi32, #tpu.memory_space<vmem>> -> memref<1x128xi32, #tpu.memory_space<vmem>>
    %dma_start3A_38 = tpu.memref_squeeze %dma_start3A_37 : memref<1x128xi32, #tpu.memory_space<vmem>> -> memref<128xi32, #tpu.memory_space<vmem>>
    %dma_start3A_39 = arith.constant 0 : i32
    %dma_start3A_40 = tpu.memref_slice %arg6[%dma_start3A_39] : memref<10240xf32, #tpu.memory_space<hbm>> -> memref<10240xf32, #tpu.memory_space<hbm>>
    tpu.enqueue_indirect_dma source(%dma_start3A_40 : memref<10240xf32, #tpu.memory_space<hbm>>) target(%arg24 : memref<128xf32, #tpu.memory_space<vmem>>) offsets(%dma_start3A_38 : memref<128xi32, #tpu.memory_space<vmem>>) semaphore(%arg27 : memref<!tpu.dma_semaphore, #tpu.memory_space<semaphore_mem>>)
    %dma_start3A_41 = arith.constant 1 : i32
    %dma_start3A_42 = arith.constant 0 : i32
    %dma_start3A_43 = tpu.memref_slice %arg12[%dma_start3A_41, %dma_start3A_42] : memref<8x128xi32, #tpu.memory_space<vmem>> -> memref<1x128xi32, #tpu.memory_space<vmem>>
    %dma_start3A_44 = tpu.memref_squeeze %dma_start3A_43 : memref<1x128xi32, #tpu.memory_space<vmem>> -> memref<128xi32, #tpu.memory_space<vmem>>
    %dma_start3A_45 = arith.constant 0 : i32
    %dma_start3A_46 = tpu.memref_slice %arg6[%dma_start3A_45] : memref<10240xf32, #tpu.memory_space<hbm>> -> memref<10240xf32, #tpu.memory_space<hbm>>
    tpu.enqueue_indirect_dma source(%dma_start3A_46 : memref<10240xf32, #tpu.memory_space<hbm>>) target(%arg25 : memref<128xf32, #tpu.memory_space<vmem>>) offsets(%dma_start3A_44 : memref<128xi32, #tpu.memory_space<vmem>>) semaphore(%arg28 : memref<!tpu.dma_semaphore, #tpu.memory_space<semaphore_mem>>)
    %scan3A_47 = arith.constant 0 : i32
    %scan3A_48 = arith.constant 0 : i32
    %scan3A_49 = arith.constant 5 : i32
    %scan3A_50 = arith.addi %scan3A_48, %scan3A_49 : i32
    %scan3A_51 = arith.constant 1 : i32
    scf.for %scan3A_107 = %scan3A_48 to %scan3A_50 step %scan3A_51  : i32 {
      %mul3A_108 = arith.constant 2 : i32
      %mul3A_109 = arith.muli %mul3A_108, %scan3A_107 : i32
      %dma_wait3A_110 = arith.constant 0 : i32
      %dma_wait3A_111 = arith.constant 0 : i32
      %dma_wait3A_112 = tpu.memref_slice %arg10[%dma_wait3A_110, %dma_wait3A_111] : memref<8x128xi32, #tpu.memory_space<vmem>> -> memref<1x128xi32, #tpu.memory_space<vmem>>
      %dma_wait3A_113 = tpu.memref_squeeze %dma_wait3A_112 : memref<1x128xi32, #tpu.memory_space<vmem>> -> memref<128xi32, #tpu.memory_space<vmem>>
      %dma_wait3A_114 = arith.constant 0 : i32
      %dma_wait3A_115 = arith.constant 0 : i32
      %dma_wait3A_116 = tpu.memref_slice %arg2[%dma_wait3A_114, %dma_wait3A_115] : memref<10240x128xf32, #tpu.memory_space<hbm>> -> memref<10240x128xf32, #tpu.memory_space<hbm>>
      tpu.wait_indirect_dma semaphore(%arg19 : memref<!tpu.dma_semaphore, #tpu.memory_space<semaphore_mem>>) src(%dma_wait3A_116 : memref<10240x128xf32, #tpu.memory_space<hbm>>) dst(%arg14 : memref<128x128xf32, #tpu.memory_space<vmem>>)
      %dma_start3A_117 = arith.constant 0 : i32
      %dma_start3A_118 = arith.constant 0 : i32
      %dma_start3A_119 = tpu.memref_slice %arg12[%dma_start3A_117, %dma_start3A_118] : memref<8x128xi32, #tpu.memory_space<vmem>> -> memref<1x128xi32, #tpu.memory_space<vmem>>
      %dma_start3A_120 = tpu.memref_squeeze %dma_start3A_119 : memref<1x128xi32, #tpu.memory_space<vmem>> -> memref<128xi32, #tpu.memory_space<vmem>>
      %dma_start3A_121 = arith.constant 0 : i32
      %dma_start3A_122 = arith.constant 0 : i32
      %dma_start3A_123 = tpu.memref_slice %arg23[%dma_start3A_121, %dma_start3A_122] : memref<10240x128xf32, #tpu.memory_space<vmem_shared>> -> memref<10240x128xf32, #tpu.memory_space<vmem_shared>>
      tpu.enqueue_indirect_dma source(%arg14 : memref<128x128xf32, #tpu.memory_space<vmem>>) target(%dma_start3A_123 : memref<10240x128xf32, #tpu.memory_space<vmem_shared>>) offsets(%dma_start3A_120 : memref<128xi32, #tpu.memory_space<vmem>>) semaphore(%arg21 : memref<!tpu.dma_semaphore, #tpu.memory_space<semaphore_mem>>) {add = true}
      %dma_wait3A_124 = arith.constant 0 : i32
      %dma_wait3A_125 = arith.constant 0 : i32
      %dma_wait3A_126 = tpu.memref_slice %arg12[%dma_wait3A_124, %dma_wait3A_125] : memref<8x128xi32, #tpu.memory_space<vmem>> -> memref<1x128xi32, #tpu.memory_space<vmem>>
      %dma_wait3A_127 = tpu.memref_squeeze %dma_wait3A_126 : memref<1x128xi32, #tpu.memory_space<vmem>> -> memref<128xi32, #tpu.memory_space<vmem>>
      %dma_wait3A_128 = arith.constant 0 : i32
      %dma_wait3A_129 = tpu.memref_slice %arg6[%dma_wait3A_128] : memref<10240xf32, #tpu.memory_space<hbm>> -> memref<10240xf32, #tpu.memory_space<hbm>>
      tpu.wait_indirect_dma semaphore(%arg27 : memref<!tpu.dma_semaphore, #tpu.memory_space<semaphore_mem>>) src(%dma_wait3A_129 : memref<10240xf32, #tpu.memory_space<hbm>>) dst(%arg24 : memref<128xf32, #tpu.memory_space<vmem>>)
      %dma_start3A_130 = arith.constant 0 : i32
      %dma_start3A_131 = arith.constant 0 : i32
      %dma_start3A_132 = tpu.memref_slice %arg10[%dma_start3A_130, %dma_start3A_131] : memref<8x128xi32, #tpu.memory_space<vmem>> -> memref<1x128xi32, #tpu.memory_space<vmem>>
      %dma_start3A_133 = tpu.memref_squeeze %dma_start3A_132 : memref<1x128xi32, #tpu.memory_space<vmem>> -> memref<128xi32, #tpu.memory_space<vmem>>
      %dma_start3A_134 = arith.constant 0 : i32
      %dma_start3A_135 = tpu.memref_slice %arg31[%dma_start3A_134] : memref<10240xf32, #tpu.memory_space<vmem_shared>> -> memref<10240xf32, #tpu.memory_space<vmem_shared>>
      tpu.enqueue_indirect_dma source(%arg24 : memref<128xf32, #tpu.memory_space<vmem>>) target(%dma_start3A_135 : memref<10240xf32, #tpu.memory_space<vmem_shared>>) offsets(%dma_start3A_133 : memref<128xi32, #tpu.memory_space<vmem>>) semaphore(%arg29 : memref<!tpu.dma_semaphore, #tpu.memory_space<semaphore_mem>>) {add = true}
      %dma_wait3A_136 = arith.constant 0 : i32
      %dma_wait3A_137 = arith.constant 0 : i32
      %dma_wait3A_138 = tpu.memref_slice %arg12[%dma_wait3A_136, %dma_wait3A_137] : memref<8x128xi32, #tpu.memory_space<vmem>> -> memref<1x128xi32, #tpu.memory_space<vmem>>
      %dma_wait3A_139 = tpu.memref_squeeze %dma_wait3A_138 : memref<1x128xi32, #tpu.memory_space<vmem>> -> memref<128xi32, #tpu.memory_space<vmem>>
      %dma_wait3A_140 = arith.constant 0 : i32
      %dma_wait3A_141 = arith.constant 0 : i32
      %dma_wait3A_142 = tpu.memref_slice %arg23[%dma_wait3A_140, %dma_wait3A_141] : memref<10240x128xf32, #tpu.memory_space<vmem_shared>> -> memref<10240x128xf32, #tpu.memory_space<vmem_shared>>
      tpu.wait_indirect_dma semaphore(%arg21 : memref<!tpu.dma_semaphore, #tpu.memory_space<semaphore_mem>>) src(%arg14 : memref<128x128xf32, #tpu.memory_space<vmem>>) dst(%dma_wait3A_142 : memref<10240x128xf32, #tpu.memory_space<vmem_shared>>)
      %dma_start3A_143 = arith.constant 2 : i32
      %dma_start3A_144 = arith.constant 0 : i32
      %dma_start3A_145 = tpu.memref_slice %arg10[%dma_start3A_143, %dma_start3A_144] : memref<8x128xi32, #tpu.memory_space<vmem>> -> memref<1x128xi32, #tpu.memory_space<vmem>>
      %dma_start3A_146 = tpu.memref_squeeze %dma_start3A_145 : memref<1x128xi32, #tpu.memory_space<vmem>> -> memref<128xi32, #tpu.memory_space<vmem>>
      %dma_start3A_147 = arith.constant 0 : i32
      %dma_start3A_148 = arith.constant 0 : i32
      %dma_start3A_149 = tpu.memref_slice %arg2[%dma_start3A_147, %dma_start3A_148] : memref<10240x128xf32, #tpu.memory_space<hbm>> -> memref<10240x128xf32, #tpu.memory_space<hbm>>
      tpu.enqueue_indirect_dma source(%dma_start3A_149 : memref<10240x128xf32, #tpu.memory_space<hbm>>) target(%arg14 : memref<128x128xf32, #tpu.memory_space<vmem>>) offsets(%dma_start3A_146 : memref<128xi32, #tpu.memory_space<vmem>>) semaphore(%arg19 : memref<!tpu.dma_semaphore, #tpu.memory_space<semaphore_mem>>)
      %dma_wait3A_150 = arith.constant 0 : i32
      %dma_wait3A_151 = arith.constant 0 : i32
      %dma_wait3A_152 = tpu.memref_slice %arg10[%dma_wait3A_150, %dma_wait3A_151] : memref<8x128xi32, #tpu.memory_space<vmem>> -> memref<1x128xi32, #tpu.memory_space<vmem>>
      %dma_wait3A_153 = tpu.memref_squeeze %dma_wait3A_152 : memref<1x128xi32, #tpu.memory_space<vmem>> -> memref<128xi32, #tpu.memory_space<vmem>>
      %dma_wait3A_154 = arith.constant 0 : i32
      %dma_wait3A_155 = tpu.memref_slice %arg31[%dma_wait3A_154] : memref<10240xf32, #tpu.memory_space<vmem_shared>> -> memref<10240xf32, #tpu.memory_space<vmem_shared>>
      tpu.wait_indirect_dma semaphore(%arg29 : memref<!tpu.dma_semaphore, #tpu.memory_space<semaphore_mem>>) src(%arg24 : memref<128xf32, #tpu.memory_space<vmem>>) dst(%dma_wait3A_155 : memref<10240xf32, #tpu.memory_space<vmem_shared>>)
      %dma_start3A_156 = arith.constant 2 : i32
      %dma_start3A_157 = arith.constant 0 : i32
      %dma_start3A_158 = tpu.memref_slice %arg12[%dma_start3A_156, %dma_start3A_157] : memref<8x128xi32, #tpu.memory_space<vmem>> -> memref<1x128xi32, #tpu.memory_space<vmem>>
      %dma_start3A_159 = tpu.memref_squeeze %dma_start3A_158 : memref<1x128xi32, #tpu.memory_space<vmem>> -> memref<128xi32, #tpu.memory_space<vmem>>
      %dma_start3A_160 = arith.constant 0 : i32
      %dma_start3A_161 = tpu.memref_slice %arg6[%dma_start3A_160] : memref<10240xf32, #tpu.memory_space<hbm>> -> memref<10240xf32, #tpu.memory_space<hbm>>
      tpu.enqueue_indirect_dma source(%dma_start3A_161 : memref<10240xf32, #tpu.memory_space<hbm>>) target(%arg24 : memref<128xf32, #tpu.memory_space<vmem>>) offsets(%dma_start3A_159 : memref<128xi32, #tpu.memory_space<vmem>>) semaphore(%arg27 : memref<!tpu.dma_semaphore, #tpu.memory_space<semaphore_mem>>)
      %dma_wait3A_162 = arith.constant 0 : i32
      %dma_wait3A_163 = arith.constant 0 : i32
      %dma_wait3A_164 = tpu.memref_slice %arg10[%dma_wait3A_162, %dma_wait3A_163] : memref<8x128xi32, #tpu.memory_space<vmem>> -> memref<1x128xi32, #tpu.memory_space<vmem>>
      %dma_wait3A_165 = tpu.memref_squeeze %dma_wait3A_164 : memref<1x128xi32, #tpu.memory_space<vmem>> -> memref<128xi32, #tpu.memory_space<vmem>>
      %dma_wait3A_166 = arith.constant 0 : i32
      %dma_wait3A_167 = arith.constant 0 : i32
      %dma_wait3A_168 = tpu.memref_slice %arg2[%dma_wait3A_166, %dma_wait3A_167] : memref<10240x128xf32, #tpu.memory_space<hbm>> -> memref<10240x128xf32, #tpu.memory_space<hbm>>
      tpu.wait_indirect_dma semaphore(%arg20 : memref<!tpu.dma_semaphore, #tpu.memory_space<semaphore_mem>>) src(%dma_wait3A_168 : memref<10240x128xf32, #tpu.memory_space<hbm>>) dst(%arg15 : memref<128x128xf32, #tpu.memory_space<vmem>>)
      %dma_start3A_169 = arith.constant 1 : i32
      %dma_start3A_170 = arith.constant 0 : i32
      %dma_start3A_171 = tpu.memref_slice %arg12[%dma_start3A_169, %dma_start3A_170] : memref<8x128xi32, #tpu.memory_space<vmem>> -> memref<1x128xi32, #tpu.memory_space<vmem>>
      %dma_start3A_172 = tpu.memref_squeeze %dma_start3A_171 : memref<1x128xi32, #tpu.memory_space<vmem>> -> memref<128xi32, #tpu.memory_space<vmem>>
      %dma_start3A_173 = arith.constant 0 : i32
      %dma_start3A_174 = arith.constant 0 : i32
      %dma_start3A_175 = tpu.memref_slice %arg23[%dma_start3A_173, %dma_start3A_174] : memref<10240x128xf32, #tpu.memory_space<vmem_shared>> -> memref<10240x128xf32, #tpu.memory_space<vmem_shared>>
      tpu.enqueue_indirect_dma source(%arg15 : memref<128x128xf32, #tpu.memory_space<vmem>>) target(%dma_start3A_175 : memref<10240x128xf32, #tpu.memory_space<vmem_shared>>) offsets(%dma_start3A_172 : memref<128xi32, #tpu.memory_space<vmem>>) semaphore(%arg22 : memref<!tpu.dma_semaphore, #tpu.memory_space<semaphore_mem>>) {add = true}
      %dma_wait3A_176 = arith.constant 1 : i32
      %dma_wait3A_177 = arith.constant 0 : i32
      %dma_wait3A_178 = tpu.memref_slice %arg12[%dma_wait3A_176, %dma_wait3A_177] : memref<8x128xi32, #tpu.memory_space<vmem>> -> memref<1x128xi32, #tpu.memory_space<vmem>>
      %dma_wait3A_179 = tpu.memref_squeeze %dma_wait3A_178 : memref<1x128xi32, #tpu.memory_space<vmem>> -> memref<128xi32, #tpu.memory_space<vmem>>
      %dma_wait3A_180 = arith.constant 0 : i32
      %dma_wait3A_181 = tpu.memref_slice %arg6[%dma_wait3A_180] : memref<10240xf32, #tpu.memory_space<hbm>> -> memref<10240xf32, #tpu.memory_space<hbm>>
      tpu.wait_indirect_dma semaphore(%arg28 : memref<!tpu.dma_semaphore, #tpu.memory_space<semaphore_mem>>) src(%dma_wait3A_181 : memref<10240xf32, #tpu.memory_space<hbm>>) dst(%arg25 : memref<128xf32, #tpu.memory_space<vmem>>)
      %dma_start3A_182 = arith.constant 1 : i32
      %dma_start3A_183 = arith.constant 0 : i32
      %dma_start3A_184 = tpu.memref_slice %arg10[%dma_start3A_182, %dma_start3A_183] : memref<8x128xi32, #tpu.memory_space<vmem>> -> memref<1x128xi32, #tpu.memory_space<vmem>>
      %dma_start3A_185 = tpu.memref_squeeze %dma_start3A_184 : memref<1x128xi32, #tpu.memory_space<vmem>> -> memref<128xi32, #tpu.memory_space<vmem>>
      %dma_start3A_186 = arith.constant 0 : i32
      %dma_start3A_187 = tpu.memref_slice %arg31[%dma_start3A_186] : memref<10240xf32, #tpu.memory_space<vmem_shared>> -> memref<10240xf32, #tpu.memory_space<vmem_shared>>
      tpu.enqueue_indirect_dma source(%arg25 : memref<128xf32, #tpu.memory_space<vmem>>) target(%dma_start3A_187 : memref<10240xf32, #tpu.memory_space<vmem_shared>>) offsets(%dma_start3A_185 : memref<128xi32, #tpu.memory_space<vmem>>) semaphore(%arg30 : memref<!tpu.dma_semaphore, #tpu.memory_space<semaphore_mem>>) {add = true}
      %dma_wait3A_188 = arith.constant 0 : i32
      %dma_wait3A_189 = arith.constant 0 : i32
      %dma_wait3A_190 = tpu.memref_slice %arg12[%dma_wait3A_188, %dma_wait3A_189] : memref<8x128xi32, #tpu.memory_space<vmem>> -> memref<1x128xi32, #tpu.memory_space<vmem>>
      %dma_wait3A_191 = tpu.memref_squeeze %dma_wait3A_190 : memref<1x128xi32, #tpu.memory_space<vmem>> -> memref<128xi32, #tpu.memory_space<vmem>>
      %dma_wait3A_192 = arith.constant 0 : i32
      %dma_wait3A_193 = arith.constant 0 : i32
      %dma_wait3A_194 = tpu.memref_slice %arg23[%dma_wait3A_192, %dma_wait3A_193] : memref<10240x128xf32, #tpu.memory_space<vmem_shared>> -> memref<10240x128xf32, #tpu.memory_space<vmem_shared>>
      tpu.wait_indirect_dma semaphore(%arg22 : memref<!tpu.dma_semaphore, #tpu.memory_space<semaphore_mem>>) src(%arg15 : memref<128x128xf32, #tpu.memory_space<vmem>>) dst(%dma_wait3A_194 : memref<10240x128xf32, #tpu.memory_space<vmem_shared>>)
      %dma_start3A_195 = arith.constant 3 : i32
      %dma_start3A_196 = arith.constant 0 : i32
      %dma_start3A_197 = tpu.memref_slice %arg10[%dma_start3A_195, %dma_start3A_196] : memref<8x128xi32, #tpu.memory_space<vmem>> -> memref<1x128xi32, #tpu.memory_space<vmem>>
      %dma_start3A_198 = tpu.memref_squeeze %dma_start3A_197 : memref<1x128xi32, #tpu.memory_space<vmem>> -> memref<128xi32, #tpu.memory_space<vmem>>
      %dma_start3A_199 = arith.constant 0 : i32
      %dma_start3A_200 = arith.constant 0 : i32
      %dma_start3A_201 = tpu.memref_slice %arg2[%dma_start3A_199, %dma_start3A_200] : memref<10240x128xf32, #tpu.memory_space<hbm>> -> memref<10240x128xf32, #tpu.memory_space<hbm>>
      tpu.enqueue_indirect_dma source(%dma_start3A_201 : memref<10240x128xf32, #tpu.memory_space<hbm>>) target(%arg15 : memref<128x128xf32, #tpu.memory_space<vmem>>) offsets(%dma_start3A_198 : memref<128xi32, #tpu.memory_space<vmem>>) semaphore(%arg20 : memref<!tpu.dma_semaphore, #tpu.memory_space<semaphore_mem>>)
      %dma_wait3A_202 = arith.constant 0 : i32
      %dma_wait3A_203 = arith.constant 0 : i32
      %dma_wait3A_204 = tpu.memref_slice %arg10[%dma_wait3A_202, %dma_wait3A_203] : memref<8x128xi32, #tpu.memory_space<vmem>> -> memref<1x128xi32, #tpu.memory_space<vmem>>
      %dma_wait3A_205 = tpu.memref_squeeze %dma_wait3A_204 : memref<1x128xi32, #tpu.memory_space<vmem>> -> memref<128xi32, #tpu.memory_space<vmem>>
      %dma_wait3A_206 = arith.constant 0 : i32
      %dma_wait3A_207 = tpu.memref_slice %arg31[%dma_wait3A_206] : memref<10240xf32, #tpu.memory_space<vmem_shared>> -> memref<10240xf32, #tpu.memory_space<vmem_shared>>
      tpu.wait_indirect_dma semaphore(%arg30 : memref<!tpu.dma_semaphore, #tpu.memory_space<semaphore_mem>>) src(%arg25 : memref<128xf32, #tpu.memory_space<vmem>>) dst(%dma_wait3A_207 : memref<10240xf32, #tpu.memory_space<vmem_shared>>)
      %dma_start3A_208 = arith.constant 3 : i32
      %dma_start3A_209 = arith.constant 0 : i32
      %dma_start3A_210 = tpu.memref_slice %arg12[%dma_start3A_208, %dma_start3A_209] : memref<8x128xi32, #tpu.memory_space<vmem>> -> memref<1x128xi32, #tpu.memory_space<vmem>>
      %dma_start3A_211 = tpu.memref_squeeze %dma_start3A_210 : memref<1x128xi32, #tpu.memory_space<vmem>> -> memref<128xi32, #tpu.memory_space<vmem>>
      %dma_start3A_212 = arith.constant 0 : i32
      %dma_start3A_213 = tpu.memref_slice %arg6[%dma_start3A_212] : memref<10240xf32, #tpu.memory_space<hbm>> -> memref<10240xf32, #tpu.memory_space<hbm>>
      tpu.enqueue_indirect_dma source(%dma_start3A_213 : memref<10240xf32, #tpu.memory_space<hbm>>) target(%arg25 : memref<128xf32, #tpu.memory_space<vmem>>) offsets(%dma_start3A_211 : memref<128xi32, #tpu.memory_space<vmem>>) semaphore(%arg28 : memref<!tpu.dma_semaphore, #tpu.memory_space<semaphore_mem>>)
      %dma_wait3A_214 = arith.constant 0 : i32
      %dma_wait3A_215 = arith.constant 0 : i32
      %dma_wait3A_216 = tpu.memref_slice %arg10[%dma_wait3A_214, %dma_wait3A_215] : memref<8x128xi32, #tpu.memory_space<vmem>> -> memref<1x128xi32, #tpu.memory_space<vmem>>
      %dma_wait3A_217 = tpu.memref_squeeze %dma_wait3A_216 : memref<1x128xi32, #tpu.memory_space<vmem>> -> memref<128xi32, #tpu.memory_space<vmem>>
      %dma_wait3A_218 = arith.constant 0 : i32
      %dma_wait3A_219 = arith.constant 0 : i32
      %dma_wait3A_220 = tpu.memref_slice %arg2[%dma_wait3A_218, %dma_wait3A_219] : memref<10240x128xf32, #tpu.memory_space<hbm>> -> memref<10240x128xf32, #tpu.memory_space<hbm>>
      tpu.wait_indirect_dma semaphore(%arg19 : memref<!tpu.dma_semaphore, #tpu.memory_space<semaphore_mem>>) src(%dma_wait3A_220 : memref<10240x128xf32, #tpu.memory_space<hbm>>) dst(%arg14 : memref<128x128xf32, #tpu.memory_space<vmem>>)
      %dma_start3A_221 = arith.constant 2 : i32
      %dma_start3A_222 = arith.constant 0 : i32
      %dma_start3A_223 = tpu.memref_slice %arg12[%dma_start3A_221, %dma_start3A_222] : memref<8x128xi32, #tpu.memory_space<vmem>> -> memref<1x128xi32, #tpu.memory_space<vmem>>
      %dma_start3A_224 = tpu.memref_squeeze %dma_start3A_223 : memref<1x128xi32, #tpu.memory_space<vmem>> -> memref<128xi32, #tpu.memory_space<vmem>>
      %dma_start3A_225 = arith.constant 0 : i32
      %dma_start3A_226 = arith.constant 0 : i32
      %dma_start3A_227 = tpu.memref_slice %arg23[%dma_start3A_225, %dma_start3A_226] : memref<10240x128xf32, #tpu.memory_space<vmem_shared>> -> memref<10240x128xf32, #tpu.memory_space<vmem_shared>>
      tpu.enqueue_indirect_dma source(%arg14 : memref<128x128xf32, #tpu.memory_space<vmem>>) target(%dma_start3A_227 : memref<10240x128xf32, #tpu.memory_space<vmem_shared>>) offsets(%dma_start3A_224 : memref<128xi32, #tpu.memory_space<vmem>>) semaphore(%arg21 : memref<!tpu.dma_semaphore, #tpu.memory_space<semaphore_mem>>) {add = true}
      %dma_wait3A_228 = arith.constant 2 : i32
      %dma_wait3A_229 = arith.constant 0 : i32
      %dma_wait3A_230 = tpu.memref_slice %arg12[%dma_wait3A_228, %dma_wait3A_229] : memref<8x128xi32, #tpu.memory_space<vmem>> -> memref<1x128xi32, #tpu.memory_space<vmem>>
      %dma_wait3A_231 = tpu.memref_squeeze %dma_wait3A_230 : memref<1x128xi32, #tpu.memory_space<vmem>> -> memref<128xi32, #tpu.memory_space<vmem>>
      %dma_wait3A_232 = arith.constant 0 : i32
      %dma_wait3A_233 = tpu.memref_slice %arg6[%dma_wait3A_232] : memref<10240xf32, #tpu.memory_space<hbm>> -> memref<10240xf32, #tpu.memory_space<hbm>>
      tpu.wait_indirect_dma semaphore(%arg27 : memref<!tpu.dma_semaphore, #tpu.memory_space<semaphore_mem>>) src(%dma_wait3A_233 : memref<10240xf32, #tpu.memory_space<hbm>>) dst(%arg24 : memref<128xf32, #tpu.memory_space<vmem>>)
      %dma_start3A_234 = arith.constant 2 : i32
      %dma_start3A_235 = arith.constant 0 : i32
      %dma_start3A_236 = tpu.memref_slice %arg10[%dma_start3A_234, %dma_start3A_235] : memref<8x128xi32, #tpu.memory_space<vmem>> -> memref<1x128xi32, #tpu.memory_space<vmem>>
      %dma_start3A_237 = tpu.memref_squeeze %dma_start3A_236 : memref<1x128xi32, #tpu.memory_space<vmem>> -> memref<128xi32, #tpu.memory_space<vmem>>
      %dma_start3A_238 = arith.constant 0 : i32
      %dma_start3A_239 = tpu.memref_slice %arg31[%dma_start3A_238] : memref<10240xf32, #tpu.memory_space<vmem_shared>> -> memref<10240xf32, #tpu.memory_space<vmem_shared>>
      tpu.enqueue_indirect_dma source(%arg24 : memref<128xf32, #tpu.memory_space<vmem>>) target(%dma_start3A_239 : memref<10240xf32, #tpu.memory_space<vmem_shared>>) offsets(%dma_start3A_237 : memref<128xi32, #tpu.memory_space<vmem>>) semaphore(%arg29 : memref<!tpu.dma_semaphore, #tpu.memory_space<semaphore_mem>>) {add = true}
      %dma_wait3A_240 = arith.constant 0 : i32
      %dma_wait3A_241 = arith.constant 0 : i32
      %dma_wait3A_242 = tpu.memref_slice %arg12[%dma_wait3A_240, %dma_wait3A_241] : memref<8x128xi32, #tpu.memory_space<vmem>> -> memref<1x128xi32, #tpu.memory_space<vmem>>
      %dma_wait3A_243 = tpu.memref_squeeze %dma_wait3A_242 : memref<1x128xi32, #tpu.memory_space<vmem>> -> memref<128xi32, #tpu.memory_space<vmem>>
      %dma_wait3A_244 = arith.constant 0 : i32
      %dma_wait3A_245 = arith.constant 0 : i32
      %dma_wait3A_246 = tpu.memref_slice %arg23[%dma_wait3A_244, %dma_wait3A_245] : memref<10240x128xf32, #tpu.memory_space<vmem_shared>> -> memref<10240x128xf32, #tpu.memory_space<vmem_shared>>
      tpu.wait_indirect_dma semaphore(%arg21 : memref<!tpu.dma_semaphore, #tpu.memory_space<semaphore_mem>>) src(%arg14 : memref<128x128xf32, #tpu.memory_space<vmem>>) dst(%dma_wait3A_246 : memref<10240x128xf32, #tpu.memory_space<vmem_shared>>)
      %dma_start3A_247 = arith.constant 4 : i32
      %dma_start3A_248 = arith.constant 0 : i32
      %dma_start3A_249 = tpu.memref_slice %arg10[%dma_start3A_247, %dma_start3A_248] : memref<8x128xi32, #tpu.memory_space<vmem>> -> memref<1x128xi32, #tpu.memory_space<vmem>>
      %dma_start3A_250 = tpu.memref_squeeze %dma_start3A_249 : memref<1x128xi32, #tpu.memory_space<vmem>> -> memref<128xi32, #tpu.memory_space<vmem>>
      %dma_start3A_251 = arith.constant 0 : i32
      %dma_start3A_252 = arith.constant 0 : i32
      %dma_start3A_253 = tpu.memref_slice %arg2[%dma_start3A_251, %dma_start3A_252] : memref<10240x128xf32, #tpu.memory_space<hbm>> -> memref<10240x128xf32, #tpu.memory_space<hbm>>
      tpu.enqueue_indirect_dma source(%dma_start3A_253 : memref<10240x128xf32, #tpu.memory_space<hbm>>) target(%arg14 : memref<128x128xf32, #tpu.memory_space<vmem>>) offsets(%dma_start3A_250 : memref<128xi32, #tpu.memory_space<vmem>>) semaphore(%arg19 : memref<!tpu.dma_semaphore, #tpu.memory_space<semaphore_mem>>)
      %dma_wait3A_254 = arith.constant 0 : i32
      %dma_wait3A_255 = arith.constant 0 : i32
      %dma_wait3A_256 = tpu.memref_slice %arg10[%dma_wait3A_254, %dma_wait3A_255] : memref<8x128xi32, #tpu.memory_space<vmem>> -> memref<1x128xi32, #tpu.memory_space<vmem>>
      %dma_wait3A_257 = tpu.memref_squeeze %dma_wait3A_256 : memref<1x128xi32, #tpu.memory_space<vmem>> -> memref<128xi32, #tpu.memory_space<vmem>>
      %dma_wait3A_258 = arith.constant 0 : i32
      %dma_wait3A_259 = tpu.memref_slice %arg31[%dma_wait3A_258] : memref<10240xf32, #tpu.memory_space<vmem_shared>> -> memref<10240xf32, #tpu.memory_space<vmem_shared>>
      tpu.wait_indirect_dma semaphore(%arg29 : memref<!tpu.dma_semaphore, #tpu.memory_space<semaphore_mem>>) src(%arg24 : memref<128xf32, #tpu.memory_space<vmem>>) dst(%dma_wait3A_259 : memref<10240xf32, #tpu.memory_space<vmem_shared>>)
      %dma_start3A_260 = arith.constant 4 : i32
      %dma_start3A_261 = arith.constant 0 : i32
      %dma_start3A_262 = tpu.memref_slice %arg12[%dma_start3A_260, %dma_start3A_261] : memref<8x128xi32, #tpu.memory_space<vmem>> -> memref<1x128xi32, #tpu.memory_space<vmem>>
      %dma_start3A_263 = tpu.memref_squeeze %dma_start3A_262 : memref<1x128xi32, #tpu.memory_space<vmem>> -> memref<128xi32, #tpu.memory_space<vmem>>
      %dma_start3A_264 = arith.constant 0 : i32
      %dma_start3A_265 = tpu.memref_slice %arg6[%dma_start3A_264] : memref<10240xf32, #tpu.memory_space<hbm>> -> memref<10240xf32, #tpu.memory_space<hbm>>
      tpu.enqueue_indirect_dma source(%dma_start3A_265 : memref<10240xf32, #tpu.memory_space<hbm>>) target(%arg24 : memref<128xf32, #tpu.memory_space<vmem>>) offsets(%dma_start3A_263 : memref<128xi32, #tpu.memory_space<vmem>>) semaphore(%arg27 : memref<!tpu.dma_semaphore, #tpu.memory_space<semaphore_mem>>)
      %dma_wait3A_266 = arith.constant 0 : i32
      %dma_wait3A_267 = arith.constant 0 : i32
      %dma_wait3A_268 = tpu.memref_slice %arg10[%dma_wait3A_266, %dma_wait3A_267] : memref<8x128xi32, #tpu.memory_space<vmem>> -> memref<1x128xi32, #tpu.memory_space<vmem>>
      %dma_wait3A_269 = tpu.memref_squeeze %dma_wait3A_268 : memref<1x128xi32, #tpu.memory_space<vmem>> -> memref<128xi32, #tpu.memory_space<vmem>>
      %dma_wait3A_270 = arith.constant 0 : i32
      %dma_wait3A_271 = arith.constant 0 : i32
      %dma_wait3A_272 = tpu.memref_slice %arg2[%dma_wait3A_270, %dma_wait3A_271] : memref<10240x128xf32, #tpu.memory_space<hbm>> -> memref<10240x128xf32, #tpu.memory_space<hbm>>
      tpu.wait_indirect_dma semaphore(%arg20 : memref<!tpu.dma_semaphore, #tpu.memory_space<semaphore_mem>>) src(%dma_wait3A_272 : memref<10240x128xf32, #tpu.memory_space<hbm>>) dst(%arg15 : memref<128x128xf32, #tpu.memory_space<vmem>>)
      %dma_start3A_273 = arith.constant 3 : i32
      %dma_start3A_274 = arith.constant 0 : i32
      %dma_start3A_275 = tpu.memref_slice %arg12[%dma_start3A_273, %dma_start3A_274] : memref<8x128xi32, #tpu.memory_space<vmem>> -> memref<1x128xi32, #tpu.memory_space<vmem>>
      %dma_start3A_276 = tpu.memref_squeeze %dma_start3A_275 : memref<1x128xi32, #tpu.memory_space<vmem>> -> memref<128xi32, #tpu.memory_space<vmem>>
      %dma_start3A_277 = arith.constant 0 : i32
      %dma_start3A_278 = arith.constant 0 : i32
      %dma_start3A_279 = tpu.memref_slice %arg23[%dma_start3A_277, %dma_start3A_278] : memref<10240x128xf32, #tpu.memory_space<vmem_shared>> -> memref<10240x128xf32, #tpu.memory_space<vmem_shared>>
      tpu.enqueue_indirect_dma source(%arg15 : memref<128x128xf32, #tpu.memory_space<vmem>>) target(%dma_start3A_279 : memref<10240x128xf32, #tpu.memory_space<vmem_shared>>) offsets(%dma_start3A_276 : memref<128xi32, #tpu.memory_space<vmem>>) semaphore(%arg22 : memref<!tpu.dma_semaphore, #tpu.memory_space<semaphore_mem>>) {add = true}
      %dma_wait3A_280 = arith.constant 3 : i32
      %dma_wait3A_281 = arith.constant 0 : i32
      %dma_wait3A_282 = tpu.memref_slice %arg12[%dma_wait3A_280, %dma_wait3A_281] : memref<8x128xi32, #tpu.memory_space<vmem>> -> memref<1x128xi32, #tpu.memory_space<vmem>>
      %dma_wait3A_283 = tpu.memref_squeeze %dma_wait3A_282 : memref<1x128xi32, #tpu.memory_space<vmem>> -> memref<128xi32, #tpu.memory_space<vmem>>
      %dma_wait3A_284 = arith.constant 0 : i32
      %dma_wait3A_285 = tpu.memref_slice %arg6[%dma_wait3A_284] : memref<10240xf32, #tpu.memory_space<hbm>> -> memref<10240xf32, #tpu.memory_space<hbm>>
      tpu.wait_indirect_dma semaphore(%arg28 : memref<!tpu.dma_semaphore, #tpu.memory_space<semaphore_mem>>) src(%dma_wait3A_285 : memref<10240xf32, #tpu.memory_space<hbm>>) dst(%arg25 : memref<128xf32, #tpu.memory_space<vmem>>)
      %dma_start3A_286 = arith.constant 3 : i32
      %dma_start3A_287 = arith.constant 0 : i32
      %dma_start3A_288 = tpu.memref_slice %arg10[%dma_start3A_286, %dma_start3A_287] : memref<8x128xi32, #tpu.memory_space<vmem>> -> memref<1x128xi32, #tpu.memory_space<vmem>>
      %dma_start3A_289 = tpu.memref_squeeze %dma_start3A_288 : memref<1x128xi32, #tpu.memory_space<vmem>> -> memref<128xi32, #tpu.memory_space<vmem>>
      %dma_start3A_290 = arith.constant 0 : i32
      %dma_start3A_291 = tpu.memref_slice %arg31[%dma_start3A_290] : memref<10240xf32, #tpu.memory_space<vmem_shared>> -> memref<10240xf32, #tpu.memory_space<vmem_shared>>
      tpu.enqueue_indirect_dma source(%arg25 : memref<128xf32, #tpu.memory_space<vmem>>) target(%dma_start3A_291 : memref<10240xf32, #tpu.memory_space<vmem_shared>>) offsets(%dma_start3A_289 : memref<128xi32, #tpu.memory_space<vmem>>) semaphore(%arg30 : memref<!tpu.dma_semaphore, #tpu.memory_space<semaphore_mem>>) {add = true}
      %dma_wait3A_292 = arith.constant 0 : i32
      %dma_wait3A_293 = arith.constant 0 : i32
      %dma_wait3A_294 = tpu.memref_slice %arg12[%dma_wait3A_292, %dma_wait3A_293] : memref<8x128xi32, #tpu.memory_space<vmem>> -> memref<1x128xi32, #tpu.memory_space<vmem>>
      %dma_wait3A_295 = tpu.memref_squeeze %dma_wait3A_294 : memref<1x128xi32, #tpu.memory_space<vmem>> -> memref<128xi32, #tpu.memory_space<vmem>>
      %dma_wait3A_296 = arith.constant 0 : i32
      %dma_wait3A_297 = arith.constant 0 : i32
      %dma_wait3A_298 = tpu.memref_slice %arg23[%dma_wait3A_296, %dma_wait3A_297] : memref<10240x128xf32, #tpu.memory_space<vmem_shared>> -> memref<10240x128xf32, #tpu.memory_space<vmem_shared>>
      tpu.wait_indirect_dma semaphore(%arg22 : memref<!tpu.dma_semaphore, #tpu.memory_space<semaphore_mem>>) src(%arg15 : memref<128x128xf32, #tpu.memory_space<vmem>>) dst(%dma_wait3A_298 : memref<10240x128xf32, #tpu.memory_space<vmem_shared>>)
      %dma_start3A_299 = arith.constant 5 : i32
      %dma_start3A_300 = arith.constant 0 : i32
      %dma_start3A_301 = tpu.memref_slice %arg10[%dma_start3A_299, %dma_start3A_300] : memref<8x128xi32, #tpu.memory_space<vmem>> -> memref<1x128xi32, #tpu.memory_space<vmem>>
      %dma_start3A_302 = tpu.memref_squeeze %dma_start3A_301 : memref<1x128xi32, #tpu.memory_space<vmem>> -> memref<128xi32, #tpu.memory_space<vmem>>
      %dma_start3A_303 = arith.constant 0 : i32
      %dma_start3A_304 = arith.constant 0 : i32
      %dma_start3A_305 = tpu.memref_slice %arg2[%dma_start3A_303, %dma_start3A_304] : memref<10240x128xf32, #tpu.memory_space<hbm>> -> memref<10240x128xf32, #tpu.memory_space<hbm>>
      tpu.enqueue_indirect_dma source(%dma_start3A_305 : memref<10240x128xf32, #tpu.memory_space<hbm>>) target(%arg15 : memref<128x128xf32, #tpu.memory_space<vmem>>) offsets(%dma_start3A_302 : memref<128xi32, #tpu.memory_space<vmem>>) semaphore(%arg20 : memref<!tpu.dma_semaphore, #tpu.memory_space<semaphore_mem>>)
      %dma_wait3A_306 = arith.constant 0 : i32
      %dma_wait3A_307 = arith.constant 0 : i32
      %dma_wait3A_308 = tpu.memref_slice %arg10[%dma_wait3A_306, %dma_wait3A_307] : memref<8x128xi32, #tpu.memory_space<vmem>> -> memref<1x128xi32, #tpu.memory_space<vmem>>
      %dma_wait3A_309 = tpu.memref_squeeze %dma_wait3A_308 : memref<1x128xi32, #tpu.memory_space<vmem>> -> memref<128xi32, #tpu.memory_space<vmem>>
      %dma_wait3A_310 = arith.constant 0 : i32
      %dma_wait3A_311 = tpu.memref_slice %arg31[%dma_wait3A_310] : memref<10240xf32, #tpu.memory_space<vmem_shared>> -> memref<10240xf32, #tpu.memory_space<vmem_shared>>
      tpu.wait_indirect_dma semaphore(%arg30 : memref<!tpu.dma_semaphore, #tpu.memory_space<semaphore_mem>>) src(%arg25 : memref<128xf32, #tpu.memory_space<vmem>>) dst(%dma_wait3A_311 : memref<10240xf32, #tpu.memory_space<vmem_shared>>)
      %dma_start3A_312 = arith.constant 5 : i32
      %dma_start3A_313 = arith.constant 0 : i32
      %dma_start3A_314 = tpu.memref_slice %arg12[%dma_start3A_312, %dma_start3A_313] : memref<8x128xi32, #tpu.memory_space<vmem>> -> memref<1x128xi32, #tpu.memory_space<vmem>>
      %dma_start3A_315 = tpu.memref_squeeze %dma_start3A_314 : memref<1x128xi32, #tpu.memory_space<vmem>> -> memref<128xi32, #tpu.memory_space<vmem>>
      %dma_start3A_316 = arith.constant 0 : i32
      %dma_start3A_317 = tpu.memref_slice %arg6[%dma_start3A_316] : memref<10240xf32, #tpu.memory_space<hbm>> -> memref<10240xf32, #tpu.memory_space<hbm>>
      tpu.enqueue_indirect_dma source(%dma_start3A_317 : memref<10240xf32, #tpu.memory_space<hbm>>) target(%arg25 : memref<128xf32, #tpu.memory_space<vmem>>) offsets(%dma_start3A_315 : memref<128xi32, #tpu.memory_space<vmem>>) semaphore(%arg28 : memref<!tpu.dma_semaphore, #tpu.memory_space<semaphore_mem>>)
      %dma_wait3A_318 = arith.constant 0 : i32
      %dma_wait3A_319 = arith.constant 0 : i32
      %dma_wait3A_320 = tpu.memref_slice %arg10[%dma_wait3A_318, %dma_wait3A_319] : memref<8x128xi32, #tpu.memory_space<vmem>> -> memref<1x128xi32, #tpu.memory_space<vmem>>
      %dma_wait3A_321 = tpu.memref_squeeze %dma_wait3A_320 : memref<1x128xi32, #tpu.memory_space<vmem>> -> memref<128xi32, #tpu.memory_space<vmem>>
      %dma_wait3A_322 = arith.constant 0 : i32
      %dma_wait3A_323 = arith.constant 0 : i32
      %dma_wait3A_324 = tpu.memref_slice %arg2[%dma_wait3A_322, %dma_wait3A_323] : memref<10240x128xf32, #tpu.memory_space<hbm>> -> memref<10240x128xf32, #tpu.memory_space<hbm>>
      tpu.wait_indirect_dma semaphore(%arg19 : memref<!tpu.dma_semaphore, #tpu.memory_space<semaphore_mem>>) src(%dma_wait3A_324 : memref<10240x128xf32, #tpu.memory_space<hbm>>) dst(%arg14 : memref<128x128xf32, #tpu.memory_space<vmem>>)
      %dma_start3A_325 = arith.constant 4 : i32
      %dma_start3A_326 = arith.constant 0 : i32
      %dma_start3A_327 = tpu.memref_slice %arg12[%dma_start3A_325, %dma_start3A_326] : memref<8x128xi32, #tpu.memory_space<vmem>> -> memref<1x128xi32, #tpu.memory_space<vmem>>
      %dma_start3A_328 = tpu.memref_squeeze %dma_start3A_327 : memref<1x128xi32, #tpu.memory_space<vmem>> -> memref<128xi32, #tpu.memory_space<vmem>>
      %dma_start3A_329 = arith.constant 0 : i32
      %dma_start3A_330 = arith.constant 0 : i32
      %dma_start3A_331 = tpu.memref_slice %arg23[%dma_start3A_329, %dma_start3A_330] : memref<10240x128xf32, #tpu.memory_space<vmem_shared>> -> memref<10240x128xf32, #tpu.memory_space<vmem_shared>>
      tpu.enqueue_indirect_dma source(%arg14 : memref<128x128xf32, #tpu.memory_space<vmem>>) target(%dma_start3A_331 : memref<10240x128xf32, #tpu.memory_space<vmem_shared>>) offsets(%dma_start3A_328 : memref<128xi32, #tpu.memory_space<vmem>>) semaphore(%arg21 : memref<!tpu.dma_semaphore, #tpu.memory_space<semaphore_mem>>) {add = true}
      %dma_wait3A_332 = arith.constant 4 : i32
      %dma_wait3A_333 = arith.constant 0 : i32
      %dma_wait3A_334 = tpu.memref_slice %arg12[%dma_wait3A_332, %dma_wait3A_333] : memref<8x128xi32, #tpu.memory_space<vmem>> -> memref<1x128xi32, #tpu.memory_space<vmem>>
      %dma_wait3A_335 = tpu.memref_squeeze %dma_wait3A_334 : memref<1x128xi32, #tpu.memory_space<vmem>> -> memref<128xi32, #tpu.memory_space<vmem>>
      %dma_wait3A_336 = arith.constant 0 : i32
      %dma_wait3A_337 = tpu.memref_slice %arg6[%dma_wait3A_336] : memref<10240xf32, #tpu.memory_space<hbm>> -> memref<10240xf32, #tpu.memory_space<hbm>>
      tpu.wait_indirect_dma semaphore(%arg27 : memref<!tpu.dma_semaphore, #tpu.memory_space<semaphore_mem>>) src(%dma_wait3A_337 : memref<10240xf32, #tpu.memory_space<hbm>>) dst(%arg24 : memref<128xf32, #tpu.memory_space<vmem>>)
      %dma_start3A_338 = arith.constant 4 : i32
      %dma_start3A_339 = arith.constant 0 : i32
      %dma_start3A_340 = tpu.memref_slice %arg10[%dma_start3A_338, %dma_start3A_339] : memref<8x128xi32, #tpu.memory_space<vmem>> -> memref<1x128xi32, #tpu.memory_space<vmem>>
      %dma_start3A_341 = tpu.memref_squeeze %dma_start3A_340 : memref<1x128xi32, #tpu.memory_space<vmem>> -> memref<128xi32, #tpu.memory_space<vmem>>
      %dma_start3A_342 = arith.constant 0 : i32
      %dma_start3A_343 = tpu.memref_slice %arg31[%dma_start3A_342] : memref<10240xf32, #tpu.memory_space<vmem_shared>> -> memref<10240xf32, #tpu.memory_space<vmem_shared>>
      tpu.enqueue_indirect_dma source(%arg24 : memref<128xf32, #tpu.memory_space<vmem>>) target(%dma_start3A_343 : memref<10240xf32, #tpu.memory_space<vmem_shared>>) offsets(%dma_start3A_341 : memref<128xi32, #tpu.memory_space<vmem>>) semaphore(%arg29 : memref<!tpu.dma_semaphore, #tpu.memory_space<semaphore_mem>>) {add = true}
      %dma_wait3A_344 = arith.constant 0 : i32
      %dma_wait3A_345 = arith.constant 0 : i32
      %dma_wait3A_346 = tpu.memref_slice %arg12[%dma_wait3A_344, %dma_wait3A_345] : memref<8x128xi32, #tpu.memory_space<vmem>> -> memref<1x128xi32, #tpu.memory_space<vmem>>
      %dma_wait3A_347 = tpu.memref_squeeze %dma_wait3A_346 : memref<1x128xi32, #tpu.memory_space<vmem>> -> memref<128xi32, #tpu.memory_space<vmem>>
      %dma_wait3A_348 = arith.constant 0 : i32
      %dma_wait3A_349 = arith.constant 0 : i32
      %dma_wait3A_350 = tpu.memref_slice %arg23[%dma_wait3A_348, %dma_wait3A_349] : memref<10240x128xf32, #tpu.memory_space<vmem_shared>> -> memref<10240x128xf32, #tpu.memory_space<vmem_shared>>
      tpu.wait_indirect_dma semaphore(%arg21 : memref<!tpu.dma_semaphore, #tpu.memory_space<semaphore_mem>>) src(%arg14 : memref<128x128xf32, #tpu.memory_space<vmem>>) dst(%dma_wait3A_350 : memref<10240x128xf32, #tpu.memory_space<vmem_shared>>)
      %dma_start3A_351 = arith.constant 6 : i32
      %dma_start3A_352 = arith.constant 0 : i32
      %dma_start3A_353 = tpu.memref_slice %arg10[%dma_start3A_351, %dma_start3A_352] : memref<8x128xi32, #tpu.memory_space<vmem>> -> memref<1x128xi32, #tpu.memory_space<vmem>>
      %dma_start3A_354 = tpu.memref_squeeze %dma_start3A_353 : memref<1x128xi32, #tpu.memory_space<vmem>> -> memref<128xi32, #tpu.memory_space<vmem>>
      %dma_start3A_355 = arith.constant 0 : i32
      %dma_start3A_356 = arith.constant 0 : i32
      %dma_start3A_357 = tpu.memref_slice %arg2[%dma_start3A_355, %dma_start3A_356] : memref<10240x128xf32, #tpu.memory_space<hbm>> -> memref<10240x128xf32, #tpu.memory_space<hbm>>
      tpu.enqueue_indirect_dma source(%dma_start3A_357 : memref<10240x128xf32, #tpu.memory_space<hbm>>) target(%arg14 : memref<128x128xf32, #tpu.memory_space<vmem>>) offsets(%dma_start3A_354 : memref<128xi32, #tpu.memory_space<vmem>>) semaphore(%arg19 : memref<!tpu.dma_semaphore, #tpu.memory_space<semaphore_mem>>)
      %dma_wait3A_358 = arith.constant 0 : i32
      %dma_wait3A_359 = arith.constant 0 : i32
      %dma_wait3A_360 = tpu.memref_slice %arg10[%dma_wait3A_358, %dma_wait3A_359] : memref<8x128xi32, #tpu.memory_space<vmem>> -> memref<1x128xi32, #tpu.memory_space<vmem>>
      %dma_wait3A_361 = tpu.memref_squeeze %dma_wait3A_360 : memref<1x128xi32, #tpu.memory_space<vmem>> -> memref<128xi32, #tpu.memory_space<vmem>>
      %dma_wait3A_362 = arith.constant 0 : i32
      %dma_wait3A_363 = tpu.memref_slice %arg31[%dma_wait3A_362] : memref<10240xf32, #tpu.memory_space<vmem_shared>> -> memref<10240xf32, #tpu.memory_space<vmem_shared>>
      tpu.wait_indirect_dma semaphore(%arg29 : memref<!tpu.dma_semaphore, #tpu.memory_space<semaphore_mem>>) src(%arg24 : memref<128xf32, #tpu.memory_space<vmem>>) dst(%dma_wait3A_363 : memref<10240xf32, #tpu.memory_space<vmem_shared>>)
      %dma_start3A_364 = arith.constant 6 : i32
      %dma_start3A_365 = arith.constant 0 : i32
      %dma_start3A_366 = tpu.memref_slice %arg12[%dma_start3A_364, %dma_start3A_365] : memref<8x128xi32, #tpu.memory_space<vmem>> -> memref<1x128xi32, #tpu.memory_space<vmem>>
      %dma_start3A_367 = tpu.memref_squeeze %dma_start3A_366 : memref<1x128xi32, #tpu.memory_space<vmem>> -> memref<128xi32, #tpu.memory_space<vmem>>
      %dma_start3A_368 = arith.constant 0 : i32
      %dma_start3A_369 = tpu.memref_slice %arg6[%dma_start3A_368] : memref<10240xf32, #tpu.memory_space<hbm>> -> memref<10240xf32, #tpu.memory_space<hbm>>
      tpu.enqueue_indirect_dma source(%dma_start3A_369 : memref<10240xf32, #tpu.memory_space<hbm>>) target(%arg24 : memref<128xf32, #tpu.memory_space<vmem>>) offsets(%dma_start3A_367 : memref<128xi32, #tpu.memory_space<vmem>>) semaphore(%arg27 : memref<!tpu.dma_semaphore, #tpu.memory_space<semaphore_mem>>)
      %dma_wait3A_370 = arith.constant 0 : i32
      %dma_wait3A_371 = arith.constant 0 : i32
      %dma_wait3A_372 = tpu.memref_slice %arg10[%dma_wait3A_370, %dma_wait3A_371] : memref<8x128xi32, #tpu.memory_space<vmem>> -> memref<1x128xi32, #tpu.memory_space<vmem>>
      %dma_wait3A_373 = tpu.memref_squeeze %dma_wait3A_372 : memref<1x128xi32, #tpu.memory_space<vmem>> -> memref<128xi32, #tpu.memory_space<vmem>>
      %dma_wait3A_374 = arith.constant 0 : i32
      %dma_wait3A_375 = arith.constant 0 : i32
      %dma_wait3A_376 = tpu.memref_slice %arg2[%dma_wait3A_374, %dma_wait3A_375] : memref<10240x128xf32, #tpu.memory_space<hbm>> -> memref<10240x128xf32, #tpu.memory_space<hbm>>
      tpu.wait_indirect_dma semaphore(%arg20 : memref<!tpu.dma_semaphore, #tpu.memory_space<semaphore_mem>>) src(%dma_wait3A_376 : memref<10240x128xf32, #tpu.memory_space<hbm>>) dst(%arg15 : memref<128x128xf32, #tpu.memory_space<vmem>>)
      %dma_start3A_377 = arith.constant 5 : i32
      %dma_start3A_378 = arith.constant 0 : i32
      %dma_start3A_379 = tpu.memref_slice %arg12[%dma_start3A_377, %dma_start3A_378] : memref<8x128xi32, #tpu.memory_space<vmem>> -> memref<1x128xi32, #tpu.memory_space<vmem>>
      %dma_start3A_380 = tpu.memref_squeeze %dma_start3A_379 : memref<1x128xi32, #tpu.memory_space<vmem>> -> memref<128xi32, #tpu.memory_space<vmem>>
      %dma_start3A_381 = arith.constant 0 : i32
      %dma_start3A_382 = arith.constant 0 : i32
      %dma_start3A_383 = tpu.memref_slice %arg23[%dma_start3A_381, %dma_start3A_382] : memref<10240x128xf32, #tpu.memory_space<vmem_shared>> -> memref<10240x128xf32, #tpu.memory_space<vmem_shared>>
      tpu.enqueue_indirect_dma source(%arg15 : memref<128x128xf32, #tpu.memory_space<vmem>>) target(%dma_start3A_383 : memref<10240x128xf32, #tpu.memory_space<vmem_shared>>) offsets(%dma_start3A_380 : memref<128xi32, #tpu.memory_space<vmem>>) semaphore(%arg22 : memref<!tpu.dma_semaphore, #tpu.memory_space<semaphore_mem>>) {add = true}
      %dma_wait3A_384 = arith.constant 5 : i32
      %dma_wait3A_385 = arith.constant 0 : i32
      %dma_wait3A_386 = tpu.memref_slice %arg12[%dma_wait3A_384, %dma_wait3A_385] : memref<8x128xi32, #tpu.memory_space<vmem>> -> memref<1x128xi32, #tpu.memory_space<vmem>>
      %dma_wait3A_387 = tpu.memref_squeeze %dma_wait3A_386 : memref<1x128xi32, #tpu.memory_space<vmem>> -> memref<128xi32, #tpu.memory_space<vmem>>
      %dma_wait3A_388 = arith.constant 0 : i32
      %dma_wait3A_389 = tpu.memref_slice %arg6[%dma_wait3A_388] : memref<10240xf32, #tpu.memory_space<hbm>> -> memref<10240xf32, #tpu.memory_space<hbm>>
      tpu.wait_indirect_dma semaphore(%arg28 : memref<!tpu.dma_semaphore, #tpu.memory_space<semaphore_mem>>) src(%dma_wait3A_389 : memref<10240xf32, #tpu.memory_space<hbm>>) dst(%arg25 : memref<128xf32, #tpu.memory_space<vmem>>)
      %dma_start3A_390 = arith.constant 5 : i32
      %dma_start3A_391 = arith.constant 0 : i32
      %dma_start3A_392 = tpu.memref_slice %arg10[%dma_start3A_390, %dma_start3A_391] : memref<8x128xi32, #tpu.memory_space<vmem>> -> memref<1x128xi32, #tpu.memory_space<vmem>>
      %dma_start3A_393 = tpu.memref_squeeze %dma_start3A_392 : memref<1x128xi32, #tpu.memory_space<vmem>> -> memref<128xi32, #tpu.memory_space<vmem>>
      %dma_start3A_394 = arith.constant 0 : i32
      %dma_start3A_395 = tpu.memref_slice %arg31[%dma_start3A_394] : memref<10240xf32, #tpu.memory_space<vmem_shared>> -> memref<10240xf32, #tpu.memory_space<vmem_shared>>
      tpu.enqueue_indirect_dma source(%arg25 : memref<128xf32, #tpu.memory_space<vmem>>) target(%dma_start3A_395 : memref<10240xf32, #tpu.memory_space<vmem_shared>>) offsets(%dma_start3A_393 : memref<128xi32, #tpu.memory_space<vmem>>) semaphore(%arg30 : memref<!tpu.dma_semaphore, #tpu.memory_space<semaphore_mem>>) {add = true}
      %dma_wait3A_396 = arith.constant 0 : i32
      %dma_wait3A_397 = arith.constant 0 : i32
      %dma_wait3A_398 = tpu.memref_slice %arg12[%dma_wait3A_396, %dma_wait3A_397] : memref<8x128xi32, #tpu.memory_space<vmem>> -> memref<1x128xi32, #tpu.memory_space<vmem>>
      %dma_wait3A_399 = tpu.memref_squeeze %dma_wait3A_398 : memref<1x128xi32, #tpu.memory_space<vmem>> -> memref<128xi32, #tpu.memory_space<vmem>>
      %dma_wait3A_400 = arith.constant 0 : i32
      %dma_wait3A_401 = arith.constant 0 : i32
      %dma_wait3A_402 = tpu.memref_slice %arg23[%dma_wait3A_400, %dma_wait3A_401] : memref<10240x128xf32, #tpu.memory_space<vmem_shared>> -> memref<10240x128xf32, #tpu.memory_space<vmem_shared>>
      tpu.wait_indirect_dma semaphore(%arg22 : memref<!tpu.dma_semaphore, #tpu.memory_space<semaphore_mem>>) src(%arg15 : memref<128x128xf32, #tpu.memory_space<vmem>>) dst(%dma_wait3A_402 : memref<10240x128xf32, #tpu.memory_space<vmem_shared>>)
      %dma_start3A_403 = arith.constant 7 : i32
      %dma_start3A_404 = arith.constant 0 : i32
      %dma_start3A_405 = tpu.memref_slice %arg10[%dma_start3A_403, %dma_start3A_404] : memref<8x128xi32, #tpu.memory_space<vmem>> -> memref<1x128xi32, #tpu.memory_space<vmem>>
      %dma_start3A_406 = tpu.memref_squeeze %dma_start3A_405 : memref<1x128xi32, #tpu.memory_space<vmem>> -> memref<128xi32, #tpu.memory_space<vmem>>
      %dma_start3A_407 = arith.constant 0 : i32
      %dma_start3A_408 = arith.constant 0 : i32
      %dma_start3A_409 = tpu.memref_slice %arg2[%dma_start3A_407, %dma_start3A_408] : memref<10240x128xf32, #tpu.memory_space<hbm>> -> memref<10240x128xf32, #tpu.memory_space<hbm>>
      tpu.enqueue_indirect_dma source(%dma_start3A_409 : memref<10240x128xf32, #tpu.memory_space<hbm>>) target(%arg15 : memref<128x128xf32, #tpu.memory_space<vmem>>) offsets(%dma_start3A_406 : memref<128xi32, #tpu.memory_space<vmem>>) semaphore(%arg20 : memref<!tpu.dma_semaphore, #tpu.memory_space<semaphore_mem>>)
      %dma_wait3A_410 = arith.constant 0 : i32
      %dma_wait3A_411 = arith.constant 0 : i32
      %dma_wait3A_412 = tpu.memref_slice %arg10[%dma_wait3A_410, %dma_wait3A_411] : memref<8x128xi32, #tpu.memory_space<vmem>> -> memref<1x128xi32, #tpu.memory_space<vmem>>
      %dma_wait3A_413 = tpu.memref_squeeze %dma_wait3A_412 : memref<1x128xi32, #tpu.memory_space<vmem>> -> memref<128xi32, #tpu.memory_space<vmem>>
      %dma_wait3A_414 = arith.constant 0 : i32
      %dma_wait3A_415 = tpu.memref_slice %arg31[%dma_wait3A_414] : memref<10240xf32, #tpu.memory_space<vmem_shared>> -> memref<10240xf32, #tpu.memory_space<vmem_shared>>
      tpu.wait_indirect_dma semaphore(%arg30 : memref<!tpu.dma_semaphore, #tpu.memory_space<semaphore_mem>>) src(%arg25 : memref<128xf32, #tpu.memory_space<vmem>>) dst(%dma_wait3A_415 : memref<10240xf32, #tpu.memory_space<vmem_shared>>)
      %dma_start3A_416 = arith.constant 7 : i32
      %dma_start3A_417 = arith.constant 0 : i32
      %dma_start3A_418 = tpu.memref_slice %arg12[%dma_start3A_416, %dma_start3A_417] : memref<8x128xi32, #tpu.memory_space<vmem>> -> memref<1x128xi32, #tpu.memory_space<vmem>>
      %dma_start3A_419 = tpu.memref_squeeze %dma_start3A_418 : memref<1x128xi32, #tpu.memory_space<vmem>> -> memref<128xi32, #tpu.memory_space<vmem>>
      %dma_start3A_420 = arith.constant 0 : i32
      %dma_start3A_421 = tpu.memref_slice %arg6[%dma_start3A_420] : memref<10240xf32, #tpu.memory_space<hbm>> -> memref<10240xf32, #tpu.memory_space<hbm>>
      tpu.enqueue_indirect_dma source(%dma_start3A_421 : memref<10240xf32, #tpu.memory_space<hbm>>) target(%arg25 : memref<128xf32, #tpu.memory_space<vmem>>) offsets(%dma_start3A_419 : memref<128xi32, #tpu.memory_space<vmem>>) semaphore(%arg28 : memref<!tpu.dma_semaphore, #tpu.memory_space<semaphore_mem>>)
      %dma_wait3A_422 = arith.constant 0 : i32
      %dma_wait3A_423 = tpu.memref_slice %arg3[%mul3A_6, %dma_wait3A_422] : memref<2560x128xi32, #tpu.memory_space<hbm>> -> memref<8x128xi32, #tpu.memory_space<hbm>>
      %dma_wait3A_424 = arith.constant 0 : i32
      %dma_wait3A_425 = tpu.memref_slice %arg3[%mul3A_6, %dma_wait3A_424] : memref<2560x128xi32, #tpu.memory_space<hbm>> -> memref<8x128xi32, #tpu.memory_space<hbm>>
      tpu.wait_dma2 semaphore(%arg18 : memref<!tpu.dma_semaphore, #tpu.memory_space<semaphore_mem>>) src(%dma_wait3A_425 : memref<8x128xi32, #tpu.memory_space<hbm>>) dst(%arg11 : memref<8x128xi32, #tpu.memory_space<vmem>>)
      %dma_wait3A_426 = arith.constant 0 : i32
      %dma_wait3A_427 = tpu.memref_slice %arg4[%mul3A_6, %dma_wait3A_426] : memref<2560x128xi32, #tpu.memory_space<hbm>> -> memref<8x128xi32, #tpu.memory_space<hbm>>
      %dma_wait3A_428 = arith.constant 0 : i32
      %dma_wait3A_429 = tpu.memref_slice %arg4[%mul3A_6, %dma_wait3A_428] : memref<2560x128xi32, #tpu.memory_space<hbm>> -> memref<8x128xi32, #tpu.memory_space<hbm>>
      tpu.wait_dma2 semaphore(%arg18 : memref<!tpu.dma_semaphore, #tpu.memory_space<semaphore_mem>>) src(%dma_wait3A_429 : memref<8x128xi32, #tpu.memory_space<hbm>>) dst(%arg13 : memref<8x128xi32, #tpu.memory_space<vmem>>)
      %dma_wait3A_430 = arith.constant 0 : i32
      %dma_wait3A_431 = arith.constant 0 : i32
      %dma_wait3A_432 = tpu.memref_slice %arg10[%dma_wait3A_430, %dma_wait3A_431] : memref<8x128xi32, #tpu.memory_space<vmem>> -> memref<1x128xi32, #tpu.memory_space<vmem>>
      %dma_wait3A_433 = tpu.memref_squeeze %dma_wait3A_432 : memref<1x128xi32, #tpu.memory_space<vmem>> -> memref<128xi32, #tpu.memory_space<vmem>>
      %dma_wait3A_434 = arith.constant 0 : i32
      %dma_wait3A_435 = arith.constant 0 : i32
      %dma_wait3A_436 = tpu.memref_slice %arg2[%dma_wait3A_434, %dma_wait3A_435] : memref<10240x128xf32, #tpu.memory_space<hbm>> -> memref<10240x128xf32, #tpu.memory_space<hbm>>
      tpu.wait_indirect_dma semaphore(%arg19 : memref<!tpu.dma_semaphore, #tpu.memory_space<semaphore_mem>>) src(%dma_wait3A_436 : memref<10240x128xf32, #tpu.memory_space<hbm>>) dst(%arg14 : memref<128x128xf32, #tpu.memory_space<vmem>>)
      %dma_start3A_437 = arith.constant 6 : i32
      %dma_start3A_438 = arith.constant 0 : i32
      %dma_start3A_439 = tpu.memref_slice %arg12[%dma_start3A_437, %dma_start3A_438] : memref<8x128xi32, #tpu.memory_space<vmem>> -> memref<1x128xi32, #tpu.memory_space<vmem>>
      %dma_start3A_440 = tpu.memref_squeeze %dma_start3A_439 : memref<1x128xi32, #tpu.memory_space<vmem>> -> memref<128xi32, #tpu.memory_space<vmem>>
      %dma_start3A_441 = arith.constant 0 : i32
      %dma_start3A_442 = arith.constant 0 : i32
      %dma_start3A_443 = tpu.memref_slice %arg23[%dma_start3A_441, %dma_start3A_442] : memref<10240x128xf32, #tpu.memory_space<vmem_shared>> -> memref<10240x128xf32, #tpu.memory_space<vmem_shared>>
      tpu.enqueue_indirect_dma source(%arg14 : memref<128x128xf32, #tpu.memory_space<vmem>>) target(%dma_start3A_443 : memref<10240x128xf32, #tpu.memory_space<vmem_shared>>) offsets(%dma_start3A_440 : memref<128xi32, #tpu.memory_space<vmem>>) semaphore(%arg21 : memref<!tpu.dma_semaphore, #tpu.memory_space<semaphore_mem>>) {add = true}
      %dma_wait3A_444 = arith.constant 6 : i32
      %dma_wait3A_445 = arith.constant 0 : i32
      %dma_wait3A_446 = tpu.memref_slice %arg12[%dma_wait3A_444, %dma_wait3A_445] : memref<8x128xi32, #tpu.memory_space<vmem>> -> memref<1x128xi32, #tpu.memory_space<vmem>>
      %dma_wait3A_447 = tpu.memref_squeeze %dma_wait3A_446 : memref<1x128xi32, #tpu.memory_space<vmem>> -> memref<128xi32, #tpu.memory_space<vmem>>
      %dma_wait3A_448 = arith.constant 0 : i32
      %dma_wait3A_449 = tpu.memref_slice %arg6[%dma_wait3A_448] : memref<10240xf32, #tpu.memory_space<hbm>> -> memref<10240xf32, #tpu.memory_space<hbm>>
      tpu.wait_indirect_dma semaphore(%arg27 : memref<!tpu.dma_semaphore, #tpu.memory_space<semaphore_mem>>) src(%dma_wait3A_449 : memref<10240xf32, #tpu.memory_space<hbm>>) dst(%arg24 : memref<128xf32, #tpu.memory_space<vmem>>)
      %dma_start3A_450 = arith.constant 6 : i32
      %dma_start3A_451 = arith.constant 0 : i32
      %dma_start3A_452 = tpu.memref_slice %arg10[%dma_start3A_450, %dma_start3A_451] : memref<8x128xi32, #tpu.memory_space<vmem>> -> memref<1x128xi32, #tpu.memory_space<vmem>>
      %dma_start3A_453 = tpu.memref_squeeze %dma_start3A_452 : memref<1x128xi32, #tpu.memory_space<vmem>> -> memref<128xi32, #tpu.memory_space<vmem>>
      %dma_start3A_454 = arith.constant 0 : i32
      %dma_start3A_455 = tpu.memref_slice %arg31[%dma_start3A_454] : memref<10240xf32, #tpu.memory_space<vmem_shared>> -> memref<10240xf32, #tpu.memory_space<vmem_shared>>
      tpu.enqueue_indirect_dma source(%arg24 : memref<128xf32, #tpu.memory_space<vmem>>) target(%dma_start3A_455 : memref<10240xf32, #tpu.memory_space<vmem_shared>>) offsets(%dma_start3A_453 : memref<128xi32, #tpu.memory_space<vmem>>) semaphore(%arg29 : memref<!tpu.dma_semaphore, #tpu.memory_space<semaphore_mem>>) {add = true}
      %dma_wait3A_456 = arith.constant 0 : i32
      %dma_wait3A_457 = arith.constant 0 : i32
      %dma_wait3A_458 = tpu.memref_slice %arg12[%dma_wait3A_456, %dma_wait3A_457] : memref<8x128xi32, #tpu.memory_space<vmem>> -> memref<1x128xi32, #tpu.memory_space<vmem>>
      %dma_wait3A_459 = tpu.memref_squeeze %dma_wait3A_458 : memref<1x128xi32, #tpu.memory_space<vmem>> -> memref<128xi32, #tpu.memory_space<vmem>>
      %dma_wait3A_460 = arith.constant 0 : i32
      %dma_wait3A_461 = arith.constant 0 : i32
      %dma_wait3A_462 = tpu.memref_slice %arg23[%dma_wait3A_460, %dma_wait3A_461] : memref<10240x128xf32, #tpu.memory_space<vmem_shared>> -> memref<10240x128xf32, #tpu.memory_space<vmem_shared>>
      tpu.wait_indirect_dma semaphore(%arg21 : memref<!tpu.dma_semaphore, #tpu.memory_space<semaphore_mem>>) src(%arg14 : memref<128x128xf32, #tpu.memory_space<vmem>>) dst(%dma_wait3A_462 : memref<10240x128xf32, #tpu.memory_space<vmem_shared>>)
      %dma_start3A_463 = arith.constant 0 : i32
      %dma_start3A_464 = arith.constant 0 : i32
      %dma_start3A_465 = tpu.memref_slice %arg11[%dma_start3A_463, %dma_start3A_464] : memref<8x128xi32, #tpu.memory_space<vmem>> -> memref<1x128xi32, #tpu.memory_space<vmem>>
      %dma_start3A_466 = tpu.memref_squeeze %dma_start3A_465 : memref<1x128xi32, #tpu.memory_space<vmem>> -> memref<128xi32, #tpu.memory_space<vmem>>
      %dma_start3A_467 = arith.constant 0 : i32
      %dma_start3A_468 = arith.constant 0 : i32
      %dma_start3A_469 = tpu.memref_slice %arg2[%dma_start3A_467, %dma_start3A_468] : memref<10240x128xf32, #tpu.memory_space<hbm>> -> memref<10240x128xf32, #tpu.memory_space<hbm>>
      tpu.enqueue_indirect_dma source(%dma_start3A_469 : memref<10240x128xf32, #tpu.memory_space<hbm>>) target(%arg14 : memref<128x128xf32, #tpu.memory_space<vmem>>) offsets(%dma_start3A_466 : memref<128xi32, #tpu.memory_space<vmem>>) semaphore(%arg19 : memref<!tpu.dma_semaphore, #tpu.memory_space<semaphore_mem>>)
      %dma_wait3A_470 = arith.constant 0 : i32
      %dma_wait3A_471 = arith.constant 0 : i32
      %dma_wait3A_472 = tpu.memref_slice %arg10[%dma_wait3A_470, %dma_wait3A_471] : memref<8x128xi32, #tpu.memory_space<vmem>> -> memref<1x128xi32, #tpu.memory_space<vmem>>
      %dma_wait3A_473 = tpu.memref_squeeze %dma_wait3A_472 : memref<1x128xi32, #tpu.memory_space<vmem>> -> memref<128xi32, #tpu.memory_space<vmem>>
      %dma_wait3A_474 = arith.constant 0 : i32
      %dma_wait3A_475 = tpu.memref_slice %arg31[%dma_wait3A_474] : memref<10240xf32, #tpu.memory_space<vmem_shared>> -> memref<10240xf32, #tpu.memory_space<vmem_shared>>
      tpu.wait_indirect_dma semaphore(%arg29 : memref<!tpu.dma_semaphore, #tpu.memory_space<semaphore_mem>>) src(%arg24 : memref<128xf32, #tpu.memory_space<vmem>>) dst(%dma_wait3A_475 : memref<10240xf32, #tpu.memory_space<vmem_shared>>)
      %dma_start3A_476 = arith.constant 0 : i32
      %dma_start3A_477 = arith.constant 0 : i32
      %dma_start3A_478 = tpu.memref_slice %arg13[%dma_start3A_476, %dma_start3A_477] : memref<8x128xi32, #tpu.memory_space<vmem>> -> memref<1x128xi32, #tpu.memory_space<vmem>>
      %dma_start3A_479 = tpu.memref_squeeze %dma_start3A_478 : memref<1x128xi32, #tpu.memory_space<vmem>> -> memref<128xi32, #tpu.memory_space<vmem>>
      %dma_start3A_480 = arith.constant 0 : i32
      %dma_start3A_481 = tpu.memref_slice %arg6[%dma_start3A_480] : memref<10240xf32, #tpu.memory_space<hbm>> -> memref<10240xf32, #tpu.memory_space<hbm>>
      tpu.enqueue_indirect_dma source(%dma_start3A_481 : memref<10240xf32, #tpu.memory_space<hbm>>) target(%arg24 : memref<128xf32, #tpu.memory_space<vmem>>) offsets(%dma_start3A_479 : memref<128xi32, #tpu.memory_space<vmem>>) semaphore(%arg27 : memref<!tpu.dma_semaphore, #tpu.memory_space<semaphore_mem>>)
      %dma_wait3A_482 = arith.constant 0 : i32
      %dma_wait3A_483 = arith.constant 0 : i32
      %dma_wait3A_484 = tpu.memref_slice %arg10[%dma_wait3A_482, %dma_wait3A_483] : memref<8x128xi32, #tpu.memory_space<vmem>> -> memref<1x128xi32, #tpu.memory_space<vmem>>
      %dma_wait3A_485 = tpu.memref_squeeze %dma_wait3A_484 : memref<1x128xi32, #tpu.memory_space<vmem>> -> memref<128xi32, #tpu.memory_space<vmem>>
      %dma_wait3A_486 = arith.constant 0 : i32
      %dma_wait3A_487 = arith.constant 0 : i32
      %dma_wait3A_488 = tpu.memref_slice %arg2[%dma_wait3A_486, %dma_wait3A_487] : memref<10240x128xf32, #tpu.memory_space<hbm>> -> memref<10240x128xf32, #tpu.memory_space<hbm>>
      tpu.wait_indirect_dma semaphore(%arg20 : memref<!tpu.dma_semaphore, #tpu.memory_space<semaphore_mem>>) src(%dma_wait3A_488 : memref<10240x128xf32, #tpu.memory_space<hbm>>) dst(%arg15 : memref<128x128xf32, #tpu.memory_space<vmem>>)
      %dma_start3A_489 = arith.constant 7 : i32
      %dma_start3A_490 = arith.constant 0 : i32
      %dma_start3A_491 = tpu.memref_slice %arg12[%dma_start3A_489, %dma_start3A_490] : memref<8x128xi32, #tpu.memory_space<vmem>> -> memref<1x128xi32, #tpu.memory_space<vmem>>
      %dma_start3A_492 = tpu.memref_squeeze %dma_start3A_491 : memref<1x128xi32, #tpu.memory_space<vmem>> -> memref<128xi32, #tpu.memory_space<vmem>>
      %dma_start3A_493 = arith.constant 0 : i32
      %dma_start3A_494 = arith.constant 0 : i32
      %dma_start3A_495 = tpu.memref_slice %arg23[%dma_start3A_493, %dma_start3A_494] : memref<10240x128xf32, #tpu.memory_space<vmem_shared>> -> memref<10240x128xf32, #tpu.memory_space<vmem_shared>>
      tpu.enqueue_indirect_dma source(%arg15 : memref<128x128xf32, #tpu.memory_space<vmem>>) target(%dma_start3A_495 : memref<10240x128xf32, #tpu.memory_space<vmem_shared>>) offsets(%dma_start3A_492 : memref<128xi32, #tpu.memory_space<vmem>>) semaphore(%arg22 : memref<!tpu.dma_semaphore, #tpu.memory_space<semaphore_mem>>) {add = true}
      %dma_wait3A_496 = arith.constant 7 : i32
      %dma_wait3A_497 = arith.constant 0 : i32
      %dma_wait3A_498 = tpu.memref_slice %arg12[%dma_wait3A_496, %dma_wait3A_497] : memref<8x128xi32, #tpu.memory_space<vmem>> -> memref<1x128xi32, #tpu.memory_space<vmem>>
      %dma_wait3A_499 = tpu.memref_squeeze %dma_wait3A_498 : memref<1x128xi32, #tpu.memory_space<vmem>> -> memref<128xi32, #tpu.memory_space<vmem>>
      %dma_wait3A_500 = arith.constant 0 : i32
      %dma_wait3A_501 = tpu.memref_slice %arg6[%dma_wait3A_500] : memref<10240xf32, #tpu.memory_space<hbm>> -> memref<10240xf32, #tpu.memory_space<hbm>>
      tpu.wait_indirect_dma semaphore(%arg28 : memref<!tpu.dma_semaphore, #tpu.memory_space<semaphore_mem>>) src(%dma_wait3A_501 : memref<10240xf32, #tpu.memory_space<hbm>>) dst(%arg25 : memref<128xf32, #tpu.memory_space<vmem>>)
      %dma_start3A_502 = arith.constant 7 : i32
      %dma_start3A_503 = arith.constant 0 : i32
      %dma_start3A_504 = tpu.memref_slice %arg10[%dma_start3A_502, %dma_start3A_503] : memref<8x128xi32, #tpu.memory_space<vmem>> -> memref<1x128xi32, #tpu.memory_space<vmem>>
      %dma_start3A_505 = tpu.memref_squeeze %dma_start3A_504 : memref<1x128xi32, #tpu.memory_space<vmem>> -> memref<128xi32, #tpu.memory_space<vmem>>
      %dma_start3A_506 = arith.constant 0 : i32
      %dma_start3A_507 = tpu.memref_slice %arg31[%dma_start3A_506] : memref<10240xf32, #tpu.memory_space<vmem_shared>> -> memref<10240xf32, #tpu.memory_space<vmem_shared>>
      tpu.enqueue_indirect_dma source(%arg25 : memref<128xf32, #tpu.memory_space<vmem>>) target(%dma_start3A_507 : memref<10240xf32, #tpu.memory_space<vmem_shared>>) offsets(%dma_start3A_505 : memref<128xi32, #tpu.memory_space<vmem>>) semaphore(%arg30 : memref<!tpu.dma_semaphore, #tpu.memory_space<semaphore_mem>>) {add = true}
      %dma_wait3A_508 = arith.constant 0 : i32
      %dma_wait3A_509 = arith.constant 0 : i32
      %dma_wait3A_510 = tpu.memref_slice %arg12[%dma_wait3A_508, %dma_wait3A_509] : memref<8x128xi32, #tpu.memory_space<vmem>> -> memref<1x128xi32, #tpu.memory_space<vmem>>
      %dma_wait3A_511 = tpu.memref_squeeze %dma_wait3A_510 : memref<1x128xi32, #tpu.memory_space<vmem>> -> memref<128xi32, #tpu.memory_space<vmem>>
      %dma_wait3A_512 = arith.constant 0 : i32
      %dma_wait3A_513 = arith.constant 0 : i32
      %dma_wait3A_514 = tpu.memref_slice %arg23[%dma_wait3A_512, %dma_wait3A_513] : memref<10240x128xf32, #tpu.memory_space<vmem_shared>> -> memref<10240x128xf32, #tpu.memory_space<vmem_shared>>
      tpu.wait_indirect_dma semaphore(%arg22 : memref<!tpu.dma_semaphore, #tpu.memory_space<semaphore_mem>>) src(%arg15 : memref<128x128xf32, #tpu.memory_space<vmem>>) dst(%dma_wait3A_514 : memref<10240x128xf32, #tpu.memory_space<vmem_shared>>)
      %dma_start3A_515 = arith.constant 1 : i32
      %dma_start3A_516 = arith.constant 0 : i32
      %dma_start3A_517 = tpu.memref_slice %arg11[%dma_start3A_515, %dma_start3A_516] : memref<8x128xi32, #tpu.memory_space<vmem>> -> memref<1x128xi32, #tpu.memory_space<vmem>>
      %dma_start3A_518 = tpu.memref_squeeze %dma_start3A_517 : memref<1x128xi32, #tpu.memory_space<vmem>> -> memref<128xi32, #tpu.memory_space<vmem>>
      %dma_start3A_519 = arith.constant 0 : i32
      %dma_start3A_520 = arith.constant 0 : i32
      %dma_start3A_521 = tpu.memref_slice %arg2[%dma_start3A_519, %dma_start3A_520] : memref<10240x128xf32, #tpu.memory_space<hbm>> -> memref<10240x128xf32, #tpu.memory_space<hbm>>
      tpu.enqueue_indirect_dma source(%dma_start3A_521 : memref<10240x128xf32, #tpu.memory_space<hbm>>) target(%arg15 : memref<128x128xf32, #tpu.memory_space<vmem>>) offsets(%dma_start3A_518 : memref<128xi32, #tpu.memory_space<vmem>>) semaphore(%arg20 : memref<!tpu.dma_semaphore, #tpu.memory_space<semaphore_mem>>)
      %dma_wait3A_522 = arith.constant 0 : i32
      %dma_wait3A_523 = arith.constant 0 : i32
      %dma_wait3A_524 = tpu.memref_slice %arg10[%dma_wait3A_522, %dma_wait3A_523] : memref<8x128xi32, #tpu.memory_space<vmem>> -> memref<1x128xi32, #tpu.memory_space<vmem>>
      %dma_wait3A_525 = tpu.memref_squeeze %dma_wait3A_524 : memref<1x128xi32, #tpu.memory_space<vmem>> -> memref<128xi32, #tpu.memory_space<vmem>>
      %dma_wait3A_526 = arith.constant 0 : i32
      %dma_wait3A_527 = tpu.memref_slice %arg31[%dma_wait3A_526] : memref<10240xf32, #tpu.memory_space<vmem_shared>> -> memref<10240xf32, #tpu.memory_space<vmem_shared>>
      tpu.wait_indirect_dma semaphore(%arg30 : memref<!tpu.dma_semaphore, #tpu.memory_space<semaphore_mem>>) src(%arg25 : memref<128xf32, #tpu.memory_space<vmem>>) dst(%dma_wait3A_527 : memref<10240xf32, #tpu.memory_space<vmem_shared>>)
      %dma_start3A_528 = arith.constant 1 : i32
      %dma_start3A_529 = arith.constant 0 : i32
      %dma_start3A_530 = tpu.memref_slice %arg13[%dma_start3A_528, %dma_start3A_529] : memref<8x128xi32, #tpu.memory_space<vmem>> -> memref<1x128xi32, #tpu.memory_space<vmem>>
      %dma_start3A_531 = tpu.memref_squeeze %dma_start3A_530 : memref<1x128xi32, #tpu.memory_space<vmem>> -> memref<128xi32, #tpu.memory_space<vmem>>
      %dma_start3A_532 = arith.constant 0 : i32
      %dma_start3A_533 = tpu.memref_slice %arg6[%dma_start3A_532] : memref<10240xf32, #tpu.memory_space<hbm>> -> memref<10240xf32, #tpu.memory_space<hbm>>
      tpu.enqueue_indirect_dma source(%dma_start3A_533 : memref<10240xf32, #tpu.memory_space<hbm>>) target(%arg25 : memref<128xf32, #tpu.memory_space<vmem>>) offsets(%dma_start3A_531 : memref<128xi32, #tpu.memory_space<vmem>>) semaphore(%arg28 : memref<!tpu.dma_semaphore, #tpu.memory_space<semaphore_mem>>)
      %add3A_534 = arith.constant 2 : i32
      %add3A_535 = arith.addi %mul3A_109, %add3A_534 : i32
      %min3A = arith.constant 9 : i32
      %min3A_536 = arith.minsi %add3A_535, %min3A : i32
      %mul3A_537 = arith.constant 8 : i32
      %mul3A_538 = arith.muli %min3A_536, %mul3A_537 : i32
      %add3A_539 = arith.addi %mul3A_6, %mul3A_538 : i32
      %dma_start3A_540 = arith.constant 0 : i32
      %dma_start3A_541 = tpu.memref_slice %arg3[%add3A_539, %dma_start3A_540] : memref<2560x128xi32, #tpu.memory_space<hbm>> -> memref<8x128xi32, #tpu.memory_space<hbm>>
      %dma_start3A_542 = arith.constant 0 : i32
      %dma_start3A_543 = tpu.memref_slice %arg3[%add3A_539, %dma_start3A_542] : memref<2560x128xi32, #tpu.memory_space<hbm>> -> memref<8x128xi32, #tpu.memory_space<hbm>>
      tpu.enqueue_dma source(%dma_start3A_543 : memref<8x128xi32, #tpu.memory_space<hbm>>) target(%arg10 : memref<8x128xi32, #tpu.memory_space<vmem>>) target_semaphore(%arg17 : memref<!tpu.dma_semaphore, #tpu.memory_space<semaphore_mem>>)
      %dma_start3A_544 = arith.constant 0 : i32
      %dma_start3A_545 = tpu.memref_slice %arg4[%add3A_539, %dma_start3A_544] : memref<2560x128xi32, #tpu.memory_space<hbm>> -> memref<8x128xi32, #tpu.memory_space<hbm>>
      %dma_start3A_546 = arith.constant 0 : i32
      %dma_start3A_547 = tpu.memref_slice %arg4[%add3A_539, %dma_start3A_546] : memref<2560x128xi32, #tpu.memory_space<hbm>> -> memref<8x128xi32, #tpu.memory_space<hbm>>
      tpu.enqueue_dma source(%dma_start3A_547 : memref<8x128xi32, #tpu.memory_space<hbm>>) target(%arg12 : memref<8x128xi32, #tpu.memory_space<vmem>>) target_semaphore(%arg17 : memref<!tpu.dma_semaphore, #tpu.memory_space<semaphore_mem>>)
      %dma_wait3A_548 = arith.constant 0 : i32
      %dma_wait3A_549 = arith.constant 0 : i32
      %dma_wait3A_550 = tpu.memref_slice %arg10[%dma_wait3A_548, %dma_wait3A_549] : memref<8x128xi32, #tpu.memory_space<vmem>> -> memref<1x128xi32, #tpu.memory_space<vmem>>
      %dma_wait3A_551 = tpu.memref_squeeze %dma_wait3A_550 : memref<1x128xi32, #tpu.memory_space<vmem>> -> memref<128xi32, #tpu.memory_space<vmem>>
      %dma_wait3A_552 = arith.constant 0 : i32
      %dma_wait3A_553 = arith.constant 0 : i32
      %dma_wait3A_554 = tpu.memref_slice %arg2[%dma_wait3A_552, %dma_wait3A_553] : memref<10240x128xf32, #tpu.memory_space<hbm>> -> memref<10240x128xf32, #tpu.memory_space<hbm>>
      tpu.wait_indirect_dma semaphore(%arg19 : memref<!tpu.dma_semaphore, #tpu.memory_space<semaphore_mem>>) src(%dma_wait3A_554 : memref<10240x128xf32, #tpu.memory_space<hbm>>) dst(%arg14 : memref<128x128xf32, #tpu.memory_space<vmem>>)
      %dma_start3A_555 = arith.constant 0 : i32
      %dma_start3A_556 = arith.constant 0 : i32
      %dma_start3A_557 = tpu.memref_slice %arg13[%dma_start3A_555, %dma_start3A_556] : memref<8x128xi32, #tpu.memory_space<vmem>> -> memref<1x128xi32, #tpu.memory_space<vmem>>
      %dma_start3A_558 = tpu.memref_squeeze %dma_start3A_557 : memref<1x128xi32, #tpu.memory_space<vmem>> -> memref<128xi32, #tpu.memory_space<vmem>>
      %dma_start3A_559 = arith.constant 0 : i32
      %dma_start3A_560 = arith.constant 0 : i32
      %dma_start3A_561 = tpu.memref_slice %arg23[%dma_start3A_559, %dma_start3A_560] : memref<10240x128xf32, #tpu.memory_space<vmem_shared>> -> memref<10240x128xf32, #tpu.memory_space<vmem_shared>>
      tpu.enqueue_indirect_dma source(%arg14 : memref<128x128xf32, #tpu.memory_space<vmem>>) target(%dma_start3A_561 : memref<10240x128xf32, #tpu.memory_space<vmem_shared>>) offsets(%dma_start3A_558 : memref<128xi32, #tpu.memory_space<vmem>>) semaphore(%arg21 : memref<!tpu.dma_semaphore, #tpu.memory_space<semaphore_mem>>) {add = true}
      %dma_wait3A_562 = arith.constant 0 : i32
      %dma_wait3A_563 = arith.constant 0 : i32
      %dma_wait3A_564 = tpu.memref_slice %arg13[%dma_wait3A_562, %dma_wait3A_563] : memref<8x128xi32, #tpu.memory_space<vmem>> -> memref<1x128xi32, #tpu.memory_space<vmem>>
      %dma_wait3A_565 = tpu.memref_squeeze %dma_wait3A_564 : memref<1x128xi32, #tpu.memory_space<vmem>> -> memref<128xi32, #tpu.memory_space<vmem>>
      %dma_wait3A_566 = arith.constant 0 : i32
      %dma_wait3A_567 = tpu.memref_slice %arg6[%dma_wait3A_566] : memref<10240xf32, #tpu.memory_space<hbm>> -> memref<10240xf32, #tpu.memory_space<hbm>>
      tpu.wait_indirect_dma semaphore(%arg27 : memref<!tpu.dma_semaphore, #tpu.memory_space<semaphore_mem>>) src(%dma_wait3A_567 : memref<10240xf32, #tpu.memory_space<hbm>>) dst(%arg24 : memref<128xf32, #tpu.memory_space<vmem>>)
      %dma_start3A_568 = arith.constant 0 : i32
      %dma_start3A_569 = arith.constant 0 : i32
      %dma_start3A_570 = tpu.memref_slice %arg11[%dma_start3A_568, %dma_start3A_569] : memref<8x128xi32, #tpu.memory_space<vmem>> -> memref<1x128xi32, #tpu.memory_space<vmem>>
      %dma_start3A_571 = tpu.memref_squeeze %dma_start3A_570 : memref<1x128xi32, #tpu.memory_space<vmem>> -> memref<128xi32, #tpu.memory_space<vmem>>
      %dma_start3A_572 = arith.constant 0 : i32
      %dma_start3A_573 = tpu.memref_slice %arg31[%dma_start3A_572] : memref<10240xf32, #tpu.memory_space<vmem_shared>> -> memref<10240xf32, #tpu.memory_space<vmem_shared>>
      tpu.enqueue_indirect_dma source(%arg24 : memref<128xf32, #tpu.memory_space<vmem>>) target(%dma_start3A_573 : memref<10240xf32, #tpu.memory_space<vmem_shared>>) offsets(%dma_start3A_571 : memref<128xi32, #tpu.memory_space<vmem>>) semaphore(%arg29 : memref<!tpu.dma_semaphore, #tpu.memory_space<semaphore_mem>>) {add = true}
      %dma_wait3A_574 = arith.constant 0 : i32
      %dma_wait3A_575 = arith.constant 0 : i32
      %dma_wait3A_576 = tpu.memref_slice %arg12[%dma_wait3A_574, %dma_wait3A_575] : memref<8x128xi32, #tpu.memory_space<vmem>> -> memref<1x128xi32, #tpu.memory_space<vmem>>
      %dma_wait3A_577 = tpu.memref_squeeze %dma_wait3A_576 : memref<1x128xi32, #tpu.memory_space<vmem>> -> memref<128xi32, #tpu.memory_space<vmem>>
      %dma_wait3A_578 = arith.constant 0 : i32
      %dma_wait3A_579 = arith.constant 0 : i32
      %dma_wait3A_580 = tpu.memref_slice %arg23[%dma_wait3A_578, %dma_wait3A_579] : memref<10240x128xf32, #tpu.memory_space<vmem_shared>> -> memref<10240x128xf32, #tpu.memory_space<vmem_shared>>
      tpu.wait_indirect_dma semaphore(%arg21 : memref<!tpu.dma_semaphore, #tpu.memory_space<semaphore_mem>>) src(%arg14 : memref<128x128xf32, #tpu.memory_space<vmem>>) dst(%dma_wait3A_580 : memref<10240x128xf32, #tpu.memory_space<vmem_shared>>)
      %dma_start3A_581 = arith.constant 2 : i32
      %dma_start3A_582 = arith.constant 0 : i32
      %dma_start3A_583 = tpu.memref_slice %arg11[%dma_start3A_581, %dma_start3A_582] : memref<8x128xi32, #tpu.memory_space<vmem>> -> memref<1x128xi32, #tpu.memory_space<vmem>>
      %dma_start3A_584 = tpu.memref_squeeze %dma_start3A_583 : memref<1x128xi32, #tpu.memory_space<vmem>> -> memref<128xi32, #tpu.memory_space<vmem>>
      %dma_start3A_585 = arith.constant 0 : i32
      %dma_start3A_586 = arith.constant 0 : i32
      %dma_start3A_587 = tpu.memref_slice %arg2[%dma_start3A_585, %dma_start3A_586] : memref<10240x128xf32, #tpu.memory_space<hbm>> -> memref<10240x128xf32, #tpu.memory_space<hbm>>
      tpu.enqueue_indirect_dma source(%dma_start3A_587 : memref<10240x128xf32, #tpu.memory_space<hbm>>) target(%arg14 : memref<128x128xf32, #tpu.memory_space<vmem>>) offsets(%dma_start3A_584 : memref<128xi32, #tpu.memory_space<vmem>>) semaphore(%arg19 : memref<!tpu.dma_semaphore, #tpu.memory_space<semaphore_mem>>)
      %dma_wait3A_588 = arith.constant 0 : i32
      %dma_wait3A_589 = arith.constant 0 : i32
      %dma_wait3A_590 = tpu.memref_slice %arg10[%dma_wait3A_588, %dma_wait3A_589] : memref<8x128xi32, #tpu.memory_space<vmem>> -> memref<1x128xi32, #tpu.memory_space<vmem>>
      %dma_wait3A_591 = tpu.memref_squeeze %dma_wait3A_590 : memref<1x128xi32, #tpu.memory_space<vmem>> -> memref<128xi32, #tpu.memory_space<vmem>>
      %dma_wait3A_592 = arith.constant 0 : i32
      %dma_wait3A_593 = tpu.memref_slice %arg31[%dma_wait3A_592] : memref<10240xf32, #tpu.memory_space<vmem_shared>> -> memref<10240xf32, #tpu.memory_space<vmem_shared>>
      tpu.wait_indirect_dma semaphore(%arg29 : memref<!tpu.dma_semaphore, #tpu.memory_space<semaphore_mem>>) src(%arg24 : memref<128xf32, #tpu.memory_space<vmem>>) dst(%dma_wait3A_593 : memref<10240xf32, #tpu.memory_space<vmem_shared>>)
      %dma_start3A_594 = arith.constant 2 : i32
      %dma_start3A_595 = arith.constant 0 : i32
      %dma_start3A_596 = tpu.memref_slice %arg13[%dma_start3A_594, %dma_start3A_595] : memref<8x128xi32, #tpu.memory_space<vmem>> -> memref<1x128xi32, #tpu.memory_space<vmem>>
      %dma_start3A_597 = tpu.memref_squeeze %dma_start3A_596 : memref<1x128xi32, #tpu.memory_space<vmem>> -> memref<128xi32, #tpu.memory_space<vmem>>
      %dma_start3A_598 = arith.constant 0 : i32
      %dma_start3A_599 = tpu.memref_slice %arg6[%dma_start3A_598] : memref<10240xf32, #tpu.memory_space<hbm>> -> memref<10240xf32, #tpu.memory_space<hbm>>
      tpu.enqueue_indirect_dma source(%dma_start3A_599 : memref<10240xf32, #tpu.memory_space<hbm>>) target(%arg24 : memref<128xf32, #tpu.memory_space<vmem>>) offsets(%dma_start3A_597 : memref<128xi32, #tpu.memory_space<vmem>>) semaphore(%arg27 : memref<!tpu.dma_semaphore, #tpu.memory_space<semaphore_mem>>)
      %dma_wait3A_600 = arith.constant 0 : i32
      %dma_wait3A_601 = arith.constant 0 : i32
      %dma_wait3A_602 = tpu.memref_slice %arg10[%dma_wait3A_600, %dma_wait3A_601] : memref<8x128xi32, #tpu.memory_space<vmem>> -> memref<1x128xi32, #tpu.memory_space<vmem>>
      %dma_wait3A_603 = tpu.memref_squeeze %dma_wait3A_602 : memref<1x128xi32, #tpu.memory_space<vmem>> -> memref<128xi32, #tpu.memory_space<vmem>>
      %dma_wait3A_604 = arith.constant 0 : i32
      %dma_wait3A_605 = arith.constant 0 : i32
      %dma_wait3A_606 = tpu.memref_slice %arg2[%dma_wait3A_604, %dma_wait3A_605] : memref<10240x128xf32, #tpu.memory_space<hbm>> -> memref<10240x128xf32, #tpu.memory_space<hbm>>
      tpu.wait_indirect_dma semaphore(%arg20 : memref<!tpu.dma_semaphore, #tpu.memory_space<semaphore_mem>>) src(%dma_wait3A_606 : memref<10240x128xf32, #tpu.memory_space<hbm>>) dst(%arg15 : memref<128x128xf32, #tpu.memory_space<vmem>>)
      %dma_start3A_607 = arith.constant 1 : i32
      %dma_start3A_608 = arith.constant 0 : i32
      %dma_start3A_609 = tpu.memref_slice %arg13[%dma_start3A_607, %dma_start3A_608] : memref<8x128xi32, #tpu.memory_space<vmem>> -> memref<1x128xi32, #tpu.memory_space<vmem>>
      %dma_start3A_610 = tpu.memref_squeeze %dma_start3A_609 : memref<1x128xi32, #tpu.memory_space<vmem>> -> memref<128xi32, #tpu.memory_space<vmem>>
      %dma_start3A_611 = arith.constant 0 : i32
      %dma_start3A_612 = arith.constant 0 : i32
      %dma_start3A_613 = tpu.memref_slice %arg23[%dma_start3A_611, %dma_start3A_612] : memref<10240x128xf32, #tpu.memory_space<vmem_shared>> -> memref<10240x128xf32, #tpu.memory_space<vmem_shared>>
      tpu.enqueue_indirect_dma source(%arg15 : memref<128x128xf32, #tpu.memory_space<vmem>>) target(%dma_start3A_613 : memref<10240x128xf32, #tpu.memory_space<vmem_shared>>) offsets(%dma_start3A_610 : memref<128xi32, #tpu.memory_space<vmem>>) semaphore(%arg22 : memref<!tpu.dma_semaphore, #tpu.memory_space<semaphore_mem>>) {add = true}
      %dma_wait3A_614 = arith.constant 1 : i32
      %dma_wait3A_615 = arith.constant 0 : i32
      %dma_wait3A_616 = tpu.memref_slice %arg13[%dma_wait3A_614, %dma_wait3A_615] : memref<8x128xi32, #tpu.memory_space<vmem>> -> memref<1x128xi32, #tpu.memory_space<vmem>>
      %dma_wait3A_617 = tpu.memref_squeeze %dma_wait3A_616 : memref<1x128xi32, #tpu.memory_space<vmem>> -> memref<128xi32, #tpu.memory_space<vmem>>
      %dma_wait3A_618 = arith.constant 0 : i32
      %dma_wait3A_619 = tpu.memref_slice %arg6[%dma_wait3A_618] : memref<10240xf32, #tpu.memory_space<hbm>> -> memref<10240xf32, #tpu.memory_space<hbm>>
      tpu.wait_indirect_dma semaphore(%arg28 : memref<!tpu.dma_semaphore, #tpu.memory_space<semaphore_mem>>) src(%dma_wait3A_619 : memref<10240xf32, #tpu.memory_space<hbm>>) dst(%arg25 : memref<128xf32, #tpu.memory_space<vmem>>)
      %dma_start3A_620 = arith.constant 1 : i32
      %dma_start3A_621 = arith.constant 0 : i32
      %dma_start3A_622 = tpu.memref_slice %arg11[%dma_start3A_620, %dma_start3A_621] : memref<8x128xi32, #tpu.memory_space<vmem>> -> memref<1x128xi32, #tpu.memory_space<vmem>>
      %dma_start3A_623 = tpu.memref_squeeze %dma_start3A_622 : memref<1x128xi32, #tpu.memory_space<vmem>> -> memref<128xi32, #tpu.memory_space<vmem>>
      %dma_start3A_624 = arith.constant 0 : i32
      %dma_start3A_625 = tpu.memref_slice %arg31[%dma_start3A_624] : memref<10240xf32, #tpu.memory_space<vmem_shared>> -> memref<10240xf32, #tpu.memory_space<vmem_shared>>
      tpu.enqueue_indirect_dma source(%arg25 : memref<128xf32, #tpu.memory_space<vmem>>) target(%dma_start3A_625 : memref<10240xf32, #tpu.memory_space<vmem_shared>>) offsets(%dma_start3A_623 : memref<128xi32, #tpu.memory_space<vmem>>) semaphore(%arg30 : memref<!tpu.dma_semaphore, #tpu.memory_space<semaphore_mem>>) {add = true}
      %dma_wait3A_626 = arith.constant 0 : i32
      %dma_wait3A_627 = arith.constant 0 : i32
      %dma_wait3A_628 = tpu.memref_slice %arg12[%dma_wait3A_626, %dma_wait3A_627] : memref<8x128xi32, #tpu.memory_space<vmem>> -> memref<1x128xi32, #tpu.memory_space<vmem>>
      %dma_wait3A_629 = tpu.memref_squeeze %dma_wait3A_628 : memref<1x128xi32, #tpu.memory_space<vmem>> -> memref<128xi32, #tpu.memory_space<vmem>>
      %dma_wait3A_630 = arith.constant 0 : i32
      %dma_wait3A_631 = arith.constant 0 : i32
      %dma_wait3A_632 = tpu.memref_slice %arg23[%dma_wait3A_630, %dma_wait3A_631] : memref<10240x128xf32, #tpu.memory_space<vmem_shared>> -> memref<10240x128xf32, #tpu.memory_space<vmem_shared>>
      tpu.wait_indirect_dma semaphore(%arg22 : memref<!tpu.dma_semaphore, #tpu.memory_space<semaphore_mem>>) src(%arg15 : memref<128x128xf32, #tpu.memory_space<vmem>>) dst(%dma_wait3A_632 : memref<10240x128xf32, #tpu.memory_space<vmem_shared>>)
      %dma_start3A_633 = arith.constant 3 : i32
      %dma_start3A_634 = arith.constant 0 : i32
      %dma_start3A_635 = tpu.memref_slice %arg11[%dma_start3A_633, %dma_start3A_634] : memref<8x128xi32, #tpu.memory_space<vmem>> -> memref<1x128xi32, #tpu.memory_space<vmem>>
      %dma_start3A_636 = tpu.memref_squeeze %dma_start3A_635 : memref<1x128xi32, #tpu.memory_space<vmem>> -> memref<128xi32, #tpu.memory_space<vmem>>
      %dma_start3A_637 = arith.constant 0 : i32
      %dma_start3A_638 = arith.constant 0 : i32
      %dma_start3A_639 = tpu.memref_slice %arg2[%dma_start3A_637, %dma_start3A_638] : memref<10240x128xf32, #tpu.memory_space<hbm>> -> memref<10240x128xf32, #tpu.memory_space<hbm>>
      tpu.enqueue_indirect_dma source(%dma_start3A_639 : memref<10240x128xf32, #tpu.memory_space<hbm>>) target(%arg15 : memref<128x128xf32, #tpu.memory_space<vmem>>) offsets(%dma_start3A_636 : memref<128xi32, #tpu.memory_space<vmem>>) semaphore(%arg20 : memref<!tpu.dma_semaphore, #tpu.memory_space<semaphore_mem>>)
      %dma_wait3A_640 = arith.constant 0 : i32
      %dma_wait3A_641 = arith.constant 0 : i32
      %dma_wait3A_642 = tpu.memref_slice %arg10[%dma_wait3A_640, %dma_wait3A_641] : memref<8x128xi32, #tpu.memory_space<vmem>> -> memref<1x128xi32, #tpu.memory_space<vmem>>
      %dma_wait3A_643 = tpu.memref_squeeze %dma_wait3A_642 : memref<1x128xi32, #tpu.memory_space<vmem>> -> memref<128xi32, #tpu.memory_space<vmem>>
      %dma_wait3A_644 = arith.constant 0 : i32
      %dma_wait3A_645 = tpu.memref_slice %arg31[%dma_wait3A_644] : memref<10240xf32, #tpu.memory_space<vmem_shared>> -> memref<10240xf32, #tpu.memory_space<vmem_shared>>
      tpu.wait_indirect_dma semaphore(%arg30 : memref<!tpu.dma_semaphore, #tpu.memory_space<semaphore_mem>>) src(%arg25 : memref<128xf32, #tpu.memory_space<vmem>>) dst(%dma_wait3A_645 : memref<10240xf32, #tpu.memory_space<vmem_shared>>)
      %dma_start3A_646 = arith.constant 3 : i32
      %dma_start3A_647 = arith.constant 0 : i32
      %dma_start3A_648 = tpu.memref_slice %arg13[%dma_start3A_646, %dma_start3A_647] : memref<8x128xi32, #tpu.memory_space<vmem>> -> memref<1x128xi32, #tpu.memory_space<vmem>>
      %dma_start3A_649 = tpu.memref_squeeze %dma_start3A_648 : memref<1x128xi32, #tpu.memory_space<vmem>> -> memref<128xi32, #tpu.memory_space<vmem>>
      %dma_start3A_650 = arith.constant 0 : i32
      %dma_start3A_651 = tpu.memref_slice %arg6[%dma_start3A_650] : memref<10240xf32, #tpu.memory_space<hbm>> -> memref<10240xf32, #tpu.memory_space<hbm>>
      tpu.enqueue_indirect_dma source(%dma_start3A_651 : memref<10240xf32, #tpu.memory_space<hbm>>) target(%arg25 : memref<128xf32, #tpu.memory_space<vmem>>) offsets(%dma_start3A_649 : memref<128xi32, #tpu.memory_space<vmem>>) semaphore(%arg28 : memref<!tpu.dma_semaphore, #tpu.memory_space<semaphore_mem>>)
      %dma_wait3A_652 = arith.constant 0 : i32
      %dma_wait3A_653 = arith.constant 0 : i32
      %dma_wait3A_654 = tpu.memref_slice %arg10[%dma_wait3A_652, %dma_wait3A_653] : memref<8x128xi32, #tpu.memory_space<vmem>> -> memref<1x128xi32, #tpu.memory_space<vmem>>
      %dma_wait3A_655 = tpu.memref_squeeze %dma_wait3A_654 : memref<1x128xi32, #tpu.memory_space<vmem>> -> memref<128xi32, #tpu.memory_space<vmem>>
      %dma_wait3A_656 = arith.constant 0 : i32
      %dma_wait3A_657 = arith.constant 0 : i32
      %dma_wait3A_658 = tpu.memref_slice %arg2[%dma_wait3A_656, %dma_wait3A_657] : memref<10240x128xf32, #tpu.memory_space<hbm>> -> memref<10240x128xf32, #tpu.memory_space<hbm>>
      tpu.wait_indirect_dma semaphore(%arg19 : memref<!tpu.dma_semaphore, #tpu.memory_space<semaphore_mem>>) src(%dma_wait3A_658 : memref<10240x128xf32, #tpu.memory_space<hbm>>) dst(%arg14 : memref<128x128xf32, #tpu.memory_space<vmem>>)
      %dma_start3A_659 = arith.constant 2 : i32
      %dma_start3A_660 = arith.constant 0 : i32
      %dma_start3A_661 = tpu.memref_slice %arg13[%dma_start3A_659, %dma_start3A_660] : memref<8x128xi32, #tpu.memory_space<vmem>> -> memref<1x128xi32, #tpu.memory_space<vmem>>
      %dma_start3A_662 = tpu.memref_squeeze %dma_start3A_661 : memref<1x128xi32, #tpu.memory_space<vmem>> -> memref<128xi32, #tpu.memory_space<vmem>>
      %dma_start3A_663 = arith.constant 0 : i32
      %dma_start3A_664 = arith.constant 0 : i32
      %dma_start3A_665 = tpu.memref_slice %arg23[%dma_start3A_663, %dma_start3A_664] : memref<10240x128xf32, #tpu.memory_space<vmem_shared>> -> memref<10240x128xf32, #tpu.memory_space<vmem_shared>>
      tpu.enqueue_indirect_dma source(%arg14 : memref<128x128xf32, #tpu.memory_space<vmem>>) target(%dma_start3A_665 : memref<10240x128xf32, #tpu.memory_space<vmem_shared>>) offsets(%dma_start3A_662 : memref<128xi32, #tpu.memory_space<vmem>>) semaphore(%arg21 : memref<!tpu.dma_semaphore, #tpu.memory_space<semaphore_mem>>) {add = true}
      %dma_wait3A_666 = arith.constant 2 : i32
      %dma_wait3A_667 = arith.constant 0 : i32
      %dma_wait3A_668 = tpu.memref_slice %arg13[%dma_wait3A_666, %dma_wait3A_667] : memref<8x128xi32, #tpu.memory_space<vmem>> -> memref<1x128xi32, #tpu.memory_space<vmem>>
      %dma_wait3A_669 = tpu.memref_squeeze %dma_wait3A_668 : memref<1x128xi32, #tpu.memory_space<vmem>> -> memref<128xi32, #tpu.memory_space<vmem>>
      %dma_wait3A_670 = arith.constant 0 : i32
      %dma_wait3A_671 = tpu.memref_slice %arg6[%dma_wait3A_670] : memref<10240xf32, #tpu.memory_space<hbm>> -> memref<10240xf32, #tpu.memory_space<hbm>>
      tpu.wait_indirect_dma semaphore(%arg27 : memref<!tpu.dma_semaphore, #tpu.memory_space<semaphore_mem>>) src(%dma_wait3A_671 : memref<10240xf32, #tpu.memory_space<hbm>>) dst(%arg24 : memref<128xf32, #tpu.memory_space<vmem>>)
      %dma_start3A_672 = arith.constant 2 : i32
      %dma_start3A_673 = arith.constant 0 : i32
      %dma_start3A_674 = tpu.memref_slice %arg11[%dma_start3A_672, %dma_start3A_673] : memref<8x128xi32, #tpu.memory_space<vmem>> -> memref<1x128xi32, #tpu.memory_space<vmem>>
      %dma_start3A_675 = tpu.memref_squeeze %dma_start3A_674 : memref<1x128xi32, #tpu.memory_space<vmem>> -> memref<128xi32, #tpu.memory_space<vmem>>
      %dma_start3A_676 = arith.constant 0 : i32
      %dma_start3A_677 = tpu.memref_slice %arg31[%dma_start3A_676] : memref<10240xf32, #tpu.memory_space<vmem_shared>> -> memref<10240xf32, #tpu.memory_space<vmem_shared>>
      tpu.enqueue_indirect_dma source(%arg24 : memref<128xf32, #tpu.memory_space<vmem>>) target(%dma_start3A_677 : memref<10240xf32, #tpu.memory_space<vmem_shared>>) offsets(%dma_start3A_675 : memref<128xi32, #tpu.memory_space<vmem>>) semaphore(%arg29 : memref<!tpu.dma_semaphore, #tpu.memory_space<semaphore_mem>>) {add = true}
      %dma_wait3A_678 = arith.constant 0 : i32
      %dma_wait3A_679 = arith.constant 0 : i32
      %dma_wait3A_680 = tpu.memref_slice %arg12[%dma_wait3A_678, %dma_wait3A_679] : memref<8x128xi32, #tpu.memory_space<vmem>> -> memref<1x128xi32, #tpu.memory_space<vmem>>
      %dma_wait3A_681 = tpu.memref_squeeze %dma_wait3A_680 : memref<1x128xi32, #tpu.memory_space<vmem>> -> memref<128xi32, #tpu.memory_space<vmem>>
      %dma_wait3A_682 = arith.constant 0 : i32
      %dma_wait3A_683 = arith.constant 0 : i32
      %dma_wait3A_684 = tpu.memref_slice %arg23[%dma_wait3A_682, %dma_wait3A_683] : memref<10240x128xf32, #tpu.memory_space<vmem_shared>> -> memref<10240x128xf32, #tpu.memory_space<vmem_shared>>
      tpu.wait_indirect_dma semaphore(%arg21 : memref<!tpu.dma_semaphore, #tpu.memory_space<semaphore_mem>>) src(%arg14 : memref<128x128xf32, #tpu.memory_space<vmem>>) dst(%dma_wait3A_684 : memref<10240x128xf32, #tpu.memory_space<vmem_shared>>)
      %dma_start3A_685 = arith.constant 4 : i32
      %dma_start3A_686 = arith.constant 0 : i32
      %dma_start3A_687 = tpu.memref_slice %arg11[%dma_start3A_685, %dma_start3A_686] : memref<8x128xi32, #tpu.memory_space<vmem>> -> memref<1x128xi32, #tpu.memory_space<vmem>>
      %dma_start3A_688 = tpu.memref_squeeze %dma_start3A_687 : memref<1x128xi32, #tpu.memory_space<vmem>> -> memref<128xi32, #tpu.memory_space<vmem>>
      %dma_start3A_689 = arith.constant 0 : i32
      %dma_start3A_690 = arith.constant 0 : i32
      %dma_start3A_691 = tpu.memref_slice %arg2[%dma_start3A_689, %dma_start3A_690] : memref<10240x128xf32, #tpu.memory_space<hbm>> -> memref<10240x128xf32, #tpu.memory_space<hbm>>
      tpu.enqueue_indirect_dma source(%dma_start3A_691 : memref<10240x128xf32, #tpu.memory_space<hbm>>) target(%arg14 : memref<128x128xf32, #tpu.memory_space<vmem>>) offsets(%dma_start3A_688 : memref<128xi32, #tpu.memory_space<vmem>>) semaphore(%arg19 : memref<!tpu.dma_semaphore, #tpu.memory_space<semaphore_mem>>)
      %dma_wait3A_692 = arith.constant 0 : i32
      %dma_wait3A_693 = arith.constant 0 : i32
      %dma_wait3A_694 = tpu.memref_slice %arg10[%dma_wait3A_692, %dma_wait3A_693] : memref<8x128xi32, #tpu.memory_space<vmem>> -> memref<1x128xi32, #tpu.memory_space<vmem>>
      %dma_wait3A_695 = tpu.memref_squeeze %dma_wait3A_694 : memref<1x128xi32, #tpu.memory_space<vmem>> -> memref<128xi32, #tpu.memory_space<vmem>>
      %dma_wait3A_696 = arith.constant 0 : i32
      %dma_wait3A_697 = tpu.memref_slice %arg31[%dma_wait3A_696] : memref<10240xf32, #tpu.memory_space<vmem_shared>> -> memref<10240xf32, #tpu.memory_space<vmem_shared>>
      tpu.wait_indirect_dma semaphore(%arg29 : memref<!tpu.dma_semaphore, #tpu.memory_space<semaphore_mem>>) src(%arg24 : memref<128xf32, #tpu.memory_space<vmem>>) dst(%dma_wait3A_697 : memref<10240xf32, #tpu.memory_space<vmem_shared>>)
      %dma_start3A_698 = arith.constant 4 : i32
      %dma_start3A_699 = arith.constant 0 : i32
      %dma_start3A_700 = tpu.memref_slice %arg13[%dma_start3A_698, %dma_start3A_699] : memref<8x128xi32, #tpu.memory_space<vmem>> -> memref<1x128xi32, #tpu.memory_space<vmem>>
      %dma_start3A_701 = tpu.memref_squeeze %dma_start3A_700 : memref<1x128xi32, #tpu.memory_space<vmem>> -> memref<128xi32, #tpu.memory_space<vmem>>
      %dma_start3A_702 = arith.constant 0 : i32
      %dma_start3A_703 = tpu.memref_slice %arg6[%dma_start3A_702] : memref<10240xf32, #tpu.memory_space<hbm>> -> memref<10240xf32, #tpu.memory_space<hbm>>
      tpu.enqueue_indirect_dma source(%dma_start3A_703 : memref<10240xf32, #tpu.memory_space<hbm>>) target(%arg24 : memref<128xf32, #tpu.memory_space<vmem>>) offsets(%dma_start3A_701 : memref<128xi32, #tpu.memory_space<vmem>>) semaphore(%arg27 : memref<!tpu.dma_semaphore, #tpu.memory_space<semaphore_mem>>)
      %dma_wait3A_704 = arith.constant 0 : i32
      %dma_wait3A_705 = arith.constant 0 : i32
      %dma_wait3A_706 = tpu.memref_slice %arg10[%dma_wait3A_704, %dma_wait3A_705] : memref<8x128xi32, #tpu.memory_space<vmem>> -> memref<1x128xi32, #tpu.memory_space<vmem>>
      %dma_wait3A_707 = tpu.memref_squeeze %dma_wait3A_706 : memref<1x128xi32, #tpu.memory_space<vmem>> -> memref<128xi32, #tpu.memory_space<vmem>>
      %dma_wait3A_708 = arith.constant 0 : i32
      %dma_wait3A_709 = arith.constant 0 : i32
      %dma_wait3A_710 = tpu.memref_slice %arg2[%dma_wait3A_708, %dma_wait3A_709] : memref<10240x128xf32, #tpu.memory_space<hbm>> -> memref<10240x128xf32, #tpu.memory_space<hbm>>
      tpu.wait_indirect_dma semaphore(%arg20 : memref<!tpu.dma_semaphore, #tpu.memory_space<semaphore_mem>>) src(%dma_wait3A_710 : memref<10240x128xf32, #tpu.memory_space<hbm>>) dst(%arg15 : memref<128x128xf32, #tpu.memory_space<vmem>>)
      %dma_start3A_711 = arith.constant 3 : i32
      %dma_start3A_712 = arith.constant 0 : i32
      %dma_start3A_713 = tpu.memref_slice %arg13[%dma_start3A_711, %dma_start3A_712] : memref<8x128xi32, #tpu.memory_space<vmem>> -> memref<1x128xi32, #tpu.memory_space<vmem>>
      %dma_start3A_714 = tpu.memref_squeeze %dma_start3A_713 : memref<1x128xi32, #tpu.memory_space<vmem>> -> memref<128xi32, #tpu.memory_space<vmem>>
      %dma_start3A_715 = arith.constant 0 : i32
      %dma_start3A_716 = arith.constant 0 : i32
      %dma_start3A_717 = tpu.memref_slice %arg23[%dma_start3A_715, %dma_start3A_716] : memref<10240x128xf32, #tpu.memory_space<vmem_shared>> -> memref<10240x128xf32, #tpu.memory_space<vmem_shared>>
      tpu.enqueue_indirect_dma source(%arg15 : memref<128x128xf32, #tpu.memory_space<vmem>>) target(%dma_start3A_717 : memref<10240x128xf32, #tpu.memory_space<vmem_shared>>) offsets(%dma_start3A_714 : memref<128xi32, #tpu.memory_space<vmem>>) semaphore(%arg22 : memref<!tpu.dma_semaphore, #tpu.memory_space<semaphore_mem>>) {add = true}
      %dma_wait3A_718 = arith.constant 3 : i32
      %dma_wait3A_719 = arith.constant 0 : i32
      %dma_wait3A_720 = tpu.memref_slice %arg13[%dma_wait3A_718, %dma_wait3A_719] : memref<8x128xi32, #tpu.memory_space<vmem>> -> memref<1x128xi32, #tpu.memory_space<vmem>>
      %dma_wait3A_721 = tpu.memref_squeeze %dma_wait3A_720 : memref<1x128xi32, #tpu.memory_space<vmem>> -> memref<128xi32, #tpu.memory_space<vmem>>
      %dma_wait3A_722 = arith.constant 0 : i32
      %dma_wait3A_723 = tpu.memref_slice %arg6[%dma_wait3A_722] : memref<10240xf32, #tpu.memory_space<hbm>> -> memref<10240xf32, #tpu.memory_space<hbm>>
      tpu.wait_indirect_dma semaphore(%arg28 : memref<!tpu.dma_semaphore, #tpu.memory_space<semaphore_mem>>) src(%dma_wait3A_723 : memref<10240xf32, #tpu.memory_space<hbm>>) dst(%arg25 : memref<128xf32, #tpu.memory_space<vmem>>)
      %dma_start3A_724 = arith.constant 3 : i32
      %dma_start3A_725 = arith.constant 0 : i32
      %dma_start3A_726 = tpu.memref_slice %arg11[%dma_start3A_724, %dma_start3A_725] : memref<8x128xi32, #tpu.memory_space<vmem>> -> memref<1x128xi32, #tpu.memory_space<vmem>>
      %dma_start3A_727 = tpu.memref_squeeze %dma_start3A_726 : memref<1x128xi32, #tpu.memory_space<vmem>> -> memref<128xi32, #tpu.memory_space<vmem>>
      %dma_start3A_728 = arith.constant 0 : i32
      %dma_start3A_729 = tpu.memref_slice %arg31[%dma_start3A_728] : memref<10240xf32, #tpu.memory_space<vmem_shared>> -> memref<10240xf32, #tpu.memory_space<vmem_shared>>
      tpu.enqueue_indirect_dma source(%arg25 : memref<128xf32, #tpu.memory_space<vmem>>) target(%dma_start3A_729 : memref<10240xf32, #tpu.memory_space<vmem_shared>>) offsets(%dma_start3A_727 : memref<128xi32, #tpu.memory_space<vmem>>) semaphore(%arg30 : memref<!tpu.dma_semaphore, #tpu.memory_space<semaphore_mem>>) {add = true}
      %dma_wait3A_730 = arith.constant 0 : i32
      %dma_wait3A_731 = arith.constant 0 : i32
      %dma_wait3A_732 = tpu.memref_slice %arg12[%dma_wait3A_730, %dma_wait3A_731] : memref<8x128xi32, #tpu.memory_space<vmem>> -> memref<1x128xi32, #tpu.memory_space<vmem>>
      %dma_wait3A_733 = tpu.memref_squeeze %dma_wait3A_732 : memref<1x128xi32, #tpu.memory_space<vmem>> -> memref<128xi32, #tpu.memory_space<vmem>>
      %dma_wait3A_734 = arith.constant 0 : i32
      %dma_wait3A_735 = arith.constant 0 : i32
      %dma_wait3A_736 = tpu.memref_slice %arg23[%dma_wait3A_734, %dma_wait3A_735] : memref<10240x128xf32, #tpu.memory_space<vmem_shared>> -> memref<10240x128xf32, #tpu.memory_space<vmem_shared>>
      tpu.wait_indirect_dma semaphore(%arg22 : memref<!tpu.dma_semaphore, #tpu.memory_space<semaphore_mem>>) src(%arg15 : memref<128x128xf32, #tpu.memory_space<vmem>>) dst(%dma_wait3A_736 : memref<10240x128xf32, #tpu.memory_space<vmem_shared>>)
      %dma_start3A_737 = arith.constant 5 : i32
      %dma_start3A_738 = arith.constant 0 : i32
      %dma_start3A_739 = tpu.memref_slice %arg11[%dma_start3A_737, %dma_start3A_738] : memref<8x128xi32, #tpu.memory_space<vmem>> -> memref<1x128xi32, #tpu.memory_space<vmem>>
      %dma_start3A_740 = tpu.memref_squeeze %dma_start3A_739 : memref<1x128xi32, #tpu.memory_space<vmem>> -> memref<128xi32, #tpu.memory_space<vmem>>
      %dma_start3A_741 = arith.constant 0 : i32
      %dma_start3A_742 = arith.constant 0 : i32
      %dma_start3A_743 = tpu.memref_slice %arg2[%dma_start3A_741, %dma_start3A_742] : memref<10240x128xf32, #tpu.memory_space<hbm>> -> memref<10240x128xf32, #tpu.memory_space<hbm>>
      tpu.enqueue_indirect_dma source(%dma_start3A_743 : memref<10240x128xf32, #tpu.memory_space<hbm>>) target(%arg15 : memref<128x128xf32, #tpu.memory_space<vmem>>) offsets(%dma_start3A_740 : memref<128xi32, #tpu.memory_space<vmem>>) semaphore(%arg20 : memref<!tpu.dma_semaphore, #tpu.memory_space<semaphore_mem>>)
      %dma_wait3A_744 = arith.constant 0 : i32
      %dma_wait3A_745 = arith.constant 0 : i32
      %dma_wait3A_746 = tpu.memref_slice %arg10[%dma_wait3A_744, %dma_wait3A_745] : memref<8x128xi32, #tpu.memory_space<vmem>> -> memref<1x128xi32, #tpu.memory_space<vmem>>
      %dma_wait3A_747 = tpu.memref_squeeze %dma_wait3A_746 : memref<1x128xi32, #tpu.memory_space<vmem>> -> memref<128xi32, #tpu.memory_space<vmem>>
      %dma_wait3A_748 = arith.constant 0 : i32
      %dma_wait3A_749 = tpu.memref_slice %arg31[%dma_wait3A_748] : memref<10240xf32, #tpu.memory_space<vmem_shared>> -> memref<10240xf32, #tpu.memory_space<vmem_shared>>
      tpu.wait_indirect_dma semaphore(%arg30 : memref<!tpu.dma_semaphore, #tpu.memory_space<semaphore_mem>>) src(%arg25 : memref<128xf32, #tpu.memory_space<vmem>>) dst(%dma_wait3A_749 : memref<10240xf32, #tpu.memory_space<vmem_shared>>)
      %dma_start3A_750 = arith.constant 5 : i32
      %dma_start3A_751 = arith.constant 0 : i32
      %dma_start3A_752 = tpu.memref_slice %arg13[%dma_start3A_750, %dma_start3A_751] : memref<8x128xi32, #tpu.memory_space<vmem>> -> memref<1x128xi32, #tpu.memory_space<vmem>>
      %dma_start3A_753 = tpu.memref_squeeze %dma_start3A_752 : memref<1x128xi32, #tpu.memory_space<vmem>> -> memref<128xi32, #tpu.memory_space<vmem>>
      %dma_start3A_754 = arith.constant 0 : i32
      %dma_start3A_755 = tpu.memref_slice %arg6[%dma_start3A_754] : memref<10240xf32, #tpu.memory_space<hbm>> -> memref<10240xf32, #tpu.memory_space<hbm>>
      tpu.enqueue_indirect_dma source(%dma_start3A_755 : memref<10240xf32, #tpu.memory_space<hbm>>) target(%arg25 : memref<128xf32, #tpu.memory_space<vmem>>) offsets(%dma_start3A_753 : memref<128xi32, #tpu.memory_space<vmem>>) semaphore(%arg28 : memref<!tpu.dma_semaphore, #tpu.memory_space<semaphore_mem>>)
      %dma_wait3A_756 = arith.constant 0 : i32
      %dma_wait3A_757 = arith.constant 0 : i32
      %dma_wait3A_758 = tpu.memref_slice %arg10[%dma_wait3A_756, %dma_wait3A_757] : memref<8x128xi32, #tpu.memory_space<vmem>> -> memref<1x128xi32, #tpu.memory_space<vmem>>
      %dma_wait3A_759 = tpu.memref_squeeze %dma_wait3A_758 : memref<1x128xi32, #tpu.memory_space<vmem>> -> memref<128xi32, #tpu.memory_space<vmem>>
      %dma_wait3A_760 = arith.constant 0 : i32
      %dma_wait3A_761 = arith.constant 0 : i32
      %dma_wait3A_762 = tpu.memref_slice %arg2[%dma_wait3A_760, %dma_wait3A_761] : memref<10240x128xf32, #tpu.memory_space<hbm>> -> memref<10240x128xf32, #tpu.memory_space<hbm>>
      tpu.wait_indirect_dma semaphore(%arg19 : memref<!tpu.dma_semaphore, #tpu.memory_space<semaphore_mem>>) src(%dma_wait3A_762 : memref<10240x128xf32, #tpu.memory_space<hbm>>) dst(%arg14 : memref<128x128xf32, #tpu.memory_space<vmem>>)
      %dma_start3A_763 = arith.constant 4 : i32
      %dma_start3A_764 = arith.constant 0 : i32
      %dma_start3A_765 = tpu.memref_slice %arg13[%dma_start3A_763, %dma_start3A_764] : memref<8x128xi32, #tpu.memory_space<vmem>> -> memref<1x128xi32, #tpu.memory_space<vmem>>
      %dma_start3A_766 = tpu.memref_squeeze %dma_start3A_765 : memref<1x128xi32, #tpu.memory_space<vmem>> -> memref<128xi32, #tpu.memory_space<vmem>>
      %dma_start3A_767 = arith.constant 0 : i32
      %dma_start3A_768 = arith.constant 0 : i32
      %dma_start3A_769 = tpu.memref_slice %arg23[%dma_start3A_767, %dma_start3A_768] : memref<10240x128xf32, #tpu.memory_space<vmem_shared>> -> memref<10240x128xf32, #tpu.memory_space<vmem_shared>>
      tpu.enqueue_indirect_dma source(%arg14 : memref<128x128xf32, #tpu.memory_space<vmem>>) target(%dma_start3A_769 : memref<10240x128xf32, #tpu.memory_space<vmem_shared>>) offsets(%dma_start3A_766 : memref<128xi32, #tpu.memory_space<vmem>>) semaphore(%arg21 : memref<!tpu.dma_semaphore, #tpu.memory_space<semaphore_mem>>) {add = true}
      %dma_wait3A_770 = arith.constant 4 : i32
      %dma_wait3A_771 = arith.constant 0 : i32
      %dma_wait3A_772 = tpu.memref_slice %arg13[%dma_wait3A_770, %dma_wait3A_771] : memref<8x128xi32, #tpu.memory_space<vmem>> -> memref<1x128xi32, #tpu.memory_space<vmem>>
      %dma_wait3A_773 = tpu.memref_squeeze %dma_wait3A_772 : memref<1x128xi32, #tpu.memory_space<vmem>> -> memref<128xi32, #tpu.memory_space<vmem>>
      %dma_wait3A_774 = arith.constant 0 : i32
      %dma_wait3A_775 = tpu.memref_slice %arg6[%dma_wait3A_774] : memref<10240xf32, #tpu.memory_space<hbm>> -> memref<10240xf32, #tpu.memory_space<hbm>>
      tpu.wait_indirect_dma semaphore(%arg27 : memref<!tpu.dma_semaphore, #tpu.memory_space<semaphore_mem>>) src(%dma_wait3A_775 : memref<10240xf32, #tpu.memory_space<hbm>>) dst(%arg24 : memref<128xf32, #tpu.memory_space<vmem>>)
      %dma_start3A_776 = arith.constant 4 : i32
      %dma_start3A_777 = arith.constant 0 : i32
      %dma_start3A_778 = tpu.memref_slice %arg11[%dma_start3A_776, %dma_start3A_777] : memref<8x128xi32, #tpu.memory_space<vmem>> -> memref<1x128xi32, #tpu.memory_space<vmem>>
      %dma_start3A_779 = tpu.memref_squeeze %dma_start3A_778 : memref<1x128xi32, #tpu.memory_space<vmem>> -> memref<128xi32, #tpu.memory_space<vmem>>
      %dma_start3A_780 = arith.constant 0 : i32
      %dma_start3A_781 = tpu.memref_slice %arg31[%dma_start3A_780] : memref<10240xf32, #tpu.memory_space<vmem_shared>> -> memref<10240xf32, #tpu.memory_space<vmem_shared>>
      tpu.enqueue_indirect_dma source(%arg24 : memref<128xf32, #tpu.memory_space<vmem>>) target(%dma_start3A_781 : memref<10240xf32, #tpu.memory_space<vmem_shared>>) offsets(%dma_start3A_779 : memref<128xi32, #tpu.memory_space<vmem>>) semaphore(%arg29 : memref<!tpu.dma_semaphore, #tpu.memory_space<semaphore_mem>>) {add = true}
      %dma_wait3A_782 = arith.constant 0 : i32
      %dma_wait3A_783 = arith.constant 0 : i32
      %dma_wait3A_784 = tpu.memref_slice %arg12[%dma_wait3A_782, %dma_wait3A_783] : memref<8x128xi32, #tpu.memory_space<vmem>> -> memref<1x128xi32, #tpu.memory_space<vmem>>
      %dma_wait3A_785 = tpu.memref_squeeze %dma_wait3A_784 : memref<1x128xi32, #tpu.memory_space<vmem>> -> memref<128xi32, #tpu.memory_space<vmem>>
      %dma_wait3A_786 = arith.constant 0 : i32
      %dma_wait3A_787 = arith.constant 0 : i32
      %dma_wait3A_788 = tpu.memref_slice %arg23[%dma_wait3A_786, %dma_wait3A_787] : memref<10240x128xf32, #tpu.memory_space<vmem_shared>> -> memref<10240x128xf32, #tpu.memory_space<vmem_shared>>
      tpu.wait_indirect_dma semaphore(%arg21 : memref<!tpu.dma_semaphore, #tpu.memory_space<semaphore_mem>>) src(%arg14 : memref<128x128xf32, #tpu.memory_space<vmem>>) dst(%dma_wait3A_788 : memref<10240x128xf32, #tpu.memory_space<vmem_shared>>)
      %dma_start3A_789 = arith.constant 6 : i32
      %dma_start3A_790 = arith.constant 0 : i32
      %dma_start3A_791 = tpu.memref_slice %arg11[%dma_start3A_789, %dma_start3A_790] : memref<8x128xi32, #tpu.memory_space<vmem>> -> memref<1x128xi32, #tpu.memory_space<vmem>>
      %dma_start3A_792 = tpu.memref_squeeze %dma_start3A_791 : memref<1x128xi32, #tpu.memory_space<vmem>> -> memref<128xi32, #tpu.memory_space<vmem>>
      %dma_start3A_793 = arith.constant 0 : i32
      %dma_start3A_794 = arith.constant 0 : i32
      %dma_start3A_795 = tpu.memref_slice %arg2[%dma_start3A_793, %dma_start3A_794] : memref<10240x128xf32, #tpu.memory_space<hbm>> -> memref<10240x128xf32, #tpu.memory_space<hbm>>
      tpu.enqueue_indirect_dma source(%dma_start3A_795 : memref<10240x128xf32, #tpu.memory_space<hbm>>) target(%arg14 : memref<128x128xf32, #tpu.memory_space<vmem>>) offsets(%dma_start3A_792 : memref<128xi32, #tpu.memory_space<vmem>>) semaphore(%arg19 : memref<!tpu.dma_semaphore, #tpu.memory_space<semaphore_mem>>)
      %dma_wait3A_796 = arith.constant 0 : i32
      %dma_wait3A_797 = arith.constant 0 : i32
      %dma_wait3A_798 = tpu.memref_slice %arg10[%dma_wait3A_796, %dma_wait3A_797] : memref<8x128xi32, #tpu.memory_space<vmem>> -> memref<1x128xi32, #tpu.memory_space<vmem>>
      %dma_wait3A_799 = tpu.memref_squeeze %dma_wait3A_798 : memref<1x128xi32, #tpu.memory_space<vmem>> -> memref<128xi32, #tpu.memory_space<vmem>>
      %dma_wait3A_800 = arith.constant 0 : i32
      %dma_wait3A_801 = tpu.memref_slice %arg31[%dma_wait3A_800] : memref<10240xf32, #tpu.memory_space<vmem_shared>> -> memref<10240xf32, #tpu.memory_space<vmem_shared>>
      tpu.wait_indirect_dma semaphore(%arg29 : memref<!tpu.dma_semaphore, #tpu.memory_space<semaphore_mem>>) src(%arg24 : memref<128xf32, #tpu.memory_space<vmem>>) dst(%dma_wait3A_801 : memref<10240xf32, #tpu.memory_space<vmem_shared>>)
      %dma_start3A_802 = arith.constant 6 : i32
      %dma_start3A_803 = arith.constant 0 : i32
      %dma_start3A_804 = tpu.memref_slice %arg13[%dma_start3A_802, %dma_start3A_803] : memref<8x128xi32, #tpu.memory_space<vmem>> -> memref<1x128xi32, #tpu.memory_space<vmem>>
      %dma_start3A_805 = tpu.memref_squeeze %dma_start3A_804 : memref<1x128xi32, #tpu.memory_space<vmem>> -> memref<128xi32, #tpu.memory_space<vmem>>
      %dma_start3A_806 = arith.constant 0 : i32
      %dma_start3A_807 = tpu.memref_slice %arg6[%dma_start3A_806] : memref<10240xf32, #tpu.memory_space<hbm>> -> memref<10240xf32, #tpu.memory_space<hbm>>
      tpu.enqueue_indirect_dma source(%dma_start3A_807 : memref<10240xf32, #tpu.memory_space<hbm>>) target(%arg24 : memref<128xf32, #tpu.memory_space<vmem>>) offsets(%dma_start3A_805 : memref<128xi32, #tpu.memory_space<vmem>>) semaphore(%arg27 : memref<!tpu.dma_semaphore, #tpu.memory_space<semaphore_mem>>)
      %dma_wait3A_808 = arith.constant 0 : i32
      %dma_wait3A_809 = arith.constant 0 : i32
      %dma_wait3A_810 = tpu.memref_slice %arg10[%dma_wait3A_808, %dma_wait3A_809] : memref<8x128xi32, #tpu.memory_space<vmem>> -> memref<1x128xi32, #tpu.memory_space<vmem>>
      %dma_wait3A_811 = tpu.memref_squeeze %dma_wait3A_810 : memref<1x128xi32, #tpu.memory_space<vmem>> -> memref<128xi32, #tpu.memory_space<vmem>>
      %dma_wait3A_812 = arith.constant 0 : i32
      %dma_wait3A_813 = arith.constant 0 : i32
      %dma_wait3A_814 = tpu.memref_slice %arg2[%dma_wait3A_812, %dma_wait3A_813] : memref<10240x128xf32, #tpu.memory_space<hbm>> -> memref<10240x128xf32, #tpu.memory_space<hbm>>
      tpu.wait_indirect_dma semaphore(%arg20 : memref<!tpu.dma_semaphore, #tpu.memory_space<semaphore_mem>>) src(%dma_wait3A_814 : memref<10240x128xf32, #tpu.memory_space<hbm>>) dst(%arg15 : memref<128x128xf32, #tpu.memory_space<vmem>>)
      %dma_start3A_815 = arith.constant 5 : i32
      %dma_start3A_816 = arith.constant 0 : i32
      %dma_start3A_817 = tpu.memref_slice %arg13[%dma_start3A_815, %dma_start3A_816] : memref<8x128xi32, #tpu.memory_space<vmem>> -> memref<1x128xi32, #tpu.memory_space<vmem>>
      %dma_start3A_818 = tpu.memref_squeeze %dma_start3A_817 : memref<1x128xi32, #tpu.memory_space<vmem>> -> memref<128xi32, #tpu.memory_space<vmem>>
      %dma_start3A_819 = arith.constant 0 : i32
      %dma_start3A_820 = arith.constant 0 : i32
      %dma_start3A_821 = tpu.memref_slice %arg23[%dma_start3A_819, %dma_start3A_820] : memref<10240x128xf32, #tpu.memory_space<vmem_shared>> -> memref<10240x128xf32, #tpu.memory_space<vmem_shared>>
      tpu.enqueue_indirect_dma source(%arg15 : memref<128x128xf32, #tpu.memory_space<vmem>>) target(%dma_start3A_821 : memref<10240x128xf32, #tpu.memory_space<vmem_shared>>) offsets(%dma_start3A_818 : memref<128xi32, #tpu.memory_space<vmem>>) semaphore(%arg22 : memref<!tpu.dma_semaphore, #tpu.memory_space<semaphore_mem>>) {add = true}
      %dma_wait3A_822 = arith.constant 5 : i32
      %dma_wait3A_823 = arith.constant 0 : i32
      %dma_wait3A_824 = tpu.memref_slice %arg13[%dma_wait3A_822, %dma_wait3A_823] : memref<8x128xi32, #tpu.memory_space<vmem>> -> memref<1x128xi32, #tpu.memory_space<vmem>>
      %dma_wait3A_825 = tpu.memref_squeeze %dma_wait3A_824 : memref<1x128xi32, #tpu.memory_space<vmem>> -> memref<128xi32, #tpu.memory_space<vmem>>
      %dma_wait3A_826 = arith.constant 0 : i32
      %dma_wait3A_827 = tpu.memref_slice %arg6[%dma_wait3A_826] : memref<10240xf32, #tpu.memory_space<hbm>> -> memref<10240xf32, #tpu.memory_space<hbm>>
      tpu.wait_indirect_dma semaphore(%arg28 : memref<!tpu.dma_semaphore, #tpu.memory_space<semaphore_mem>>) src(%dma_wait3A_827 : memref<10240xf32, #tpu.memory_space<hbm>>) dst(%arg25 : memref<128xf32, #tpu.memory_space<vmem>>)
      %dma_start3A_828 = arith.constant 5 : i32
      %dma_start3A_829 = arith.constant 0 : i32
      %dma_start3A_830 = tpu.memref_slice %arg11[%dma_start3A_828, %dma_start3A_829] : memref<8x128xi32, #tpu.memory_space<vmem>> -> memref<1x128xi32, #tpu.memory_space<vmem>>
      %dma_start3A_831 = tpu.memref_squeeze %dma_start3A_830 : memref<1x128xi32, #tpu.memory_space<vmem>> -> memref<128xi32, #tpu.memory_space<vmem>>
      %dma_start3A_832 = arith.constant 0 : i32
      %dma_start3A_833 = tpu.memref_slice %arg31[%dma_start3A_832] : memref<10240xf32, #tpu.memory_space<vmem_shared>> -> memref<10240xf32, #tpu.memory_space<vmem_shared>>
      tpu.enqueue_indirect_dma source(%arg25 : memref<128xf32, #tpu.memory_space<vmem>>) target(%dma_start3A_833 : memref<10240xf32, #tpu.memory_space<vmem_shared>>) offsets(%dma_start3A_831 : memref<128xi32, #tpu.memory_space<vmem>>) semaphore(%arg30 : memref<!tpu.dma_semaphore, #tpu.memory_space<semaphore_mem>>) {add = true}
      %dma_wait3A_834 = arith.constant 0 : i32
      %dma_wait3A_835 = arith.constant 0 : i32
      %dma_wait3A_836 = tpu.memref_slice %arg12[%dma_wait3A_834, %dma_wait3A_835] : memref<8x128xi32, #tpu.memory_space<vmem>> -> memref<1x128xi32, #tpu.memory_space<vmem>>
      %dma_wait3A_837 = tpu.memref_squeeze %dma_wait3A_836 : memref<1x128xi32, #tpu.memory_space<vmem>> -> memref<128xi32, #tpu.memory_space<vmem>>
      %dma_wait3A_838 = arith.constant 0 : i32
      %dma_wait3A_839 = arith.constant 0 : i32
      %dma_wait3A_840 = tpu.memref_slice %arg23[%dma_wait3A_838, %dma_wait3A_839] : memref<10240x128xf32, #tpu.memory_space<vmem_shared>> -> memref<10240x128xf32, #tpu.memory_space<vmem_shared>>
      tpu.wait_indirect_dma semaphore(%arg22 : memref<!tpu.dma_semaphore, #tpu.memory_space<semaphore_mem>>) src(%arg15 : memref<128x128xf32, #tpu.memory_space<vmem>>) dst(%dma_wait3A_840 : memref<10240x128xf32, #tpu.memory_space<vmem_shared>>)
      %dma_start3A_841 = arith.constant 7 : i32
      %dma_start3A_842 = arith.constant 0 : i32
      %dma_start3A_843 = tpu.memref_slice %arg11[%dma_start3A_841, %dma_start3A_842] : memref<8x128xi32, #tpu.memory_space<vmem>> -> memref<1x128xi32, #tpu.memory_space<vmem>>
      %dma_start3A_844 = tpu.memref_squeeze %dma_start3A_843 : memref<1x128xi32, #tpu.memory_space<vmem>> -> memref<128xi32, #tpu.memory_space<vmem>>
      %dma_start3A_845 = arith.constant 0 : i32
      %dma_start3A_846 = arith.constant 0 : i32
      %dma_start3A_847 = tpu.memref_slice %arg2[%dma_start3A_845, %dma_start3A_846] : memref<10240x128xf32, #tpu.memory_space<hbm>> -> memref<10240x128xf32, #tpu.memory_space<hbm>>
      tpu.enqueue_indirect_dma source(%dma_start3A_847 : memref<10240x128xf32, #tpu.memory_space<hbm>>) target(%arg15 : memref<128x128xf32, #tpu.memory_space<vmem>>) offsets(%dma_start3A_844 : memref<128xi32, #tpu.memory_space<vmem>>) semaphore(%arg20 : memref<!tpu.dma_semaphore, #tpu.memory_space<semaphore_mem>>)
      %dma_wait3A_848 = arith.constant 0 : i32
      %dma_wait3A_849 = arith.constant 0 : i32
      %dma_wait3A_850 = tpu.memref_slice %arg10[%dma_wait3A_848, %dma_wait3A_849] : memref<8x128xi32, #tpu.memory_space<vmem>> -> memref<1x128xi32, #tpu.memory_space<vmem>>
      %dma_wait3A_851 = tpu.memref_squeeze %dma_wait3A_850 : memref<1x128xi32, #tpu.memory_space<vmem>> -> memref<128xi32, #tpu.memory_space<vmem>>
      %dma_wait3A_852 = arith.constant 0 : i32
      %dma_wait3A_853 = tpu.memref_slice %arg31[%dma_wait3A_852] : memref<10240xf32, #tpu.memory_space<vmem_shared>> -> memref<10240xf32, #tpu.memory_space<vmem_shared>>
      tpu.wait_indirect_dma semaphore(%arg30 : memref<!tpu.dma_semaphore, #tpu.memory_space<semaphore_mem>>) src(%arg25 : memref<128xf32, #tpu.memory_space<vmem>>) dst(%dma_wait3A_853 : memref<10240xf32, #tpu.memory_space<vmem_shared>>)
      %dma_start3A_854 = arith.constant 7 : i32
      %dma_start3A_855 = arith.constant 0 : i32
      %dma_start3A_856 = tpu.memref_slice %arg13[%dma_start3A_854, %dma_start3A_855] : memref<8x128xi32, #tpu.memory_space<vmem>> -> memref<1x128xi32, #tpu.memory_space<vmem>>
      %dma_start3A_857 = tpu.memref_squeeze %dma_start3A_856 : memref<1x128xi32, #tpu.memory_space<vmem>> -> memref<128xi32, #tpu.memory_space<vmem>>
      %dma_start3A_858 = arith.constant 0 : i32
      %dma_start3A_859 = tpu.memref_slice %arg6[%dma_start3A_858] : memref<10240xf32, #tpu.memory_space<hbm>> -> memref<10240xf32, #tpu.memory_space<hbm>>
      tpu.enqueue_indirect_dma source(%dma_start3A_859 : memref<10240xf32, #tpu.memory_space<hbm>>) target(%arg25 : memref<128xf32, #tpu.memory_space<vmem>>) offsets(%dma_start3A_857 : memref<128xi32, #tpu.memory_space<vmem>>) semaphore(%arg28 : memref<!tpu.dma_semaphore, #tpu.memory_space<semaphore_mem>>)
      %dma_wait3A_860 = arith.constant 0 : i32
      %dma_wait3A_861 = tpu.memref_slice %arg3[%mul3A_6, %dma_wait3A_860] : memref<2560x128xi32, #tpu.memory_space<hbm>> -> memref<8x128xi32, #tpu.memory_space<hbm>>
      %dma_wait3A_862 = arith.constant 0 : i32
      %dma_wait3A_863 = tpu.memref_slice %arg3[%mul3A_6, %dma_wait3A_862] : memref<2560x128xi32, #tpu.memory_space<hbm>> -> memref<8x128xi32, #tpu.memory_space<hbm>>
      tpu.wait_dma2 semaphore(%arg17 : memref<!tpu.dma_semaphore, #tpu.memory_space<semaphore_mem>>) src(%dma_wait3A_863 : memref<8x128xi32, #tpu.memory_space<hbm>>) dst(%arg10 : memref<8x128xi32, #tpu.memory_space<vmem>>)
      %dma_wait3A_864 = arith.constant 0 : i32
      %dma_wait3A_865 = tpu.memref_slice %arg4[%mul3A_6, %dma_wait3A_864] : memref<2560x128xi32, #tpu.memory_space<hbm>> -> memref<8x128xi32, #tpu.memory_space<hbm>>
      %dma_wait3A_866 = arith.constant 0 : i32
      %dma_wait3A_867 = tpu.memref_slice %arg4[%mul3A_6, %dma_wait3A_866] : memref<2560x128xi32, #tpu.memory_space<hbm>> -> memref<8x128xi32, #tpu.memory_space<hbm>>
      tpu.wait_dma2 semaphore(%arg17 : memref<!tpu.dma_semaphore, #tpu.memory_space<semaphore_mem>>) src(%dma_wait3A_867 : memref<8x128xi32, #tpu.memory_space<hbm>>) dst(%arg12 : memref<8x128xi32, #tpu.memory_space<vmem>>)
      %dma_wait3A_868 = arith.constant 0 : i32
      %dma_wait3A_869 = arith.constant 0 : i32
      %dma_wait3A_870 = tpu.memref_slice %arg10[%dma_wait3A_868, %dma_wait3A_869] : memref<8x128xi32, #tpu.memory_space<vmem>> -> memref<1x128xi32, #tpu.memory_space<vmem>>
      %dma_wait3A_871 = tpu.memref_squeeze %dma_wait3A_870 : memref<1x128xi32, #tpu.memory_space<vmem>> -> memref<128xi32, #tpu.memory_space<vmem>>
      %dma_wait3A_872 = arith.constant 0 : i32
      %dma_wait3A_873 = arith.constant 0 : i32
      %dma_wait3A_874 = tpu.memref_slice %arg2[%dma_wait3A_872, %dma_wait3A_873] : memref<10240x128xf32, #tpu.memory_space<hbm>> -> memref<10240x128xf32, #tpu.memory_space<hbm>>
      tpu.wait_indirect_dma semaphore(%arg19 : memref<!tpu.dma_semaphore, #tpu.memory_space<semaphore_mem>>) src(%dma_wait3A_874 : memref<10240x128xf32, #tpu.memory_space<hbm>>) dst(%arg14 : memref<128x128xf32, #tpu.memory_space<vmem>>)
      %dma_start3A_875 = arith.constant 6 : i32
      %dma_start3A_876 = arith.constant 0 : i32
      %dma_start3A_877 = tpu.memref_slice %arg13[%dma_start3A_875, %dma_start3A_876] : memref<8x128xi32, #tpu.memory_space<vmem>> -> memref<1x128xi32, #tpu.memory_space<vmem>>
      %dma_start3A_878 = tpu.memref_squeeze %dma_start3A_877 : memref<1x128xi32, #tpu.memory_space<vmem>> -> memref<128xi32, #tpu.memory_space<vmem>>
      %dma_start3A_879 = arith.constant 0 : i32
      %dma_start3A_880 = arith.constant 0 : i32
      %dma_start3A_881 = tpu.memref_slice %arg23[%dma_start3A_879, %dma_start3A_880] : memref<10240x128xf32, #tpu.memory_space<vmem_shared>> -> memref<10240x128xf32, #tpu.memory_space<vmem_shared>>
      tpu.enqueue_indirect_dma source(%arg14 : memref<128x128xf32, #tpu.memory_space<vmem>>) target(%dma_start3A_881 : memref<10240x128xf32, #tpu.memory_space<vmem_shared>>) offsets(%dma_start3A_878 : memref<128xi32, #tpu.memory_space<vmem>>) semaphore(%arg21 : memref<!tpu.dma_semaphore, #tpu.memory_space<semaphore_mem>>) {add = true}
      %dma_wait3A_882 = arith.constant 6 : i32
      %dma_wait3A_883 = arith.constant 0 : i32
      %dma_wait3A_884 = tpu.memref_slice %arg13[%dma_wait3A_882, %dma_wait3A_883] : memref<8x128xi32, #tpu.memory_space<vmem>> -> memref<1x128xi32, #tpu.memory_space<vmem>>
      %dma_wait3A_885 = tpu.memref_squeeze %dma_wait3A_884 : memref<1x128xi32, #tpu.memory_space<vmem>> -> memref<128xi32, #tpu.memory_space<vmem>>
      %dma_wait3A_886 = arith.constant 0 : i32
      %dma_wait3A_887 = tpu.memref_slice %arg6[%dma_wait3A_886] : memref<10240xf32, #tpu.memory_space<hbm>> -> memref<10240xf32, #tpu.memory_space<hbm>>
      tpu.wait_indirect_dma semaphore(%arg27 : memref<!tpu.dma_semaphore, #tpu.memory_space<semaphore_mem>>) src(%dma_wait3A_887 : memref<10240xf32, #tpu.memory_space<hbm>>) dst(%arg24 : memref<128xf32, #tpu.memory_space<vmem>>)
      %dma_start3A_888 = arith.constant 6 : i32
      %dma_start3A_889 = arith.constant 0 : i32
      %dma_start3A_890 = tpu.memref_slice %arg11[%dma_start3A_888, %dma_start3A_889] : memref<8x128xi32, #tpu.memory_space<vmem>> -> memref<1x128xi32, #tpu.memory_space<vmem>>
      %dma_start3A_891 = tpu.memref_squeeze %dma_start3A_890 : memref<1x128xi32, #tpu.memory_space<vmem>> -> memref<128xi32, #tpu.memory_space<vmem>>
      %dma_start3A_892 = arith.constant 0 : i32
      %dma_start3A_893 = tpu.memref_slice %arg31[%dma_start3A_892] : memref<10240xf32, #tpu.memory_space<vmem_shared>> -> memref<10240xf32, #tpu.memory_space<vmem_shared>>
      tpu.enqueue_indirect_dma source(%arg24 : memref<128xf32, #tpu.memory_space<vmem>>) target(%dma_start3A_893 : memref<10240xf32, #tpu.memory_space<vmem_shared>>) offsets(%dma_start3A_891 : memref<128xi32, #tpu.memory_space<vmem>>) semaphore(%arg29 : memref<!tpu.dma_semaphore, #tpu.memory_space<semaphore_mem>>) {add = true}
      %dma_wait3A_894 = arith.constant 0 : i32
      %dma_wait3A_895 = arith.constant 0 : i32
      %dma_wait3A_896 = tpu.memref_slice %arg12[%dma_wait3A_894, %dma_wait3A_895] : memref<8x128xi32, #tpu.memory_space<vmem>> -> memref<1x128xi32, #tpu.memory_space<vmem>>
      %dma_wait3A_897 = tpu.memref_squeeze %dma_wait3A_896 : memref<1x128xi32, #tpu.memory_space<vmem>> -> memref<128xi32, #tpu.memory_space<vmem>>
      %dma_wait3A_898 = arith.constant 0 : i32
      %dma_wait3A_899 = arith.constant 0 : i32
      %dma_wait3A_900 = tpu.memref_slice %arg23[%dma_wait3A_898, %dma_wait3A_899] : memref<10240x128xf32, #tpu.memory_space<vmem_shared>> -> memref<10240x128xf32, #tpu.memory_space<vmem_shared>>
      tpu.wait_indirect_dma semaphore(%arg21 : memref<!tpu.dma_semaphore, #tpu.memory_space<semaphore_mem>>) src(%arg14 : memref<128x128xf32, #tpu.memory_space<vmem>>) dst(%dma_wait3A_900 : memref<10240x128xf32, #tpu.memory_space<vmem_shared>>)
      %dma_start3A_901 = arith.constant 0 : i32
      %dma_start3A_902 = arith.constant 0 : i32
      %dma_start3A_903 = tpu.memref_slice %arg10[%dma_start3A_901, %dma_start3A_902] : memref<8x128xi32, #tpu.memory_space<vmem>> -> memref<1x128xi32, #tpu.memory_space<vmem>>
      %dma_start3A_904 = tpu.memref_squeeze %dma_start3A_903 : memref<1x128xi32, #tpu.memory_space<vmem>> -> memref<128xi32, #tpu.memory_space<vmem>>
      %dma_start3A_905 = arith.constant 0 : i32
      %dma_start3A_906 = arith.constant 0 : i32
      %dma_start3A_907 = tpu.memref_slice %arg2[%dma_start3A_905, %dma_start3A_906] : memref<10240x128xf32, #tpu.memory_space<hbm>> -> memref<10240x128xf32, #tpu.memory_space<hbm>>
      tpu.enqueue_indirect_dma source(%dma_start3A_907 : memref<10240x128xf32, #tpu.memory_space<hbm>>) target(%arg14 : memref<128x128xf32, #tpu.memory_space<vmem>>) offsets(%dma_start3A_904 : memref<128xi32, #tpu.memory_space<vmem>>) semaphore(%arg19 : memref<!tpu.dma_semaphore, #tpu.memory_space<semaphore_mem>>)
      %dma_wait3A_908 = arith.constant 0 : i32
      %dma_wait3A_909 = arith.constant 0 : i32
      %dma_wait3A_910 = tpu.memref_slice %arg10[%dma_wait3A_908, %dma_wait3A_909] : memref<8x128xi32, #tpu.memory_space<vmem>> -> memref<1x128xi32, #tpu.memory_space<vmem>>
      %dma_wait3A_911 = tpu.memref_squeeze %dma_wait3A_910 : memref<1x128xi32, #tpu.memory_space<vmem>> -> memref<128xi32, #tpu.memory_space<vmem>>
      %dma_wait3A_912 = arith.constant 0 : i32
      %dma_wait3A_913 = tpu.memref_slice %arg31[%dma_wait3A_912] : memref<10240xf32, #tpu.memory_space<vmem_shared>> -> memref<10240xf32, #tpu.memory_space<vmem_shared>>
      tpu.wait_indirect_dma semaphore(%arg29 : memref<!tpu.dma_semaphore, #tpu.memory_space<semaphore_mem>>) src(%arg24 : memref<128xf32, #tpu.memory_space<vmem>>) dst(%dma_wait3A_913 : memref<10240xf32, #tpu.memory_space<vmem_shared>>)
      %dma_start3A_914 = arith.constant 0 : i32
      %dma_start3A_915 = arith.constant 0 : i32
      %dma_start3A_916 = tpu.memref_slice %arg12[%dma_start3A_914, %dma_start3A_915] : memref<8x128xi32, #tpu.memory_space<vmem>> -> memref<1x128xi32, #tpu.memory_space<vmem>>
      %dma_start3A_917 = tpu.memref_squeeze %dma_start3A_916 : memref<1x128xi32, #tpu.memory_space<vmem>> -> memref<128xi32, #tpu.memory_space<vmem>>
      %dma_start3A_918 = arith.constant 0 : i32
      %dma_start3A_919 = tpu.memref_slice %arg6[%dma_start3A_918] : memref<10240xf32, #tpu.memory_space<hbm>> -> memref<10240xf32, #tpu.memory_space<hbm>>
      tpu.enqueue_indirect_dma source(%dma_start3A_919 : memref<10240xf32, #tpu.memory_space<hbm>>) target(%arg24 : memref<128xf32, #tpu.memory_space<vmem>>) offsets(%dma_start3A_917 : memref<128xi32, #tpu.memory_space<vmem>>) semaphore(%arg27 : memref<!tpu.dma_semaphore, #tpu.memory_space<semaphore_mem>>)
      %dma_wait3A_920 = arith.constant 0 : i32
      %dma_wait3A_921 = arith.constant 0 : i32
      %dma_wait3A_922 = tpu.memref_slice %arg10[%dma_wait3A_920, %dma_wait3A_921] : memref<8x128xi32, #tpu.memory_space<vmem>> -> memref<1x128xi32, #tpu.memory_space<vmem>>
      %dma_wait3A_923 = tpu.memref_squeeze %dma_wait3A_922 : memref<1x128xi32, #tpu.memory_space<vmem>> -> memref<128xi32, #tpu.memory_space<vmem>>
      %dma_wait3A_924 = arith.constant 0 : i32
      %dma_wait3A_925 = arith.constant 0 : i32
      %dma_wait3A_926 = tpu.memref_slice %arg2[%dma_wait3A_924, %dma_wait3A_925] : memref<10240x128xf32, #tpu.memory_space<hbm>> -> memref<10240x128xf32, #tpu.memory_space<hbm>>
      tpu.wait_indirect_dma semaphore(%arg20 : memref<!tpu.dma_semaphore, #tpu.memory_space<semaphore_mem>>) src(%dma_wait3A_926 : memref<10240x128xf32, #tpu.memory_space<hbm>>) dst(%arg15 : memref<128x128xf32, #tpu.memory_space<vmem>>)
      %dma_start3A_927 = arith.constant 7 : i32
      %dma_start3A_928 = arith.constant 0 : i32
      %dma_start3A_929 = tpu.memref_slice %arg13[%dma_start3A_927, %dma_start3A_928] : memref<8x128xi32, #tpu.memory_space<vmem>> -> memref<1x128xi32, #tpu.memory_space<vmem>>
      %dma_start3A_930 = tpu.memref_squeeze %dma_start3A_929 : memref<1x128xi32, #tpu.memory_space<vmem>> -> memref<128xi32, #tpu.memory_space<vmem>>
      %dma_start3A_931 = arith.constant 0 : i32
      %dma_start3A_932 = arith.constant 0 : i32
      %dma_start3A_933 = tpu.memref_slice %arg23[%dma_start3A_931, %dma_start3A_932] : memref<10240x128xf32, #tpu.memory_space<vmem_shared>> -> memref<10240x128xf32, #tpu.memory_space<vmem_shared>>
      tpu.enqueue_indirect_dma source(%arg15 : memref<128x128xf32, #tpu.memory_space<vmem>>) target(%dma_start3A_933 : memref<10240x128xf32, #tpu.memory_space<vmem_shared>>) offsets(%dma_start3A_930 : memref<128xi32, #tpu.memory_space<vmem>>) semaphore(%arg22 : memref<!tpu.dma_semaphore, #tpu.memory_space<semaphore_mem>>) {add = true}
      %dma_wait3A_934 = arith.constant 7 : i32
      %dma_wait3A_935 = arith.constant 0 : i32
      %dma_wait3A_936 = tpu.memref_slice %arg13[%dma_wait3A_934, %dma_wait3A_935] : memref<8x128xi32, #tpu.memory_space<vmem>> -> memref<1x128xi32, #tpu.memory_space<vmem>>
      %dma_wait3A_937 = tpu.memref_squeeze %dma_wait3A_936 : memref<1x128xi32, #tpu.memory_space<vmem>> -> memref<128xi32, #tpu.memory_space<vmem>>
      %dma_wait3A_938 = arith.constant 0 : i32
      %dma_wait3A_939 = tpu.memref_slice %arg6[%dma_wait3A_938] : memref<10240xf32, #tpu.memory_space<hbm>> -> memref<10240xf32, #tpu.memory_space<hbm>>
      tpu.wait_indirect_dma semaphore(%arg28 : memref<!tpu.dma_semaphore, #tpu.memory_space<semaphore_mem>>) src(%dma_wait3A_939 : memref<10240xf32, #tpu.memory_space<hbm>>) dst(%arg25 : memref<128xf32, #tpu.memory_space<vmem>>)
      %dma_start3A_940 = arith.constant 7 : i32
      %dma_start3A_941 = arith.constant 0 : i32
      %dma_start3A_942 = tpu.memref_slice %arg11[%dma_start3A_940, %dma_start3A_941] : memref<8x128xi32, #tpu.memory_space<vmem>> -> memref<1x128xi32, #tpu.memory_space<vmem>>
      %dma_start3A_943 = tpu.memref_squeeze %dma_start3A_942 : memref<1x128xi32, #tpu.memory_space<vmem>> -> memref<128xi32, #tpu.memory_space<vmem>>
      %dma_start3A_944 = arith.constant 0 : i32
      %dma_start3A_945 = tpu.memref_slice %arg31[%dma_start3A_944] : memref<10240xf32, #tpu.memory_space<vmem_shared>> -> memref<10240xf32, #tpu.memory_space<vmem_shared>>
      tpu.enqueue_indirect_dma source(%arg25 : memref<128xf32, #tpu.memory_space<vmem>>) target(%dma_start3A_945 : memref<10240xf32, #tpu.memory_space<vmem_shared>>) offsets(%dma_start3A_943 : memref<128xi32, #tpu.memory_space<vmem>>) semaphore(%arg30 : memref<!tpu.dma_semaphore, #tpu.memory_space<semaphore_mem>>) {add = true}
      %dma_wait3A_946 = arith.constant 0 : i32
      %dma_wait3A_947 = arith.constant 0 : i32
      %dma_wait3A_948 = tpu.memref_slice %arg12[%dma_wait3A_946, %dma_wait3A_947] : memref<8x128xi32, #tpu.memory_space<vmem>> -> memref<1x128xi32, #tpu.memory_space<vmem>>
      %dma_wait3A_949 = tpu.memref_squeeze %dma_wait3A_948 : memref<1x128xi32, #tpu.memory_space<vmem>> -> memref<128xi32, #tpu.memory_space<vmem>>
      %dma_wait3A_950 = arith.constant 0 : i32
      %dma_wait3A_951 = arith.constant 0 : i32
      %dma_wait3A_952 = tpu.memref_slice %arg23[%dma_wait3A_950, %dma_wait3A_951] : memref<10240x128xf32, #tpu.memory_space<vmem_shared>> -> memref<10240x128xf32, #tpu.memory_space<vmem_shared>>
      tpu.wait_indirect_dma semaphore(%arg22 : memref<!tpu.dma_semaphore, #tpu.memory_space<semaphore_mem>>) src(%arg15 : memref<128x128xf32, #tpu.memory_space<vmem>>) dst(%dma_wait3A_952 : memref<10240x128xf32, #tpu.memory_space<vmem_shared>>)
      %dma_start3A_953 = arith.constant 1 : i32
      %dma_start3A_954 = arith.constant 0 : i32
      %dma_start3A_955 = tpu.memref_slice %arg10[%dma_start3A_953, %dma_start3A_954] : memref<8x128xi32, #tpu.memory_space<vmem>> -> memref<1x128xi32, #tpu.memory_space<vmem>>
      %dma_start3A_956 = tpu.memref_squeeze %dma_start3A_955 : memref<1x128xi32, #tpu.memory_space<vmem>> -> memref<128xi32, #tpu.memory_space<vmem>>
      %dma_start3A_957 = arith.constant 0 : i32
      %dma_start3A_958 = arith.constant 0 : i32
      %dma_start3A_959 = tpu.memref_slice %arg2[%dma_start3A_957, %dma_start3A_958] : memref<10240x128xf32, #tpu.memory_space<hbm>> -> memref<10240x128xf32, #tpu.memory_space<hbm>>
      tpu.enqueue_indirect_dma source(%dma_start3A_959 : memref<10240x128xf32, #tpu.memory_space<hbm>>) target(%arg15 : memref<128x128xf32, #tpu.memory_space<vmem>>) offsets(%dma_start3A_956 : memref<128xi32, #tpu.memory_space<vmem>>) semaphore(%arg20 : memref<!tpu.dma_semaphore, #tpu.memory_space<semaphore_mem>>)
      %dma_wait3A_960 = arith.constant 0 : i32
      %dma_wait3A_961 = arith.constant 0 : i32
      %dma_wait3A_962 = tpu.memref_slice %arg10[%dma_wait3A_960, %dma_wait3A_961] : memref<8x128xi32, #tpu.memory_space<vmem>> -> memref<1x128xi32, #tpu.memory_space<vmem>>
      %dma_wait3A_963 = tpu.memref_squeeze %dma_wait3A_962 : memref<1x128xi32, #tpu.memory_space<vmem>> -> memref<128xi32, #tpu.memory_space<vmem>>
      %dma_wait3A_964 = arith.constant 0 : i32
      %dma_wait3A_965 = tpu.memref_slice %arg31[%dma_wait3A_964] : memref<10240xf32, #tpu.memory_space<vmem_shared>> -> memref<10240xf32, #tpu.memory_space<vmem_shared>>
      tpu.wait_indirect_dma semaphore(%arg30 : memref<!tpu.dma_semaphore, #tpu.memory_space<semaphore_mem>>) src(%arg25 : memref<128xf32, #tpu.memory_space<vmem>>) dst(%dma_wait3A_965 : memref<10240xf32, #tpu.memory_space<vmem_shared>>)
      %dma_start3A_966 = arith.constant 1 : i32
      %dma_start3A_967 = arith.constant 0 : i32
      %dma_start3A_968 = tpu.memref_slice %arg12[%dma_start3A_966, %dma_start3A_967] : memref<8x128xi32, #tpu.memory_space<vmem>> -> memref<1x128xi32, #tpu.memory_space<vmem>>
      %dma_start3A_969 = tpu.memref_squeeze %dma_start3A_968 : memref<1x128xi32, #tpu.memory_space<vmem>> -> memref<128xi32, #tpu.memory_space<vmem>>
      %dma_start3A_970 = arith.constant 0 : i32
      %dma_start3A_971 = tpu.memref_slice %arg6[%dma_start3A_970] : memref<10240xf32, #tpu.memory_space<hbm>> -> memref<10240xf32, #tpu.memory_space<hbm>>
      tpu.enqueue_indirect_dma source(%dma_start3A_971 : memref<10240xf32, #tpu.memory_space<hbm>>) target(%arg25 : memref<128xf32, #tpu.memory_space<vmem>>) offsets(%dma_start3A_969 : memref<128xi32, #tpu.memory_space<vmem>>) semaphore(%arg28 : memref<!tpu.dma_semaphore, #tpu.memory_space<semaphore_mem>>)
      %add3A_972 = arith.constant 3 : i32
      %add3A_973 = arith.addi %mul3A_109, %add3A_972 : i32
      %min3A_974 = arith.constant 9 : i32
      %min3A_975 = arith.minsi %add3A_973, %min3A_974 : i32
      %mul3A_976 = arith.constant 8 : i32
      %mul3A_977 = arith.muli %min3A_975, %mul3A_976 : i32
      %add3A_978 = arith.addi %mul3A_6, %mul3A_977 : i32
      %dma_start3A_979 = arith.constant 0 : i32
      %dma_start3A_980 = tpu.memref_slice %arg3[%add3A_978, %dma_start3A_979] : memref<2560x128xi32, #tpu.memory_space<hbm>> -> memref<8x128xi32, #tpu.memory_space<hbm>>
      %dma_start3A_981 = arith.constant 0 : i32
      %dma_start3A_982 = tpu.memref_slice %arg3[%add3A_978, %dma_start3A_981] : memref<2560x128xi32, #tpu.memory_space<hbm>> -> memref<8x128xi32, #tpu.memory_space<hbm>>
      tpu.enqueue_dma source(%dma_start3A_982 : memref<8x128xi32, #tpu.memory_space<hbm>>) target(%arg11 : memref<8x128xi32, #tpu.memory_space<vmem>>) target_semaphore(%arg18 : memref<!tpu.dma_semaphore, #tpu.memory_space<semaphore_mem>>)
      %dma_start3A_983 = arith.constant 0 : i32
      %dma_start3A_984 = tpu.memref_slice %arg4[%add3A_978, %dma_start3A_983] : memref<2560x128xi32, #tpu.memory_space<hbm>> -> memref<8x128xi32, #tpu.memory_space<hbm>>
      %dma_start3A_985 = arith.constant 0 : i32
      %dma_start3A_986 = tpu.memref_slice %arg4[%add3A_978, %dma_start3A_985] : memref<2560x128xi32, #tpu.memory_space<hbm>> -> memref<8x128xi32, #tpu.memory_space<hbm>>
      tpu.enqueue_dma source(%dma_start3A_986 : memref<8x128xi32, #tpu.memory_space<hbm>>) target(%arg13 : memref<8x128xi32, #tpu.memory_space<vmem>>) target_semaphore(%arg18 : memref<!tpu.dma_semaphore, #tpu.memory_space<semaphore_mem>>)
    }
    %scan3A_52 = arith.constant 5 : i32
    %dma_wait3A = arith.constant 0 : i32
    %dma_wait3A_53 = arith.constant 0 : i32
    %dma_wait3A_54 = tpu.memref_slice %arg10[%dma_wait3A, %dma_wait3A_53] : memref<8x128xi32, #tpu.memory_space<vmem>> -> memref<1x128xi32, #tpu.memory_space<vmem>>
    %dma_wait3A_55 = tpu.memref_squeeze %dma_wait3A_54 : memref<1x128xi32, #tpu.memory_space<vmem>> -> memref<128xi32, #tpu.memory_space<vmem>>
    %dma_wait3A_56 = arith.constant 0 : i32
    %dma_wait3A_57 = arith.constant 0 : i32
    %dma_wait3A_58 = tpu.memref_slice %arg2[%dma_wait3A_56, %dma_wait3A_57] : memref<10240x128xf32, #tpu.memory_space<hbm>> -> memref<10240x128xf32, #tpu.memory_space<hbm>>
    tpu.wait_indirect_dma semaphore(%arg19 : memref<!tpu.dma_semaphore, #tpu.memory_space<semaphore_mem>>) src(%dma_wait3A_58 : memref<10240x128xf32, #tpu.memory_space<hbm>>) dst(%arg14 : memref<128x128xf32, #tpu.memory_space<vmem>>)
    %dma_wait3A_59 = arith.constant 0 : i32
    %dma_wait3A_60 = arith.constant 0 : i32
    %dma_wait3A_61 = tpu.memref_slice %arg10[%dma_wait3A_59, %dma_wait3A_60] : memref<8x128xi32, #tpu.memory_space<vmem>> -> memref<1x128xi32, #tpu.memory_space<vmem>>
    %dma_wait3A_62 = tpu.memref_squeeze %dma_wait3A_61 : memref<1x128xi32, #tpu.memory_space<vmem>> -> memref<128xi32, #tpu.memory_space<vmem>>
    %dma_wait3A_63 = arith.constant 0 : i32
    %dma_wait3A_64 = arith.constant 0 : i32
    %dma_wait3A_65 = tpu.memref_slice %arg2[%dma_wait3A_63, %dma_wait3A_64] : memref<10240x128xf32, #tpu.memory_space<hbm>> -> memref<10240x128xf32, #tpu.memory_space<hbm>>
    tpu.wait_indirect_dma semaphore(%arg20 : memref<!tpu.dma_semaphore, #tpu.memory_space<semaphore_mem>>) src(%dma_wait3A_65 : memref<10240x128xf32, #tpu.memory_space<hbm>>) dst(%arg15 : memref<128x128xf32, #tpu.memory_space<vmem>>)
    %dma_wait3A_66 = arith.constant 0 : i32
    %dma_wait3A_67 = tpu.memref_slice %arg3[%mul3A_6, %dma_wait3A_66] : memref<2560x128xi32, #tpu.memory_space<hbm>> -> memref<8x128xi32, #tpu.memory_space<hbm>>
    %dma_wait3A_68 = arith.constant 0 : i32
    %dma_wait3A_69 = tpu.memref_slice %arg3[%mul3A_6, %dma_wait3A_68] : memref<2560x128xi32, #tpu.memory_space<hbm>> -> memref<8x128xi32, #tpu.memory_space<hbm>>
    tpu.wait_dma2 semaphore(%arg18 : memref<!tpu.dma_semaphore, #tpu.memory_space<semaphore_mem>>) src(%dma_wait3A_69 : memref<8x128xi32, #tpu.memory_space<hbm>>) dst(%arg11 : memref<8x128xi32, #tpu.memory_space<vmem>>)
    %dma_wait3A_70 = arith.constant 0 : i32
    %dma_wait3A_71 = tpu.memref_slice %arg4[%mul3A_6, %dma_wait3A_70] : memref<2560x128xi32, #tpu.memory_space<hbm>> -> memref<8x128xi32, #tpu.memory_space<hbm>>
    %dma_wait3A_72 = arith.constant 0 : i32
    %dma_wait3A_73 = tpu.memref_slice %arg4[%mul3A_6, %dma_wait3A_72] : memref<2560x128xi32, #tpu.memory_space<hbm>> -> memref<8x128xi32, #tpu.memory_space<hbm>>
    tpu.wait_dma2 semaphore(%arg18 : memref<!tpu.dma_semaphore, #tpu.memory_space<semaphore_mem>>) src(%dma_wait3A_73 : memref<8x128xi32, #tpu.memory_space<hbm>>) dst(%arg13 : memref<8x128xi32, #tpu.memory_space<vmem>>)
    %barrier3A_74 = arith.constant 0 : index
    tpu.barrier barrier_id(%barrier3A_74)
    %add3A_75 = arith.constant 0 : i32
    %add3A_76 = arith.addi %mul3A_4, %add3A_75 : i32
    "tpu.region"() ({
      %run_scoped3A = tpu.sem_alloc : memref<!tpu.dma_semaphore, #tpu.memory_space<semaphore_mem>>
      %dma_start3A_107 = arith.constant 0 : i32
      %dma_start3A_108 = arith.constant 0 : i32
      %dma_start3A_109 = tpu.memref_slice %arg14[%dma_start3A_107, %dma_start3A_108] : memref<128x128xf32, #tpu.memory_space<vmem>> -> memref<128x128xf32, #tpu.memory_space<vmem>>
      %dma_start3A_110 = arith.constant 0 : i32
      %dma_start3A_111 = tpu.memref_slice %arg23[%add3A_76, %dma_start3A_110] : memref<10240x128xf32, #tpu.memory_space<vmem_shared>> -> memref<128x128xf32, #tpu.memory_space<vmem_shared>>
      %dma_start3A_112 = arith.constant 0 : i32
      %dma_start3A_113 = arith.constant 0 : i32
      %dma_start3A_114 = tpu.memref_slice %arg14[%dma_start3A_112, %dma_start3A_113] : memref<128x128xf32, #tpu.memory_space<vmem>> -> memref<128x128xf32, #tpu.memory_space<vmem>>
      %dma_start3A_115 = arith.constant 0 : i32
      %dma_start3A_116 = tpu.memref_slice %arg23[%add3A_76, %dma_start3A_115] : memref<10240x128xf32, #tpu.memory_space<vmem_shared>> -> memref<128x128xf32, #tpu.memory_space<vmem_shared>>
      tpu.enqueue_dma source(%dma_start3A_116 : memref<128x128xf32, #tpu.memory_space<vmem_shared>>) target(%dma_start3A_114 : memref<128x128xf32, #tpu.memory_space<vmem>>) target_semaphore(%run_scoped3A : memref<!tpu.dma_semaphore, #tpu.memory_space<semaphore_mem>>)
      %dma_wait3A_117 = arith.constant 0 : i32
      %dma_wait3A_118 = arith.constant 0 : i32
      %dma_wait3A_119 = tpu.memref_slice %arg14[%dma_wait3A_117, %dma_wait3A_118] : memref<128x128xf32, #tpu.memory_space<vmem>> -> memref<128x128xf32, #tpu.memory_space<vmem>>
      %dma_wait3A_120 = arith.constant 0 : i32
      %dma_wait3A_121 = tpu.memref_slice %arg23[%add3A_76, %dma_wait3A_120] : memref<10240x128xf32, #tpu.memory_space<vmem_shared>> -> memref<128x128xf32, #tpu.memory_space<vmem_shared>>
      %dma_wait3A_122 = arith.constant 0 : i32
      %dma_wait3A_123 = arith.constant 0 : i32
      %dma_wait3A_124 = tpu.memref_slice %arg14[%dma_wait3A_122, %dma_wait3A_123] : memref<128x128xf32, #tpu.memory_space<vmem>> -> memref<128x128xf32, #tpu.memory_space<vmem>>
      %dma_wait3A_125 = arith.constant 0 : i32
      %dma_wait3A_126 = tpu.memref_slice %arg23[%add3A_76, %dma_wait3A_125] : memref<10240x128xf32, #tpu.memory_space<vmem_shared>> -> memref<128x128xf32, #tpu.memory_space<vmem_shared>>
      tpu.wait_dma2 semaphore(%run_scoped3A : memref<!tpu.dma_semaphore, #tpu.memory_space<semaphore_mem>>) src(%dma_wait3A_126 : memref<128x128xf32, #tpu.memory_space<vmem_shared>>) dst(%dma_wait3A_124 : memref<128x128xf32, #tpu.memory_space<vmem>>)
      tpu.yield
    }) : () -> ()
    %add3A_77 = arith.constant 0 : i32
    %add3A_78 = arith.addi %mul3A_4, %add3A_77 : i32
    "tpu.region"() ({
      %run_scoped3A = tpu.sem_alloc : memref<!tpu.dma_semaphore, #tpu.memory_space<semaphore_mem>>
      %dma_start3A_107 = arith.constant 0 : i32
      %dma_start3A_108 = arith.constant 0 : i32
      %dma_start3A_109 = tpu.memref_slice %arg14[%dma_start3A_107, %dma_start3A_108] : memref<128x128xf32, #tpu.memory_space<vmem>> -> memref<128x128xf32, #tpu.memory_space<vmem>>
      %dma_start3A_110 = arith.constant 0 : i32
      %dma_start3A_111 = arith.constant 0 : i32
      %dma_start3A_112 = tpu.memref_slice %arg8[%arg0, %dma_start3A_110, %dma_start3A_111] : memref<2x10240x128xf32, #tpu.memory_space<hbm>> -> memref<1x10240x128xf32, #tpu.memory_space<hbm>>
      %dma_start3A_113 = tpu.memref_squeeze %dma_start3A_112 : memref<1x10240x128xf32, #tpu.memory_space<hbm>> -> memref<10240x128xf32, #tpu.memory_space<hbm>>
      %dma_start3A_114 = arith.constant 0 : i32
      %dma_start3A_115 = tpu.memref_slice %dma_start3A_113[%add3A_78, %dma_start3A_114] : memref<10240x128xf32, #tpu.memory_space<hbm>> -> memref<128x128xf32, #tpu.memory_space<hbm>>
      %dma_start3A_116 = arith.constant 0 : i32
      %dma_start3A_117 = arith.constant 0 : i32
      %dma_start3A_118 = tpu.memref_slice %arg8[%arg0, %dma_start3A_116, %dma_start3A_117] : memref<2x10240x128xf32, #tpu.memory_space<hbm>> -> memref<1x10240x128xf32, #tpu.memory_space<hbm>>
      %dma_start3A_119 = tpu.memref_squeeze %dma_start3A_118 : memref<1x10240x128xf32, #tpu.memory_space<hbm>> -> memref<10240x128xf32, #tpu.memory_space<hbm>>
      %dma_start3A_120 = arith.constant 0 : i32
      %dma_start3A_121 = tpu.memref_slice %dma_start3A_119[%add3A_78, %dma_start3A_120] : memref<10240x128xf32, #tpu.memory_space<hbm>> -> memref<128x128xf32, #tpu.memory_space<hbm>>
      %dma_start3A_122 = arith.constant 0 : i32
      %dma_start3A_123 = arith.constant 0 : i32
      %dma_start3A_124 = tpu.memref_slice %arg14[%dma_start3A_122, %dma_start3A_123] : memref<128x128xf32, #tpu.memory_space<vmem>> -> memref<128x128xf32, #tpu.memory_space<vmem>>
      tpu.enqueue_dma source(%dma_start3A_124 : memref<128x128xf32, #tpu.memory_space<vmem>>) target(%dma_start3A_121 : memref<128x128xf32, #tpu.memory_space<hbm>>) target_semaphore(%run_scoped3A : memref<!tpu.dma_semaphore, #tpu.memory_space<semaphore_mem>>)
      %dma_wait3A_125 = arith.constant 0 : i32
      %dma_wait3A_126 = arith.constant 0 : i32
      %dma_wait3A_127 = tpu.memref_slice %arg14[%dma_wait3A_125, %dma_wait3A_126] : memref<128x128xf32, #tpu.memory_space<vmem>> -> memref<128x128xf32, #tpu.memory_space<vmem>>
      %dma_wait3A_128 = arith.constant 0 : i32
      %dma_wait3A_129 = arith.constant 0 : i32
      %dma_wait3A_130 = tpu.memref_slice %arg8[%arg0, %dma_wait3A_128, %dma_wait3A_129] : memref<2x10240x128xf32, #tpu.memory_space<hbm>> -> memref<1x10240x128xf32, #tpu.memory_space<hbm>>
      %dma_wait3A_131 = tpu.memref_squeeze %dma_wait3A_130 : memref<1x10240x128xf32, #tpu.memory_space<hbm>> -> memref<10240x128xf32, #tpu.memory_space<hbm>>
      %dma_wait3A_132 = arith.constant 0 : i32
      %dma_wait3A_133 = tpu.memref_slice %dma_wait3A_131[%add3A_78, %dma_wait3A_132] : memref<10240x128xf32, #tpu.memory_space<hbm>> -> memref<128x128xf32, #tpu.memory_space<hbm>>
      %dma_wait3A_134 = arith.constant 0 : i32
      %dma_wait3A_135 = arith.constant 0 : i32
      %dma_wait3A_136 = tpu.memref_slice %arg8[%arg0, %dma_wait3A_134, %dma_wait3A_135] : memref<2x10240x128xf32, #tpu.memory_space<hbm>> -> memref<1x10240x128xf32, #tpu.memory_space<hbm>>
      %dma_wait3A_137 = tpu.memref_squeeze %dma_wait3A_136 : memref<1x10240x128xf32, #tpu.memory_space<hbm>> -> memref<10240x128xf32, #tpu.memory_space<hbm>>
      %dma_wait3A_138 = arith.constant 0 : i32
      %dma_wait3A_139 = tpu.memref_slice %dma_wait3A_137[%add3A_78, %dma_wait3A_138] : memref<10240x128xf32, #tpu.memory_space<hbm>> -> memref<128x128xf32, #tpu.memory_space<hbm>>
      %dma_wait3A_140 = arith.constant 0 : i32
      %dma_wait3A_141 = arith.constant 0 : i32
      %dma_wait3A_142 = tpu.memref_slice %arg14[%dma_wait3A_140, %dma_wait3A_141] : memref<128x128xf32, #tpu.memory_space<vmem>> -> memref<128x128xf32, #tpu.memory_space<vmem>>
      tpu.wait_dma2 semaphore(%run_scoped3A : memref<!tpu.dma_semaphore, #tpu.memory_space<semaphore_mem>>) src(%dma_wait3A_142 : memref<128x128xf32, #tpu.memory_space<vmem>>) dst(%dma_wait3A_139 : memref<128x128xf32, #tpu.memory_space<hbm>>)
      tpu.yield
    }) : () -> ()
    %add3A_79 = arith.constant 128 : i32
    %add3A_80 = arith.addi %mul3A_4, %add3A_79 : i32
    "tpu.region"() ({
      %run_scoped3A = tpu.sem_alloc : memref<!tpu.dma_semaphore, #tpu.memory_space<semaphore_mem>>
      %dma_start3A_107 = arith.constant 0 : i32
      %dma_start3A_108 = arith.constant 0 : i32
      %dma_start3A_109 = tpu.memref_slice %arg14[%dma_start3A_107, %dma_start3A_108] : memref<128x128xf32, #tpu.memory_space<vmem>> -> memref<128x128xf32, #tpu.memory_space<vmem>>
      %dma_start3A_110 = arith.constant 0 : i32
      %dma_start3A_111 = tpu.memref_slice %arg23[%add3A_80, %dma_start3A_110] : memref<10240x128xf32, #tpu.memory_space<vmem_shared>> -> memref<128x128xf32, #tpu.memory_space<vmem_shared>>
      %dma_start3A_112 = arith.constant 0 : i32
      %dma_start3A_113 = arith.constant 0 : i32
      %dma_start3A_114 = tpu.memref_slice %arg14[%dma_start3A_112, %dma_start3A_113] : memref<128x128xf32, #tpu.memory_space<vmem>> -> memref<128x128xf32, #tpu.memory_space<vmem>>
      %dma_start3A_115 = arith.constant 0 : i32
      %dma_start3A_116 = tpu.memref_slice %arg23[%add3A_80, %dma_start3A_115] : memref<10240x128xf32, #tpu.memory_space<vmem_shared>> -> memref<128x128xf32, #tpu.memory_space<vmem_shared>>
      tpu.enqueue_dma source(%dma_start3A_116 : memref<128x128xf32, #tpu.memory_space<vmem_shared>>) target(%dma_start3A_114 : memref<128x128xf32, #tpu.memory_space<vmem>>) target_semaphore(%run_scoped3A : memref<!tpu.dma_semaphore, #tpu.memory_space<semaphore_mem>>)
      %dma_wait3A_117 = arith.constant 0 : i32
      %dma_wait3A_118 = arith.constant 0 : i32
      %dma_wait3A_119 = tpu.memref_slice %arg14[%dma_wait3A_117, %dma_wait3A_118] : memref<128x128xf32, #tpu.memory_space<vmem>> -> memref<128x128xf32, #tpu.memory_space<vmem>>
      %dma_wait3A_120 = arith.constant 0 : i32
      %dma_wait3A_121 = tpu.memref_slice %arg23[%add3A_80, %dma_wait3A_120] : memref<10240x128xf32, #tpu.memory_space<vmem_shared>> -> memref<128x128xf32, #tpu.memory_space<vmem_shared>>
      %dma_wait3A_122 = arith.constant 0 : i32
      %dma_wait3A_123 = arith.constant 0 : i32
      %dma_wait3A_124 = tpu.memref_slice %arg14[%dma_wait3A_122, %dma_wait3A_123] : memref<128x128xf32, #tpu.memory_space<vmem>> -> memref<128x128xf32, #tpu.memory_space<vmem>>
      %dma_wait3A_125 = arith.constant 0 : i32
      %dma_wait3A_126 = tpu.memref_slice %arg23[%add3A_80, %dma_wait3A_125] : memref<10240x128xf32, #tpu.memory_space<vmem_shared>> -> memref<128x128xf32, #tpu.memory_space<vmem_shared>>
      tpu.wait_dma2 semaphore(%run_scoped3A : memref<!tpu.dma_semaphore, #tpu.memory_space<semaphore_mem>>) src(%dma_wait3A_126 : memref<128x128xf32, #tpu.memory_space<vmem_shared>>) dst(%dma_wait3A_124 : memref<128x128xf32, #tpu.memory_space<vmem>>)
      tpu.yield
    }) : () -> ()
    %add3A_81 = arith.constant 128 : i32
    %add3A_82 = arith.addi %mul3A_4, %add3A_81 : i32
    "tpu.region"() ({
      %run_scoped3A = tpu.sem_alloc : memref<!tpu.dma_semaphore, #tpu.memory_space<semaphore_mem>>
      %dma_start3A_107 = arith.constant 0 : i32
      %dma_start3A_108 = arith.constant 0 : i32
      %dma_start3A_109 = tpu.memref_slice %arg14[%dma_start3A_107, %dma_start3A_108] : memref<128x128xf32, #tpu.memory_space<vmem>> -> memref<128x128xf32, #tpu.memory_space<vmem>>
      %dma_start3A_110 = arith.constant 0 : i32
      %dma_start3A_111 = arith.constant 0 : i32
      %dma_start3A_112 = tpu.memref_slice %arg8[%arg0, %dma_start3A_110, %dma_start3A_111] : memref<2x10240x128xf32, #tpu.memory_space<hbm>> -> memref<1x10240x128xf32, #tpu.memory_space<hbm>>
      %dma_start3A_113 = tpu.memref_squeeze %dma_start3A_112 : memref<1x10240x128xf32, #tpu.memory_space<hbm>> -> memref<10240x128xf32, #tpu.memory_space<hbm>>
      %dma_start3A_114 = arith.constant 0 : i32
      %dma_start3A_115 = tpu.memref_slice %dma_start3A_113[%add3A_82, %dma_start3A_114] : memref<10240x128xf32, #tpu.memory_space<hbm>> -> memref<128x128xf32, #tpu.memory_space<hbm>>
      %dma_start3A_116 = arith.constant 0 : i32
      %dma_start3A_117 = arith.constant 0 : i32
      %dma_start3A_118 = tpu.memref_slice %arg8[%arg0, %dma_start3A_116, %dma_start3A_117] : memref<2x10240x128xf32, #tpu.memory_space<hbm>> -> memref<1x10240x128xf32, #tpu.memory_space<hbm>>
      %dma_start3A_119 = tpu.memref_squeeze %dma_start3A_118 : memref<1x10240x128xf32, #tpu.memory_space<hbm>> -> memref<10240x128xf32, #tpu.memory_space<hbm>>
      %dma_start3A_120 = arith.constant 0 : i32
      %dma_start3A_121 = tpu.memref_slice %dma_start3A_119[%add3A_82, %dma_start3A_120] : memref<10240x128xf32, #tpu.memory_space<hbm>> -> memref<128x128xf32, #tpu.memory_space<hbm>>
      %dma_start3A_122 = arith.constant 0 : i32
      %dma_start3A_123 = arith.constant 0 : i32
      %dma_start3A_124 = tpu.memref_slice %arg14[%dma_start3A_122, %dma_start3A_123] : memref<128x128xf32, #tpu.memory_space<vmem>> -> memref<128x128xf32, #tpu.memory_space<vmem>>
      tpu.enqueue_dma source(%dma_start3A_124 : memref<128x128xf32, #tpu.memory_space<vmem>>) target(%dma_start3A_121 : memref<128x128xf32, #tpu.memory_space<hbm>>) target_semaphore(%run_scoped3A : memref<!tpu.dma_semaphore, #tpu.memory_space<semaphore_mem>>)
      %dma_wait3A_125 = arith.constant 0 : i32
      %dma_wait3A_126 = arith.constant 0 : i32
      %dma_wait3A_127 = tpu.memref_slice %arg14[%dma_wait3A_125, %dma_wait3A_126] : memref<128x128xf32, #tpu.memory_space<vmem>> -> memref<128x128xf32, #tpu.memory_space<vmem>>
      %dma_wait3A_128 = arith.constant 0 : i32
      %dma_wait3A_129 = arith.constant 0 : i32
      %dma_wait3A_130 = tpu.memref_slice %arg8[%arg0, %dma_wait3A_128, %dma_wait3A_129] : memref<2x10240x128xf32, #tpu.memory_space<hbm>> -> memref<1x10240x128xf32, #tpu.memory_space<hbm>>
      %dma_wait3A_131 = tpu.memref_squeeze %dma_wait3A_130 : memref<1x10240x128xf32, #tpu.memory_space<hbm>> -> memref<10240x128xf32, #tpu.memory_space<hbm>>
      %dma_wait3A_132 = arith.constant 0 : i32
      %dma_wait3A_133 = tpu.memref_slice %dma_wait3A_131[%add3A_82, %dma_wait3A_132] : memref<10240x128xf32, #tpu.memory_space<hbm>> -> memref<128x128xf32, #tpu.memory_space<hbm>>
      %dma_wait3A_134 = arith.constant 0 : i32
      %dma_wait3A_135 = arith.constant 0 : i32
      %dma_wait3A_136 = tpu.memref_slice %arg8[%arg0, %dma_wait3A_134, %dma_wait3A_135] : memref<2x10240x128xf32, #tpu.memory_space<hbm>> -> memref<1x10240x128xf32, #tpu.memory_space<hbm>>
      %dma_wait3A_137 = tpu.memref_squeeze %dma_wait3A_136 : memref<1x10240x128xf32, #tpu.memory_space<hbm>> -> memref<10240x128xf32, #tpu.memory_space<hbm>>
      %dma_wait3A_138 = arith.constant 0 : i32
      %dma_wait3A_139 = tpu.memref_slice %dma_wait3A_137[%add3A_82, %dma_wait3A_138] : memref<10240x128xf32, #tpu.memory_space<hbm>> -> memref<128x128xf32, #tpu.memory_space<hbm>>
      %dma_wait3A_140 = arith.constant 0 : i32
      %dma_wait3A_141 = arith.constant 0 : i32
      %dma_wait3A_142 = tpu.memref_slice %arg14[%dma_wait3A_140, %dma_wait3A_141] : memref<128x128xf32, #tpu.memory_space<vmem>> -> memref<128x128xf32, #tpu.memory_space<vmem>>
      tpu.wait_dma2 semaphore(%run_scoped3A : memref<!tpu.dma_semaphore, #tpu.memory_space<semaphore_mem>>) src(%dma_wait3A_142 : memref<128x128xf32, #tpu.memory_space<vmem>>) dst(%dma_wait3A_139 : memref<128x128xf32, #tpu.memory_space<hbm>>)
      tpu.yield
    }) : () -> ()
    %add3A_83 = arith.constant 256 : i32
    %add3A_84 = arith.addi %mul3A_4, %add3A_83 : i32
    "tpu.region"() ({
      %run_scoped3A = tpu.sem_alloc : memref<!tpu.dma_semaphore, #tpu.memory_space<semaphore_mem>>
      %dma_start3A_107 = arith.constant 0 : i32
      %dma_start3A_108 = arith.constant 0 : i32
      %dma_start3A_109 = tpu.memref_slice %arg14[%dma_start3A_107, %dma_start3A_108] : memref<128x128xf32, #tpu.memory_space<vmem>> -> memref<128x128xf32, #tpu.memory_space<vmem>>
      %dma_start3A_110 = arith.constant 0 : i32
      %dma_start3A_111 = tpu.memref_slice %arg23[%add3A_84, %dma_start3A_110] : memref<10240x128xf32, #tpu.memory_space<vmem_shared>> -> memref<128x128xf32, #tpu.memory_space<vmem_shared>>
      %dma_start3A_112 = arith.constant 0 : i32
      %dma_start3A_113 = arith.constant 0 : i32
      %dma_start3A_114 = tpu.memref_slice %arg14[%dma_start3A_112, %dma_start3A_113] : memref<128x128xf32, #tpu.memory_space<vmem>> -> memref<128x128xf32, #tpu.memory_space<vmem>>
      %dma_start3A_115 = arith.constant 0 : i32
      %dma_start3A_116 = tpu.memref_slice %arg23[%add3A_84, %dma_start3A_115] : memref<10240x128xf32, #tpu.memory_space<vmem_shared>> -> memref<128x128xf32, #tpu.memory_space<vmem_shared>>
      tpu.enqueue_dma source(%dma_start3A_116 : memref<128x128xf32, #tpu.memory_space<vmem_shared>>) target(%dma_start3A_114 : memref<128x128xf32, #tpu.memory_space<vmem>>) target_semaphore(%run_scoped3A : memref<!tpu.dma_semaphore, #tpu.memory_space<semaphore_mem>>)
      %dma_wait3A_117 = arith.constant 0 : i32
      %dma_wait3A_118 = arith.constant 0 : i32
      %dma_wait3A_119 = tpu.memref_slice %arg14[%dma_wait3A_117, %dma_wait3A_118] : memref<128x128xf32, #tpu.memory_space<vmem>> -> memref<128x128xf32, #tpu.memory_space<vmem>>
      %dma_wait3A_120 = arith.constant 0 : i32
      %dma_wait3A_121 = tpu.memref_slice %arg23[%add3A_84, %dma_wait3A_120] : memref<10240x128xf32, #tpu.memory_space<vmem_shared>> -> memref<128x128xf32, #tpu.memory_space<vmem_shared>>
      %dma_wait3A_122 = arith.constant 0 : i32
      %dma_wait3A_123 = arith.constant 0 : i32
      %dma_wait3A_124 = tpu.memref_slice %arg14[%dma_wait3A_122, %dma_wait3A_123] : memref<128x128xf32, #tpu.memory_space<vmem>> -> memref<128x128xf32, #tpu.memory_space<vmem>>
      %dma_wait3A_125 = arith.constant 0 : i32
      %dma_wait3A_126 = tpu.memref_slice %arg23[%add3A_84, %dma_wait3A_125] : memref<10240x128xf32, #tpu.memory_space<vmem_shared>> -> memref<128x128xf32, #tpu.memory_space<vmem_shared>>
      tpu.wait_dma2 semaphore(%run_scoped3A : memref<!tpu.dma_semaphore, #tpu.memory_space<semaphore_mem>>) src(%dma_wait3A_126 : memref<128x128xf32, #tpu.memory_space<vmem_shared>>) dst(%dma_wait3A_124 : memref<128x128xf32, #tpu.memory_space<vmem>>)
      tpu.yield
    }) : () -> ()
    %add3A_85 = arith.constant 256 : i32
    %add3A_86 = arith.addi %mul3A_4, %add3A_85 : i32
    "tpu.region"() ({
      %run_scoped3A = tpu.sem_alloc : memref<!tpu.dma_semaphore, #tpu.memory_space<semaphore_mem>>
      %dma_start3A_107 = arith.constant 0 : i32
      %dma_start3A_108 = arith.constant 0 : i32
      %dma_start3A_109 = tpu.memref_slice %arg14[%dma_start3A_107, %dma_start3A_108] : memref<128x128xf32, #tpu.memory_space<vmem>> -> memref<128x128xf32, #tpu.memory_space<vmem>>
      %dma_start3A_110 = arith.constant 0 : i32
      %dma_start3A_111 = arith.constant 0 : i32
      %dma_start3A_112 = tpu.memref_slice %arg8[%arg0, %dma_start3A_110, %dma_start3A_111] : memref<2x10240x128xf32, #tpu.memory_space<hbm>> -> memref<1x10240x128xf32, #tpu.memory_space<hbm>>
      %dma_start3A_113 = tpu.memref_squeeze %dma_start3A_112 : memref<1x10240x128xf32, #tpu.memory_space<hbm>> -> memref<10240x128xf32, #tpu.memory_space<hbm>>
      %dma_start3A_114 = arith.constant 0 : i32
      %dma_start3A_115 = tpu.memref_slice %dma_start3A_113[%add3A_86, %dma_start3A_114] : memref<10240x128xf32, #tpu.memory_space<hbm>> -> memref<128x128xf32, #tpu.memory_space<hbm>>
      %dma_start3A_116 = arith.constant 0 : i32
      %dma_start3A_117 = arith.constant 0 : i32
      %dma_start3A_118 = tpu.memref_slice %arg8[%arg0, %dma_start3A_116, %dma_start3A_117] : memref<2x10240x128xf32, #tpu.memory_space<hbm>> -> memref<1x10240x128xf32, #tpu.memory_space<hbm>>
      %dma_start3A_119 = tpu.memref_squeeze %dma_start3A_118 : memref<1x10240x128xf32, #tpu.memory_space<hbm>> -> memref<10240x128xf32, #tpu.memory_space<hbm>>
      %dma_start3A_120 = arith.constant 0 : i32
      %dma_start3A_121 = tpu.memref_slice %dma_start3A_119[%add3A_86, %dma_start3A_120] : memref<10240x128xf32, #tpu.memory_space<hbm>> -> memref<128x128xf32, #tpu.memory_space<hbm>>
      %dma_start3A_122 = arith.constant 0 : i32
      %dma_start3A_123 = arith.constant 0 : i32
      %dma_start3A_124 = tpu.memref_slice %arg14[%dma_start3A_122, %dma_start3A_123] : memref<128x128xf32, #tpu.memory_space<vmem>> -> memref<128x128xf32, #tpu.memory_space<vmem>>
      tpu.enqueue_dma source(%dma_start3A_124 : memref<128x128xf32, #tpu.memory_space<vmem>>) target(%dma_start3A_121 : memref<128x128xf32, #tpu.memory_space<hbm>>) target_semaphore(%run_scoped3A : memref<!tpu.dma_semaphore, #tpu.memory_space<semaphore_mem>>)
      %dma_wait3A_125 = arith.constant 0 : i32
      %dma_wait3A_126 = arith.constant 0 : i32
      %dma_wait3A_127 = tpu.memref_slice %arg14[%dma_wait3A_125, %dma_wait3A_126] : memref<128x128xf32, #tpu.memory_space<vmem>> -> memref<128x128xf32, #tpu.memory_space<vmem>>
      %dma_wait3A_128 = arith.constant 0 : i32
      %dma_wait3A_129 = arith.constant 0 : i32
      %dma_wait3A_130 = tpu.memref_slice %arg8[%arg0, %dma_wait3A_128, %dma_wait3A_129] : memref<2x10240x128xf32, #tpu.memory_space<hbm>> -> memref<1x10240x128xf32, #tpu.memory_space<hbm>>
      %dma_wait3A_131 = tpu.memref_squeeze %dma_wait3A_130 : memref<1x10240x128xf32, #tpu.memory_space<hbm>> -> memref<10240x128xf32, #tpu.memory_space<hbm>>
      %dma_wait3A_132 = arith.constant 0 : i32
      %dma_wait3A_133 = tpu.memref_slice %dma_wait3A_131[%add3A_86, %dma_wait3A_132] : memref<10240x128xf32, #tpu.memory_space<hbm>> -> memref<128x128xf32, #tpu.memory_space<hbm>>
      %dma_wait3A_134 = arith.constant 0 : i32
      %dma_wait3A_135 = arith.constant 0 : i32
      %dma_wait3A_136 = tpu.memref_slice %arg8[%arg0, %dma_wait3A_134, %dma_wait3A_135] : memref<2x10240x128xf32, #tpu.memory_space<hbm>> -> memref<1x10240x128xf32, #tpu.memory_space<hbm>>
      %dma_wait3A_137 = tpu.memref_squeeze %dma_wait3A_136 : memref<1x10240x128xf32, #tpu.memory_space<hbm>> -> memref<10240x128xf32, #tpu.memory_space<hbm>>
      %dma_wait3A_138 = arith.constant 0 : i32
      %dma_wait3A_139 = tpu.memref_slice %dma_wait3A_137[%add3A_86, %dma_wait3A_138] : memref<10240x128xf32, #tpu.memory_space<hbm>> -> memref<128x128xf32, #tpu.memory_space<hbm>>
      %dma_wait3A_140 = arith.constant 0 : i32
      %dma_wait3A_141 = arith.constant 0 : i32
      %dma_wait3A_142 = tpu.memref_slice %arg14[%dma_wait3A_140, %dma_wait3A_141] : memref<128x128xf32, #tpu.memory_space<vmem>> -> memref<128x128xf32, #tpu.memory_space<vmem>>
      tpu.wait_dma2 semaphore(%run_scoped3A : memref<!tpu.dma_semaphore, #tpu.memory_space<semaphore_mem>>) src(%dma_wait3A_142 : memref<128x128xf32, #tpu.memory_space<vmem>>) dst(%dma_wait3A_139 : memref<128x128xf32, #tpu.memory_space<hbm>>)
      tpu.yield
    }) : () -> ()
    %add3A_87 = arith.constant 384 : i32
    %add3A_88 = arith.addi %mul3A_4, %add3A_87 : i32
    "tpu.region"() ({
      %run_scoped3A = tpu.sem_alloc : memref<!tpu.dma_semaphore, #tpu.memory_space<semaphore_mem>>
      %dma_start3A_107 = arith.constant 0 : i32
      %dma_start3A_108 = arith.constant 0 : i32
      %dma_start3A_109 = tpu.memref_slice %arg14[%dma_start3A_107, %dma_start3A_108] : memref<128x128xf32, #tpu.memory_space<vmem>> -> memref<128x128xf32, #tpu.memory_space<vmem>>
      %dma_start3A_110 = arith.constant 0 : i32
      %dma_start3A_111 = tpu.memref_slice %arg23[%add3A_88, %dma_start3A_110] : memref<10240x128xf32, #tpu.memory_space<vmem_shared>> -> memref<128x128xf32, #tpu.memory_space<vmem_shared>>
      %dma_start3A_112 = arith.constant 0 : i32
      %dma_start3A_113 = arith.constant 0 : i32
      %dma_start3A_114 = tpu.memref_slice %arg14[%dma_start3A_112, %dma_start3A_113] : memref<128x128xf32, #tpu.memory_space<vmem>> -> memref<128x128xf32, #tpu.memory_space<vmem>>
      %dma_start3A_115 = arith.constant 0 : i32
      %dma_start3A_116 = tpu.memref_slice %arg23[%add3A_88, %dma_start3A_115] : memref<10240x128xf32, #tpu.memory_space<vmem_shared>> -> memref<128x128xf32, #tpu.memory_space<vmem_shared>>
      tpu.enqueue_dma source(%dma_start3A_116 : memref<128x128xf32, #tpu.memory_space<vmem_shared>>) target(%dma_start3A_114 : memref<128x128xf32, #tpu.memory_space<vmem>>) target_semaphore(%run_scoped3A : memref<!tpu.dma_semaphore, #tpu.memory_space<semaphore_mem>>)
      %dma_wait3A_117 = arith.constant 0 : i32
      %dma_wait3A_118 = arith.constant 0 : i32
      %dma_wait3A_119 = tpu.memref_slice %arg14[%dma_wait3A_117, %dma_wait3A_118] : memref<128x128xf32, #tpu.memory_space<vmem>> -> memref<128x128xf32, #tpu.memory_space<vmem>>
      %dma_wait3A_120 = arith.constant 0 : i32
      %dma_wait3A_121 = tpu.memref_slice %arg23[%add3A_88, %dma_wait3A_120] : memref<10240x128xf32, #tpu.memory_space<vmem_shared>> -> memref<128x128xf32, #tpu.memory_space<vmem_shared>>
      %dma_wait3A_122 = arith.constant 0 : i32
      %dma_wait3A_123 = arith.constant 0 : i32
      %dma_wait3A_124 = tpu.memref_slice %arg14[%dma_wait3A_122, %dma_wait3A_123] : memref<128x128xf32, #tpu.memory_space<vmem>> -> memref<128x128xf32, #tpu.memory_space<vmem>>
      %dma_wait3A_125 = arith.constant 0 : i32
      %dma_wait3A_126 = tpu.memref_slice %arg23[%add3A_88, %dma_wait3A_125] : memref<10240x128xf32, #tpu.memory_space<vmem_shared>> -> memref<128x128xf32, #tpu.memory_space<vmem_shared>>
      tpu.wait_dma2 semaphore(%run_scoped3A : memref<!tpu.dma_semaphore, #tpu.memory_space<semaphore_mem>>) src(%dma_wait3A_126 : memref<128x128xf32, #tpu.memory_space<vmem_shared>>) dst(%dma_wait3A_124 : memref<128x128xf32, #tpu.memory_space<vmem>>)
      tpu.yield
    }) : () -> ()
    %add3A_89 = arith.constant 384 : i32
    %add3A_90 = arith.addi %mul3A_4, %add3A_89 : i32
    "tpu.region"() ({
      %run_scoped3A = tpu.sem_alloc : memref<!tpu.dma_semaphore, #tpu.memory_space<semaphore_mem>>
      %dma_start3A_107 = arith.constant 0 : i32
      %dma_start3A_108 = arith.constant 0 : i32
      %dma_start3A_109 = tpu.memref_slice %arg14[%dma_start3A_107, %dma_start3A_108] : memref<128x128xf32, #tpu.memory_space<vmem>> -> memref<128x128xf32, #tpu.memory_space<vmem>>
      %dma_start3A_110 = arith.constant 0 : i32
      %dma_start3A_111 = arith.constant 0 : i32
      %dma_start3A_112 = tpu.memref_slice %arg8[%arg0, %dma_start3A_110, %dma_start3A_111] : memref<2x10240x128xf32, #tpu.memory_space<hbm>> -> memref<1x10240x128xf32, #tpu.memory_space<hbm>>
      %dma_start3A_113 = tpu.memref_squeeze %dma_start3A_112 : memref<1x10240x128xf32, #tpu.memory_space<hbm>> -> memref<10240x128xf32, #tpu.memory_space<hbm>>
      %dma_start3A_114 = arith.constant 0 : i32
      %dma_start3A_115 = tpu.memref_slice %dma_start3A_113[%add3A_90, %dma_start3A_114] : memref<10240x128xf32, #tpu.memory_space<hbm>> -> memref<128x128xf32, #tpu.memory_space<hbm>>
      %dma_start3A_116 = arith.constant 0 : i32
      %dma_start3A_117 = arith.constant 0 : i32
      %dma_start3A_118 = tpu.memref_slice %arg8[%arg0, %dma_start3A_116, %dma_start3A_117] : memref<2x10240x128xf32, #tpu.memory_space<hbm>> -> memref<1x10240x128xf32, #tpu.memory_space<hbm>>
      %dma_start3A_119 = tpu.memref_squeeze %dma_start3A_118 : memref<1x10240x128xf32, #tpu.memory_space<hbm>> -> memref<10240x128xf32, #tpu.memory_space<hbm>>
      %dma_start3A_120 = arith.constant 0 : i32
      %dma_start3A_121 = tpu.memref_slice %dma_start3A_119[%add3A_90, %dma_start3A_120] : memref<10240x128xf32, #tpu.memory_space<hbm>> -> memref<128x128xf32, #tpu.memory_space<hbm>>
      %dma_start3A_122 = arith.constant 0 : i32
      %dma_start3A_123 = arith.constant 0 : i32
      %dma_start3A_124 = tpu.memref_slice %arg14[%dma_start3A_122, %dma_start3A_123] : memref<128x128xf32, #tpu.memory_space<vmem>> -> memref<128x128xf32, #tpu.memory_space<vmem>>
      tpu.enqueue_dma source(%dma_start3A_124 : memref<128x128xf32, #tpu.memory_space<vmem>>) target(%dma_start3A_121 : memref<128x128xf32, #tpu.memory_space<hbm>>) target_semaphore(%run_scoped3A : memref<!tpu.dma_semaphore, #tpu.memory_space<semaphore_mem>>)
      %dma_wait3A_125 = arith.constant 0 : i32
      %dma_wait3A_126 = arith.constant 0 : i32
      %dma_wait3A_127 = tpu.memref_slice %arg14[%dma_wait3A_125, %dma_wait3A_126] : memref<128x128xf32, #tpu.memory_space<vmem>> -> memref<128x128xf32, #tpu.memory_space<vmem>>
      %dma_wait3A_128 = arith.constant 0 : i32
      %dma_wait3A_129 = arith.constant 0 : i32
      %dma_wait3A_130 = tpu.memref_slice %arg8[%arg0, %dma_wait3A_128, %dma_wait3A_129] : memref<2x10240x128xf32, #tpu.memory_space<hbm>> -> memref<1x10240x128xf32, #tpu.memory_space<hbm>>
      %dma_wait3A_131 = tpu.memref_squeeze %dma_wait3A_130 : memref<1x10240x128xf32, #tpu.memory_space<hbm>> -> memref<10240x128xf32, #tpu.memory_space<hbm>>
      %dma_wait3A_132 = arith.constant 0 : i32
      %dma_wait3A_133 = tpu.memref_slice %dma_wait3A_131[%add3A_90, %dma_wait3A_132] : memref<10240x128xf32, #tpu.memory_space<hbm>> -> memref<128x128xf32, #tpu.memory_space<hbm>>
      %dma_wait3A_134 = arith.constant 0 : i32
      %dma_wait3A_135 = arith.constant 0 : i32
      %dma_wait3A_136 = tpu.memref_slice %arg8[%arg0, %dma_wait3A_134, %dma_wait3A_135] : memref<2x10240x128xf32, #tpu.memory_space<hbm>> -> memref<1x10240x128xf32, #tpu.memory_space<hbm>>
      %dma_wait3A_137 = tpu.memref_squeeze %dma_wait3A_136 : memref<1x10240x128xf32, #tpu.memory_space<hbm>> -> memref<10240x128xf32, #tpu.memory_space<hbm>>
      %dma_wait3A_138 = arith.constant 0 : i32
      %dma_wait3A_139 = tpu.memref_slice %dma_wait3A_137[%add3A_90, %dma_wait3A_138] : memref<10240x128xf32, #tpu.memory_space<hbm>> -> memref<128x128xf32, #tpu.memory_space<hbm>>
      %dma_wait3A_140 = arith.constant 0 : i32
      %dma_wait3A_141 = arith.constant 0 : i32
      %dma_wait3A_142 = tpu.memref_slice %arg14[%dma_wait3A_140, %dma_wait3A_141] : memref<128x128xf32, #tpu.memory_space<vmem>> -> memref<128x128xf32, #tpu.memory_space<vmem>>
      tpu.wait_dma2 semaphore(%run_scoped3A : memref<!tpu.dma_semaphore, #tpu.memory_space<semaphore_mem>>) src(%dma_wait3A_142 : memref<128x128xf32, #tpu.memory_space<vmem>>) dst(%dma_wait3A_139 : memref<128x128xf32, #tpu.memory_space<hbm>>)
      tpu.yield
    }) : () -> ()
    %add3A_91 = arith.constant 512 : i32
    %add3A_92 = arith.addi %mul3A_4, %add3A_91 : i32
    "tpu.region"() ({
      %run_scoped3A = tpu.sem_alloc : memref<!tpu.dma_semaphore, #tpu.memory_space<semaphore_mem>>
      %dma_start3A_107 = arith.constant 0 : i32
      %dma_start3A_108 = arith.constant 0 : i32
      %dma_start3A_109 = tpu.memref_slice %arg14[%dma_start3A_107, %dma_start3A_108] : memref<128x128xf32, #tpu.memory_space<vmem>> -> memref<128x128xf32, #tpu.memory_space<vmem>>
      %dma_start3A_110 = arith.constant 0 : i32
      %dma_start3A_111 = tpu.memref_slice %arg23[%add3A_92, %dma_start3A_110] : memref<10240x128xf32, #tpu.memory_space<vmem_shared>> -> memref<128x128xf32, #tpu.memory_space<vmem_shared>>
      %dma_start3A_112 = arith.constant 0 : i32
      %dma_start3A_113 = arith.constant 0 : i32
      %dma_start3A_114 = tpu.memref_slice %arg14[%dma_start3A_112, %dma_start3A_113] : memref<128x128xf32, #tpu.memory_space<vmem>> -> memref<128x128xf32, #tpu.memory_space<vmem>>
      %dma_start3A_115 = arith.constant 0 : i32
      %dma_start3A_116 = tpu.memref_slice %arg23[%add3A_92, %dma_start3A_115] : memref<10240x128xf32, #tpu.memory_space<vmem_shared>> -> memref<128x128xf32, #tpu.memory_space<vmem_shared>>
      tpu.enqueue_dma source(%dma_start3A_116 : memref<128x128xf32, #tpu.memory_space<vmem_shared>>) target(%dma_start3A_114 : memref<128x128xf32, #tpu.memory_space<vmem>>) target_semaphore(%run_scoped3A : memref<!tpu.dma_semaphore, #tpu.memory_space<semaphore_mem>>)
      %dma_wait3A_117 = arith.constant 0 : i32
      %dma_wait3A_118 = arith.constant 0 : i32
      %dma_wait3A_119 = tpu.memref_slice %arg14[%dma_wait3A_117, %dma_wait3A_118] : memref<128x128xf32, #tpu.memory_space<vmem>> -> memref<128x128xf32, #tpu.memory_space<vmem>>
      %dma_wait3A_120 = arith.constant 0 : i32
      %dma_wait3A_121 = tpu.memref_slice %arg23[%add3A_92, %dma_wait3A_120] : memref<10240x128xf32, #tpu.memory_space<vmem_shared>> -> memref<128x128xf32, #tpu.memory_space<vmem_shared>>
      %dma_wait3A_122 = arith.constant 0 : i32
      %dma_wait3A_123 = arith.constant 0 : i32
      %dma_wait3A_124 = tpu.memref_slice %arg14[%dma_wait3A_122, %dma_wait3A_123] : memref<128x128xf32, #tpu.memory_space<vmem>> -> memref<128x128xf32, #tpu.memory_space<vmem>>
      %dma_wait3A_125 = arith.constant 0 : i32
      %dma_wait3A_126 = tpu.memref_slice %arg23[%add3A_92, %dma_wait3A_125] : memref<10240x128xf32, #tpu.memory_space<vmem_shared>> -> memref<128x128xf32, #tpu.memory_space<vmem_shared>>
      tpu.wait_dma2 semaphore(%run_scoped3A : memref<!tpu.dma_semaphore, #tpu.memory_space<semaphore_mem>>) src(%dma_wait3A_126 : memref<128x128xf32, #tpu.memory_space<vmem_shared>>) dst(%dma_wait3A_124 : memref<128x128xf32, #tpu.memory_space<vmem>>)
      tpu.yield
    }) : () -> ()
    %add3A_93 = arith.constant 512 : i32
    %add3A_94 = arith.addi %mul3A_4, %add3A_93 : i32
    "tpu.region"() ({
      %run_scoped3A = tpu.sem_alloc : memref<!tpu.dma_semaphore, #tpu.memory_space<semaphore_mem>>
      %dma_start3A_107 = arith.constant 0 : i32
      %dma_start3A_108 = arith.constant 0 : i32
      %dma_start3A_109 = tpu.memref_slice %arg14[%dma_start3A_107, %dma_start3A_108] : memref<128x128xf32, #tpu.memory_space<vmem>> -> memref<128x128xf32, #tpu.memory_space<vmem>>
      %dma_start3A_110 = arith.constant 0 : i32
      %dma_start3A_111 = arith.constant 0 : i32
      %dma_start3A_112 = tpu.memref_slice %arg8[%arg0, %dma_start3A_110, %dma_start3A_111] : memref<2x10240x128xf32, #tpu.memory_space<hbm>> -> memref<1x10240x128xf32, #tpu.memory_space<hbm>>
      %dma_start3A_113 = tpu.memref_squeeze %dma_start3A_112 : memref<1x10240x128xf32, #tpu.memory_space<hbm>> -> memref<10240x128xf32, #tpu.memory_space<hbm>>
      %dma_start3A_114 = arith.constant 0 : i32
      %dma_start3A_115 = tpu.memref_slice %dma_start3A_113[%add3A_94, %dma_start3A_114] : memref<10240x128xf32, #tpu.memory_space<hbm>> -> memref<128x128xf32, #tpu.memory_space<hbm>>
      %dma_start3A_116 = arith.constant 0 : i32
      %dma_start3A_117 = arith.constant 0 : i32
      %dma_start3A_118 = tpu.memref_slice %arg8[%arg0, %dma_start3A_116, %dma_start3A_117] : memref<2x10240x128xf32, #tpu.memory_space<hbm>> -> memref<1x10240x128xf32, #tpu.memory_space<hbm>>
      %dma_start3A_119 = tpu.memref_squeeze %dma_start3A_118 : memref<1x10240x128xf32, #tpu.memory_space<hbm>> -> memref<10240x128xf32, #tpu.memory_space<hbm>>
      %dma_start3A_120 = arith.constant 0 : i32
      %dma_start3A_121 = tpu.memref_slice %dma_start3A_119[%add3A_94, %dma_start3A_120] : memref<10240x128xf32, #tpu.memory_space<hbm>> -> memref<128x128xf32, #tpu.memory_space<hbm>>
      %dma_start3A_122 = arith.constant 0 : i32
      %dma_start3A_123 = arith.constant 0 : i32
      %dma_start3A_124 = tpu.memref_slice %arg14[%dma_start3A_122, %dma_start3A_123] : memref<128x128xf32, #tpu.memory_space<vmem>> -> memref<128x128xf32, #tpu.memory_space<vmem>>
      tpu.enqueue_dma source(%dma_start3A_124 : memref<128x128xf32, #tpu.memory_space<vmem>>) target(%dma_start3A_121 : memref<128x128xf32, #tpu.memory_space<hbm>>) target_semaphore(%run_scoped3A : memref<!tpu.dma_semaphore, #tpu.memory_space<semaphore_mem>>)
      %dma_wait3A_125 = arith.constant 0 : i32
      %dma_wait3A_126 = arith.constant 0 : i32
      %dma_wait3A_127 = tpu.memref_slice %arg14[%dma_wait3A_125, %dma_wait3A_126] : memref<128x128xf32, #tpu.memory_space<vmem>> -> memref<128x128xf32, #tpu.memory_space<vmem>>
      %dma_wait3A_128 = arith.constant 0 : i32
      %dma_wait3A_129 = arith.constant 0 : i32
      %dma_wait3A_130 = tpu.memref_slice %arg8[%arg0, %dma_wait3A_128, %dma_wait3A_129] : memref<2x10240x128xf32, #tpu.memory_space<hbm>> -> memref<1x10240x128xf32, #tpu.memory_space<hbm>>
      %dma_wait3A_131 = tpu.memref_squeeze %dma_wait3A_130 : memref<1x10240x128xf32, #tpu.memory_space<hbm>> -> memref<10240x128xf32, #tpu.memory_space<hbm>>
      %dma_wait3A_132 = arith.constant 0 : i32
      %dma_wait3A_133 = tpu.memref_slice %dma_wait3A_131[%add3A_94, %dma_wait3A_132] : memref<10240x128xf32, #tpu.memory_space<hbm>> -> memref<128x128xf32, #tpu.memory_space<hbm>>
      %dma_wait3A_134 = arith.constant 0 : i32
      %dma_wait3A_135 = arith.constant 0 : i32
      %dma_wait3A_136 = tpu.memref_slice %arg8[%arg0, %dma_wait3A_134, %dma_wait3A_135] : memref<2x10240x128xf32, #tpu.memory_space<hbm>> -> memref<1x10240x128xf32, #tpu.memory_space<hbm>>
      %dma_wait3A_137 = tpu.memref_squeeze %dma_wait3A_136 : memref<1x10240x128xf32, #tpu.memory_space<hbm>> -> memref<10240x128xf32, #tpu.memory_space<hbm>>
      %dma_wait3A_138 = arith.constant 0 : i32
      %dma_wait3A_139 = tpu.memref_slice %dma_wait3A_137[%add3A_94, %dma_wait3A_138] : memref<10240x128xf32, #tpu.memory_space<hbm>> -> memref<128x128xf32, #tpu.memory_space<hbm>>
      %dma_wait3A_140 = arith.constant 0 : i32
      %dma_wait3A_141 = arith.constant 0 : i32
      %dma_wait3A_142 = tpu.memref_slice %arg14[%dma_wait3A_140, %dma_wait3A_141] : memref<128x128xf32, #tpu.memory_space<vmem>> -> memref<128x128xf32, #tpu.memory_space<vmem>>
      tpu.wait_dma2 semaphore(%run_scoped3A : memref<!tpu.dma_semaphore, #tpu.memory_space<semaphore_mem>>) src(%dma_wait3A_142 : memref<128x128xf32, #tpu.memory_space<vmem>>) dst(%dma_wait3A_139 : memref<128x128xf32, #tpu.memory_space<hbm>>)
      tpu.yield
    }) : () -> ()
    "tpu.region"() ({
      %run_scoped3A = tpu.sem_alloc : memref<!tpu.dma_semaphore, #tpu.memory_space<semaphore_mem>>
      %dma_start3A_107 = arith.constant 0 : i32
      %dma_start3A_108 = tpu.memref_slice %arg26[%dma_start3A_107] : memref<640xf32, #tpu.memory_space<vmem>> -> memref<640xf32, #tpu.memory_space<vmem>>
      %dma_start3A_109 = tpu.memref_slice %arg31[%mul3A_4] : memref<10240xf32, #tpu.memory_space<vmem_shared>> -> memref<640xf32, #tpu.memory_space<vmem_shared>>
      %dma_start3A_110 = arith.constant 0 : i32
      %dma_start3A_111 = tpu.memref_slice %arg26[%dma_start3A_110] : memref<640xf32, #tpu.memory_space<vmem>> -> memref<640xf32, #tpu.memory_space<vmem>>
      %dma_start3A_112 = tpu.memref_slice %arg31[%mul3A_4] : memref<10240xf32, #tpu.memory_space<vmem_shared>> -> memref<640xf32, #tpu.memory_space<vmem_shared>>
      tpu.enqueue_dma source(%dma_start3A_112 : memref<640xf32, #tpu.memory_space<vmem_shared>>) target(%dma_start3A_111 : memref<640xf32, #tpu.memory_space<vmem>>) target_semaphore(%run_scoped3A : memref<!tpu.dma_semaphore, #tpu.memory_space<semaphore_mem>>)
      %dma_wait3A_113 = arith.constant 0 : i32
      %dma_wait3A_114 = tpu.memref_slice %arg26[%dma_wait3A_113] : memref<640xf32, #tpu.memory_space<vmem>> -> memref<640xf32, #tpu.memory_space<vmem>>
      %dma_wait3A_115 = tpu.memref_slice %arg31[%mul3A_4] : memref<10240xf32, #tpu.memory_space<vmem_shared>> -> memref<640xf32, #tpu.memory_space<vmem_shared>>
      %dma_wait3A_116 = arith.constant 0 : i32
      %dma_wait3A_117 = tpu.memref_slice %arg26[%dma_wait3A_116] : memref<640xf32, #tpu.memory_space<vmem>> -> memref<640xf32, #tpu.memory_space<vmem>>
      %dma_wait3A_118 = tpu.memref_slice %arg31[%mul3A_4] : memref<10240xf32, #tpu.memory_space<vmem_shared>> -> memref<640xf32, #tpu.memory_space<vmem_shared>>
      tpu.wait_dma2 semaphore(%run_scoped3A : memref<!tpu.dma_semaphore, #tpu.memory_space<semaphore_mem>>) src(%dma_wait3A_118 : memref<640xf32, #tpu.memory_space<vmem_shared>>) dst(%dma_wait3A_117 : memref<640xf32, #tpu.memory_space<vmem>>)
      tpu.yield
    }) : () -> ()
    "tpu.region"() ({
      %run_scoped3A = tpu.sem_alloc : memref<!tpu.dma_semaphore, #tpu.memory_space<semaphore_mem>>
      %dma_start3A_107 = arith.constant 0 : i32
      %dma_start3A_108 = tpu.memref_slice %arg26[%dma_start3A_107] : memref<640xf32, #tpu.memory_space<vmem>> -> memref<640xf32, #tpu.memory_space<vmem>>
      %dma_start3A_109 = arith.constant 0 : i32
      %dma_start3A_110 = tpu.memref_slice %arg9[%arg0, %dma_start3A_109] : memref<2x10240xf32, #tpu.memory_space<hbm>> -> memref<1x10240xf32, #tpu.memory_space<hbm>>
      %dma_start3A_111 = tpu.memref_squeeze %dma_start3A_110 : memref<1x10240xf32, #tpu.memory_space<hbm>> -> memref<10240xf32, #tpu.memory_space<hbm>>
      %dma_start3A_112 = tpu.memref_slice %dma_start3A_111[%mul3A_4] : memref<10240xf32, #tpu.memory_space<hbm>> -> memref<640xf32, #tpu.memory_space<hbm>>
      %dma_start3A_113 = arith.constant 0 : i32
      %dma_start3A_114 = tpu.memref_slice %arg9[%arg0, %dma_start3A_113] : memref<2x10240xf32, #tpu.memory_space<hbm>> -> memref<1x10240xf32, #tpu.memory_space<hbm>>
      %dma_start3A_115 = tpu.memref_squeeze %dma_start3A_114 : memref<1x10240xf32, #tpu.memory_space<hbm>> -> memref<10240xf32, #tpu.memory_space<hbm>>
      %dma_start3A_116 = tpu.memref_slice %dma_start3A_115[%mul3A_4] : memref<10240xf32, #tpu.memory_space<hbm>> -> memref<640xf32, #tpu.memory_space<hbm>>
      %dma_start3A_117 = arith.constant 0 : i32
      %dma_start3A_118 = tpu.memref_slice %arg26[%dma_start3A_117] : memref<640xf32, #tpu.memory_space<vmem>> -> memref<640xf32, #tpu.memory_space<vmem>>
      tpu.enqueue_dma source(%dma_start3A_118 : memref<640xf32, #tpu.memory_space<vmem>>) target(%dma_start3A_116 : memref<640xf32, #tpu.memory_space<hbm>>) target_semaphore(%run_scoped3A : memref<!tpu.dma_semaphore, #tpu.memory_space<semaphore_mem>>)
      %dma_wait3A_119 = arith.constant 0 : i32
      %dma_wait3A_120 = tpu.memref_slice %arg26[%dma_wait3A_119] : memref<640xf32, #tpu.memory_space<vmem>> -> memref<640xf32, #tpu.memory_space<vmem>>
      %dma_wait3A_121 = arith.constant 0 : i32
      %dma_wait3A_122 = tpu.memref_slice %arg9[%arg0, %dma_wait3A_121] : memref<2x10240xf32, #tpu.memory_space<hbm>> -> memref<1x10240xf32, #tpu.memory_space<hbm>>
      %dma_wait3A_123 = tpu.memref_squeeze %dma_wait3A_122 : memref<1x10240xf32, #tpu.memory_space<hbm>> -> memref<10240xf32, #tpu.memory_space<hbm>>
      %dma_wait3A_124 = tpu.memref_slice %dma_wait3A_123[%mul3A_4] : memref<10240xf32, #tpu.memory_space<hbm>> -> memref<640xf32, #tpu.memory_space<hbm>>
      %dma_wait3A_125 = arith.constant 0 : i32
      %dma_wait3A_126 = tpu.memref_slice %arg9[%arg0, %dma_wait3A_125] : memref<2x10240xf32, #tpu.memory_space<hbm>> -> memref<1x10240xf32, #tpu.memory_space<hbm>>
      %dma_wait3A_127 = tpu.memref_squeeze %dma_wait3A_126 : memref<1x10240xf32, #tpu.memory_space<hbm>> -> memref<10240xf32, #tpu.memory_space<hbm>>
      %dma_wait3A_128 = tpu.memref_slice %dma_wait3A_127[%mul3A_4] : memref<10240xf32, #tpu.memory_space<hbm>> -> memref<640xf32, #tpu.memory_space<hbm>>
      %dma_wait3A_129 = arith.constant 0 : i32
      %dma_wait3A_130 = tpu.memref_slice %arg26[%dma_wait3A_129] : memref<640xf32, #tpu.memory_space<vmem>> -> memref<640xf32, #tpu.memory_space<vmem>>
      tpu.wait_dma2 semaphore(%run_scoped3A : memref<!tpu.dma_semaphore, #tpu.memory_space<semaphore_mem>>) src(%dma_wait3A_130 : memref<640xf32, #tpu.memory_space<vmem>>) dst(%dma_wait3A_128 : memref<640xf32, #tpu.memory_space<hbm>>)
      tpu.yield
    }) : () -> ()
    %dma_wait3A_95 = arith.constant 0 : i32
    %dma_wait3A_96 = arith.constant 0 : i32
    %dma_wait3A_97 = tpu.memref_slice %arg12[%dma_wait3A_95, %dma_wait3A_96] : memref<8x128xi32, #tpu.memory_space<vmem>> -> memref<1x128xi32, #tpu.memory_space<vmem>>
    %dma_wait3A_98 = tpu.memref_squeeze %dma_wait3A_97 : memref<1x128xi32, #tpu.memory_space<vmem>> -> memref<128xi32, #tpu.memory_space<vmem>>
    %dma_wait3A_99 = arith.constant 0 : i32
    %dma_wait3A_100 = tpu.memref_slice %arg6[%dma_wait3A_99] : memref<10240xf32, #tpu.memory_space<hbm>> -> memref<10240xf32, #tpu.memory_space<hbm>>
    tpu.wait_indirect_dma semaphore(%arg27 : memref<!tpu.dma_semaphore, #tpu.memory_space<semaphore_mem>>) src(%dma_wait3A_100 : memref<10240xf32, #tpu.memory_space<hbm>>) dst(%arg24 : memref<128xf32, #tpu.memory_space<vmem>>)
    %dma_wait3A_101 = arith.constant 0 : i32
    %dma_wait3A_102 = arith.constant 0 : i32
    %dma_wait3A_103 = tpu.memref_slice %arg12[%dma_wait3A_101, %dma_wait3A_102] : memref<8x128xi32, #tpu.memory_space<vmem>> -> memref<1x128xi32, #tpu.memory_space<vmem>>
    %dma_wait3A_104 = tpu.memref_squeeze %dma_wait3A_103 : memref<1x128xi32, #tpu.memory_space<vmem>> -> memref<128xi32, #tpu.memory_space<vmem>>
    %dma_wait3A_105 = arith.constant 0 : i32
    %dma_wait3A_106 = tpu.memref_slice %arg6[%dma_wait3A_105] : memref<10240xf32, #tpu.memory_space<hbm>> -> memref<10240xf32, #tpu.memory_space<hbm>>
    tpu.wait_indirect_dma semaphore(%arg28 : memref<!tpu.dma_semaphore, #tpu.memory_space<semaphore_mem>>) src(%dma_wait3A_106 : memref<10240xf32, #tpu.memory_space<hbm>>) dst(%arg25 : memref<128xf32, #tpu.memory_space<vmem>>)
    return
  }
}

#map = affine_map<(d0, d1) -> (0, 0)>
#map1 = affine_map<(d0, d1) -> (0, 0, 0)>
module attributes {stable_mosaic.version = 14 : i64} {
  func.func @edge_kernel(%arg0: i32, %arg1: i32, %arg2: memref<10240x128xf32, #tpu.memory_space<hbm>>, %arg3: memref<2560x128xi32, #tpu.memory_space<hbm>>, %arg4: memref<2560x128xi32, #tpu.memory_space<hbm>>, %arg5: memref<8x128xf32, #tpu.memory_space<hbm>>, %arg6: memref<2x10240x128xf32, #tpu.memory_space<hbm>>, %arg7: memref<8x128xi32, #tpu.memory_space<vmem>>, %arg8: memref<8x128xi32, #tpu.memory_space<vmem>>, %arg9: memref<8x128xi32, #tpu.memory_space<vmem>>, %arg10: memref<8x128xi32, #tpu.memory_space<vmem>>, %arg11: memref<128x128xf32, #tpu.memory_space<vmem>>, %arg12: memref<128x128xf32, #tpu.memory_space<vmem>>, %arg13: memref<8x128xf32, #tpu.memory_space<vmem>>, %arg14: memref<!tpu.dma_semaphore, #tpu.memory_space<semaphore_mem>>, %arg15: memref<!tpu.dma_semaphore, #tpu.memory_space<semaphore_mem>>, %arg16: memref<!tpu.dma_semaphore, #tpu.memory_space<semaphore_mem>>, %arg17: memref<!tpu.dma_semaphore, #tpu.memory_space<semaphore_mem>>, %arg18: memref<!tpu.dma_semaphore, #tpu.memory_space<semaphore_mem>>, %arg19: memref<!tpu.dma_semaphore, #tpu.memory_space<semaphore_mem>>, %arg20: memref<10240x128xf32, #tpu.memory_space<vmem_shared>>) attributes {dimension_semantics = [#tpu.dimension_semantics<core_parallel>, #tpu.dimension_semantics<subcore_parallel>], iteration_bounds = array<i64: 2, 16>, scalar_prefetch = 0 : i64, scratch_operands = 14 : i64, tpu.core_type = #tpu.core_type<sc_vector_subcore>, window_params = [{transform_indices = #map}, {transform_indices = #map}, {transform_indices = #map}, {transform_indices = #map}, {transform_indices = #map1}]} {
    %mul3A = arith.constant 2 : i32
    %mul3A_0 = arith.muli %arg1, %mul3A : i32
    %add3A = arith.addi %mul3A_0, %arg0 : i32
    %mul3A_1 = arith.constant 640 : i32
    %mul3A_2 = arith.muli %arg1, %mul3A_1 : i32
    %mul3A_3 = arith.constant 80 : i32
    %mul3A_4 = arith.muli %add3A, %mul3A_3 : i32
    "tpu.region"() ({
      %run_scoped3A = tpu.sem_alloc : memref<!tpu.dma_semaphore, #tpu.memory_space<semaphore_mem>>
      tpu.enqueue_dma source(%arg5 : memref<8x128xf32, #tpu.memory_space<hbm>>) target(%arg13 : memref<8x128xf32, #tpu.memory_space<vmem>>) target_semaphore(%run_scoped3A : memref<!tpu.dma_semaphore, #tpu.memory_space<semaphore_mem>>)
      tpu.wait_dma2 semaphore(%run_scoped3A : memref<!tpu.dma_semaphore, #tpu.memory_space<semaphore_mem>>) src(%arg5 : memref<8x128xf32, #tpu.memory_space<hbm>>) dst(%arg13 : memref<8x128xf32, #tpu.memory_space<vmem>>)
      tpu.yield
    }) : () -> ()
    %scan3A = arith.constant 0 : i32
    %scan3A_5 = arith.constant 0 : i32
    %scan3A_6 = arith.constant 80 : i32
    %scan3A_7 = arith.addi %scan3A_5, %scan3A_6 : i32
    %scan3A_8 = arith.constant 1 : i32
    scf.for %scan3A_81 = %scan3A_5 to %scan3A_7 step %scan3A_8  : i32 {
      %mul3A_82 = arith.constant 8 : i32
      %mul3A_83 = arith.muli %scan3A_81, %mul3A_82 : i32
      %add3A_84 = arith.addi %mul3A_2, %mul3A_83 : i32
      "tpu.region"() ({
        %run_scoped3A = tpu.sem_alloc : memref<!tpu.dma_semaphore, #tpu.memory_space<semaphore_mem>>
        %dma_start3A_85 = arith.constant 0 : i32
        %dma_start3A_86 = tpu.memref_slice %arg20[%add3A_84, %dma_start3A_85] : memref<10240x128xf32, #tpu.memory_space<vmem_shared>> -> memref<8x128xf32, #tpu.memory_space<vmem_shared>>
        %dma_start3A_87 = arith.constant 0 : i32
        %dma_start3A_88 = tpu.memref_slice %arg20[%add3A_84, %dma_start3A_87] : memref<10240x128xf32, #tpu.memory_space<vmem_shared>> -> memref<8x128xf32, #tpu.memory_space<vmem_shared>>
        tpu.enqueue_dma source(%arg13 : memref<8x128xf32, #tpu.memory_space<vmem>>) target(%dma_start3A_88 : memref<8x128xf32, #tpu.memory_space<vmem_shared>>) target_semaphore(%run_scoped3A : memref<!tpu.dma_semaphore, #tpu.memory_space<semaphore_mem>>)
        %dma_wait3A_89 = arith.constant 0 : i32
        %dma_wait3A_90 = tpu.memref_slice %arg20[%add3A_84, %dma_wait3A_89] : memref<10240x128xf32, #tpu.memory_space<vmem_shared>> -> memref<8x128xf32, #tpu.memory_space<vmem_shared>>
        %dma_wait3A_91 = arith.constant 0 : i32
        %dma_wait3A_92 = tpu.memref_slice %arg20[%add3A_84, %dma_wait3A_91] : memref<10240x128xf32, #tpu.memory_space<vmem_shared>> -> memref<8x128xf32, #tpu.memory_space<vmem_shared>>
        tpu.wait_dma2 semaphore(%run_scoped3A : memref<!tpu.dma_semaphore, #tpu.memory_space<semaphore_mem>>) src(%arg13 : memref<8x128xf32, #tpu.memory_space<vmem>>) dst(%dma_wait3A_92 : memref<8x128xf32, #tpu.memory_space<vmem_shared>>)
        tpu.yield
      }) : () -> ()
    }
    %scan3A_9 = arith.constant 80 : i32
    "tpu.region"() ({
      %run_scoped3A = tpu.sem_alloc : memref<!tpu.dma_semaphore, #tpu.memory_space<semaphore_mem>>
      %dma_start3A_81 = arith.constant 0 : i32
      %dma_start3A_82 = tpu.memref_slice %arg3[%mul3A_4, %dma_start3A_81] : memref<2560x128xi32, #tpu.memory_space<hbm>> -> memref<8x128xi32, #tpu.memory_space<hbm>>
      %dma_start3A_83 = arith.constant 0 : i32
      %dma_start3A_84 = tpu.memref_slice %arg3[%mul3A_4, %dma_start3A_83] : memref<2560x128xi32, #tpu.memory_space<hbm>> -> memref<8x128xi32, #tpu.memory_space<hbm>>
      tpu.enqueue_dma source(%dma_start3A_84 : memref<8x128xi32, #tpu.memory_space<hbm>>) target(%arg7 : memref<8x128xi32, #tpu.memory_space<vmem>>) target_semaphore(%run_scoped3A : memref<!tpu.dma_semaphore, #tpu.memory_space<semaphore_mem>>)
      %dma_wait3A_85 = arith.constant 0 : i32
      %dma_wait3A_86 = tpu.memref_slice %arg3[%mul3A_4, %dma_wait3A_85] : memref<2560x128xi32, #tpu.memory_space<hbm>> -> memref<8x128xi32, #tpu.memory_space<hbm>>
      %dma_wait3A_87 = arith.constant 0 : i32
      %dma_wait3A_88 = tpu.memref_slice %arg3[%mul3A_4, %dma_wait3A_87] : memref<2560x128xi32, #tpu.memory_space<hbm>> -> memref<8x128xi32, #tpu.memory_space<hbm>>
      tpu.wait_dma2 semaphore(%run_scoped3A : memref<!tpu.dma_semaphore, #tpu.memory_space<semaphore_mem>>) src(%dma_wait3A_88 : memref<8x128xi32, #tpu.memory_space<hbm>>) dst(%arg7 : memref<8x128xi32, #tpu.memory_space<vmem>>)
      tpu.yield
    }) : () -> ()
    "tpu.region"() ({
      %run_scoped3A = tpu.sem_alloc : memref<!tpu.dma_semaphore, #tpu.memory_space<semaphore_mem>>
      %dma_start3A_81 = arith.constant 0 : i32
      %dma_start3A_82 = tpu.memref_slice %arg4[%mul3A_4, %dma_start3A_81] : memref<2560x128xi32, #tpu.memory_space<hbm>> -> memref<8x128xi32, #tpu.memory_space<hbm>>
      %dma_start3A_83 = arith.constant 0 : i32
      %dma_start3A_84 = tpu.memref_slice %arg4[%mul3A_4, %dma_start3A_83] : memref<2560x128xi32, #tpu.memory_space<hbm>> -> memref<8x128xi32, #tpu.memory_space<hbm>>
      tpu.enqueue_dma source(%dma_start3A_84 : memref<8x128xi32, #tpu.memory_space<hbm>>) target(%arg9 : memref<8x128xi32, #tpu.memory_space<vmem>>) target_semaphore(%run_scoped3A : memref<!tpu.dma_semaphore, #tpu.memory_space<semaphore_mem>>)
      %dma_wait3A_85 = arith.constant 0 : i32
      %dma_wait3A_86 = tpu.memref_slice %arg4[%mul3A_4, %dma_wait3A_85] : memref<2560x128xi32, #tpu.memory_space<hbm>> -> memref<8x128xi32, #tpu.memory_space<hbm>>
      %dma_wait3A_87 = arith.constant 0 : i32
      %dma_wait3A_88 = tpu.memref_slice %arg4[%mul3A_4, %dma_wait3A_87] : memref<2560x128xi32, #tpu.memory_space<hbm>> -> memref<8x128xi32, #tpu.memory_space<hbm>>
      tpu.wait_dma2 semaphore(%run_scoped3A : memref<!tpu.dma_semaphore, #tpu.memory_space<semaphore_mem>>) src(%dma_wait3A_88 : memref<8x128xi32, #tpu.memory_space<hbm>>) dst(%arg9 : memref<8x128xi32, #tpu.memory_space<vmem>>)
      tpu.yield
    }) : () -> ()
    %add3A_10 = arith.constant 8 : i32
    %add3A_11 = arith.addi %mul3A_4, %add3A_10 : i32
    %dma_start3A = arith.constant 0 : i32
    %dma_start3A_12 = tpu.memref_slice %arg3[%add3A_11, %dma_start3A] : memref<2560x128xi32, #tpu.memory_space<hbm>> -> memref<8x128xi32, #tpu.memory_space<hbm>>
    %dma_start3A_13 = arith.constant 0 : i32
    %dma_start3A_14 = tpu.memref_slice %arg3[%add3A_11, %dma_start3A_13] : memref<2560x128xi32, #tpu.memory_space<hbm>> -> memref<8x128xi32, #tpu.memory_space<hbm>>
    tpu.enqueue_dma source(%dma_start3A_14 : memref<8x128xi32, #tpu.memory_space<hbm>>) target(%arg8 : memref<8x128xi32, #tpu.memory_space<vmem>>) target_semaphore(%arg15 : memref<!tpu.dma_semaphore, #tpu.memory_space<semaphore_mem>>)
    %dma_start3A_15 = arith.constant 0 : i32
    %dma_start3A_16 = tpu.memref_slice %arg4[%add3A_11, %dma_start3A_15] : memref<2560x128xi32, #tpu.memory_space<hbm>> -> memref<8x128xi32, #tpu.memory_space<hbm>>
    %dma_start3A_17 = arith.constant 0 : i32
    %dma_start3A_18 = tpu.memref_slice %arg4[%add3A_11, %dma_start3A_17] : memref<2560x128xi32, #tpu.memory_space<hbm>> -> memref<8x128xi32, #tpu.memory_space<hbm>>
    tpu.enqueue_dma source(%dma_start3A_18 : memref<8x128xi32, #tpu.memory_space<hbm>>) target(%arg10 : memref<8x128xi32, #tpu.memory_space<vmem>>) target_semaphore(%arg15 : memref<!tpu.dma_semaphore, #tpu.memory_space<semaphore_mem>>)
    %barrier3A = arith.constant 0 : index
    tpu.barrier barrier_id(%barrier3A)
    %dma_start3A_19 = arith.constant 0 : i32
    %dma_start3A_20 = arith.constant 0 : i32
    %dma_start3A_21 = tpu.memref_slice %arg7[%dma_start3A_19, %dma_start3A_20] : memref<8x128xi32, #tpu.memory_space<vmem>> -> memref<1x128xi32, #tpu.memory_space<vmem>>
    %dma_start3A_22 = tpu.memref_squeeze %dma_start3A_21 : memref<1x128xi32, #tpu.memory_space<vmem>> -> memref<128xi32, #tpu.memory_space<vmem>>
    %dma_start3A_23 = arith.constant 0 : i32
    %dma_start3A_24 = arith.constant 0 : i32
    %dma_start3A_25 = tpu.memref_slice %arg2[%dma_start3A_23, %dma_start3A_24] : memref<10240x128xf32, #tpu.memory_space<hbm>> -> memref<10240x128xf32, #tpu.memory_space<hbm>>
    tpu.enqueue_indirect_dma source(%dma_start3A_25 : memref<10240x128xf32, #tpu.memory_space<hbm>>) target(%arg11 : memref<128x128xf32, #tpu.memory_space<vmem>>) offsets(%dma_start3A_22 : memref<128xi32, #tpu.memory_space<vmem>>) semaphore(%arg16 : memref<!tpu.dma_semaphore, #tpu.memory_space<semaphore_mem>>)
    %dma_start3A_26 = arith.constant 1 : i32
    %dma_start3A_27 = arith.constant 0 : i32
    %dma_start3A_28 = tpu.memref_slice %arg7[%dma_start3A_26, %dma_start3A_27] : memref<8x128xi32, #tpu.memory_space<vmem>> -> memref<1x128xi32, #tpu.memory_space<vmem>>
    %dma_start3A_29 = tpu.memref_squeeze %dma_start3A_28 : memref<1x128xi32, #tpu.memory_space<vmem>> -> memref<128xi32, #tpu.memory_space<vmem>>
    %dma_start3A_30 = arith.constant 0 : i32
    %dma_start3A_31 = arith.constant 0 : i32
    %dma_start3A_32 = tpu.memref_slice %arg2[%dma_start3A_30, %dma_start3A_31] : memref<10240x128xf32, #tpu.memory_space<hbm>> -> memref<10240x128xf32, #tpu.memory_space<hbm>>
    tpu.enqueue_indirect_dma source(%dma_start3A_32 : memref<10240x128xf32, #tpu.memory_space<hbm>>) target(%arg12 : memref<128x128xf32, #tpu.memory_space<vmem>>) offsets(%dma_start3A_29 : memref<128xi32, #tpu.memory_space<vmem>>) semaphore(%arg17 : memref<!tpu.dma_semaphore, #tpu.memory_space<semaphore_mem>>)
    %scan3A_33 = arith.constant 0 : i32
    %scan3A_34 = arith.constant 0 : i32
    %scan3A_35 = arith.constant 5 : i32
    %scan3A_36 = arith.addi %scan3A_34, %scan3A_35 : i32
    %scan3A_37 = arith.constant 1 : i32
    scf.for %scan3A_81 = %scan3A_34 to %scan3A_36 step %scan3A_37  : i32 {
      %mul3A_82 = arith.constant 2 : i32
      %mul3A_83 = arith.muli %mul3A_82, %scan3A_81 : i32
      %dma_wait3A_84 = arith.constant 0 : i32
      %dma_wait3A_85 = arith.constant 0 : i32
      %dma_wait3A_86 = tpu.memref_slice %arg7[%dma_wait3A_84, %dma_wait3A_85] : memref<8x128xi32, #tpu.memory_space<vmem>> -> memref<1x128xi32, #tpu.memory_space<vmem>>
      %dma_wait3A_87 = tpu.memref_squeeze %dma_wait3A_86 : memref<1x128xi32, #tpu.memory_space<vmem>> -> memref<128xi32, #tpu.memory_space<vmem>>
      %dma_wait3A_88 = arith.constant 0 : i32
      %dma_wait3A_89 = arith.constant 0 : i32
      %dma_wait3A_90 = tpu.memref_slice %arg2[%dma_wait3A_88, %dma_wait3A_89] : memref<10240x128xf32, #tpu.memory_space<hbm>> -> memref<10240x128xf32, #tpu.memory_space<hbm>>
      tpu.wait_indirect_dma semaphore(%arg16 : memref<!tpu.dma_semaphore, #tpu.memory_space<semaphore_mem>>) src(%dma_wait3A_90 : memref<10240x128xf32, #tpu.memory_space<hbm>>) dst(%arg11 : memref<128x128xf32, #tpu.memory_space<vmem>>)
      %dma_start3A_91 = arith.constant 0 : i32
      %dma_start3A_92 = arith.constant 0 : i32
      %dma_start3A_93 = tpu.memref_slice %arg9[%dma_start3A_91, %dma_start3A_92] : memref<8x128xi32, #tpu.memory_space<vmem>> -> memref<1x128xi32, #tpu.memory_space<vmem>>
      %dma_start3A_94 = tpu.memref_squeeze %dma_start3A_93 : memref<1x128xi32, #tpu.memory_space<vmem>> -> memref<128xi32, #tpu.memory_space<vmem>>
      %dma_start3A_95 = arith.constant 0 : i32
      %dma_start3A_96 = arith.constant 0 : i32
      %dma_start3A_97 = tpu.memref_slice %arg20[%dma_start3A_95, %dma_start3A_96] : memref<10240x128xf32, #tpu.memory_space<vmem_shared>> -> memref<10240x128xf32, #tpu.memory_space<vmem_shared>>
      tpu.enqueue_indirect_dma source(%arg11 : memref<128x128xf32, #tpu.memory_space<vmem>>) target(%dma_start3A_97 : memref<10240x128xf32, #tpu.memory_space<vmem_shared>>) offsets(%dma_start3A_94 : memref<128xi32, #tpu.memory_space<vmem>>) semaphore(%arg18 : memref<!tpu.dma_semaphore, #tpu.memory_space<semaphore_mem>>) {add = true}
      %dma_wait3A_98 = arith.constant 0 : i32
      %dma_wait3A_99 = arith.constant 0 : i32
      %dma_wait3A_100 = tpu.memref_slice %arg9[%dma_wait3A_98, %dma_wait3A_99] : memref<8x128xi32, #tpu.memory_space<vmem>> -> memref<1x128xi32, #tpu.memory_space<vmem>>
      %dma_wait3A_101 = tpu.memref_squeeze %dma_wait3A_100 : memref<1x128xi32, #tpu.memory_space<vmem>> -> memref<128xi32, #tpu.memory_space<vmem>>
      %dma_wait3A_102 = arith.constant 0 : i32
      %dma_wait3A_103 = arith.constant 0 : i32
      %dma_wait3A_104 = tpu.memref_slice %arg20[%dma_wait3A_102, %dma_wait3A_103] : memref<10240x128xf32, #tpu.memory_space<vmem_shared>> -> memref<10240x128xf32, #tpu.memory_space<vmem_shared>>
      tpu.wait_indirect_dma semaphore(%arg18 : memref<!tpu.dma_semaphore, #tpu.memory_space<semaphore_mem>>) src(%arg11 : memref<128x128xf32, #tpu.memory_space<vmem>>) dst(%dma_wait3A_104 : memref<10240x128xf32, #tpu.memory_space<vmem_shared>>)
      %dma_start3A_105 = arith.constant 2 : i32
      %dma_start3A_106 = arith.constant 0 : i32
      %dma_start3A_107 = tpu.memref_slice %arg7[%dma_start3A_105, %dma_start3A_106] : memref<8x128xi32, #tpu.memory_space<vmem>> -> memref<1x128xi32, #tpu.memory_space<vmem>>
      %dma_start3A_108 = tpu.memref_squeeze %dma_start3A_107 : memref<1x128xi32, #tpu.memory_space<vmem>> -> memref<128xi32, #tpu.memory_space<vmem>>
      %dma_start3A_109 = arith.constant 0 : i32
      %dma_start3A_110 = arith.constant 0 : i32
      %dma_start3A_111 = tpu.memref_slice %arg2[%dma_start3A_109, %dma_start3A_110] : memref<10240x128xf32, #tpu.memory_space<hbm>> -> memref<10240x128xf32, #tpu.memory_space<hbm>>
      tpu.enqueue_indirect_dma source(%dma_start3A_111 : memref<10240x128xf32, #tpu.memory_space<hbm>>) target(%arg11 : memref<128x128xf32, #tpu.memory_space<vmem>>) offsets(%dma_start3A_108 : memref<128xi32, #tpu.memory_space<vmem>>) semaphore(%arg16 : memref<!tpu.dma_semaphore, #tpu.memory_space<semaphore_mem>>)
      %dma_wait3A_112 = arith.constant 0 : i32
      %dma_wait3A_113 = arith.constant 0 : i32
      %dma_wait3A_114 = tpu.memref_slice %arg7[%dma_wait3A_112, %dma_wait3A_113] : memref<8x128xi32, #tpu.memory_space<vmem>> -> memref<1x128xi32, #tpu.memory_space<vmem>>
      %dma_wait3A_115 = tpu.memref_squeeze %dma_wait3A_114 : memref<1x128xi32, #tpu.memory_space<vmem>> -> memref<128xi32, #tpu.memory_space<vmem>>
      %dma_wait3A_116 = arith.constant 0 : i32
      %dma_wait3A_117 = arith.constant 0 : i32
      %dma_wait3A_118 = tpu.memref_slice %arg2[%dma_wait3A_116, %dma_wait3A_117] : memref<10240x128xf32, #tpu.memory_space<hbm>> -> memref<10240x128xf32, #tpu.memory_space<hbm>>
      tpu.wait_indirect_dma semaphore(%arg17 : memref<!tpu.dma_semaphore, #tpu.memory_space<semaphore_mem>>) src(%dma_wait3A_118 : memref<10240x128xf32, #tpu.memory_space<hbm>>) dst(%arg12 : memref<128x128xf32, #tpu.memory_space<vmem>>)
      %dma_start3A_119 = arith.constant 1 : i32
      %dma_start3A_120 = arith.constant 0 : i32
      %dma_start3A_121 = tpu.memref_slice %arg9[%dma_start3A_119, %dma_start3A_120] : memref<8x128xi32, #tpu.memory_space<vmem>> -> memref<1x128xi32, #tpu.memory_space<vmem>>
      %dma_start3A_122 = tpu.memref_squeeze %dma_start3A_121 : memref<1x128xi32, #tpu.memory_space<vmem>> -> memref<128xi32, #tpu.memory_space<vmem>>
      %dma_start3A_123 = arith.constant 0 : i32
      %dma_start3A_124 = arith.constant 0 : i32
      %dma_start3A_125 = tpu.memref_slice %arg20[%dma_start3A_123, %dma_start3A_124] : memref<10240x128xf32, #tpu.memory_space<vmem_shared>> -> memref<10240x128xf32, #tpu.memory_space<vmem_shared>>
      tpu.enqueue_indirect_dma source(%arg12 : memref<128x128xf32, #tpu.memory_space<vmem>>) target(%dma_start3A_125 : memref<10240x128xf32, #tpu.memory_space<vmem_shared>>) offsets(%dma_start3A_122 : memref<128xi32, #tpu.memory_space<vmem>>) semaphore(%arg19 : memref<!tpu.dma_semaphore, #tpu.memory_space<semaphore_mem>>) {add = true}
      %dma_wait3A_126 = arith.constant 0 : i32
      %dma_wait3A_127 = arith.constant 0 : i32
      %dma_wait3A_128 = tpu.memref_slice %arg9[%dma_wait3A_126, %dma_wait3A_127] : memref<8x128xi32, #tpu.memory_space<vmem>> -> memref<1x128xi32, #tpu.memory_space<vmem>>
      %dma_wait3A_129 = tpu.memref_squeeze %dma_wait3A_128 : memref<1x128xi32, #tpu.memory_space<vmem>> -> memref<128xi32, #tpu.memory_space<vmem>>
      %dma_wait3A_130 = arith.constant 0 : i32
      %dma_wait3A_131 = arith.constant 0 : i32
      %dma_wait3A_132 = tpu.memref_slice %arg20[%dma_wait3A_130, %dma_wait3A_131] : memref<10240x128xf32, #tpu.memory_space<vmem_shared>> -> memref<10240x128xf32, #tpu.memory_space<vmem_shared>>
      tpu.wait_indirect_dma semaphore(%arg19 : memref<!tpu.dma_semaphore, #tpu.memory_space<semaphore_mem>>) src(%arg12 : memref<128x128xf32, #tpu.memory_space<vmem>>) dst(%dma_wait3A_132 : memref<10240x128xf32, #tpu.memory_space<vmem_shared>>)
      %dma_start3A_133 = arith.constant 3 : i32
      %dma_start3A_134 = arith.constant 0 : i32
      %dma_start3A_135 = tpu.memref_slice %arg7[%dma_start3A_133, %dma_start3A_134] : memref<8x128xi32, #tpu.memory_space<vmem>> -> memref<1x128xi32, #tpu.memory_space<vmem>>
      %dma_start3A_136 = tpu.memref_squeeze %dma_start3A_135 : memref<1x128xi32, #tpu.memory_space<vmem>> -> memref<128xi32, #tpu.memory_space<vmem>>
      %dma_start3A_137 = arith.constant 0 : i32
      %dma_start3A_138 = arith.constant 0 : i32
      %dma_start3A_139 = tpu.memref_slice %arg2[%dma_start3A_137, %dma_start3A_138] : memref<10240x128xf32, #tpu.memory_space<hbm>> -> memref<10240x128xf32, #tpu.memory_space<hbm>>
      tpu.enqueue_indirect_dma source(%dma_start3A_139 : memref<10240x128xf32, #tpu.memory_space<hbm>>) target(%arg12 : memref<128x128xf32, #tpu.memory_space<vmem>>) offsets(%dma_start3A_136 : memref<128xi32, #tpu.memory_space<vmem>>) semaphore(%arg17 : memref<!tpu.dma_semaphore, #tpu.memory_space<semaphore_mem>>)
      %dma_wait3A_140 = arith.constant 0 : i32
      %dma_wait3A_141 = arith.constant 0 : i32
      %dma_wait3A_142 = tpu.memref_slice %arg7[%dma_wait3A_140, %dma_wait3A_141] : memref<8x128xi32, #tpu.memory_space<vmem>> -> memref<1x128xi32, #tpu.memory_space<vmem>>
      %dma_wait3A_143 = tpu.memref_squeeze %dma_wait3A_142 : memref<1x128xi32, #tpu.memory_space<vmem>> -> memref<128xi32, #tpu.memory_space<vmem>>
      %dma_wait3A_144 = arith.constant 0 : i32
      %dma_wait3A_145 = arith.constant 0 : i32
      %dma_wait3A_146 = tpu.memref_slice %arg2[%dma_wait3A_144, %dma_wait3A_145] : memref<10240x128xf32, #tpu.memory_space<hbm>> -> memref<10240x128xf32, #tpu.memory_space<hbm>>
      tpu.wait_indirect_dma semaphore(%arg16 : memref<!tpu.dma_semaphore, #tpu.memory_space<semaphore_mem>>) src(%dma_wait3A_146 : memref<10240x128xf32, #tpu.memory_space<hbm>>) dst(%arg11 : memref<128x128xf32, #tpu.memory_space<vmem>>)
      %dma_start3A_147 = arith.constant 2 : i32
      %dma_start3A_148 = arith.constant 0 : i32
      %dma_start3A_149 = tpu.memref_slice %arg9[%dma_start3A_147, %dma_start3A_148] : memref<8x128xi32, #tpu.memory_space<vmem>> -> memref<1x128xi32, #tpu.memory_space<vmem>>
      %dma_start3A_150 = tpu.memref_squeeze %dma_start3A_149 : memref<1x128xi32, #tpu.memory_space<vmem>> -> memref<128xi32, #tpu.memory_space<vmem>>
      %dma_start3A_151 = arith.constant 0 : i32
      %dma_start3A_152 = arith.constant 0 : i32
      %dma_start3A_153 = tpu.memref_slice %arg20[%dma_start3A_151, %dma_start3A_152] : memref<10240x128xf32, #tpu.memory_space<vmem_shared>> -> memref<10240x128xf32, #tpu.memory_space<vmem_shared>>
      tpu.enqueue_indirect_dma source(%arg11 : memref<128x128xf32, #tpu.memory_space<vmem>>) target(%dma_start3A_153 : memref<10240x128xf32, #tpu.memory_space<vmem_shared>>) offsets(%dma_start3A_150 : memref<128xi32, #tpu.memory_space<vmem>>) semaphore(%arg18 : memref<!tpu.dma_semaphore, #tpu.memory_space<semaphore_mem>>) {add = true}
      %dma_wait3A_154 = arith.constant 0 : i32
      %dma_wait3A_155 = arith.constant 0 : i32
      %dma_wait3A_156 = tpu.memref_slice %arg9[%dma_wait3A_154, %dma_wait3A_155] : memref<8x128xi32, #tpu.memory_space<vmem>> -> memref<1x128xi32, #tpu.memory_space<vmem>>
      %dma_wait3A_157 = tpu.memref_squeeze %dma_wait3A_156 : memref<1x128xi32, #tpu.memory_space<vmem>> -> memref<128xi32, #tpu.memory_space<vmem>>
      %dma_wait3A_158 = arith.constant 0 : i32
      %dma_wait3A_159 = arith.constant 0 : i32
      %dma_wait3A_160 = tpu.memref_slice %arg20[%dma_wait3A_158, %dma_wait3A_159] : memref<10240x128xf32, #tpu.memory_space<vmem_shared>> -> memref<10240x128xf32, #tpu.memory_space<vmem_shared>>
      tpu.wait_indirect_dma semaphore(%arg18 : memref<!tpu.dma_semaphore, #tpu.memory_space<semaphore_mem>>) src(%arg11 : memref<128x128xf32, #tpu.memory_space<vmem>>) dst(%dma_wait3A_160 : memref<10240x128xf32, #tpu.memory_space<vmem_shared>>)
      %dma_start3A_161 = arith.constant 4 : i32
      %dma_start3A_162 = arith.constant 0 : i32
      %dma_start3A_163 = tpu.memref_slice %arg7[%dma_start3A_161, %dma_start3A_162] : memref<8x128xi32, #tpu.memory_space<vmem>> -> memref<1x128xi32, #tpu.memory_space<vmem>>
      %dma_start3A_164 = tpu.memref_squeeze %dma_start3A_163 : memref<1x128xi32, #tpu.memory_space<vmem>> -> memref<128xi32, #tpu.memory_space<vmem>>
      %dma_start3A_165 = arith.constant 0 : i32
      %dma_start3A_166 = arith.constant 0 : i32
      %dma_start3A_167 = tpu.memref_slice %arg2[%dma_start3A_165, %dma_start3A_166] : memref<10240x128xf32, #tpu.memory_space<hbm>> -> memref<10240x128xf32, #tpu.memory_space<hbm>>
      tpu.enqueue_indirect_dma source(%dma_start3A_167 : memref<10240x128xf32, #tpu.memory_space<hbm>>) target(%arg11 : memref<128x128xf32, #tpu.memory_space<vmem>>) offsets(%dma_start3A_164 : memref<128xi32, #tpu.memory_space<vmem>>) semaphore(%arg16 : memref<!tpu.dma_semaphore, #tpu.memory_space<semaphore_mem>>)
      %dma_wait3A_168 = arith.constant 0 : i32
      %dma_wait3A_169 = arith.constant 0 : i32
      %dma_wait3A_170 = tpu.memref_slice %arg7[%dma_wait3A_168, %dma_wait3A_169] : memref<8x128xi32, #tpu.memory_space<vmem>> -> memref<1x128xi32, #tpu.memory_space<vmem>>
      %dma_wait3A_171 = tpu.memref_squeeze %dma_wait3A_170 : memref<1x128xi32, #tpu.memory_space<vmem>> -> memref<128xi32, #tpu.memory_space<vmem>>
      %dma_wait3A_172 = arith.constant 0 : i32
      %dma_wait3A_173 = arith.constant 0 : i32
      %dma_wait3A_174 = tpu.memref_slice %arg2[%dma_wait3A_172, %dma_wait3A_173] : memref<10240x128xf32, #tpu.memory_space<hbm>> -> memref<10240x128xf32, #tpu.memory_space<hbm>>
      tpu.wait_indirect_dma semaphore(%arg17 : memref<!tpu.dma_semaphore, #tpu.memory_space<semaphore_mem>>) src(%dma_wait3A_174 : memref<10240x128xf32, #tpu.memory_space<hbm>>) dst(%arg12 : memref<128x128xf32, #tpu.memory_space<vmem>>)
      %dma_start3A_175 = arith.constant 3 : i32
      %dma_start3A_176 = arith.constant 0 : i32
      %dma_start3A_177 = tpu.memref_slice %arg9[%dma_start3A_175, %dma_start3A_176] : memref<8x128xi32, #tpu.memory_space<vmem>> -> memref<1x128xi32, #tpu.memory_space<vmem>>
      %dma_start3A_178 = tpu.memref_squeeze %dma_start3A_177 : memref<1x128xi32, #tpu.memory_space<vmem>> -> memref<128xi32, #tpu.memory_space<vmem>>
      %dma_start3A_179 = arith.constant 0 : i32
      %dma_start3A_180 = arith.constant 0 : i32
      %dma_start3A_181 = tpu.memref_slice %arg20[%dma_start3A_179, %dma_start3A_180] : memref<10240x128xf32, #tpu.memory_space<vmem_shared>> -> memref<10240x128xf32, #tpu.memory_space<vmem_shared>>
      tpu.enqueue_indirect_dma source(%arg12 : memref<128x128xf32, #tpu.memory_space<vmem>>) target(%dma_start3A_181 : memref<10240x128xf32, #tpu.memory_space<vmem_shared>>) offsets(%dma_start3A_178 : memref<128xi32, #tpu.memory_space<vmem>>) semaphore(%arg19 : memref<!tpu.dma_semaphore, #tpu.memory_space<semaphore_mem>>) {add = true}
      %dma_wait3A_182 = arith.constant 0 : i32
      %dma_wait3A_183 = arith.constant 0 : i32
      %dma_wait3A_184 = tpu.memref_slice %arg9[%dma_wait3A_182, %dma_wait3A_183] : memref<8x128xi32, #tpu.memory_space<vmem>> -> memref<1x128xi32, #tpu.memory_space<vmem>>
      %dma_wait3A_185 = tpu.memref_squeeze %dma_wait3A_184 : memref<1x128xi32, #tpu.memory_space<vmem>> -> memref<128xi32, #tpu.memory_space<vmem>>
      %dma_wait3A_186 = arith.constant 0 : i32
      %dma_wait3A_187 = arith.constant 0 : i32
      %dma_wait3A_188 = tpu.memref_slice %arg20[%dma_wait3A_186, %dma_wait3A_187] : memref<10240x128xf32, #tpu.memory_space<vmem_shared>> -> memref<10240x128xf32, #tpu.memory_space<vmem_shared>>
      tpu.wait_indirect_dma semaphore(%arg19 : memref<!tpu.dma_semaphore, #tpu.memory_space<semaphore_mem>>) src(%arg12 : memref<128x128xf32, #tpu.memory_space<vmem>>) dst(%dma_wait3A_188 : memref<10240x128xf32, #tpu.memory_space<vmem_shared>>)
      %dma_start3A_189 = arith.constant 5 : i32
      %dma_start3A_190 = arith.constant 0 : i32
      %dma_start3A_191 = tpu.memref_slice %arg7[%dma_start3A_189, %dma_start3A_190] : memref<8x128xi32, #tpu.memory_space<vmem>> -> memref<1x128xi32, #tpu.memory_space<vmem>>
      %dma_start3A_192 = tpu.memref_squeeze %dma_start3A_191 : memref<1x128xi32, #tpu.memory_space<vmem>> -> memref<128xi32, #tpu.memory_space<vmem>>
      %dma_start3A_193 = arith.constant 0 : i32
      %dma_start3A_194 = arith.constant 0 : i32
      %dma_start3A_195 = tpu.memref_slice %arg2[%dma_start3A_193, %dma_start3A_194] : memref<10240x128xf32, #tpu.memory_space<hbm>> -> memref<10240x128xf32, #tpu.memory_space<hbm>>
      tpu.enqueue_indirect_dma source(%dma_start3A_195 : memref<10240x128xf32, #tpu.memory_space<hbm>>) target(%arg12 : memref<128x128xf32, #tpu.memory_space<vmem>>) offsets(%dma_start3A_192 : memref<128xi32, #tpu.memory_space<vmem>>) semaphore(%arg17 : memref<!tpu.dma_semaphore, #tpu.memory_space<semaphore_mem>>)
      %dma_wait3A_196 = arith.constant 0 : i32
      %dma_wait3A_197 = arith.constant 0 : i32
      %dma_wait3A_198 = tpu.memref_slice %arg7[%dma_wait3A_196, %dma_wait3A_197] : memref<8x128xi32, #tpu.memory_space<vmem>> -> memref<1x128xi32, #tpu.memory_space<vmem>>
      %dma_wait3A_199 = tpu.memref_squeeze %dma_wait3A_198 : memref<1x128xi32, #tpu.memory_space<vmem>> -> memref<128xi32, #tpu.memory_space<vmem>>
      %dma_wait3A_200 = arith.constant 0 : i32
      %dma_wait3A_201 = arith.constant 0 : i32
      %dma_wait3A_202 = tpu.memref_slice %arg2[%dma_wait3A_200, %dma_wait3A_201] : memref<10240x128xf32, #tpu.memory_space<hbm>> -> memref<10240x128xf32, #tpu.memory_space<hbm>>
      tpu.wait_indirect_dma semaphore(%arg16 : memref<!tpu.dma_semaphore, #tpu.memory_space<semaphore_mem>>) src(%dma_wait3A_202 : memref<10240x128xf32, #tpu.memory_space<hbm>>) dst(%arg11 : memref<128x128xf32, #tpu.memory_space<vmem>>)
      %dma_start3A_203 = arith.constant 4 : i32
      %dma_start3A_204 = arith.constant 0 : i32
      %dma_start3A_205 = tpu.memref_slice %arg9[%dma_start3A_203, %dma_start3A_204] : memref<8x128xi32, #tpu.memory_space<vmem>> -> memref<1x128xi32, #tpu.memory_space<vmem>>
      %dma_start3A_206 = tpu.memref_squeeze %dma_start3A_205 : memref<1x128xi32, #tpu.memory_space<vmem>> -> memref<128xi32, #tpu.memory_space<vmem>>
      %dma_start3A_207 = arith.constant 0 : i32
      %dma_start3A_208 = arith.constant 0 : i32
      %dma_start3A_209 = tpu.memref_slice %arg20[%dma_start3A_207, %dma_start3A_208] : memref<10240x128xf32, #tpu.memory_space<vmem_shared>> -> memref<10240x128xf32, #tpu.memory_space<vmem_shared>>
      tpu.enqueue_indirect_dma source(%arg11 : memref<128x128xf32, #tpu.memory_space<vmem>>) target(%dma_start3A_209 : memref<10240x128xf32, #tpu.memory_space<vmem_shared>>) offsets(%dma_start3A_206 : memref<128xi32, #tpu.memory_space<vmem>>) semaphore(%arg18 : memref<!tpu.dma_semaphore, #tpu.memory_space<semaphore_mem>>) {add = true}
      %dma_wait3A_210 = arith.constant 0 : i32
      %dma_wait3A_211 = arith.constant 0 : i32
      %dma_wait3A_212 = tpu.memref_slice %arg9[%dma_wait3A_210, %dma_wait3A_211] : memref<8x128xi32, #tpu.memory_space<vmem>> -> memref<1x128xi32, #tpu.memory_space<vmem>>
      %dma_wait3A_213 = tpu.memref_squeeze %dma_wait3A_212 : memref<1x128xi32, #tpu.memory_space<vmem>> -> memref<128xi32, #tpu.memory_space<vmem>>
      %dma_wait3A_214 = arith.constant 0 : i32
      %dma_wait3A_215 = arith.constant 0 : i32
      %dma_wait3A_216 = tpu.memref_slice %arg20[%dma_wait3A_214, %dma_wait3A_215] : memref<10240x128xf32, #tpu.memory_space<vmem_shared>> -> memref<10240x128xf32, #tpu.memory_space<vmem_shared>>
      tpu.wait_indirect_dma semaphore(%arg18 : memref<!tpu.dma_semaphore, #tpu.memory_space<semaphore_mem>>) src(%arg11 : memref<128x128xf32, #tpu.memory_space<vmem>>) dst(%dma_wait3A_216 : memref<10240x128xf32, #tpu.memory_space<vmem_shared>>)
      %dma_start3A_217 = arith.constant 6 : i32
      %dma_start3A_218 = arith.constant 0 : i32
      %dma_start3A_219 = tpu.memref_slice %arg7[%dma_start3A_217, %dma_start3A_218] : memref<8x128xi32, #tpu.memory_space<vmem>> -> memref<1x128xi32, #tpu.memory_space<vmem>>
      %dma_start3A_220 = tpu.memref_squeeze %dma_start3A_219 : memref<1x128xi32, #tpu.memory_space<vmem>> -> memref<128xi32, #tpu.memory_space<vmem>>
      %dma_start3A_221 = arith.constant 0 : i32
      %dma_start3A_222 = arith.constant 0 : i32
      %dma_start3A_223 = tpu.memref_slice %arg2[%dma_start3A_221, %dma_start3A_222] : memref<10240x128xf32, #tpu.memory_space<hbm>> -> memref<10240x128xf32, #tpu.memory_space<hbm>>
      tpu.enqueue_indirect_dma source(%dma_start3A_223 : memref<10240x128xf32, #tpu.memory_space<hbm>>) target(%arg11 : memref<128x128xf32, #tpu.memory_space<vmem>>) offsets(%dma_start3A_220 : memref<128xi32, #tpu.memory_space<vmem>>) semaphore(%arg16 : memref<!tpu.dma_semaphore, #tpu.memory_space<semaphore_mem>>)
      %dma_wait3A_224 = arith.constant 0 : i32
      %dma_wait3A_225 = arith.constant 0 : i32
      %dma_wait3A_226 = tpu.memref_slice %arg7[%dma_wait3A_224, %dma_wait3A_225] : memref<8x128xi32, #tpu.memory_space<vmem>> -> memref<1x128xi32, #tpu.memory_space<vmem>>
      %dma_wait3A_227 = tpu.memref_squeeze %dma_wait3A_226 : memref<1x128xi32, #tpu.memory_space<vmem>> -> memref<128xi32, #tpu.memory_space<vmem>>
      %dma_wait3A_228 = arith.constant 0 : i32
      %dma_wait3A_229 = arith.constant 0 : i32
      %dma_wait3A_230 = tpu.memref_slice %arg2[%dma_wait3A_228, %dma_wait3A_229] : memref<10240x128xf32, #tpu.memory_space<hbm>> -> memref<10240x128xf32, #tpu.memory_space<hbm>>
      tpu.wait_indirect_dma semaphore(%arg17 : memref<!tpu.dma_semaphore, #tpu.memory_space<semaphore_mem>>) src(%dma_wait3A_230 : memref<10240x128xf32, #tpu.memory_space<hbm>>) dst(%arg12 : memref<128x128xf32, #tpu.memory_space<vmem>>)
      %dma_start3A_231 = arith.constant 5 : i32
      %dma_start3A_232 = arith.constant 0 : i32
      %dma_start3A_233 = tpu.memref_slice %arg9[%dma_start3A_231, %dma_start3A_232] : memref<8x128xi32, #tpu.memory_space<vmem>> -> memref<1x128xi32, #tpu.memory_space<vmem>>
      %dma_start3A_234 = tpu.memref_squeeze %dma_start3A_233 : memref<1x128xi32, #tpu.memory_space<vmem>> -> memref<128xi32, #tpu.memory_space<vmem>>
      %dma_start3A_235 = arith.constant 0 : i32
      %dma_start3A_236 = arith.constant 0 : i32
      %dma_start3A_237 = tpu.memref_slice %arg20[%dma_start3A_235, %dma_start3A_236] : memref<10240x128xf32, #tpu.memory_space<vmem_shared>> -> memref<10240x128xf32, #tpu.memory_space<vmem_shared>>
      tpu.enqueue_indirect_dma source(%arg12 : memref<128x128xf32, #tpu.memory_space<vmem>>) target(%dma_start3A_237 : memref<10240x128xf32, #tpu.memory_space<vmem_shared>>) offsets(%dma_start3A_234 : memref<128xi32, #tpu.memory_space<vmem>>) semaphore(%arg19 : memref<!tpu.dma_semaphore, #tpu.memory_space<semaphore_mem>>) {add = true}
      %dma_wait3A_238 = arith.constant 0 : i32
      %dma_wait3A_239 = arith.constant 0 : i32
      %dma_wait3A_240 = tpu.memref_slice %arg9[%dma_wait3A_238, %dma_wait3A_239] : memref<8x128xi32, #tpu.memory_space<vmem>> -> memref<1x128xi32, #tpu.memory_space<vmem>>
      %dma_wait3A_241 = tpu.memref_squeeze %dma_wait3A_240 : memref<1x128xi32, #tpu.memory_space<vmem>> -> memref<128xi32, #tpu.memory_space<vmem>>
      %dma_wait3A_242 = arith.constant 0 : i32
      %dma_wait3A_243 = arith.constant 0 : i32
      %dma_wait3A_244 = tpu.memref_slice %arg20[%dma_wait3A_242, %dma_wait3A_243] : memref<10240x128xf32, #tpu.memory_space<vmem_shared>> -> memref<10240x128xf32, #tpu.memory_space<vmem_shared>>
      tpu.wait_indirect_dma semaphore(%arg19 : memref<!tpu.dma_semaphore, #tpu.memory_space<semaphore_mem>>) src(%arg12 : memref<128x128xf32, #tpu.memory_space<vmem>>) dst(%dma_wait3A_244 : memref<10240x128xf32, #tpu.memory_space<vmem_shared>>)
      %dma_start3A_245 = arith.constant 7 : i32
      %dma_start3A_246 = arith.constant 0 : i32
      %dma_start3A_247 = tpu.memref_slice %arg7[%dma_start3A_245, %dma_start3A_246] : memref<8x128xi32, #tpu.memory_space<vmem>> -> memref<1x128xi32, #tpu.memory_space<vmem>>
      %dma_start3A_248 = tpu.memref_squeeze %dma_start3A_247 : memref<1x128xi32, #tpu.memory_space<vmem>> -> memref<128xi32, #tpu.memory_space<vmem>>
      %dma_start3A_249 = arith.constant 0 : i32
      %dma_start3A_250 = arith.constant 0 : i32
      %dma_start3A_251 = tpu.memref_slice %arg2[%dma_start3A_249, %dma_start3A_250] : memref<10240x128xf32, #tpu.memory_space<hbm>> -> memref<10240x128xf32, #tpu.memory_space<hbm>>
      tpu.enqueue_indirect_dma source(%dma_start3A_251 : memref<10240x128xf32, #tpu.memory_space<hbm>>) target(%arg12 : memref<128x128xf32, #tpu.memory_space<vmem>>) offsets(%dma_start3A_248 : memref<128xi32, #tpu.memory_space<vmem>>) semaphore(%arg17 : memref<!tpu.dma_semaphore, #tpu.memory_space<semaphore_mem>>)
      %dma_wait3A_252 = arith.constant 0 : i32
      %dma_wait3A_253 = tpu.memref_slice %arg3[%mul3A_4, %dma_wait3A_252] : memref<2560x128xi32, #tpu.memory_space<hbm>> -> memref<8x128xi32, #tpu.memory_space<hbm>>
      %dma_wait3A_254 = arith.constant 0 : i32
      %dma_wait3A_255 = tpu.memref_slice %arg3[%mul3A_4, %dma_wait3A_254] : memref<2560x128xi32, #tpu.memory_space<hbm>> -> memref<8x128xi32, #tpu.memory_space<hbm>>
      tpu.wait_dma2 semaphore(%arg15 : memref<!tpu.dma_semaphore, #tpu.memory_space<semaphore_mem>>) src(%dma_wait3A_255 : memref<8x128xi32, #tpu.memory_space<hbm>>) dst(%arg8 : memref<8x128xi32, #tpu.memory_space<vmem>>)
      %dma_wait3A_256 = arith.constant 0 : i32
      %dma_wait3A_257 = tpu.memref_slice %arg4[%mul3A_4, %dma_wait3A_256] : memref<2560x128xi32, #tpu.memory_space<hbm>> -> memref<8x128xi32, #tpu.memory_space<hbm>>
      %dma_wait3A_258 = arith.constant 0 : i32
      %dma_wait3A_259 = tpu.memref_slice %arg4[%mul3A_4, %dma_wait3A_258] : memref<2560x128xi32, #tpu.memory_space<hbm>> -> memref<8x128xi32, #tpu.memory_space<hbm>>
      tpu.wait_dma2 semaphore(%arg15 : memref<!tpu.dma_semaphore, #tpu.memory_space<semaphore_mem>>) src(%dma_wait3A_259 : memref<8x128xi32, #tpu.memory_space<hbm>>) dst(%arg10 : memref<8x128xi32, #tpu.memory_space<vmem>>)
      %dma_wait3A_260 = arith.constant 0 : i32
      %dma_wait3A_261 = arith.constant 0 : i32
      %dma_wait3A_262 = tpu.memref_slice %arg7[%dma_wait3A_260, %dma_wait3A_261] : memref<8x128xi32, #tpu.memory_space<vmem>> -> memref<1x128xi32, #tpu.memory_space<vmem>>
      %dma_wait3A_263 = tpu.memref_squeeze %dma_wait3A_262 : memref<1x128xi32, #tpu.memory_space<vmem>> -> memref<128xi32, #tpu.memory_space<vmem>>
      %dma_wait3A_264 = arith.constant 0 : i32
      %dma_wait3A_265 = arith.constant 0 : i32
      %dma_wait3A_266 = tpu.memref_slice %arg2[%dma_wait3A_264, %dma_wait3A_265] : memref<10240x128xf32, #tpu.memory_space<hbm>> -> memref<10240x128xf32, #tpu.memory_space<hbm>>
      tpu.wait_indirect_dma semaphore(%arg16 : memref<!tpu.dma_semaphore, #tpu.memory_space<semaphore_mem>>) src(%dma_wait3A_266 : memref<10240x128xf32, #tpu.memory_space<hbm>>) dst(%arg11 : memref<128x128xf32, #tpu.memory_space<vmem>>)
      %dma_start3A_267 = arith.constant 6 : i32
      %dma_start3A_268 = arith.constant 0 : i32
      %dma_start3A_269 = tpu.memref_slice %arg9[%dma_start3A_267, %dma_start3A_268] : memref<8x128xi32, #tpu.memory_space<vmem>> -> memref<1x128xi32, #tpu.memory_space<vmem>>
      %dma_start3A_270 = tpu.memref_squeeze %dma_start3A_269 : memref<1x128xi32, #tpu.memory_space<vmem>> -> memref<128xi32, #tpu.memory_space<vmem>>
      %dma_start3A_271 = arith.constant 0 : i32
      %dma_start3A_272 = arith.constant 0 : i32
      %dma_start3A_273 = tpu.memref_slice %arg20[%dma_start3A_271, %dma_start3A_272] : memref<10240x128xf32, #tpu.memory_space<vmem_shared>> -> memref<10240x128xf32, #tpu.memory_space<vmem_shared>>
      tpu.enqueue_indirect_dma source(%arg11 : memref<128x128xf32, #tpu.memory_space<vmem>>) target(%dma_start3A_273 : memref<10240x128xf32, #tpu.memory_space<vmem_shared>>) offsets(%dma_start3A_270 : memref<128xi32, #tpu.memory_space<vmem>>) semaphore(%arg18 : memref<!tpu.dma_semaphore, #tpu.memory_space<semaphore_mem>>) {add = true}
      %dma_wait3A_274 = arith.constant 0 : i32
      %dma_wait3A_275 = arith.constant 0 : i32
      %dma_wait3A_276 = tpu.memref_slice %arg9[%dma_wait3A_274, %dma_wait3A_275] : memref<8x128xi32, #tpu.memory_space<vmem>> -> memref<1x128xi32, #tpu.memory_space<vmem>>
      %dma_wait3A_277 = tpu.memref_squeeze %dma_wait3A_276 : memref<1x128xi32, #tpu.memory_space<vmem>> -> memref<128xi32, #tpu.memory_space<vmem>>
      %dma_wait3A_278 = arith.constant 0 : i32
      %dma_wait3A_279 = arith.constant 0 : i32
      %dma_wait3A_280 = tpu.memref_slice %arg20[%dma_wait3A_278, %dma_wait3A_279] : memref<10240x128xf32, #tpu.memory_space<vmem_shared>> -> memref<10240x128xf32, #tpu.memory_space<vmem_shared>>
      tpu.wait_indirect_dma semaphore(%arg18 : memref<!tpu.dma_semaphore, #tpu.memory_space<semaphore_mem>>) src(%arg11 : memref<128x128xf32, #tpu.memory_space<vmem>>) dst(%dma_wait3A_280 : memref<10240x128xf32, #tpu.memory_space<vmem_shared>>)
      %dma_start3A_281 = arith.constant 0 : i32
      %dma_start3A_282 = arith.constant 0 : i32
      %dma_start3A_283 = tpu.memref_slice %arg8[%dma_start3A_281, %dma_start3A_282] : memref<8x128xi32, #tpu.memory_space<vmem>> -> memref<1x128xi32, #tpu.memory_space<vmem>>
      %dma_start3A_284 = tpu.memref_squeeze %dma_start3A_283 : memref<1x128xi32, #tpu.memory_space<vmem>> -> memref<128xi32, #tpu.memory_space<vmem>>
      %dma_start3A_285 = arith.constant 0 : i32
      %dma_start3A_286 = arith.constant 0 : i32
      %dma_start3A_287 = tpu.memref_slice %arg2[%dma_start3A_285, %dma_start3A_286] : memref<10240x128xf32, #tpu.memory_space<hbm>> -> memref<10240x128xf32, #tpu.memory_space<hbm>>
      tpu.enqueue_indirect_dma source(%dma_start3A_287 : memref<10240x128xf32, #tpu.memory_space<hbm>>) target(%arg11 : memref<128x128xf32, #tpu.memory_space<vmem>>) offsets(%dma_start3A_284 : memref<128xi32, #tpu.memory_space<vmem>>) semaphore(%arg16 : memref<!tpu.dma_semaphore, #tpu.memory_space<semaphore_mem>>)
      %dma_wait3A_288 = arith.constant 0 : i32
      %dma_wait3A_289 = arith.constant 0 : i32
      %dma_wait3A_290 = tpu.memref_slice %arg7[%dma_wait3A_288, %dma_wait3A_289] : memref<8x128xi32, #tpu.memory_space<vmem>> -> memref<1x128xi32, #tpu.memory_space<vmem>>
      %dma_wait3A_291 = tpu.memref_squeeze %dma_wait3A_290 : memref<1x128xi32, #tpu.memory_space<vmem>> -> memref<128xi32, #tpu.memory_space<vmem>>
      %dma_wait3A_292 = arith.constant 0 : i32
      %dma_wait3A_293 = arith.constant 0 : i32
      %dma_wait3A_294 = tpu.memref_slice %arg2[%dma_wait3A_292, %dma_wait3A_293] : memref<10240x128xf32, #tpu.memory_space<hbm>> -> memref<10240x128xf32, #tpu.memory_space<hbm>>
      tpu.wait_indirect_dma semaphore(%arg17 : memref<!tpu.dma_semaphore, #tpu.memory_space<semaphore_mem>>) src(%dma_wait3A_294 : memref<10240x128xf32, #tpu.memory_space<hbm>>) dst(%arg12 : memref<128x128xf32, #tpu.memory_space<vmem>>)
      %dma_start3A_295 = arith.constant 7 : i32
      %dma_start3A_296 = arith.constant 0 : i32
      %dma_start3A_297 = tpu.memref_slice %arg9[%dma_start3A_295, %dma_start3A_296] : memref<8x128xi32, #tpu.memory_space<vmem>> -> memref<1x128xi32, #tpu.memory_space<vmem>>
      %dma_start3A_298 = tpu.memref_squeeze %dma_start3A_297 : memref<1x128xi32, #tpu.memory_space<vmem>> -> memref<128xi32, #tpu.memory_space<vmem>>
      %dma_start3A_299 = arith.constant 0 : i32
      %dma_start3A_300 = arith.constant 0 : i32
      %dma_start3A_301 = tpu.memref_slice %arg20[%dma_start3A_299, %dma_start3A_300] : memref<10240x128xf32, #tpu.memory_space<vmem_shared>> -> memref<10240x128xf32, #tpu.memory_space<vmem_shared>>
      tpu.enqueue_indirect_dma source(%arg12 : memref<128x128xf32, #tpu.memory_space<vmem>>) target(%dma_start3A_301 : memref<10240x128xf32, #tpu.memory_space<vmem_shared>>) offsets(%dma_start3A_298 : memref<128xi32, #tpu.memory_space<vmem>>) semaphore(%arg19 : memref<!tpu.dma_semaphore, #tpu.memory_space<semaphore_mem>>) {add = true}
      %dma_wait3A_302 = arith.constant 0 : i32
      %dma_wait3A_303 = arith.constant 0 : i32
      %dma_wait3A_304 = tpu.memref_slice %arg9[%dma_wait3A_302, %dma_wait3A_303] : memref<8x128xi32, #tpu.memory_space<vmem>> -> memref<1x128xi32, #tpu.memory_space<vmem>>
      %dma_wait3A_305 = tpu.memref_squeeze %dma_wait3A_304 : memref<1x128xi32, #tpu.memory_space<vmem>> -> memref<128xi32, #tpu.memory_space<vmem>>
      %dma_wait3A_306 = arith.constant 0 : i32
      %dma_wait3A_307 = arith.constant 0 : i32
      %dma_wait3A_308 = tpu.memref_slice %arg20[%dma_wait3A_306, %dma_wait3A_307] : memref<10240x128xf32, #tpu.memory_space<vmem_shared>> -> memref<10240x128xf32, #tpu.memory_space<vmem_shared>>
      tpu.wait_indirect_dma semaphore(%arg19 : memref<!tpu.dma_semaphore, #tpu.memory_space<semaphore_mem>>) src(%arg12 : memref<128x128xf32, #tpu.memory_space<vmem>>) dst(%dma_wait3A_308 : memref<10240x128xf32, #tpu.memory_space<vmem_shared>>)
      %dma_start3A_309 = arith.constant 1 : i32
      %dma_start3A_310 = arith.constant 0 : i32
      %dma_start3A_311 = tpu.memref_slice %arg8[%dma_start3A_309, %dma_start3A_310] : memref<8x128xi32, #tpu.memory_space<vmem>> -> memref<1x128xi32, #tpu.memory_space<vmem>>
      %dma_start3A_312 = tpu.memref_squeeze %dma_start3A_311 : memref<1x128xi32, #tpu.memory_space<vmem>> -> memref<128xi32, #tpu.memory_space<vmem>>
      %dma_start3A_313 = arith.constant 0 : i32
      %dma_start3A_314 = arith.constant 0 : i32
      %dma_start3A_315 = tpu.memref_slice %arg2[%dma_start3A_313, %dma_start3A_314] : memref<10240x128xf32, #tpu.memory_space<hbm>> -> memref<10240x128xf32, #tpu.memory_space<hbm>>
      tpu.enqueue_indirect_dma source(%dma_start3A_315 : memref<10240x128xf32, #tpu.memory_space<hbm>>) target(%arg12 : memref<128x128xf32, #tpu.memory_space<vmem>>) offsets(%dma_start3A_312 : memref<128xi32, #tpu.memory_space<vmem>>) semaphore(%arg17 : memref<!tpu.dma_semaphore, #tpu.memory_space<semaphore_mem>>)
      %add3A_316 = arith.constant 2 : i32
      %add3A_317 = arith.addi %mul3A_83, %add3A_316 : i32
      %min3A = arith.constant 9 : i32
      %min3A_318 = arith.minsi %add3A_317, %min3A : i32
      %mul3A_319 = arith.constant 8 : i32
      %mul3A_320 = arith.muli %min3A_318, %mul3A_319 : i32
      %add3A_321 = arith.addi %mul3A_4, %mul3A_320 : i32
      %dma_start3A_322 = arith.constant 0 : i32
      %dma_start3A_323 = tpu.memref_slice %arg3[%add3A_321, %dma_start3A_322] : memref<2560x128xi32, #tpu.memory_space<hbm>> -> memref<8x128xi32, #tpu.memory_space<hbm>>
      %dma_start3A_324 = arith.constant 0 : i32
      %dma_start3A_325 = tpu.memref_slice %arg3[%add3A_321, %dma_start3A_324] : memref<2560x128xi32, #tpu.memory_space<hbm>> -> memref<8x128xi32, #tpu.memory_space<hbm>>
      tpu.enqueue_dma source(%dma_start3A_325 : memref<8x128xi32, #tpu.memory_space<hbm>>) target(%arg7 : memref<8x128xi32, #tpu.memory_space<vmem>>) target_semaphore(%arg14 : memref<!tpu.dma_semaphore, #tpu.memory_space<semaphore_mem>>)
      %dma_start3A_326 = arith.constant 0 : i32
      %dma_start3A_327 = tpu.memref_slice %arg4[%add3A_321, %dma_start3A_326] : memref<2560x128xi32, #tpu.memory_space<hbm>> -> memref<8x128xi32, #tpu.memory_space<hbm>>
      %dma_start3A_328 = arith.constant 0 : i32
      %dma_start3A_329 = tpu.memref_slice %arg4[%add3A_321, %dma_start3A_328] : memref<2560x128xi32, #tpu.memory_space<hbm>> -> memref<8x128xi32, #tpu.memory_space<hbm>>
      tpu.enqueue_dma source(%dma_start3A_329 : memref<8x128xi32, #tpu.memory_space<hbm>>) target(%arg9 : memref<8x128xi32, #tpu.memory_space<vmem>>) target_semaphore(%arg14 : memref<!tpu.dma_semaphore, #tpu.memory_space<semaphore_mem>>)
      %dma_wait3A_330 = arith.constant 0 : i32
      %dma_wait3A_331 = arith.constant 0 : i32
      %dma_wait3A_332 = tpu.memref_slice %arg7[%dma_wait3A_330, %dma_wait3A_331] : memref<8x128xi32, #tpu.memory_space<vmem>> -> memref<1x128xi32, #tpu.memory_space<vmem>>
      %dma_wait3A_333 = tpu.memref_squeeze %dma_wait3A_332 : memref<1x128xi32, #tpu.memory_space<vmem>> -> memref<128xi32, #tpu.memory_space<vmem>>
      %dma_wait3A_334 = arith.constant 0 : i32
      %dma_wait3A_335 = arith.constant 0 : i32
      %dma_wait3A_336 = tpu.memref_slice %arg2[%dma_wait3A_334, %dma_wait3A_335] : memref<10240x128xf32, #tpu.memory_space<hbm>> -> memref<10240x128xf32, #tpu.memory_space<hbm>>
      tpu.wait_indirect_dma semaphore(%arg16 : memref<!tpu.dma_semaphore, #tpu.memory_space<semaphore_mem>>) src(%dma_wait3A_336 : memref<10240x128xf32, #tpu.memory_space<hbm>>) dst(%arg11 : memref<128x128xf32, #tpu.memory_space<vmem>>)
      %dma_start3A_337 = arith.constant 0 : i32
      %dma_start3A_338 = arith.constant 0 : i32
      %dma_start3A_339 = tpu.memref_slice %arg10[%dma_start3A_337, %dma_start3A_338] : memref<8x128xi32, #tpu.memory_space<vmem>> -> memref<1x128xi32, #tpu.memory_space<vmem>>
      %dma_start3A_340 = tpu.memref_squeeze %dma_start3A_339 : memref<1x128xi32, #tpu.memory_space<vmem>> -> memref<128xi32, #tpu.memory_space<vmem>>
      %dma_start3A_341 = arith.constant 0 : i32
      %dma_start3A_342 = arith.constant 0 : i32
      %dma_start3A_343 = tpu.memref_slice %arg20[%dma_start3A_341, %dma_start3A_342] : memref<10240x128xf32, #tpu.memory_space<vmem_shared>> -> memref<10240x128xf32, #tpu.memory_space<vmem_shared>>
      tpu.enqueue_indirect_dma source(%arg11 : memref<128x128xf32, #tpu.memory_space<vmem>>) target(%dma_start3A_343 : memref<10240x128xf32, #tpu.memory_space<vmem_shared>>) offsets(%dma_start3A_340 : memref<128xi32, #tpu.memory_space<vmem>>) semaphore(%arg18 : memref<!tpu.dma_semaphore, #tpu.memory_space<semaphore_mem>>) {add = true}
      %dma_wait3A_344 = arith.constant 0 : i32
      %dma_wait3A_345 = arith.constant 0 : i32
      %dma_wait3A_346 = tpu.memref_slice %arg9[%dma_wait3A_344, %dma_wait3A_345] : memref<8x128xi32, #tpu.memory_space<vmem>> -> memref<1x128xi32, #tpu.memory_space<vmem>>
      %dma_wait3A_347 = tpu.memref_squeeze %dma_wait3A_346 : memref<1x128xi32, #tpu.memory_space<vmem>> -> memref<128xi32, #tpu.memory_space<vmem>>
      %dma_wait3A_348 = arith.constant 0 : i32
      %dma_wait3A_349 = arith.constant 0 : i32
      %dma_wait3A_350 = tpu.memref_slice %arg20[%dma_wait3A_348, %dma_wait3A_349] : memref<10240x128xf32, #tpu.memory_space<vmem_shared>> -> memref<10240x128xf32, #tpu.memory_space<vmem_shared>>
      tpu.wait_indirect_dma semaphore(%arg18 : memref<!tpu.dma_semaphore, #tpu.memory_space<semaphore_mem>>) src(%arg11 : memref<128x128xf32, #tpu.memory_space<vmem>>) dst(%dma_wait3A_350 : memref<10240x128xf32, #tpu.memory_space<vmem_shared>>)
      %dma_start3A_351 = arith.constant 2 : i32
      %dma_start3A_352 = arith.constant 0 : i32
      %dma_start3A_353 = tpu.memref_slice %arg8[%dma_start3A_351, %dma_start3A_352] : memref<8x128xi32, #tpu.memory_space<vmem>> -> memref<1x128xi32, #tpu.memory_space<vmem>>
      %dma_start3A_354 = tpu.memref_squeeze %dma_start3A_353 : memref<1x128xi32, #tpu.memory_space<vmem>> -> memref<128xi32, #tpu.memory_space<vmem>>
      %dma_start3A_355 = arith.constant 0 : i32
      %dma_start3A_356 = arith.constant 0 : i32
      %dma_start3A_357 = tpu.memref_slice %arg2[%dma_start3A_355, %dma_start3A_356] : memref<10240x128xf32, #tpu.memory_space<hbm>> -> memref<10240x128xf32, #tpu.memory_space<hbm>>
      tpu.enqueue_indirect_dma source(%dma_start3A_357 : memref<10240x128xf32, #tpu.memory_space<hbm>>) target(%arg11 : memref<128x128xf32, #tpu.memory_space<vmem>>) offsets(%dma_start3A_354 : memref<128xi32, #tpu.memory_space<vmem>>) semaphore(%arg16 : memref<!tpu.dma_semaphore, #tpu.memory_space<semaphore_mem>>)
      %dma_wait3A_358 = arith.constant 0 : i32
      %dma_wait3A_359 = arith.constant 0 : i32
      %dma_wait3A_360 = tpu.memref_slice %arg7[%dma_wait3A_358, %dma_wait3A_359] : memref<8x128xi32, #tpu.memory_space<vmem>> -> memref<1x128xi32, #tpu.memory_space<vmem>>
      %dma_wait3A_361 = tpu.memref_squeeze %dma_wait3A_360 : memref<1x128xi32, #tpu.memory_space<vmem>> -> memref<128xi32, #tpu.memory_space<vmem>>
      %dma_wait3A_362 = arith.constant 0 : i32
      %dma_wait3A_363 = arith.constant 0 : i32
      %dma_wait3A_364 = tpu.memref_slice %arg2[%dma_wait3A_362, %dma_wait3A_363] : memref<10240x128xf32, #tpu.memory_space<hbm>> -> memref<10240x128xf32, #tpu.memory_space<hbm>>
      tpu.wait_indirect_dma semaphore(%arg17 : memref<!tpu.dma_semaphore, #tpu.memory_space<semaphore_mem>>) src(%dma_wait3A_364 : memref<10240x128xf32, #tpu.memory_space<hbm>>) dst(%arg12 : memref<128x128xf32, #tpu.memory_space<vmem>>)
      %dma_start3A_365 = arith.constant 1 : i32
      %dma_start3A_366 = arith.constant 0 : i32
      %dma_start3A_367 = tpu.memref_slice %arg10[%dma_start3A_365, %dma_start3A_366] : memref<8x128xi32, #tpu.memory_space<vmem>> -> memref<1x128xi32, #tpu.memory_space<vmem>>
      %dma_start3A_368 = tpu.memref_squeeze %dma_start3A_367 : memref<1x128xi32, #tpu.memory_space<vmem>> -> memref<128xi32, #tpu.memory_space<vmem>>
      %dma_start3A_369 = arith.constant 0 : i32
      %dma_start3A_370 = arith.constant 0 : i32
      %dma_start3A_371 = tpu.memref_slice %arg20[%dma_start3A_369, %dma_start3A_370] : memref<10240x128xf32, #tpu.memory_space<vmem_shared>> -> memref<10240x128xf32, #tpu.memory_space<vmem_shared>>
      tpu.enqueue_indirect_dma source(%arg12 : memref<128x128xf32, #tpu.memory_space<vmem>>) target(%dma_start3A_371 : memref<10240x128xf32, #tpu.memory_space<vmem_shared>>) offsets(%dma_start3A_368 : memref<128xi32, #tpu.memory_space<vmem>>) semaphore(%arg19 : memref<!tpu.dma_semaphore, #tpu.memory_space<semaphore_mem>>) {add = true}
      %dma_wait3A_372 = arith.constant 0 : i32
      %dma_wait3A_373 = arith.constant 0 : i32
      %dma_wait3A_374 = tpu.memref_slice %arg9[%dma_wait3A_372, %dma_wait3A_373] : memref<8x128xi32, #tpu.memory_space<vmem>> -> memref<1x128xi32, #tpu.memory_space<vmem>>
      %dma_wait3A_375 = tpu.memref_squeeze %dma_wait3A_374 : memref<1x128xi32, #tpu.memory_space<vmem>> -> memref<128xi32, #tpu.memory_space<vmem>>
      %dma_wait3A_376 = arith.constant 0 : i32
      %dma_wait3A_377 = arith.constant 0 : i32
      %dma_wait3A_378 = tpu.memref_slice %arg20[%dma_wait3A_376, %dma_wait3A_377] : memref<10240x128xf32, #tpu.memory_space<vmem_shared>> -> memref<10240x128xf32, #tpu.memory_space<vmem_shared>>
      tpu.wait_indirect_dma semaphore(%arg19 : memref<!tpu.dma_semaphore, #tpu.memory_space<semaphore_mem>>) src(%arg12 : memref<128x128xf32, #tpu.memory_space<vmem>>) dst(%dma_wait3A_378 : memref<10240x128xf32, #tpu.memory_space<vmem_shared>>)
      %dma_start3A_379 = arith.constant 3 : i32
      %dma_start3A_380 = arith.constant 0 : i32
      %dma_start3A_381 = tpu.memref_slice %arg8[%dma_start3A_379, %dma_start3A_380] : memref<8x128xi32, #tpu.memory_space<vmem>> -> memref<1x128xi32, #tpu.memory_space<vmem>>
      %dma_start3A_382 = tpu.memref_squeeze %dma_start3A_381 : memref<1x128xi32, #tpu.memory_space<vmem>> -> memref<128xi32, #tpu.memory_space<vmem>>
      %dma_start3A_383 = arith.constant 0 : i32
      %dma_start3A_384 = arith.constant 0 : i32
      %dma_start3A_385 = tpu.memref_slice %arg2[%dma_start3A_383, %dma_start3A_384] : memref<10240x128xf32, #tpu.memory_space<hbm>> -> memref<10240x128xf32, #tpu.memory_space<hbm>>
      tpu.enqueue_indirect_dma source(%dma_start3A_385 : memref<10240x128xf32, #tpu.memory_space<hbm>>) target(%arg12 : memref<128x128xf32, #tpu.memory_space<vmem>>) offsets(%dma_start3A_382 : memref<128xi32, #tpu.memory_space<vmem>>) semaphore(%arg17 : memref<!tpu.dma_semaphore, #tpu.memory_space<semaphore_mem>>)
      %dma_wait3A_386 = arith.constant 0 : i32
      %dma_wait3A_387 = arith.constant 0 : i32
      %dma_wait3A_388 = tpu.memref_slice %arg7[%dma_wait3A_386, %dma_wait3A_387] : memref<8x128xi32, #tpu.memory_space<vmem>> -> memref<1x128xi32, #tpu.memory_space<vmem>>
      %dma_wait3A_389 = tpu.memref_squeeze %dma_wait3A_388 : memref<1x128xi32, #tpu.memory_space<vmem>> -> memref<128xi32, #tpu.memory_space<vmem>>
      %dma_wait3A_390 = arith.constant 0 : i32
      %dma_wait3A_391 = arith.constant 0 : i32
      %dma_wait3A_392 = tpu.memref_slice %arg2[%dma_wait3A_390, %dma_wait3A_391] : memref<10240x128xf32, #tpu.memory_space<hbm>> -> memref<10240x128xf32, #tpu.memory_space<hbm>>
      tpu.wait_indirect_dma semaphore(%arg16 : memref<!tpu.dma_semaphore, #tpu.memory_space<semaphore_mem>>) src(%dma_wait3A_392 : memref<10240x128xf32, #tpu.memory_space<hbm>>) dst(%arg11 : memref<128x128xf32, #tpu.memory_space<vmem>>)
      %dma_start3A_393 = arith.constant 2 : i32
      %dma_start3A_394 = arith.constant 0 : i32
      %dma_start3A_395 = tpu.memref_slice %arg10[%dma_start3A_393, %dma_start3A_394] : memref<8x128xi32, #tpu.memory_space<vmem>> -> memref<1x128xi32, #tpu.memory_space<vmem>>
      %dma_start3A_396 = tpu.memref_squeeze %dma_start3A_395 : memref<1x128xi32, #tpu.memory_space<vmem>> -> memref<128xi32, #tpu.memory_space<vmem>>
      %dma_start3A_397 = arith.constant 0 : i32
      %dma_start3A_398 = arith.constant 0 : i32
      %dma_start3A_399 = tpu.memref_slice %arg20[%dma_start3A_397, %dma_start3A_398] : memref<10240x128xf32, #tpu.memory_space<vmem_shared>> -> memref<10240x128xf32, #tpu.memory_space<vmem_shared>>
      tpu.enqueue_indirect_dma source(%arg11 : memref<128x128xf32, #tpu.memory_space<vmem>>) target(%dma_start3A_399 : memref<10240x128xf32, #tpu.memory_space<vmem_shared>>) offsets(%dma_start3A_396 : memref<128xi32, #tpu.memory_space<vmem>>) semaphore(%arg18 : memref<!tpu.dma_semaphore, #tpu.memory_space<semaphore_mem>>) {add = true}
      %dma_wait3A_400 = arith.constant 0 : i32
      %dma_wait3A_401 = arith.constant 0 : i32
      %dma_wait3A_402 = tpu.memref_slice %arg9[%dma_wait3A_400, %dma_wait3A_401] : memref<8x128xi32, #tpu.memory_space<vmem>> -> memref<1x128xi32, #tpu.memory_space<vmem>>
      %dma_wait3A_403 = tpu.memref_squeeze %dma_wait3A_402 : memref<1x128xi32, #tpu.memory_space<vmem>> -> memref<128xi32, #tpu.memory_space<vmem>>
      %dma_wait3A_404 = arith.constant 0 : i32
      %dma_wait3A_405 = arith.constant 0 : i32
      %dma_wait3A_406 = tpu.memref_slice %arg20[%dma_wait3A_404, %dma_wait3A_405] : memref<10240x128xf32, #tpu.memory_space<vmem_shared>> -> memref<10240x128xf32, #tpu.memory_space<vmem_shared>>
      tpu.wait_indirect_dma semaphore(%arg18 : memref<!tpu.dma_semaphore, #tpu.memory_space<semaphore_mem>>) src(%arg11 : memref<128x128xf32, #tpu.memory_space<vmem>>) dst(%dma_wait3A_406 : memref<10240x128xf32, #tpu.memory_space<vmem_shared>>)
      %dma_start3A_407 = arith.constant 4 : i32
      %dma_start3A_408 = arith.constant 0 : i32
      %dma_start3A_409 = tpu.memref_slice %arg8[%dma_start3A_407, %dma_start3A_408] : memref<8x128xi32, #tpu.memory_space<vmem>> -> memref<1x128xi32, #tpu.memory_space<vmem>>
      %dma_start3A_410 = tpu.memref_squeeze %dma_start3A_409 : memref<1x128xi32, #tpu.memory_space<vmem>> -> memref<128xi32, #tpu.memory_space<vmem>>
      %dma_start3A_411 = arith.constant 0 : i32
      %dma_start3A_412 = arith.constant 0 : i32
      %dma_start3A_413 = tpu.memref_slice %arg2[%dma_start3A_411, %dma_start3A_412] : memref<10240x128xf32, #tpu.memory_space<hbm>> -> memref<10240x128xf32, #tpu.memory_space<hbm>>
      tpu.enqueue_indirect_dma source(%dma_start3A_413 : memref<10240x128xf32, #tpu.memory_space<hbm>>) target(%arg11 : memref<128x128xf32, #tpu.memory_space<vmem>>) offsets(%dma_start3A_410 : memref<128xi32, #tpu.memory_space<vmem>>) semaphore(%arg16 : memref<!tpu.dma_semaphore, #tpu.memory_space<semaphore_mem>>)
      %dma_wait3A_414 = arith.constant 0 : i32
      %dma_wait3A_415 = arith.constant 0 : i32
      %dma_wait3A_416 = tpu.memref_slice %arg7[%dma_wait3A_414, %dma_wait3A_415] : memref<8x128xi32, #tpu.memory_space<vmem>> -> memref<1x128xi32, #tpu.memory_space<vmem>>
      %dma_wait3A_417 = tpu.memref_squeeze %dma_wait3A_416 : memref<1x128xi32, #tpu.memory_space<vmem>> -> memref<128xi32, #tpu.memory_space<vmem>>
      %dma_wait3A_418 = arith.constant 0 : i32
      %dma_wait3A_419 = arith.constant 0 : i32
      %dma_wait3A_420 = tpu.memref_slice %arg2[%dma_wait3A_418, %dma_wait3A_419] : memref<10240x128xf32, #tpu.memory_space<hbm>> -> memref<10240x128xf32, #tpu.memory_space<hbm>>
      tpu.wait_indirect_dma semaphore(%arg17 : memref<!tpu.dma_semaphore, #tpu.memory_space<semaphore_mem>>) src(%dma_wait3A_420 : memref<10240x128xf32, #tpu.memory_space<hbm>>) dst(%arg12 : memref<128x128xf32, #tpu.memory_space<vmem>>)
      %dma_start3A_421 = arith.constant 3 : i32
      %dma_start3A_422 = arith.constant 0 : i32
      %dma_start3A_423 = tpu.memref_slice %arg10[%dma_start3A_421, %dma_start3A_422] : memref<8x128xi32, #tpu.memory_space<vmem>> -> memref<1x128xi32, #tpu.memory_space<vmem>>
      %dma_start3A_424 = tpu.memref_squeeze %dma_start3A_423 : memref<1x128xi32, #tpu.memory_space<vmem>> -> memref<128xi32, #tpu.memory_space<vmem>>
      %dma_start3A_425 = arith.constant 0 : i32
      %dma_start3A_426 = arith.constant 0 : i32
      %dma_start3A_427 = tpu.memref_slice %arg20[%dma_start3A_425, %dma_start3A_426] : memref<10240x128xf32, #tpu.memory_space<vmem_shared>> -> memref<10240x128xf32, #tpu.memory_space<vmem_shared>>
      tpu.enqueue_indirect_dma source(%arg12 : memref<128x128xf32, #tpu.memory_space<vmem>>) target(%dma_start3A_427 : memref<10240x128xf32, #tpu.memory_space<vmem_shared>>) offsets(%dma_start3A_424 : memref<128xi32, #tpu.memory_space<vmem>>) semaphore(%arg19 : memref<!tpu.dma_semaphore, #tpu.memory_space<semaphore_mem>>) {add = true}
      %dma_wait3A_428 = arith.constant 0 : i32
      %dma_wait3A_429 = arith.constant 0 : i32
      %dma_wait3A_430 = tpu.memref_slice %arg9[%dma_wait3A_428, %dma_wait3A_429] : memref<8x128xi32, #tpu.memory_space<vmem>> -> memref<1x128xi32, #tpu.memory_space<vmem>>
      %dma_wait3A_431 = tpu.memref_squeeze %dma_wait3A_430 : memref<1x128xi32, #tpu.memory_space<vmem>> -> memref<128xi32, #tpu.memory_space<vmem>>
      %dma_wait3A_432 = arith.constant 0 : i32
      %dma_wait3A_433 = arith.constant 0 : i32
      %dma_wait3A_434 = tpu.memref_slice %arg20[%dma_wait3A_432, %dma_wait3A_433] : memref<10240x128xf32, #tpu.memory_space<vmem_shared>> -> memref<10240x128xf32, #tpu.memory_space<vmem_shared>>
      tpu.wait_indirect_dma semaphore(%arg19 : memref<!tpu.dma_semaphore, #tpu.memory_space<semaphore_mem>>) src(%arg12 : memref<128x128xf32, #tpu.memory_space<vmem>>) dst(%dma_wait3A_434 : memref<10240x128xf32, #tpu.memory_space<vmem_shared>>)
      %dma_start3A_435 = arith.constant 5 : i32
      %dma_start3A_436 = arith.constant 0 : i32
      %dma_start3A_437 = tpu.memref_slice %arg8[%dma_start3A_435, %dma_start3A_436] : memref<8x128xi32, #tpu.memory_space<vmem>> -> memref<1x128xi32, #tpu.memory_space<vmem>>
      %dma_start3A_438 = tpu.memref_squeeze %dma_start3A_437 : memref<1x128xi32, #tpu.memory_space<vmem>> -> memref<128xi32, #tpu.memory_space<vmem>>
      %dma_start3A_439 = arith.constant 0 : i32
      %dma_start3A_440 = arith.constant 0 : i32
      %dma_start3A_441 = tpu.memref_slice %arg2[%dma_start3A_439, %dma_start3A_440] : memref<10240x128xf32, #tpu.memory_space<hbm>> -> memref<10240x128xf32, #tpu.memory_space<hbm>>
      tpu.enqueue_indirect_dma source(%dma_start3A_441 : memref<10240x128xf32, #tpu.memory_space<hbm>>) target(%arg12 : memref<128x128xf32, #tpu.memory_space<vmem>>) offsets(%dma_start3A_438 : memref<128xi32, #tpu.memory_space<vmem>>) semaphore(%arg17 : memref<!tpu.dma_semaphore, #tpu.memory_space<semaphore_mem>>)
      %dma_wait3A_442 = arith.constant 0 : i32
      %dma_wait3A_443 = arith.constant 0 : i32
      %dma_wait3A_444 = tpu.memref_slice %arg7[%dma_wait3A_442, %dma_wait3A_443] : memref<8x128xi32, #tpu.memory_space<vmem>> -> memref<1x128xi32, #tpu.memory_space<vmem>>
      %dma_wait3A_445 = tpu.memref_squeeze %dma_wait3A_444 : memref<1x128xi32, #tpu.memory_space<vmem>> -> memref<128xi32, #tpu.memory_space<vmem>>
      %dma_wait3A_446 = arith.constant 0 : i32
      %dma_wait3A_447 = arith.constant 0 : i32
      %dma_wait3A_448 = tpu.memref_slice %arg2[%dma_wait3A_446, %dma_wait3A_447] : memref<10240x128xf32, #tpu.memory_space<hbm>> -> memref<10240x128xf32, #tpu.memory_space<hbm>>
      tpu.wait_indirect_dma semaphore(%arg16 : memref<!tpu.dma_semaphore, #tpu.memory_space<semaphore_mem>>) src(%dma_wait3A_448 : memref<10240x128xf32, #tpu.memory_space<hbm>>) dst(%arg11 : memref<128x128xf32, #tpu.memory_space<vmem>>)
      %dma_start3A_449 = arith.constant 4 : i32
      %dma_start3A_450 = arith.constant 0 : i32
      %dma_start3A_451 = tpu.memref_slice %arg10[%dma_start3A_449, %dma_start3A_450] : memref<8x128xi32, #tpu.memory_space<vmem>> -> memref<1x128xi32, #tpu.memory_space<vmem>>
      %dma_start3A_452 = tpu.memref_squeeze %dma_start3A_451 : memref<1x128xi32, #tpu.memory_space<vmem>> -> memref<128xi32, #tpu.memory_space<vmem>>
      %dma_start3A_453 = arith.constant 0 : i32
      %dma_start3A_454 = arith.constant 0 : i32
      %dma_start3A_455 = tpu.memref_slice %arg20[%dma_start3A_453, %dma_start3A_454] : memref<10240x128xf32, #tpu.memory_space<vmem_shared>> -> memref<10240x128xf32, #tpu.memory_space<vmem_shared>>
      tpu.enqueue_indirect_dma source(%arg11 : memref<128x128xf32, #tpu.memory_space<vmem>>) target(%dma_start3A_455 : memref<10240x128xf32, #tpu.memory_space<vmem_shared>>) offsets(%dma_start3A_452 : memref<128xi32, #tpu.memory_space<vmem>>) semaphore(%arg18 : memref<!tpu.dma_semaphore, #tpu.memory_space<semaphore_mem>>) {add = true}
      %dma_wait3A_456 = arith.constant 0 : i32
      %dma_wait3A_457 = arith.constant 0 : i32
      %dma_wait3A_458 = tpu.memref_slice %arg9[%dma_wait3A_456, %dma_wait3A_457] : memref<8x128xi32, #tpu.memory_space<vmem>> -> memref<1x128xi32, #tpu.memory_space<vmem>>
      %dma_wait3A_459 = tpu.memref_squeeze %dma_wait3A_458 : memref<1x128xi32, #tpu.memory_space<vmem>> -> memref<128xi32, #tpu.memory_space<vmem>>
      %dma_wait3A_460 = arith.constant 0 : i32
      %dma_wait3A_461 = arith.constant 0 : i32
      %dma_wait3A_462 = tpu.memref_slice %arg20[%dma_wait3A_460, %dma_wait3A_461] : memref<10240x128xf32, #tpu.memory_space<vmem_shared>> -> memref<10240x128xf32, #tpu.memory_space<vmem_shared>>
      tpu.wait_indirect_dma semaphore(%arg18 : memref<!tpu.dma_semaphore, #tpu.memory_space<semaphore_mem>>) src(%arg11 : memref<128x128xf32, #tpu.memory_space<vmem>>) dst(%dma_wait3A_462 : memref<10240x128xf32, #tpu.memory_space<vmem_shared>>)
      %dma_start3A_463 = arith.constant 6 : i32
      %dma_start3A_464 = arith.constant 0 : i32
      %dma_start3A_465 = tpu.memref_slice %arg8[%dma_start3A_463, %dma_start3A_464] : memref<8x128xi32, #tpu.memory_space<vmem>> -> memref<1x128xi32, #tpu.memory_space<vmem>>
      %dma_start3A_466 = tpu.memref_squeeze %dma_start3A_465 : memref<1x128xi32, #tpu.memory_space<vmem>> -> memref<128xi32, #tpu.memory_space<vmem>>
      %dma_start3A_467 = arith.constant 0 : i32
      %dma_start3A_468 = arith.constant 0 : i32
      %dma_start3A_469 = tpu.memref_slice %arg2[%dma_start3A_467, %dma_start3A_468] : memref<10240x128xf32, #tpu.memory_space<hbm>> -> memref<10240x128xf32, #tpu.memory_space<hbm>>
      tpu.enqueue_indirect_dma source(%dma_start3A_469 : memref<10240x128xf32, #tpu.memory_space<hbm>>) target(%arg11 : memref<128x128xf32, #tpu.memory_space<vmem>>) offsets(%dma_start3A_466 : memref<128xi32, #tpu.memory_space<vmem>>) semaphore(%arg16 : memref<!tpu.dma_semaphore, #tpu.memory_space<semaphore_mem>>)
      %dma_wait3A_470 = arith.constant 0 : i32
      %dma_wait3A_471 = arith.constant 0 : i32
      %dma_wait3A_472 = tpu.memref_slice %arg7[%dma_wait3A_470, %dma_wait3A_471] : memref<8x128xi32, #tpu.memory_space<vmem>> -> memref<1x128xi32, #tpu.memory_space<vmem>>
      %dma_wait3A_473 = tpu.memref_squeeze %dma_wait3A_472 : memref<1x128xi32, #tpu.memory_space<vmem>> -> memref<128xi32, #tpu.memory_space<vmem>>
      %dma_wait3A_474 = arith.constant 0 : i32
      %dma_wait3A_475 = arith.constant 0 : i32
      %dma_wait3A_476 = tpu.memref_slice %arg2[%dma_wait3A_474, %dma_wait3A_475] : memref<10240x128xf32, #tpu.memory_space<hbm>> -> memref<10240x128xf32, #tpu.memory_space<hbm>>
      tpu.wait_indirect_dma semaphore(%arg17 : memref<!tpu.dma_semaphore, #tpu.memory_space<semaphore_mem>>) src(%dma_wait3A_476 : memref<10240x128xf32, #tpu.memory_space<hbm>>) dst(%arg12 : memref<128x128xf32, #tpu.memory_space<vmem>>)
      %dma_start3A_477 = arith.constant 5 : i32
      %dma_start3A_478 = arith.constant 0 : i32
      %dma_start3A_479 = tpu.memref_slice %arg10[%dma_start3A_477, %dma_start3A_478] : memref<8x128xi32, #tpu.memory_space<vmem>> -> memref<1x128xi32, #tpu.memory_space<vmem>>
      %dma_start3A_480 = tpu.memref_squeeze %dma_start3A_479 : memref<1x128xi32, #tpu.memory_space<vmem>> -> memref<128xi32, #tpu.memory_space<vmem>>
      %dma_start3A_481 = arith.constant 0 : i32
      %dma_start3A_482 = arith.constant 0 : i32
      %dma_start3A_483 = tpu.memref_slice %arg20[%dma_start3A_481, %dma_start3A_482] : memref<10240x128xf32, #tpu.memory_space<vmem_shared>> -> memref<10240x128xf32, #tpu.memory_space<vmem_shared>>
      tpu.enqueue_indirect_dma source(%arg12 : memref<128x128xf32, #tpu.memory_space<vmem>>) target(%dma_start3A_483 : memref<10240x128xf32, #tpu.memory_space<vmem_shared>>) offsets(%dma_start3A_480 : memref<128xi32, #tpu.memory_space<vmem>>) semaphore(%arg19 : memref<!tpu.dma_semaphore, #tpu.memory_space<semaphore_mem>>) {add = true}
      %dma_wait3A_484 = arith.constant 0 : i32
      %dma_wait3A_485 = arith.constant 0 : i32
      %dma_wait3A_486 = tpu.memref_slice %arg9[%dma_wait3A_484, %dma_wait3A_485] : memref<8x128xi32, #tpu.memory_space<vmem>> -> memref<1x128xi32, #tpu.memory_space<vmem>>
      %dma_wait3A_487 = tpu.memref_squeeze %dma_wait3A_486 : memref<1x128xi32, #tpu.memory_space<vmem>> -> memref<128xi32, #tpu.memory_space<vmem>>
      %dma_wait3A_488 = arith.constant 0 : i32
      %dma_wait3A_489 = arith.constant 0 : i32
      %dma_wait3A_490 = tpu.memref_slice %arg20[%dma_wait3A_488, %dma_wait3A_489] : memref<10240x128xf32, #tpu.memory_space<vmem_shared>> -> memref<10240x128xf32, #tpu.memory_space<vmem_shared>>
      tpu.wait_indirect_dma semaphore(%arg19 : memref<!tpu.dma_semaphore, #tpu.memory_space<semaphore_mem>>) src(%arg12 : memref<128x128xf32, #tpu.memory_space<vmem>>) dst(%dma_wait3A_490 : memref<10240x128xf32, #tpu.memory_space<vmem_shared>>)
      %dma_start3A_491 = arith.constant 7 : i32
      %dma_start3A_492 = arith.constant 0 : i32
      %dma_start3A_493 = tpu.memref_slice %arg8[%dma_start3A_491, %dma_start3A_492] : memref<8x128xi32, #tpu.memory_space<vmem>> -> memref<1x128xi32, #tpu.memory_space<vmem>>
      %dma_start3A_494 = tpu.memref_squeeze %dma_start3A_493 : memref<1x128xi32, #tpu.memory_space<vmem>> -> memref<128xi32, #tpu.memory_space<vmem>>
      %dma_start3A_495 = arith.constant 0 : i32
      %dma_start3A_496 = arith.constant 0 : i32
      %dma_start3A_497 = tpu.memref_slice %arg2[%dma_start3A_495, %dma_start3A_496] : memref<10240x128xf32, #tpu.memory_space<hbm>> -> memref<10240x128xf32, #tpu.memory_space<hbm>>
      tpu.enqueue_indirect_dma source(%dma_start3A_497 : memref<10240x128xf32, #tpu.memory_space<hbm>>) target(%arg12 : memref<128x128xf32, #tpu.memory_space<vmem>>) offsets(%dma_start3A_494 : memref<128xi32, #tpu.memory_space<vmem>>) semaphore(%arg17 : memref<!tpu.dma_semaphore, #tpu.memory_space<semaphore_mem>>)
      %dma_wait3A_498 = arith.constant 0 : i32
      %dma_wait3A_499 = tpu.memref_slice %arg3[%mul3A_4, %dma_wait3A_498] : memref<2560x128xi32, #tpu.memory_space<hbm>> -> memref<8x128xi32, #tpu.memory_space<hbm>>
      %dma_wait3A_500 = arith.constant 0 : i32
      %dma_wait3A_501 = tpu.memref_slice %arg3[%mul3A_4, %dma_wait3A_500] : memref<2560x128xi32, #tpu.memory_space<hbm>> -> memref<8x128xi32, #tpu.memory_space<hbm>>
      tpu.wait_dma2 semaphore(%arg14 : memref<!tpu.dma_semaphore, #tpu.memory_space<semaphore_mem>>) src(%dma_wait3A_501 : memref<8x128xi32, #tpu.memory_space<hbm>>) dst(%arg7 : memref<8x128xi32, #tpu.memory_space<vmem>>)
      %dma_wait3A_502 = arith.constant 0 : i32
      %dma_wait3A_503 = tpu.memref_slice %arg4[%mul3A_4, %dma_wait3A_502] : memref<2560x128xi32, #tpu.memory_space<hbm>> -> memref<8x128xi32, #tpu.memory_space<hbm>>
      %dma_wait3A_504 = arith.constant 0 : i32
      %dma_wait3A_505 = tpu.memref_slice %arg4[%mul3A_4, %dma_wait3A_504] : memref<2560x128xi32, #tpu.memory_space<hbm>> -> memref<8x128xi32, #tpu.memory_space<hbm>>
      tpu.wait_dma2 semaphore(%arg14 : memref<!tpu.dma_semaphore, #tpu.memory_space<semaphore_mem>>) src(%dma_wait3A_505 : memref<8x128xi32, #tpu.memory_space<hbm>>) dst(%arg9 : memref<8x128xi32, #tpu.memory_space<vmem>>)
      %dma_wait3A_506 = arith.constant 0 : i32
      %dma_wait3A_507 = arith.constant 0 : i32
      %dma_wait3A_508 = tpu.memref_slice %arg7[%dma_wait3A_506, %dma_wait3A_507] : memref<8x128xi32, #tpu.memory_space<vmem>> -> memref<1x128xi32, #tpu.memory_space<vmem>>
      %dma_wait3A_509 = tpu.memref_squeeze %dma_wait3A_508 : memref<1x128xi32, #tpu.memory_space<vmem>> -> memref<128xi32, #tpu.memory_space<vmem>>
      %dma_wait3A_510 = arith.constant 0 : i32
      %dma_wait3A_511 = arith.constant 0 : i32
      %dma_wait3A_512 = tpu.memref_slice %arg2[%dma_wait3A_510, %dma_wait3A_511] : memref<10240x128xf32, #tpu.memory_space<hbm>> -> memref<10240x128xf32, #tpu.memory_space<hbm>>
      tpu.wait_indirect_dma semaphore(%arg16 : memref<!tpu.dma_semaphore, #tpu.memory_space<semaphore_mem>>) src(%dma_wait3A_512 : memref<10240x128xf32, #tpu.memory_space<hbm>>) dst(%arg11 : memref<128x128xf32, #tpu.memory_space<vmem>>)
      %dma_start3A_513 = arith.constant 6 : i32
      %dma_start3A_514 = arith.constant 0 : i32
      %dma_start3A_515 = tpu.memref_slice %arg10[%dma_start3A_513, %dma_start3A_514] : memref<8x128xi32, #tpu.memory_space<vmem>> -> memref<1x128xi32, #tpu.memory_space<vmem>>
      %dma_start3A_516 = tpu.memref_squeeze %dma_start3A_515 : memref<1x128xi32, #tpu.memory_space<vmem>> -> memref<128xi32, #tpu.memory_space<vmem>>
      %dma_start3A_517 = arith.constant 0 : i32
      %dma_start3A_518 = arith.constant 0 : i32
      %dma_start3A_519 = tpu.memref_slice %arg20[%dma_start3A_517, %dma_start3A_518] : memref<10240x128xf32, #tpu.memory_space<vmem_shared>> -> memref<10240x128xf32, #tpu.memory_space<vmem_shared>>
      tpu.enqueue_indirect_dma source(%arg11 : memref<128x128xf32, #tpu.memory_space<vmem>>) target(%dma_start3A_519 : memref<10240x128xf32, #tpu.memory_space<vmem_shared>>) offsets(%dma_start3A_516 : memref<128xi32, #tpu.memory_space<vmem>>) semaphore(%arg18 : memref<!tpu.dma_semaphore, #tpu.memory_space<semaphore_mem>>) {add = true}
      %dma_wait3A_520 = arith.constant 0 : i32
      %dma_wait3A_521 = arith.constant 0 : i32
      %dma_wait3A_522 = tpu.memref_slice %arg9[%dma_wait3A_520, %dma_wait3A_521] : memref<8x128xi32, #tpu.memory_space<vmem>> -> memref<1x128xi32, #tpu.memory_space<vmem>>
      %dma_wait3A_523 = tpu.memref_squeeze %dma_wait3A_522 : memref<1x128xi32, #tpu.memory_space<vmem>> -> memref<128xi32, #tpu.memory_space<vmem>>
      %dma_wait3A_524 = arith.constant 0 : i32
      %dma_wait3A_525 = arith.constant 0 : i32
      %dma_wait3A_526 = tpu.memref_slice %arg20[%dma_wait3A_524, %dma_wait3A_525] : memref<10240x128xf32, #tpu.memory_space<vmem_shared>> -> memref<10240x128xf32, #tpu.memory_space<vmem_shared>>
      tpu.wait_indirect_dma semaphore(%arg18 : memref<!tpu.dma_semaphore, #tpu.memory_space<semaphore_mem>>) src(%arg11 : memref<128x128xf32, #tpu.memory_space<vmem>>) dst(%dma_wait3A_526 : memref<10240x128xf32, #tpu.memory_space<vmem_shared>>)
      %dma_start3A_527 = arith.constant 0 : i32
      %dma_start3A_528 = arith.constant 0 : i32
      %dma_start3A_529 = tpu.memref_slice %arg7[%dma_start3A_527, %dma_start3A_528] : memref<8x128xi32, #tpu.memory_space<vmem>> -> memref<1x128xi32, #tpu.memory_space<vmem>>
      %dma_start3A_530 = tpu.memref_squeeze %dma_start3A_529 : memref<1x128xi32, #tpu.memory_space<vmem>> -> memref<128xi32, #tpu.memory_space<vmem>>
      %dma_start3A_531 = arith.constant 0 : i32
      %dma_start3A_532 = arith.constant 0 : i32
      %dma_start3A_533 = tpu.memref_slice %arg2[%dma_start3A_531, %dma_start3A_532] : memref<10240x128xf32, #tpu.memory_space<hbm>> -> memref<10240x128xf32, #tpu.memory_space<hbm>>
      tpu.enqueue_indirect_dma source(%dma_start3A_533 : memref<10240x128xf32, #tpu.memory_space<hbm>>) target(%arg11 : memref<128x128xf32, #tpu.memory_space<vmem>>) offsets(%dma_start3A_530 : memref<128xi32, #tpu.memory_space<vmem>>) semaphore(%arg16 : memref<!tpu.dma_semaphore, #tpu.memory_space<semaphore_mem>>)
      %dma_wait3A_534 = arith.constant 0 : i32
      %dma_wait3A_535 = arith.constant 0 : i32
      %dma_wait3A_536 = tpu.memref_slice %arg7[%dma_wait3A_534, %dma_wait3A_535] : memref<8x128xi32, #tpu.memory_space<vmem>> -> memref<1x128xi32, #tpu.memory_space<vmem>>
      %dma_wait3A_537 = tpu.memref_squeeze %dma_wait3A_536 : memref<1x128xi32, #tpu.memory_space<vmem>> -> memref<128xi32, #tpu.memory_space<vmem>>
      %dma_wait3A_538 = arith.constant 0 : i32
      %dma_wait3A_539 = arith.constant 0 : i32
      %dma_wait3A_540 = tpu.memref_slice %arg2[%dma_wait3A_538, %dma_wait3A_539] : memref<10240x128xf32, #tpu.memory_space<hbm>> -> memref<10240x128xf32, #tpu.memory_space<hbm>>
      tpu.wait_indirect_dma semaphore(%arg17 : memref<!tpu.dma_semaphore, #tpu.memory_space<semaphore_mem>>) src(%dma_wait3A_540 : memref<10240x128xf32, #tpu.memory_space<hbm>>) dst(%arg12 : memref<128x128xf32, #tpu.memory_space<vmem>>)
      %dma_start3A_541 = arith.constant 7 : i32
      %dma_start3A_542 = arith.constant 0 : i32
      %dma_start3A_543 = tpu.memref_slice %arg10[%dma_start3A_541, %dma_start3A_542] : memref<8x128xi32, #tpu.memory_space<vmem>> -> memref<1x128xi32, #tpu.memory_space<vmem>>
      %dma_start3A_544 = tpu.memref_squeeze %dma_start3A_543 : memref<1x128xi32, #tpu.memory_space<vmem>> -> memref<128xi32, #tpu.memory_space<vmem>>
      %dma_start3A_545 = arith.constant 0 : i32
      %dma_start3A_546 = arith.constant 0 : i32
      %dma_start3A_547 = tpu.memref_slice %arg20[%dma_start3A_545, %dma_start3A_546] : memref<10240x128xf32, #tpu.memory_space<vmem_shared>> -> memref<10240x128xf32, #tpu.memory_space<vmem_shared>>
      tpu.enqueue_indirect_dma source(%arg12 : memref<128x128xf32, #tpu.memory_space<vmem>>) target(%dma_start3A_547 : memref<10240x128xf32, #tpu.memory_space<vmem_shared>>) offsets(%dma_start3A_544 : memref<128xi32, #tpu.memory_space<vmem>>) semaphore(%arg19 : memref<!tpu.dma_semaphore, #tpu.memory_space<semaphore_mem>>) {add = true}
      %dma_wait3A_548 = arith.constant 0 : i32
      %dma_wait3A_549 = arith.constant 0 : i32
      %dma_wait3A_550 = tpu.memref_slice %arg9[%dma_wait3A_548, %dma_wait3A_549] : memref<8x128xi32, #tpu.memory_space<vmem>> -> memref<1x128xi32, #tpu.memory_space<vmem>>
      %dma_wait3A_551 = tpu.memref_squeeze %dma_wait3A_550 : memref<1x128xi32, #tpu.memory_space<vmem>> -> memref<128xi32, #tpu.memory_space<vmem>>
      %dma_wait3A_552 = arith.constant 0 : i32
      %dma_wait3A_553 = arith.constant 0 : i32
      %dma_wait3A_554 = tpu.memref_slice %arg20[%dma_wait3A_552, %dma_wait3A_553] : memref<10240x128xf32, #tpu.memory_space<vmem_shared>> -> memref<10240x128xf32, #tpu.memory_space<vmem_shared>>
      tpu.wait_indirect_dma semaphore(%arg19 : memref<!tpu.dma_semaphore, #tpu.memory_space<semaphore_mem>>) src(%arg12 : memref<128x128xf32, #tpu.memory_space<vmem>>) dst(%dma_wait3A_554 : memref<10240x128xf32, #tpu.memory_space<vmem_shared>>)
      %dma_start3A_555 = arith.constant 1 : i32
      %dma_start3A_556 = arith.constant 0 : i32
      %dma_start3A_557 = tpu.memref_slice %arg7[%dma_start3A_555, %dma_start3A_556] : memref<8x128xi32, #tpu.memory_space<vmem>> -> memref<1x128xi32, #tpu.memory_space<vmem>>
      %dma_start3A_558 = tpu.memref_squeeze %dma_start3A_557 : memref<1x128xi32, #tpu.memory_space<vmem>> -> memref<128xi32, #tpu.memory_space<vmem>>
      %dma_start3A_559 = arith.constant 0 : i32
      %dma_start3A_560 = arith.constant 0 : i32
      %dma_start3A_561 = tpu.memref_slice %arg2[%dma_start3A_559, %dma_start3A_560] : memref<10240x128xf32, #tpu.memory_space<hbm>> -> memref<10240x128xf32, #tpu.memory_space<hbm>>
      tpu.enqueue_indirect_dma source(%dma_start3A_561 : memref<10240x128xf32, #tpu.memory_space<hbm>>) target(%arg12 : memref<128x128xf32, #tpu.memory_space<vmem>>) offsets(%dma_start3A_558 : memref<128xi32, #tpu.memory_space<vmem>>) semaphore(%arg17 : memref<!tpu.dma_semaphore, #tpu.memory_space<semaphore_mem>>)
      %add3A_562 = arith.constant 3 : i32
      %add3A_563 = arith.addi %mul3A_83, %add3A_562 : i32
      %min3A_564 = arith.constant 9 : i32
      %min3A_565 = arith.minsi %add3A_563, %min3A_564 : i32
      %mul3A_566 = arith.constant 8 : i32
      %mul3A_567 = arith.muli %min3A_565, %mul3A_566 : i32
      %add3A_568 = arith.addi %mul3A_4, %mul3A_567 : i32
      %dma_start3A_569 = arith.constant 0 : i32
      %dma_start3A_570 = tpu.memref_slice %arg3[%add3A_568, %dma_start3A_569] : memref<2560x128xi32, #tpu.memory_space<hbm>> -> memref<8x128xi32, #tpu.memory_space<hbm>>
      %dma_start3A_571 = arith.constant 0 : i32
      %dma_start3A_572 = tpu.memref_slice %arg3[%add3A_568, %dma_start3A_571] : memref<2560x128xi32, #tpu.memory_space<hbm>> -> memref<8x128xi32, #tpu.memory_space<hbm>>
      tpu.enqueue_dma source(%dma_start3A_572 : memref<8x128xi32, #tpu.memory_space<hbm>>) target(%arg8 : memref<8x128xi32, #tpu.memory_space<vmem>>) target_semaphore(%arg15 : memref<!tpu.dma_semaphore, #tpu.memory_space<semaphore_mem>>)
      %dma_start3A_573 = arith.constant 0 : i32
      %dma_start3A_574 = tpu.memref_slice %arg4[%add3A_568, %dma_start3A_573] : memref<2560x128xi32, #tpu.memory_space<hbm>> -> memref<8x128xi32, #tpu.memory_space<hbm>>
      %dma_start3A_575 = arith.constant 0 : i32
      %dma_start3A_576 = tpu.memref_slice %arg4[%add3A_568, %dma_start3A_575] : memref<2560x128xi32, #tpu.memory_space<hbm>> -> memref<8x128xi32, #tpu.memory_space<hbm>>
      tpu.enqueue_dma source(%dma_start3A_576 : memref<8x128xi32, #tpu.memory_space<hbm>>) target(%arg10 : memref<8x128xi32, #tpu.memory_space<vmem>>) target_semaphore(%arg15 : memref<!tpu.dma_semaphore, #tpu.memory_space<semaphore_mem>>)
    }
    %scan3A_38 = arith.constant 5 : i32
    %dma_wait3A = arith.constant 0 : i32
    %dma_wait3A_39 = arith.constant 0 : i32
    %dma_wait3A_40 = tpu.memref_slice %arg7[%dma_wait3A, %dma_wait3A_39] : memref<8x128xi32, #tpu.memory_space<vmem>> -> memref<1x128xi32, #tpu.memory_space<vmem>>
    %dma_wait3A_41 = tpu.memref_squeeze %dma_wait3A_40 : memref<1x128xi32, #tpu.memory_space<vmem>> -> memref<128xi32, #tpu.memory_space<vmem>>
    %dma_wait3A_42 = arith.constant 0 : i32
    %dma_wait3A_43 = arith.constant 0 : i32
    %dma_wait3A_44 = tpu.memref_slice %arg2[%dma_wait3A_42, %dma_wait3A_43] : memref<10240x128xf32, #tpu.memory_space<hbm>> -> memref<10240x128xf32, #tpu.memory_space<hbm>>
    tpu.wait_indirect_dma semaphore(%arg16 : memref<!tpu.dma_semaphore, #tpu.memory_space<semaphore_mem>>) src(%dma_wait3A_44 : memref<10240x128xf32, #tpu.memory_space<hbm>>) dst(%arg11 : memref<128x128xf32, #tpu.memory_space<vmem>>)
    %dma_wait3A_45 = arith.constant 0 : i32
    %dma_wait3A_46 = arith.constant 0 : i32
    %dma_wait3A_47 = tpu.memref_slice %arg7[%dma_wait3A_45, %dma_wait3A_46] : memref<8x128xi32, #tpu.memory_space<vmem>> -> memref<1x128xi32, #tpu.memory_space<vmem>>
    %dma_wait3A_48 = tpu.memref_squeeze %dma_wait3A_47 : memref<1x128xi32, #tpu.memory_space<vmem>> -> memref<128xi32, #tpu.memory_space<vmem>>
    %dma_wait3A_49 = arith.constant 0 : i32
    %dma_wait3A_50 = arith.constant 0 : i32
    %dma_wait3A_51 = tpu.memref_slice %arg2[%dma_wait3A_49, %dma_wait3A_50] : memref<10240x128xf32, #tpu.memory_space<hbm>> -> memref<10240x128xf32, #tpu.memory_space<hbm>>
    tpu.wait_indirect_dma semaphore(%arg17 : memref<!tpu.dma_semaphore, #tpu.memory_space<semaphore_mem>>) src(%dma_wait3A_51 : memref<10240x128xf32, #tpu.memory_space<hbm>>) dst(%arg12 : memref<128x128xf32, #tpu.memory_space<vmem>>)
    %dma_wait3A_52 = arith.constant 0 : i32
    %dma_wait3A_53 = tpu.memref_slice %arg3[%mul3A_4, %dma_wait3A_52] : memref<2560x128xi32, #tpu.memory_space<hbm>> -> memref<8x128xi32, #tpu.memory_space<hbm>>
    %dma_wait3A_54 = arith.constant 0 : i32
    %dma_wait3A_55 = tpu.memref_slice %arg3[%mul3A_4, %dma_wait3A_54] : memref<2560x128xi32, #tpu.memory_space<hbm>> -> memref<8x128xi32, #tpu.memory_space<hbm>>
    tpu.wait_dma2 semaphore(%arg15 : memref<!tpu.dma_semaphore, #tpu.memory_space<semaphore_mem>>) src(%dma_wait3A_55 : memref<8x128xi32, #tpu.memory_space<hbm>>) dst(%arg8 : memref<8x128xi32, #tpu.memory_space<vmem>>)
    %dma_wait3A_56 = arith.constant 0 : i32
    %dma_wait3A_57 = tpu.memref_slice %arg4[%mul3A_4, %dma_wait3A_56] : memref<2560x128xi32, #tpu.memory_space<hbm>> -> memref<8x128xi32, #tpu.memory_space<hbm>>
    %dma_wait3A_58 = arith.constant 0 : i32
    %dma_wait3A_59 = tpu.memref_slice %arg4[%mul3A_4, %dma_wait3A_58] : memref<2560x128xi32, #tpu.memory_space<hbm>> -> memref<8x128xi32, #tpu.memory_space<hbm>>
    tpu.wait_dma2 semaphore(%arg15 : memref<!tpu.dma_semaphore, #tpu.memory_space<semaphore_mem>>) src(%dma_wait3A_59 : memref<8x128xi32, #tpu.memory_space<hbm>>) dst(%arg10 : memref<8x128xi32, #tpu.memory_space<vmem>>)
    %barrier3A_60 = arith.constant 0 : index
    tpu.barrier barrier_id(%barrier3A_60)
    %add3A_61 = arith.constant 0 : i32
    %add3A_62 = arith.addi %mul3A_2, %add3A_61 : i32
    "tpu.region"() ({
      %run_scoped3A = tpu.sem_alloc : memref<!tpu.dma_semaphore, #tpu.memory_space<semaphore_mem>>
      %dma_start3A_81 = arith.constant 0 : i32
      %dma_start3A_82 = arith.constant 0 : i32
      %dma_start3A_83 = tpu.memref_slice %arg11[%dma_start3A_81, %dma_start3A_82] : memref<128x128xf32, #tpu.memory_space<vmem>> -> memref<128x128xf32, #tpu.memory_space<vmem>>
      %dma_start3A_84 = arith.constant 0 : i32
      %dma_start3A_85 = tpu.memref_slice %arg20[%add3A_62, %dma_start3A_84] : memref<10240x128xf32, #tpu.memory_space<vmem_shared>> -> memref<128x128xf32, #tpu.memory_space<vmem_shared>>
      %dma_start3A_86 = arith.constant 0 : i32
      %dma_start3A_87 = arith.constant 0 : i32
      %dma_start3A_88 = tpu.memref_slice %arg11[%dma_start3A_86, %dma_start3A_87] : memref<128x128xf32, #tpu.memory_space<vmem>> -> memref<128x128xf32, #tpu.memory_space<vmem>>
      %dma_start3A_89 = arith.constant 0 : i32
      %dma_start3A_90 = tpu.memref_slice %arg20[%add3A_62, %dma_start3A_89] : memref<10240x128xf32, #tpu.memory_space<vmem_shared>> -> memref<128x128xf32, #tpu.memory_space<vmem_shared>>
      tpu.enqueue_dma source(%dma_start3A_90 : memref<128x128xf32, #tpu.memory_space<vmem_shared>>) target(%dma_start3A_88 : memref<128x128xf32, #tpu.memory_space<vmem>>) target_semaphore(%run_scoped3A : memref<!tpu.dma_semaphore, #tpu.memory_space<semaphore_mem>>)
      %dma_wait3A_91 = arith.constant 0 : i32
      %dma_wait3A_92 = arith.constant 0 : i32
      %dma_wait3A_93 = tpu.memref_slice %arg11[%dma_wait3A_91, %dma_wait3A_92] : memref<128x128xf32, #tpu.memory_space<vmem>> -> memref<128x128xf32, #tpu.memory_space<vmem>>
      %dma_wait3A_94 = arith.constant 0 : i32
      %dma_wait3A_95 = tpu.memref_slice %arg20[%add3A_62, %dma_wait3A_94] : memref<10240x128xf32, #tpu.memory_space<vmem_shared>> -> memref<128x128xf32, #tpu.memory_space<vmem_shared>>
      %dma_wait3A_96 = arith.constant 0 : i32
      %dma_wait3A_97 = arith.constant 0 : i32
      %dma_wait3A_98 = tpu.memref_slice %arg11[%dma_wait3A_96, %dma_wait3A_97] : memref<128x128xf32, #tpu.memory_space<vmem>> -> memref<128x128xf32, #tpu.memory_space<vmem>>
      %dma_wait3A_99 = arith.constant 0 : i32
      %dma_wait3A_100 = tpu.memref_slice %arg20[%add3A_62, %dma_wait3A_99] : memref<10240x128xf32, #tpu.memory_space<vmem_shared>> -> memref<128x128xf32, #tpu.memory_space<vmem_shared>>
      tpu.wait_dma2 semaphore(%run_scoped3A : memref<!tpu.dma_semaphore, #tpu.memory_space<semaphore_mem>>) src(%dma_wait3A_100 : memref<128x128xf32, #tpu.memory_space<vmem_shared>>) dst(%dma_wait3A_98 : memref<128x128xf32, #tpu.memory_space<vmem>>)
      tpu.yield
    }) : () -> ()
    %add3A_63 = arith.constant 0 : i32
    %add3A_64 = arith.addi %mul3A_2, %add3A_63 : i32
    "tpu.region"() ({
      %run_scoped3A = tpu.sem_alloc : memref<!tpu.dma_semaphore, #tpu.memory_space<semaphore_mem>>
      %dma_start3A_81 = arith.constant 0 : i32
      %dma_start3A_82 = arith.constant 0 : i32
      %dma_start3A_83 = tpu.memref_slice %arg11[%dma_start3A_81, %dma_start3A_82] : memref<128x128xf32, #tpu.memory_space<vmem>> -> memref<128x128xf32, #tpu.memory_space<vmem>>
      %dma_start3A_84 = arith.constant 0 : i32
      %dma_start3A_85 = arith.constant 0 : i32
      %dma_start3A_86 = tpu.memref_slice %arg6[%arg0, %dma_start3A_84, %dma_start3A_85] : memref<2x10240x128xf32, #tpu.memory_space<hbm>> -> memref<1x10240x128xf32, #tpu.memory_space<hbm>>
      %dma_start3A_87 = tpu.memref_squeeze %dma_start3A_86 : memref<1x10240x128xf32, #tpu.memory_space<hbm>> -> memref<10240x128xf32, #tpu.memory_space<hbm>>
      %dma_start3A_88 = arith.constant 0 : i32
      %dma_start3A_89 = tpu.memref_slice %dma_start3A_87[%add3A_64, %dma_start3A_88] : memref<10240x128xf32, #tpu.memory_space<hbm>> -> memref<128x128xf32, #tpu.memory_space<hbm>>
      %dma_start3A_90 = arith.constant 0 : i32
      %dma_start3A_91 = arith.constant 0 : i32
      %dma_start3A_92 = tpu.memref_slice %arg6[%arg0, %dma_start3A_90, %dma_start3A_91] : memref<2x10240x128xf32, #tpu.memory_space<hbm>> -> memref<1x10240x128xf32, #tpu.memory_space<hbm>>
      %dma_start3A_93 = tpu.memref_squeeze %dma_start3A_92 : memref<1x10240x128xf32, #tpu.memory_space<hbm>> -> memref<10240x128xf32, #tpu.memory_space<hbm>>
      %dma_start3A_94 = arith.constant 0 : i32
      %dma_start3A_95 = tpu.memref_slice %dma_start3A_93[%add3A_64, %dma_start3A_94] : memref<10240x128xf32, #tpu.memory_space<hbm>> -> memref<128x128xf32, #tpu.memory_space<hbm>>
      %dma_start3A_96 = arith.constant 0 : i32
      %dma_start3A_97 = arith.constant 0 : i32
      %dma_start3A_98 = tpu.memref_slice %arg11[%dma_start3A_96, %dma_start3A_97] : memref<128x128xf32, #tpu.memory_space<vmem>> -> memref<128x128xf32, #tpu.memory_space<vmem>>
      tpu.enqueue_dma source(%dma_start3A_98 : memref<128x128xf32, #tpu.memory_space<vmem>>) target(%dma_start3A_95 : memref<128x128xf32, #tpu.memory_space<hbm>>) target_semaphore(%run_scoped3A : memref<!tpu.dma_semaphore, #tpu.memory_space<semaphore_mem>>)
      %dma_wait3A_99 = arith.constant 0 : i32
      %dma_wait3A_100 = arith.constant 0 : i32
      %dma_wait3A_101 = tpu.memref_slice %arg11[%dma_wait3A_99, %dma_wait3A_100] : memref<128x128xf32, #tpu.memory_space<vmem>> -> memref<128x128xf32, #tpu.memory_space<vmem>>
      %dma_wait3A_102 = arith.constant 0 : i32
      %dma_wait3A_103 = arith.constant 0 : i32
      %dma_wait3A_104 = tpu.memref_slice %arg6[%arg0, %dma_wait3A_102, %dma_wait3A_103] : memref<2x10240x128xf32, #tpu.memory_space<hbm>> -> memref<1x10240x128xf32, #tpu.memory_space<hbm>>
      %dma_wait3A_105 = tpu.memref_squeeze %dma_wait3A_104 : memref<1x10240x128xf32, #tpu.memory_space<hbm>> -> memref<10240x128xf32, #tpu.memory_space<hbm>>
      %dma_wait3A_106 = arith.constant 0 : i32
      %dma_wait3A_107 = tpu.memref_slice %dma_wait3A_105[%add3A_64, %dma_wait3A_106] : memref<10240x128xf32, #tpu.memory_space<hbm>> -> memref<128x128xf32, #tpu.memory_space<hbm>>
      %dma_wait3A_108 = arith.constant 0 : i32
      %dma_wait3A_109 = arith.constant 0 : i32
      %dma_wait3A_110 = tpu.memref_slice %arg6[%arg0, %dma_wait3A_108, %dma_wait3A_109] : memref<2x10240x128xf32, #tpu.memory_space<hbm>> -> memref<1x10240x128xf32, #tpu.memory_space<hbm>>
      %dma_wait3A_111 = tpu.memref_squeeze %dma_wait3A_110 : memref<1x10240x128xf32, #tpu.memory_space<hbm>> -> memref<10240x128xf32, #tpu.memory_space<hbm>>
      %dma_wait3A_112 = arith.constant 0 : i32
      %dma_wait3A_113 = tpu.memref_slice %dma_wait3A_111[%add3A_64, %dma_wait3A_112] : memref<10240x128xf32, #tpu.memory_space<hbm>> -> memref<128x128xf32, #tpu.memory_space<hbm>>
      %dma_wait3A_114 = arith.constant 0 : i32
      %dma_wait3A_115 = arith.constant 0 : i32
      %dma_wait3A_116 = tpu.memref_slice %arg11[%dma_wait3A_114, %dma_wait3A_115] : memref<128x128xf32, #tpu.memory_space<vmem>> -> memref<128x128xf32, #tpu.memory_space<vmem>>
      tpu.wait_dma2 semaphore(%run_scoped3A : memref<!tpu.dma_semaphore, #tpu.memory_space<semaphore_mem>>) src(%dma_wait3A_116 : memref<128x128xf32, #tpu.memory_space<vmem>>) dst(%dma_wait3A_113 : memref<128x128xf32, #tpu.memory_space<hbm>>)
      tpu.yield
    }) : () -> ()
    %add3A_65 = arith.constant 128 : i32
    %add3A_66 = arith.addi %mul3A_2, %add3A_65 : i32
    "tpu.region"() ({
      %run_scoped3A = tpu.sem_alloc : memref<!tpu.dma_semaphore, #tpu.memory_space<semaphore_mem>>
      %dma_start3A_81 = arith.constant 0 : i32
      %dma_start3A_82 = arith.constant 0 : i32
      %dma_start3A_83 = tpu.memref_slice %arg11[%dma_start3A_81, %dma_start3A_82] : memref<128x128xf32, #tpu.memory_space<vmem>> -> memref<128x128xf32, #tpu.memory_space<vmem>>
      %dma_start3A_84 = arith.constant 0 : i32
      %dma_start3A_85 = tpu.memref_slice %arg20[%add3A_66, %dma_start3A_84] : memref<10240x128xf32, #tpu.memory_space<vmem_shared>> -> memref<128x128xf32, #tpu.memory_space<vmem_shared>>
      %dma_start3A_86 = arith.constant 0 : i32
      %dma_start3A_87 = arith.constant 0 : i32
      %dma_start3A_88 = tpu.memref_slice %arg11[%dma_start3A_86, %dma_start3A_87] : memref<128x128xf32, #tpu.memory_space<vmem>> -> memref<128x128xf32, #tpu.memory_space<vmem>>
      %dma_start3A_89 = arith.constant 0 : i32
      %dma_start3A_90 = tpu.memref_slice %arg20[%add3A_66, %dma_start3A_89] : memref<10240x128xf32, #tpu.memory_space<vmem_shared>> -> memref<128x128xf32, #tpu.memory_space<vmem_shared>>
      tpu.enqueue_dma source(%dma_start3A_90 : memref<128x128xf32, #tpu.memory_space<vmem_shared>>) target(%dma_start3A_88 : memref<128x128xf32, #tpu.memory_space<vmem>>) target_semaphore(%run_scoped3A : memref<!tpu.dma_semaphore, #tpu.memory_space<semaphore_mem>>)
      %dma_wait3A_91 = arith.constant 0 : i32
      %dma_wait3A_92 = arith.constant 0 : i32
      %dma_wait3A_93 = tpu.memref_slice %arg11[%dma_wait3A_91, %dma_wait3A_92] : memref<128x128xf32, #tpu.memory_space<vmem>> -> memref<128x128xf32, #tpu.memory_space<vmem>>
      %dma_wait3A_94 = arith.constant 0 : i32
      %dma_wait3A_95 = tpu.memref_slice %arg20[%add3A_66, %dma_wait3A_94] : memref<10240x128xf32, #tpu.memory_space<vmem_shared>> -> memref<128x128xf32, #tpu.memory_space<vmem_shared>>
      %dma_wait3A_96 = arith.constant 0 : i32
      %dma_wait3A_97 = arith.constant 0 : i32
      %dma_wait3A_98 = tpu.memref_slice %arg11[%dma_wait3A_96, %dma_wait3A_97] : memref<128x128xf32, #tpu.memory_space<vmem>> -> memref<128x128xf32, #tpu.memory_space<vmem>>
      %dma_wait3A_99 = arith.constant 0 : i32
      %dma_wait3A_100 = tpu.memref_slice %arg20[%add3A_66, %dma_wait3A_99] : memref<10240x128xf32, #tpu.memory_space<vmem_shared>> -> memref<128x128xf32, #tpu.memory_space<vmem_shared>>
      tpu.wait_dma2 semaphore(%run_scoped3A : memref<!tpu.dma_semaphore, #tpu.memory_space<semaphore_mem>>) src(%dma_wait3A_100 : memref<128x128xf32, #tpu.memory_space<vmem_shared>>) dst(%dma_wait3A_98 : memref<128x128xf32, #tpu.memory_space<vmem>>)
      tpu.yield
    }) : () -> ()
    %add3A_67 = arith.constant 128 : i32
    %add3A_68 = arith.addi %mul3A_2, %add3A_67 : i32
    "tpu.region"() ({
      %run_scoped3A = tpu.sem_alloc : memref<!tpu.dma_semaphore, #tpu.memory_space<semaphore_mem>>
      %dma_start3A_81 = arith.constant 0 : i32
      %dma_start3A_82 = arith.constant 0 : i32
      %dma_start3A_83 = tpu.memref_slice %arg11[%dma_start3A_81, %dma_start3A_82] : memref<128x128xf32, #tpu.memory_space<vmem>> -> memref<128x128xf32, #tpu.memory_space<vmem>>
      %dma_start3A_84 = arith.constant 0 : i32
      %dma_start3A_85 = arith.constant 0 : i32
      %dma_start3A_86 = tpu.memref_slice %arg6[%arg0, %dma_start3A_84, %dma_start3A_85] : memref<2x10240x128xf32, #tpu.memory_space<hbm>> -> memref<1x10240x128xf32, #tpu.memory_space<hbm>>
      %dma_start3A_87 = tpu.memref_squeeze %dma_start3A_86 : memref<1x10240x128xf32, #tpu.memory_space<hbm>> -> memref<10240x128xf32, #tpu.memory_space<hbm>>
      %dma_start3A_88 = arith.constant 0 : i32
      %dma_start3A_89 = tpu.memref_slice %dma_start3A_87[%add3A_68, %dma_start3A_88] : memref<10240x128xf32, #tpu.memory_space<hbm>> -> memref<128x128xf32, #tpu.memory_space<hbm>>
      %dma_start3A_90 = arith.constant 0 : i32
      %dma_start3A_91 = arith.constant 0 : i32
      %dma_start3A_92 = tpu.memref_slice %arg6[%arg0, %dma_start3A_90, %dma_start3A_91] : memref<2x10240x128xf32, #tpu.memory_space<hbm>> -> memref<1x10240x128xf32, #tpu.memory_space<hbm>>
      %dma_start3A_93 = tpu.memref_squeeze %dma_start3A_92 : memref<1x10240x128xf32, #tpu.memory_space<hbm>> -> memref<10240x128xf32, #tpu.memory_space<hbm>>
      %dma_start3A_94 = arith.constant 0 : i32
      %dma_start3A_95 = tpu.memref_slice %dma_start3A_93[%add3A_68, %dma_start3A_94] : memref<10240x128xf32, #tpu.memory_space<hbm>> -> memref<128x128xf32, #tpu.memory_space<hbm>>
      %dma_start3A_96 = arith.constant 0 : i32
      %dma_start3A_97 = arith.constant 0 : i32
      %dma_start3A_98 = tpu.memref_slice %arg11[%dma_start3A_96, %dma_start3A_97] : memref<128x128xf32, #tpu.memory_space<vmem>> -> memref<128x128xf32, #tpu.memory_space<vmem>>
      tpu.enqueue_dma source(%dma_start3A_98 : memref<128x128xf32, #tpu.memory_space<vmem>>) target(%dma_start3A_95 : memref<128x128xf32, #tpu.memory_space<hbm>>) target_semaphore(%run_scoped3A : memref<!tpu.dma_semaphore, #tpu.memory_space<semaphore_mem>>)
      %dma_wait3A_99 = arith.constant 0 : i32
      %dma_wait3A_100 = arith.constant 0 : i32
      %dma_wait3A_101 = tpu.memref_slice %arg11[%dma_wait3A_99, %dma_wait3A_100] : memref<128x128xf32, #tpu.memory_space<vmem>> -> memref<128x128xf32, #tpu.memory_space<vmem>>
      %dma_wait3A_102 = arith.constant 0 : i32
      %dma_wait3A_103 = arith.constant 0 : i32
      %dma_wait3A_104 = tpu.memref_slice %arg6[%arg0, %dma_wait3A_102, %dma_wait3A_103] : memref<2x10240x128xf32, #tpu.memory_space<hbm>> -> memref<1x10240x128xf32, #tpu.memory_space<hbm>>
      %dma_wait3A_105 = tpu.memref_squeeze %dma_wait3A_104 : memref<1x10240x128xf32, #tpu.memory_space<hbm>> -> memref<10240x128xf32, #tpu.memory_space<hbm>>
      %dma_wait3A_106 = arith.constant 0 : i32
      %dma_wait3A_107 = tpu.memref_slice %dma_wait3A_105[%add3A_68, %dma_wait3A_106] : memref<10240x128xf32, #tpu.memory_space<hbm>> -> memref<128x128xf32, #tpu.memory_space<hbm>>
      %dma_wait3A_108 = arith.constant 0 : i32
      %dma_wait3A_109 = arith.constant 0 : i32
      %dma_wait3A_110 = tpu.memref_slice %arg6[%arg0, %dma_wait3A_108, %dma_wait3A_109] : memref<2x10240x128xf32, #tpu.memory_space<hbm>> -> memref<1x10240x128xf32, #tpu.memory_space<hbm>>
      %dma_wait3A_111 = tpu.memref_squeeze %dma_wait3A_110 : memref<1x10240x128xf32, #tpu.memory_space<hbm>> -> memref<10240x128xf32, #tpu.memory_space<hbm>>
      %dma_wait3A_112 = arith.constant 0 : i32
      %dma_wait3A_113 = tpu.memref_slice %dma_wait3A_111[%add3A_68, %dma_wait3A_112] : memref<10240x128xf32, #tpu.memory_space<hbm>> -> memref<128x128xf32, #tpu.memory_space<hbm>>
      %dma_wait3A_114 = arith.constant 0 : i32
      %dma_wait3A_115 = arith.constant 0 : i32
      %dma_wait3A_116 = tpu.memref_slice %arg11[%dma_wait3A_114, %dma_wait3A_115] : memref<128x128xf32, #tpu.memory_space<vmem>> -> memref<128x128xf32, #tpu.memory_space<vmem>>
      tpu.wait_dma2 semaphore(%run_scoped3A : memref<!tpu.dma_semaphore, #tpu.memory_space<semaphore_mem>>) src(%dma_wait3A_116 : memref<128x128xf32, #tpu.memory_space<vmem>>) dst(%dma_wait3A_113 : memref<128x128xf32, #tpu.memory_space<hbm>>)
      tpu.yield
    }) : () -> ()
    %add3A_69 = arith.constant 256 : i32
    %add3A_70 = arith.addi %mul3A_2, %add3A_69 : i32
    "tpu.region"() ({
      %run_scoped3A = tpu.sem_alloc : memref<!tpu.dma_semaphore, #tpu.memory_space<semaphore_mem>>
      %dma_start3A_81 = arith.constant 0 : i32
      %dma_start3A_82 = arith.constant 0 : i32
      %dma_start3A_83 = tpu.memref_slice %arg11[%dma_start3A_81, %dma_start3A_82] : memref<128x128xf32, #tpu.memory_space<vmem>> -> memref<128x128xf32, #tpu.memory_space<vmem>>
      %dma_start3A_84 = arith.constant 0 : i32
      %dma_start3A_85 = tpu.memref_slice %arg20[%add3A_70, %dma_start3A_84] : memref<10240x128xf32, #tpu.memory_space<vmem_shared>> -> memref<128x128xf32, #tpu.memory_space<vmem_shared>>
      %dma_start3A_86 = arith.constant 0 : i32
      %dma_start3A_87 = arith.constant 0 : i32
      %dma_start3A_88 = tpu.memref_slice %arg11[%dma_start3A_86, %dma_start3A_87] : memref<128x128xf32, #tpu.memory_space<vmem>> -> memref<128x128xf32, #tpu.memory_space<vmem>>
      %dma_start3A_89 = arith.constant 0 : i32
      %dma_start3A_90 = tpu.memref_slice %arg20[%add3A_70, %dma_start3A_89] : memref<10240x128xf32, #tpu.memory_space<vmem_shared>> -> memref<128x128xf32, #tpu.memory_space<vmem_shared>>
      tpu.enqueue_dma source(%dma_start3A_90 : memref<128x128xf32, #tpu.memory_space<vmem_shared>>) target(%dma_start3A_88 : memref<128x128xf32, #tpu.memory_space<vmem>>) target_semaphore(%run_scoped3A : memref<!tpu.dma_semaphore, #tpu.memory_space<semaphore_mem>>)
      %dma_wait3A_91 = arith.constant 0 : i32
      %dma_wait3A_92 = arith.constant 0 : i32
      %dma_wait3A_93 = tpu.memref_slice %arg11[%dma_wait3A_91, %dma_wait3A_92] : memref<128x128xf32, #tpu.memory_space<vmem>> -> memref<128x128xf32, #tpu.memory_space<vmem>>
      %dma_wait3A_94 = arith.constant 0 : i32
      %dma_wait3A_95 = tpu.memref_slice %arg20[%add3A_70, %dma_wait3A_94] : memref<10240x128xf32, #tpu.memory_space<vmem_shared>> -> memref<128x128xf32, #tpu.memory_space<vmem_shared>>
      %dma_wait3A_96 = arith.constant 0 : i32
      %dma_wait3A_97 = arith.constant 0 : i32
      %dma_wait3A_98 = tpu.memref_slice %arg11[%dma_wait3A_96, %dma_wait3A_97] : memref<128x128xf32, #tpu.memory_space<vmem>> -> memref<128x128xf32, #tpu.memory_space<vmem>>
      %dma_wait3A_99 = arith.constant 0 : i32
      %dma_wait3A_100 = tpu.memref_slice %arg20[%add3A_70, %dma_wait3A_99] : memref<10240x128xf32, #tpu.memory_space<vmem_shared>> -> memref<128x128xf32, #tpu.memory_space<vmem_shared>>
      tpu.wait_dma2 semaphore(%run_scoped3A : memref<!tpu.dma_semaphore, #tpu.memory_space<semaphore_mem>>) src(%dma_wait3A_100 : memref<128x128xf32, #tpu.memory_space<vmem_shared>>) dst(%dma_wait3A_98 : memref<128x128xf32, #tpu.memory_space<vmem>>)
      tpu.yield
    }) : () -> ()
    %add3A_71 = arith.constant 256 : i32
    %add3A_72 = arith.addi %mul3A_2, %add3A_71 : i32
    "tpu.region"() ({
      %run_scoped3A = tpu.sem_alloc : memref<!tpu.dma_semaphore, #tpu.memory_space<semaphore_mem>>
      %dma_start3A_81 = arith.constant 0 : i32
      %dma_start3A_82 = arith.constant 0 : i32
      %dma_start3A_83 = tpu.memref_slice %arg11[%dma_start3A_81, %dma_start3A_82] : memref<128x128xf32, #tpu.memory_space<vmem>> -> memref<128x128xf32, #tpu.memory_space<vmem>>
      %dma_start3A_84 = arith.constant 0 : i32
      %dma_start3A_85 = arith.constant 0 : i32
      %dma_start3A_86 = tpu.memref_slice %arg6[%arg0, %dma_start3A_84, %dma_start3A_85] : memref<2x10240x128xf32, #tpu.memory_space<hbm>> -> memref<1x10240x128xf32, #tpu.memory_space<hbm>>
      %dma_start3A_87 = tpu.memref_squeeze %dma_start3A_86 : memref<1x10240x128xf32, #tpu.memory_space<hbm>> -> memref<10240x128xf32, #tpu.memory_space<hbm>>
      %dma_start3A_88 = arith.constant 0 : i32
      %dma_start3A_89 = tpu.memref_slice %dma_start3A_87[%add3A_72, %dma_start3A_88] : memref<10240x128xf32, #tpu.memory_space<hbm>> -> memref<128x128xf32, #tpu.memory_space<hbm>>
      %dma_start3A_90 = arith.constant 0 : i32
      %dma_start3A_91 = arith.constant 0 : i32
      %dma_start3A_92 = tpu.memref_slice %arg6[%arg0, %dma_start3A_90, %dma_start3A_91] : memref<2x10240x128xf32, #tpu.memory_space<hbm>> -> memref<1x10240x128xf32, #tpu.memory_space<hbm>>
      %dma_start3A_93 = tpu.memref_squeeze %dma_start3A_92 : memref<1x10240x128xf32, #tpu.memory_space<hbm>> -> memref<10240x128xf32, #tpu.memory_space<hbm>>
      %dma_start3A_94 = arith.constant 0 : i32
      %dma_start3A_95 = tpu.memref_slice %dma_start3A_93[%add3A_72, %dma_start3A_94] : memref<10240x128xf32, #tpu.memory_space<hbm>> -> memref<128x128xf32, #tpu.memory_space<hbm>>
      %dma_start3A_96 = arith.constant 0 : i32
      %dma_start3A_97 = arith.constant 0 : i32
      %dma_start3A_98 = tpu.memref_slice %arg11[%dma_start3A_96, %dma_start3A_97] : memref<128x128xf32, #tpu.memory_space<vmem>> -> memref<128x128xf32, #tpu.memory_space<vmem>>
      tpu.enqueue_dma source(%dma_start3A_98 : memref<128x128xf32, #tpu.memory_space<vmem>>) target(%dma_start3A_95 : memref<128x128xf32, #tpu.memory_space<hbm>>) target_semaphore(%run_scoped3A : memref<!tpu.dma_semaphore, #tpu.memory_space<semaphore_mem>>)
      %dma_wait3A_99 = arith.constant 0 : i32
      %dma_wait3A_100 = arith.constant 0 : i32
      %dma_wait3A_101 = tpu.memref_slice %arg11[%dma_wait3A_99, %dma_wait3A_100] : memref<128x128xf32, #tpu.memory_space<vmem>> -> memref<128x128xf32, #tpu.memory_space<vmem>>
      %dma_wait3A_102 = arith.constant 0 : i32
      %dma_wait3A_103 = arith.constant 0 : i32
      %dma_wait3A_104 = tpu.memref_slice %arg6[%arg0, %dma_wait3A_102, %dma_wait3A_103] : memref<2x10240x128xf32, #tpu.memory_space<hbm>> -> memref<1x10240x128xf32, #tpu.memory_space<hbm>>
      %dma_wait3A_105 = tpu.memref_squeeze %dma_wait3A_104 : memref<1x10240x128xf32, #tpu.memory_space<hbm>> -> memref<10240x128xf32, #tpu.memory_space<hbm>>
      %dma_wait3A_106 = arith.constant 0 : i32
      %dma_wait3A_107 = tpu.memref_slice %dma_wait3A_105[%add3A_72, %dma_wait3A_106] : memref<10240x128xf32, #tpu.memory_space<hbm>> -> memref<128x128xf32, #tpu.memory_space<hbm>>
      %dma_wait3A_108 = arith.constant 0 : i32
      %dma_wait3A_109 = arith.constant 0 : i32
      %dma_wait3A_110 = tpu.memref_slice %arg6[%arg0, %dma_wait3A_108, %dma_wait3A_109] : memref<2x10240x128xf32, #tpu.memory_space<hbm>> -> memref<1x10240x128xf32, #tpu.memory_space<hbm>>
      %dma_wait3A_111 = tpu.memref_squeeze %dma_wait3A_110 : memref<1x10240x128xf32, #tpu.memory_space<hbm>> -> memref<10240x128xf32, #tpu.memory_space<hbm>>
      %dma_wait3A_112 = arith.constant 0 : i32
      %dma_wait3A_113 = tpu.memref_slice %dma_wait3A_111[%add3A_72, %dma_wait3A_112] : memref<10240x128xf32, #tpu.memory_space<hbm>> -> memref<128x128xf32, #tpu.memory_space<hbm>>
      %dma_wait3A_114 = arith.constant 0 : i32
      %dma_wait3A_115 = arith.constant 0 : i32
      %dma_wait3A_116 = tpu.memref_slice %arg11[%dma_wait3A_114, %dma_wait3A_115] : memref<128x128xf32, #tpu.memory_space<vmem>> -> memref<128x128xf32, #tpu.memory_space<vmem>>
      tpu.wait_dma2 semaphore(%run_scoped3A : memref<!tpu.dma_semaphore, #tpu.memory_space<semaphore_mem>>) src(%dma_wait3A_116 : memref<128x128xf32, #tpu.memory_space<vmem>>) dst(%dma_wait3A_113 : memref<128x128xf32, #tpu.memory_space<hbm>>)
      tpu.yield
    }) : () -> ()
    %add3A_73 = arith.constant 384 : i32
    %add3A_74 = arith.addi %mul3A_2, %add3A_73 : i32
    "tpu.region"() ({
      %run_scoped3A = tpu.sem_alloc : memref<!tpu.dma_semaphore, #tpu.memory_space<semaphore_mem>>
      %dma_start3A_81 = arith.constant 0 : i32
      %dma_start3A_82 = arith.constant 0 : i32
      %dma_start3A_83 = tpu.memref_slice %arg11[%dma_start3A_81, %dma_start3A_82] : memref<128x128xf32, #tpu.memory_space<vmem>> -> memref<128x128xf32, #tpu.memory_space<vmem>>
      %dma_start3A_84 = arith.constant 0 : i32
      %dma_start3A_85 = tpu.memref_slice %arg20[%add3A_74, %dma_start3A_84] : memref<10240x128xf32, #tpu.memory_space<vmem_shared>> -> memref<128x128xf32, #tpu.memory_space<vmem_shared>>
      %dma_start3A_86 = arith.constant 0 : i32
      %dma_start3A_87 = arith.constant 0 : i32
      %dma_start3A_88 = tpu.memref_slice %arg11[%dma_start3A_86, %dma_start3A_87] : memref<128x128xf32, #tpu.memory_space<vmem>> -> memref<128x128xf32, #tpu.memory_space<vmem>>
      %dma_start3A_89 = arith.constant 0 : i32
      %dma_start3A_90 = tpu.memref_slice %arg20[%add3A_74, %dma_start3A_89] : memref<10240x128xf32, #tpu.memory_space<vmem_shared>> -> memref<128x128xf32, #tpu.memory_space<vmem_shared>>
      tpu.enqueue_dma source(%dma_start3A_90 : memref<128x128xf32, #tpu.memory_space<vmem_shared>>) target(%dma_start3A_88 : memref<128x128xf32, #tpu.memory_space<vmem>>) target_semaphore(%run_scoped3A : memref<!tpu.dma_semaphore, #tpu.memory_space<semaphore_mem>>)
      %dma_wait3A_91 = arith.constant 0 : i32
      %dma_wait3A_92 = arith.constant 0 : i32
      %dma_wait3A_93 = tpu.memref_slice %arg11[%dma_wait3A_91, %dma_wait3A_92] : memref<128x128xf32, #tpu.memory_space<vmem>> -> memref<128x128xf32, #tpu.memory_space<vmem>>
      %dma_wait3A_94 = arith.constant 0 : i32
      %dma_wait3A_95 = tpu.memref_slice %arg20[%add3A_74, %dma_wait3A_94] : memref<10240x128xf32, #tpu.memory_space<vmem_shared>> -> memref<128x128xf32, #tpu.memory_space<vmem_shared>>
      %dma_wait3A_96 = arith.constant 0 : i32
      %dma_wait3A_97 = arith.constant 0 : i32
      %dma_wait3A_98 = tpu.memref_slice %arg11[%dma_wait3A_96, %dma_wait3A_97] : memref<128x128xf32, #tpu.memory_space<vmem>> -> memref<128x128xf32, #tpu.memory_space<vmem>>
      %dma_wait3A_99 = arith.constant 0 : i32
      %dma_wait3A_100 = tpu.memref_slice %arg20[%add3A_74, %dma_wait3A_99] : memref<10240x128xf32, #tpu.memory_space<vmem_shared>> -> memref<128x128xf32, #tpu.memory_space<vmem_shared>>
      tpu.wait_dma2 semaphore(%run_scoped3A : memref<!tpu.dma_semaphore, #tpu.memory_space<semaphore_mem>>) src(%dma_wait3A_100 : memref<128x128xf32, #tpu.memory_space<vmem_shared>>) dst(%dma_wait3A_98 : memref<128x128xf32, #tpu.memory_space<vmem>>)
      tpu.yield
    }) : () -> ()
    %add3A_75 = arith.constant 384 : i32
    %add3A_76 = arith.addi %mul3A_2, %add3A_75 : i32
    "tpu.region"() ({
      %run_scoped3A = tpu.sem_alloc : memref<!tpu.dma_semaphore, #tpu.memory_space<semaphore_mem>>
      %dma_start3A_81 = arith.constant 0 : i32
      %dma_start3A_82 = arith.constant 0 : i32
      %dma_start3A_83 = tpu.memref_slice %arg11[%dma_start3A_81, %dma_start3A_82] : memref<128x128xf32, #tpu.memory_space<vmem>> -> memref<128x128xf32, #tpu.memory_space<vmem>>
      %dma_start3A_84 = arith.constant 0 : i32
      %dma_start3A_85 = arith.constant 0 : i32
      %dma_start3A_86 = tpu.memref_slice %arg6[%arg0, %dma_start3A_84, %dma_start3A_85] : memref<2x10240x128xf32, #tpu.memory_space<hbm>> -> memref<1x10240x128xf32, #tpu.memory_space<hbm>>
      %dma_start3A_87 = tpu.memref_squeeze %dma_start3A_86 : memref<1x10240x128xf32, #tpu.memory_space<hbm>> -> memref<10240x128xf32, #tpu.memory_space<hbm>>
      %dma_start3A_88 = arith.constant 0 : i32
      %dma_start3A_89 = tpu.memref_slice %dma_start3A_87[%add3A_76, %dma_start3A_88] : memref<10240x128xf32, #tpu.memory_space<hbm>> -> memref<128x128xf32, #tpu.memory_space<hbm>>
      %dma_start3A_90 = arith.constant 0 : i32
      %dma_start3A_91 = arith.constant 0 : i32
      %dma_start3A_92 = tpu.memref_slice %arg6[%arg0, %dma_start3A_90, %dma_start3A_91] : memref<2x10240x128xf32, #tpu.memory_space<hbm>> -> memref<1x10240x128xf32, #tpu.memory_space<hbm>>
      %dma_start3A_93 = tpu.memref_squeeze %dma_start3A_92 : memref<1x10240x128xf32, #tpu.memory_space<hbm>> -> memref<10240x128xf32, #tpu.memory_space<hbm>>
      %dma_start3A_94 = arith.constant 0 : i32
      %dma_start3A_95 = tpu.memref_slice %dma_start3A_93[%add3A_76, %dma_start3A_94] : memref<10240x128xf32, #tpu.memory_space<hbm>> -> memref<128x128xf32, #tpu.memory_space<hbm>>
      %dma_start3A_96 = arith.constant 0 : i32
      %dma_start3A_97 = arith.constant 0 : i32
      %dma_start3A_98 = tpu.memref_slice %arg11[%dma_start3A_96, %dma_start3A_97] : memref<128x128xf32, #tpu.memory_space<vmem>> -> memref<128x128xf32, #tpu.memory_space<vmem>>
      tpu.enqueue_dma source(%dma_start3A_98 : memref<128x128xf32, #tpu.memory_space<vmem>>) target(%dma_start3A_95 : memref<128x128xf32, #tpu.memory_space<hbm>>) target_semaphore(%run_scoped3A : memref<!tpu.dma_semaphore, #tpu.memory_space<semaphore_mem>>)
      %dma_wait3A_99 = arith.constant 0 : i32
      %dma_wait3A_100 = arith.constant 0 : i32
      %dma_wait3A_101 = tpu.memref_slice %arg11[%dma_wait3A_99, %dma_wait3A_100] : memref<128x128xf32, #tpu.memory_space<vmem>> -> memref<128x128xf32, #tpu.memory_space<vmem>>
      %dma_wait3A_102 = arith.constant 0 : i32
      %dma_wait3A_103 = arith.constant 0 : i32
      %dma_wait3A_104 = tpu.memref_slice %arg6[%arg0, %dma_wait3A_102, %dma_wait3A_103] : memref<2x10240x128xf32, #tpu.memory_space<hbm>> -> memref<1x10240x128xf32, #tpu.memory_space<hbm>>
      %dma_wait3A_105 = tpu.memref_squeeze %dma_wait3A_104 : memref<1x10240x128xf32, #tpu.memory_space<hbm>> -> memref<10240x128xf32, #tpu.memory_space<hbm>>
      %dma_wait3A_106 = arith.constant 0 : i32
      %dma_wait3A_107 = tpu.memref_slice %dma_wait3A_105[%add3A_76, %dma_wait3A_106] : memref<10240x128xf32, #tpu.memory_space<hbm>> -> memref<128x128xf32, #tpu.memory_space<hbm>>
      %dma_wait3A_108 = arith.constant 0 : i32
      %dma_wait3A_109 = arith.constant 0 : i32
      %dma_wait3A_110 = tpu.memref_slice %arg6[%arg0, %dma_wait3A_108, %dma_wait3A_109] : memref<2x10240x128xf32, #tpu.memory_space<hbm>> -> memref<1x10240x128xf32, #tpu.memory_space<hbm>>
      %dma_wait3A_111 = tpu.memref_squeeze %dma_wait3A_110 : memref<1x10240x128xf32, #tpu.memory_space<hbm>> -> memref<10240x128xf32, #tpu.memory_space<hbm>>
      %dma_wait3A_112 = arith.constant 0 : i32
      %dma_wait3A_113 = tpu.memref_slice %dma_wait3A_111[%add3A_76, %dma_wait3A_112] : memref<10240x128xf32, #tpu.memory_space<hbm>> -> memref<128x128xf32, #tpu.memory_space<hbm>>
      %dma_wait3A_114 = arith.constant 0 : i32
      %dma_wait3A_115 = arith.constant 0 : i32
      %dma_wait3A_116 = tpu.memref_slice %arg11[%dma_wait3A_114, %dma_wait3A_115] : memref<128x128xf32, #tpu.memory_space<vmem>> -> memref<128x128xf32, #tpu.memory_space<vmem>>
      tpu.wait_dma2 semaphore(%run_scoped3A : memref<!tpu.dma_semaphore, #tpu.memory_space<semaphore_mem>>) src(%dma_wait3A_116 : memref<128x128xf32, #tpu.memory_space<vmem>>) dst(%dma_wait3A_113 : memref<128x128xf32, #tpu.memory_space<hbm>>)
      tpu.yield
    }) : () -> ()
    %add3A_77 = arith.constant 512 : i32
    %add3A_78 = arith.addi %mul3A_2, %add3A_77 : i32
    "tpu.region"() ({
      %run_scoped3A = tpu.sem_alloc : memref<!tpu.dma_semaphore, #tpu.memory_space<semaphore_mem>>
      %dma_start3A_81 = arith.constant 0 : i32
      %dma_start3A_82 = arith.constant 0 : i32
      %dma_start3A_83 = tpu.memref_slice %arg11[%dma_start3A_81, %dma_start3A_82] : memref<128x128xf32, #tpu.memory_space<vmem>> -> memref<128x128xf32, #tpu.memory_space<vmem>>
      %dma_start3A_84 = arith.constant 0 : i32
      %dma_start3A_85 = tpu.memref_slice %arg20[%add3A_78, %dma_start3A_84] : memref<10240x128xf32, #tpu.memory_space<vmem_shared>> -> memref<128x128xf32, #tpu.memory_space<vmem_shared>>
      %dma_start3A_86 = arith.constant 0 : i32
      %dma_start3A_87 = arith.constant 0 : i32
      %dma_start3A_88 = tpu.memref_slice %arg11[%dma_start3A_86, %dma_start3A_87] : memref<128x128xf32, #tpu.memory_space<vmem>> -> memref<128x128xf32, #tpu.memory_space<vmem>>
      %dma_start3A_89 = arith.constant 0 : i32
      %dma_start3A_90 = tpu.memref_slice %arg20[%add3A_78, %dma_start3A_89] : memref<10240x128xf32, #tpu.memory_space<vmem_shared>> -> memref<128x128xf32, #tpu.memory_space<vmem_shared>>
      tpu.enqueue_dma source(%dma_start3A_90 : memref<128x128xf32, #tpu.memory_space<vmem_shared>>) target(%dma_start3A_88 : memref<128x128xf32, #tpu.memory_space<vmem>>) target_semaphore(%run_scoped3A : memref<!tpu.dma_semaphore, #tpu.memory_space<semaphore_mem>>)
      %dma_wait3A_91 = arith.constant 0 : i32
      %dma_wait3A_92 = arith.constant 0 : i32
      %dma_wait3A_93 = tpu.memref_slice %arg11[%dma_wait3A_91, %dma_wait3A_92] : memref<128x128xf32, #tpu.memory_space<vmem>> -> memref<128x128xf32, #tpu.memory_space<vmem>>
      %dma_wait3A_94 = arith.constant 0 : i32
      %dma_wait3A_95 = tpu.memref_slice %arg20[%add3A_78, %dma_wait3A_94] : memref<10240x128xf32, #tpu.memory_space<vmem_shared>> -> memref<128x128xf32, #tpu.memory_space<vmem_shared>>
      %dma_wait3A_96 = arith.constant 0 : i32
      %dma_wait3A_97 = arith.constant 0 : i32
      %dma_wait3A_98 = tpu.memref_slice %arg11[%dma_wait3A_96, %dma_wait3A_97] : memref<128x128xf32, #tpu.memory_space<vmem>> -> memref<128x128xf32, #tpu.memory_space<vmem>>
      %dma_wait3A_99 = arith.constant 0 : i32
      %dma_wait3A_100 = tpu.memref_slice %arg20[%add3A_78, %dma_wait3A_99] : memref<10240x128xf32, #tpu.memory_space<vmem_shared>> -> memref<128x128xf32, #tpu.memory_space<vmem_shared>>
      tpu.wait_dma2 semaphore(%run_scoped3A : memref<!tpu.dma_semaphore, #tpu.memory_space<semaphore_mem>>) src(%dma_wait3A_100 : memref<128x128xf32, #tpu.memory_space<vmem_shared>>) dst(%dma_wait3A_98 : memref<128x128xf32, #tpu.memory_space<vmem>>)
      tpu.yield
    }) : () -> ()
    %add3A_79 = arith.constant 512 : i32
    %add3A_80 = arith.addi %mul3A_2, %add3A_79 : i32
    "tpu.region"() ({
      %run_scoped3A = tpu.sem_alloc : memref<!tpu.dma_semaphore, #tpu.memory_space<semaphore_mem>>
      %dma_start3A_81 = arith.constant 0 : i32
      %dma_start3A_82 = arith.constant 0 : i32
      %dma_start3A_83 = tpu.memref_slice %arg11[%dma_start3A_81, %dma_start3A_82] : memref<128x128xf32, #tpu.memory_space<vmem>> -> memref<128x128xf32, #tpu.memory_space<vmem>>
      %dma_start3A_84 = arith.constant 0 : i32
      %dma_start3A_85 = arith.constant 0 : i32
      %dma_start3A_86 = tpu.memref_slice %arg6[%arg0, %dma_start3A_84, %dma_start3A_85] : memref<2x10240x128xf32, #tpu.memory_space<hbm>> -> memref<1x10240x128xf32, #tpu.memory_space<hbm>>
      %dma_start3A_87 = tpu.memref_squeeze %dma_start3A_86 : memref<1x10240x128xf32, #tpu.memory_space<hbm>> -> memref<10240x128xf32, #tpu.memory_space<hbm>>
      %dma_start3A_88 = arith.constant 0 : i32
      %dma_start3A_89 = tpu.memref_slice %dma_start3A_87[%add3A_80, %dma_start3A_88] : memref<10240x128xf32, #tpu.memory_space<hbm>> -> memref<128x128xf32, #tpu.memory_space<hbm>>
      %dma_start3A_90 = arith.constant 0 : i32
      %dma_start3A_91 = arith.constant 0 : i32
      %dma_start3A_92 = tpu.memref_slice %arg6[%arg0, %dma_start3A_90, %dma_start3A_91] : memref<2x10240x128xf32, #tpu.memory_space<hbm>> -> memref<1x10240x128xf32, #tpu.memory_space<hbm>>
      %dma_start3A_93 = tpu.memref_squeeze %dma_start3A_92 : memref<1x10240x128xf32, #tpu.memory_space<hbm>> -> memref<10240x128xf32, #tpu.memory_space<hbm>>
      %dma_start3A_94 = arith.constant 0 : i32
      %dma_start3A_95 = tpu.memref_slice %dma_start3A_93[%add3A_80, %dma_start3A_94] : memref<10240x128xf32, #tpu.memory_space<hbm>> -> memref<128x128xf32, #tpu.memory_space<hbm>>
      %dma_start3A_96 = arith.constant 0 : i32
      %dma_start3A_97 = arith.constant 0 : i32
      %dma_start3A_98 = tpu.memref_slice %arg11[%dma_start3A_96, %dma_start3A_97] : memref<128x128xf32, #tpu.memory_space<vmem>> -> memref<128x128xf32, #tpu.memory_space<vmem>>
      tpu.enqueue_dma source(%dma_start3A_98 : memref<128x128xf32, #tpu.memory_space<vmem>>) target(%dma_start3A_95 : memref<128x128xf32, #tpu.memory_space<hbm>>) target_semaphore(%run_scoped3A : memref<!tpu.dma_semaphore, #tpu.memory_space<semaphore_mem>>)
      %dma_wait3A_99 = arith.constant 0 : i32
      %dma_wait3A_100 = arith.constant 0 : i32
      %dma_wait3A_101 = tpu.memref_slice %arg11[%dma_wait3A_99, %dma_wait3A_100] : memref<128x128xf32, #tpu.memory_space<vmem>> -> memref<128x128xf32, #tpu.memory_space<vmem>>
      %dma_wait3A_102 = arith.constant 0 : i32
      %dma_wait3A_103 = arith.constant 0 : i32
      %dma_wait3A_104 = tpu.memref_slice %arg6[%arg0, %dma_wait3A_102, %dma_wait3A_103] : memref<2x10240x128xf32, #tpu.memory_space<hbm>> -> memref<1x10240x128xf32, #tpu.memory_space<hbm>>
      %dma_wait3A_105 = tpu.memref_squeeze %dma_wait3A_104 : memref<1x10240x128xf32, #tpu.memory_space<hbm>> -> memref<10240x128xf32, #tpu.memory_space<hbm>>
      %dma_wait3A_106 = arith.constant 0 : i32
      %dma_wait3A_107 = tpu.memref_slice %dma_wait3A_105[%add3A_80, %dma_wait3A_106] : memref<10240x128xf32, #tpu.memory_space<hbm>> -> memref<128x128xf32, #tpu.memory_space<hbm>>
      %dma_wait3A_108 = arith.constant 0 : i32
      %dma_wait3A_109 = arith.constant 0 : i32
      %dma_wait3A_110 = tpu.memref_slice %arg6[%arg0, %dma_wait3A_108, %dma_wait3A_109] : memref<2x10240x128xf32, #tpu.memory_space<hbm>> -> memref<1x10240x128xf32, #tpu.memory_space<hbm>>
      %dma_wait3A_111 = tpu.memref_squeeze %dma_wait3A_110 : memref<1x10240x128xf32, #tpu.memory_space<hbm>> -> memref<10240x128xf32, #tpu.memory_space<hbm>>
      %dma_wait3A_112 = arith.constant 0 : i32
      %dma_wait3A_113 = tpu.memref_slice %dma_wait3A_111[%add3A_80, %dma_wait3A_112] : memref<10240x128xf32, #tpu.memory_space<hbm>> -> memref<128x128xf32, #tpu.memory_space<hbm>>
      %dma_wait3A_114 = arith.constant 0 : i32
      %dma_wait3A_115 = arith.constant 0 : i32
      %dma_wait3A_116 = tpu.memref_slice %arg11[%dma_wait3A_114, %dma_wait3A_115] : memref<128x128xf32, #tpu.memory_space<vmem>> -> memref<128x128xf32, #tpu.memory_space<vmem>>
      tpu.wait_dma2 semaphore(%run_scoped3A : memref<!tpu.dma_semaphore, #tpu.memory_space<semaphore_mem>>) src(%dma_wait3A_116 : memref<128x128xf32, #tpu.memory_space<vmem>>) dst(%dma_wait3A_113 : memref<128x128xf32, #tpu.memory_space<hbm>>)
      tpu.yield
    }) : () -> ()
    return
  }
}

module attributes {stable_mosaic.version = 14 : i64} {
  func.func @_premul_body(%arg0: i32, %arg1: memref<1280x128xf32, #tpu.memory_space<vmem>>, %arg2: memref<128x128xf32, #tpu.memory_space<vmem>>, %arg3: memref<1x128xf32, #tpu.memory_space<vmem>>, %arg4: memref<128x128xf32, #tpu.memory_space<vmem>>, %arg5: memref<1280x128xf32, #tpu.memory_space<vmem>>) attributes {dimension_semantics = [#tpu.dimension_semantics<arbitrary>], iteration_bounds = array<i64: 8>, scalar_prefetch = 0 : i64, scratch_operands = 0 : i64, tpu.core_type = #tpu.core_type<tc>, window_params = [{transform_indices = @transform_0, window_bounds = array<i64: 1280, 128>}, {pipeline_mode = #tpu.pipeline_mode<synchronous>, transform_indices = @transform_1, window_bounds = array<i64: 128, 128>}, {pipeline_mode = #tpu.pipeline_mode<synchronous>, transform_indices = @transform_2, window_bounds = array<i64: 1, 128>}, {pipeline_mode = #tpu.pipeline_mode<synchronous>, transform_indices = @transform_3, window_bounds = array<i64: 128, 128>}, {transform_indices = @transform_4, window_bounds = array<i64: 1280, 128>}]} {
    %get3A = arith.constant 0 : index
    %get3A_0 = arith.constant 0 : index
    %get3A_1 = vector.load %arg1[%get3A, %get3A_0] : memref<1280x128xf32, #tpu.memory_space<vmem>>, vector<1280x128xf32>
    %get3A_2 = arith.constant 0 : index
    %get3A_3 = arith.constant 0 : index
    %get3A_4 = vector.load %arg2[%get3A_2, %get3A_3] : memref<128x128xf32, #tpu.memory_space<vmem>>, vector<128x128xf32>
    %dot_general3A = arith.constant dense<0.000000e+00> : vector<1280x128xf32>
    %dot_general3A_5 = tpu.matmul %get3A_1, %get3A_4, %dot_general3A {dimension_numbers = #tpu.dot_dimension_numbers<[1], [0], [0], [1], [0, 0, 1, 1], [], []>, transpose_lhs_hint = false} : vector<1280x128xf32>, vector<128x128xf32>, vector<1280x128xf32> -> vector<1280x128xf32>
    %get3A_6 = arith.constant 0 : index
    %get3A_7 = arith.constant 0 : index
    %get3A_8 = vector.load %arg3[%get3A_6, %get3A_7] : memref<1x128xf32, #tpu.memory_space<vmem>>, vector<1x128xf32>
    %add3A = vector.broadcast %get3A_8 : vector<1x128xf32> to vector<1280x128xf32>
    %add3A_9 = arith.addf %dot_general3A_5, %add3A : vector<1280x128xf32>
    %get3A_10 = arith.constant 0 : index
    %get3A_11 = arith.constant 0 : index
    %get3A_12 = vector.load %arg4[%get3A_10, %get3A_11] : memref<128x128xf32, #tpu.memory_space<vmem>>, vector<128x128xf32>
    %dot_general3A_13 = arith.constant dense<0.000000e+00> : vector<1280x128xf32>
    %dot_general3A_14 = tpu.matmul %add3A_9, %get3A_12, %dot_general3A_13 {dimension_numbers = #tpu.dot_dimension_numbers<[1], [0], [0], [1], [0, 0, 1, 1], [], []>, transpose_lhs_hint = false} : vector<1280x128xf32>, vector<128x128xf32>, vector<1280x128xf32> -> vector<1280x128xf32>
    %swap3A = arith.constant 0 : index
    %swap3A_15 = arith.constant 0 : index
    %swap3A_16 = vector.load %arg5[%swap3A, %swap3A_15] : memref<1280x128xf32, #tpu.memory_space<vmem>>, vector<1280x128xf32>
    tpu.vector_store %arg5[%swap3A, %swap3A_15], %dot_general3A_14 {strides = array<i32>} : memref<1280x128xf32, #tpu.memory_space<vmem>>, vector<1280x128xf32>,
    return
  }
  func.func @transform_0(%arg0: i32) -> (i32, i32) {
    %c0_i32 = arith.constant 0 : i32
    %c0_i32_0 = arith.constant 0 : i32
    return %arg0, %c0_i32 : i32, i32
  }
  func.func @transform_1(%arg0: i32) -> (i32, i32) {
    %c0_i32 = arith.constant 0 : i32
    %c0_i32_0 = arith.constant 0 : i32
    %c0_i32_1 = arith.constant 0 : i32
    return %c0_i32, %c0_i32_0 : i32, i32
  }
  func.func @transform_2(%arg0: i32) -> (i32, i32) {
    %c0_i32 = arith.constant 0 : i32
    %c0_i32_0 = arith.constant 0 : i32
    %c0_i32_1 = arith.constant 0 : i32
    return %c0_i32, %c0_i32_0 : i32, i32
  }
  func.func @transform_3(%arg0: i32) -> (i32, i32) {
    %c0_i32 = arith.constant 0 : i32
    %c0_i32_0 = arith.constant 0 : i32
    %c0_i32_1 = arith.constant 0 : i32
    return %c0_i32, %c0_i32_0 : i32, i32
  }
  func.func @transform_4(%arg0: i32) -> (i32, i32) {
    %c0_i32 = arith.constant 0 : i32
    %c0_i32_0 = arith.constant 0 : i32
    return %arg0, %c0_i32 : i32, i32
  }
}

module attributes {stable_mosaic.version = 14 : i64} {
  func.func @_scale_body(%arg0: i32, %arg1: memref<1280x1xf32, #tpu.memory_space<vmem>>, %arg2: memref<1280x1xf32, #tpu.memory_space<vmem>>, %arg3: memref<1280x128xf32, #tpu.memory_space<vmem>>, %arg4: memref<1280x128xf32, #tpu.memory_space<vmem>>, %arg5: memref<1280x1xf32, #tpu.memory_space<vmem>>, %arg6: memref<1280x1xf32, #tpu.memory_space<vmem>>) attributes {dimension_semantics = [#tpu.dimension_semantics<arbitrary>], iteration_bounds = array<i64: 8>, scalar_prefetch = 0 : i64, scratch_operands = 0 : i64, tpu.core_type = #tpu.core_type<tc>, window_params = [{transform_indices = @transform_0, window_bounds = array<i64: 1280, 1>}, {transform_indices = @transform_1, window_bounds = array<i64: 1280, 1>}, {transform_indices = @transform_2, window_bounds = array<i64: 1280, 128>}, {transform_indices = @transform_3, window_bounds = array<i64: 1280, 128>}, {transform_indices = @transform_4, window_bounds = array<i64: 1280, 1>}, {transform_indices = @transform_5, window_bounds = array<i64: 1280, 1>}]} {
    %get3A = arith.constant 0 : index
    %get3A_0 = arith.constant 0 : index
    %get3A_1 = vector.load %arg1[%get3A, %get3A_0] : memref<1280x1xf32, #tpu.memory_space<vmem>>, vector<1280x1xf32>
    %max3A = arith.constant 1.000000e+00 : f32
    %max3A_2 = vector.broadcast %max3A : f32 to vector<1280x1xf32>
    %max3A_3 = arith.maximumf %get3A_1, %max3A_2 : vector<1280x1xf32>
    %rsqrt3A = math.rsqrt %max3A_3 : vector<1280x1xf32>
    %iota3A = tpu.iota {dimensions = array<i32: 0>} : vector<1280x1xi32>
    %mul3A = arith.constant 1280 : i32
    %mul3A_4 = arith.muli %arg0, %mul3A : i32
    %add3A = vector.broadcast %mul3A_4 : i32 to vector<1280x1xi32>
    %add3A_5 = arith.addi %iota3A, %add3A : vector<1280x1xi32>
    %lt3A = arith.constant 10000 : i32
    %lt3A_6 = vector.broadcast %lt3A : i32 to vector<1280x1xi32>
    %lt3A_7 = arith.cmpi slt, %add3A_5, %lt3A_6 : vector<1280x1xi32>
    %get3A_8 = arith.constant 0 : index
    %get3A_9 = arith.constant 0 : index
    %get3A_10 = vector.load %arg2[%get3A_8, %get3A_9] : memref<1280x1xf32, #tpu.memory_space<vmem>>, vector<1280x1xf32>
    %max3A_11 = arith.constant 1.000000e+00 : f32
    %max3A_12 = vector.broadcast %max3A_11 : f32 to vector<1280x1xf32>
    %max3A_13 = arith.maximumf %get3A_10, %max3A_12 : vector<1280x1xf32>
    %rsqrt3A_14 = math.rsqrt %max3A_13 : vector<1280x1xf32>
    %jit3A = arith.constant 0.000000e+00 : f32
    %broadcast_in_dim3A = vector.broadcast %jit3A : f32 to vector<1280x1xf32>
    %select_n3A = arith.select %lt3A_7, %rsqrt3A_14, %broadcast_in_dim3A : vector<1280x1xi1>, vector<1280x1xf32>
    %get3A_15 = arith.constant 0 : index
    %get3A_16 = arith.constant 0 : index
    %get3A_17 = vector.load %arg3[%get3A_15, %get3A_16] : memref<1280x128xf32, #tpu.memory_space<vmem>>, vector<1280x128xf32>
    %mul3A_18 = vector.broadcast %rsqrt3A : vector<1280x1xf32> to vector<1280x128xf32>
    %mul3A_19 = arith.mulf %mul3A_18, %get3A_17 : vector<1280x128xf32>
    %swap3A = arith.constant 0 : index
    %swap3A_20 = arith.constant 0 : index
    %swap3A_21 = vector.load %arg4[%swap3A, %swap3A_20] : memref<1280x128xf32, #tpu.memory_space<vmem>>, vector<1280x128xf32>
    tpu.vector_store %arg4[%swap3A, %swap3A_20], %mul3A_19 {strides = array<i32>} : memref<1280x128xf32, #tpu.memory_space<vmem>>, vector<1280x128xf32>,
    %swap3A_22 = arith.constant 0 : index
    %swap3A_23 = arith.constant 0 : index
    %swap3A_24 = vector.load %arg5[%swap3A_22, %swap3A_23] : memref<1280x1xf32, #tpu.memory_space<vmem>>, vector<1280x1xf32>
    tpu.vector_store %arg5[%swap3A_22, %swap3A_23], %rsqrt3A {strides = array<i32>} : memref<1280x1xf32, #tpu.memory_space<vmem>>, vector<1280x1xf32>,
    %swap3A_25 = arith.constant 0 : index
    %swap3A_26 = arith.constant 0 : index
    %swap3A_27 = vector.load %arg6[%swap3A_25, %swap3A_26] : memref<1280x1xf32, #tpu.memory_space<vmem>>, vector<1280x1xf32>
    tpu.vector_store %arg6[%swap3A_25, %swap3A_26], %select_n3A {strides = array<i32>} : memref<1280x1xf32, #tpu.memory_space<vmem>>, vector<1280x1xf32>,
    return
  }
  func.func @transform_0(%arg0: i32) -> (i32, i32) {
    %c0_i32 = arith.constant 0 : i32
    %c0_i32_0 = arith.constant 0 : i32
    return %arg0, %c0_i32 : i32, i32
  }
  func.func @transform_1(%arg0: i32) -> (i32, i32) {
    %c0_i32 = arith.constant 0 : i32
    %c0_i32_0 = arith.constant 0 : i32
    return %arg0, %c0_i32 : i32, i32
  }
  func.func @transform_2(%arg0: i32) -> (i32, i32) {
    %c0_i32 = arith.constant 0 : i32
    %c0_i32_0 = arith.constant 0 : i32
    return %arg0, %c0_i32 : i32, i32
  }
  func.func @transform_3(%arg0: i32) -> (i32, i32) {
    %c0_i32 = arith.constant 0 : i32
    %c0_i32_0 = arith.constant 0 : i32
    return %arg0, %c0_i32 : i32, i32
  }
  func.func @transform_4(%arg0: i32) -> (i32, i32) {
    %c0_i32 = arith.constant 0 : i32
    %c0_i32_0 = arith.constant 0 : i32
    return %arg0, %c0_i32 : i32, i32
  }
  func.func @transform_5(%arg0: i32) -> (i32, i32) {
    %c0_i32 = arith.constant 0 : i32
    %c0_i32_0 = arith.constant 0 : i32
    return %arg0, %c0_i32 : i32, i32
  }
}

module attributes {stable_mosaic.version = 14 : i64} {
  func.func @_mid_body(%arg0: i32, %arg1: memref<2x1280x128xf32, #tpu.memory_space<vmem>>, %arg2: memref<1280x1xf32, #tpu.memory_space<vmem>>, %arg3: memref<1280x1xf32, #tpu.memory_space<vmem>>, %arg4: memref<1x128xf32, #tpu.memory_space<vmem>>, %arg5: memref<128x128xf32, #tpu.memory_space<vmem>>, %arg6: memref<1280x128xf32, #tpu.memory_space<vmem>>) attributes {dimension_semantics = [#tpu.dimension_semantics<arbitrary>], iteration_bounds = array<i64: 8>, scalar_prefetch = 0 : i64, scratch_operands = 0 : i64, tpu.core_type = #tpu.core_type<tc>, window_params = [{transform_indices = @transform_0, window_bounds = array<i64: 2, 1280, 128>}, {transform_indices = @transform_1, window_bounds = array<i64: 1280, 1>}, {transform_indices = @transform_2, window_bounds = array<i64: 1280, 1>}, {pipeline_mode = #tpu.pipeline_mode<synchronous>, transform_indices = @transform_3, window_bounds = array<i64: 1, 128>}, {pipeline_mode = #tpu.pipeline_mode<synchronous>, transform_indices = @transform_4, window_bounds = array<i64: 128, 128>}, {transform_indices = @transform_5, window_bounds = array<i64: 1280, 128>}]} {
    %get3A = arith.constant 0 : index
    %get3A_0 = arith.constant 0 : index
    %get3A_1 = arith.constant 0 : index
    %get3A_2 = vector.load %arg1[%get3A, %get3A_0, %get3A_1] : memref<2x1280x128xf32, #tpu.memory_space<vmem>>, vector<1x1280x128xf32>
    %get3A_3 = vector.shape_cast %get3A_2 : vector<1x1280x128xf32> to vector<1280x128xf32>
    %get3A_4 = arith.constant 1 : index
    %get3A_5 = arith.constant 0 : index
    %get3A_6 = arith.constant 0 : index
    %get3A_7 = vector.load %arg1[%get3A_4, %get3A_5, %get3A_6] : memref<2x1280x128xf32, #tpu.memory_space<vmem>>, vector<1x1280x128xf32>
    %get3A_8 = vector.shape_cast %get3A_7 : vector<1x1280x128xf32> to vector<1280x128xf32>
    %add3A = arith.addf %get3A_3, %get3A_8 : vector<1280x128xf32>
    %get3A_9 = arith.constant 0 : index
    %get3A_10 = arith.constant 0 : index
    %get3A_11 = vector.load %arg3[%get3A_9, %get3A_10] : memref<1280x1xf32, #tpu.memory_space<vmem>>, vector<1280x1xf32>
    %mul3A = vector.broadcast %get3A_11 : vector<1280x1xf32> to vector<1280x128xf32>
    %mul3A_12 = arith.mulf %mul3A, %add3A : vector<1280x128xf32>
    %get3A_13 = arith.constant 0 : index
    %get3A_14 = arith.constant 0 : index
    %get3A_15 = vector.load %arg4[%get3A_13, %get3A_14] : memref<1x128xf32, #tpu.memory_space<vmem>>, vector<1x128xf32>
    %add3A_16 = vector.broadcast %get3A_15 : vector<1x128xf32> to vector<1280x128xf32>
    %add3A_17 = arith.addf %mul3A_12, %add3A_16 : vector<1280x128xf32>
    %max3A = arith.constant 0.000000e+00 : f32
    %max3A_18 = vector.broadcast %max3A : f32 to vector<1280x128xf32>
    %max3A_19 = arith.maximumf %add3A_17, %max3A_18 : vector<1280x128xf32>
    %get3A_20 = arith.constant 0 : index
    %get3A_21 = arith.constant 0 : index
    %get3A_22 = vector.load %arg2[%get3A_20, %get3A_21] : memref<1280x1xf32, #tpu.memory_space<vmem>>, vector<1280x1xf32>
    %get3A_23 = arith.constant 0 : index
    %get3A_24 = arith.constant 0 : index
    %get3A_25 = vector.load %arg5[%get3A_23, %get3A_24] : memref<128x128xf32, #tpu.memory_space<vmem>>, vector<128x128xf32>
    %dot_general3A = arith.constant dense<0.000000e+00> : vector<1280x128xf32>
    %dot_general3A_26 = tpu.matmul %max3A_19, %get3A_25, %dot_general3A {dimension_numbers = #tpu.dot_dimension_numbers<[1], [0], [0], [1], [0, 0, 1, 1], [], []>, transpose_lhs_hint = false} : vector<1280x128xf32>, vector<128x128xf32>, vector<1280x128xf32> -> vector<1280x128xf32>
    %mul3A_27 = vector.broadcast %get3A_22 : vector<1280x1xf32> to vector<1280x128xf32>
    %mul3A_28 = arith.mulf %mul3A_27, %dot_general3A_26 : vector<1280x128xf32>
    %swap3A = arith.constant 0 : index
    %swap3A_29 = arith.constant 0 : index
    %swap3A_30 = vector.load %arg6[%swap3A, %swap3A_29] : memref<1280x128xf32, #tpu.memory_space<vmem>>, vector<1280x128xf32>
    tpu.vector_store %arg6[%swap3A, %swap3A_29], %mul3A_28 {strides = array<i32>} : memref<1280x128xf32, #tpu.memory_space<vmem>>, vector<1280x128xf32>,
    return
  }
  func.func @transform_0(%arg0: i32) -> (i32, i32, i32) {
    %c0_i32 = arith.constant 0 : i32
    %c0_i32_0 = arith.constant 0 : i32
    %c0_i32_1 = arith.constant 0 : i32
    return %c0_i32, %arg0, %c0_i32_0 : i32, i32, i32
  }
  func.func @transform_1(%arg0: i32) -> (i32, i32) {
    %c0_i32 = arith.constant 0 : i32
    %c0_i32_0 = arith.constant 0 : i32
    return %arg0, %c0_i32 : i32, i32
  }
  func.func @transform_2(%arg0: i32) -> (i32, i32) {
    %c0_i32 = arith.constant 0 : i32
    %c0_i32_0 = arith.constant 0 : i32
    return %arg0, %c0_i32 : i32, i32
  }
  func.func @transform_3(%arg0: i32) -> (i32, i32) {
    %c0_i32 = arith.constant 0 : i32
    %c0_i32_0 = arith.constant 0 : i32
    %c0_i32_1 = arith.constant 0 : i32
    return %c0_i32, %c0_i32_0 : i32, i32
  }
  func.func @transform_4(%arg0: i32) -> (i32, i32) {
    %c0_i32 = arith.constant 0 : i32
    %c0_i32_0 = arith.constant 0 : i32
    %c0_i32_1 = arith.constant 0 : i32
    return %c0_i32, %c0_i32_0 : i32, i32
  }
  func.func @transform_5(%arg0: i32) -> (i32, i32) {
    %c0_i32 = arith.constant 0 : i32
    %c0_i32_0 = arith.constant 0 : i32
    return %arg0, %c0_i32 : i32, i32
  }
}

module attributes {stable_mosaic.version = 14 : i64} {
  func.func @_final_body(%arg0: i32, %arg1: memref<2x1280x128xf32, #tpu.memory_space<vmem>>, %arg2: memref<2x1280x1xf32, #tpu.memory_space<vmem>>, %arg3: memref<1280x1xf32, #tpu.memory_space<vmem>>, %arg4: memref<1280x1xf32, #tpu.memory_space<vmem>>, %arg5: memref<1x128xf32, #tpu.memory_space<vmem>>, %arg6: memref<128x128xf32, #tpu.memory_space<vmem>>, %arg7: memref<1x128xf32, #tpu.memory_space<vmem>>, %arg8: memref<128x128xf32, #tpu.memory_space<vmem>>, %arg9: memref<1x128xf32, #tpu.memory_space<vmem>>, %arg10: memref<1x128xf32, #tpu.memory_space<vmem>>, %arg11: memref<8x128xf32, #tpu.memory_space<vmem>>) attributes {dimension_semantics = [#tpu.dimension_semantics<arbitrary>], iteration_bounds = array<i64: 8>, scalar_prefetch = 0 : i64, scratch_operands = 1 : i64, tpu.core_type = #tpu.core_type<tc>, window_params = [{transform_indices = @transform_0, window_bounds = array<i64: 2, 1280, 128>}, {transform_indices = @transform_1, window_bounds = array<i64: 2, 1280, 1>}, {transform_indices = @transform_2, window_bounds = array<i64: 1280, 1>}, {transform_indices = @transform_3, window_bounds = array<i64: 1280, 1>}, {pipeline_mode = #tpu.pipeline_mode<synchronous>, transform_indices = @transform_4, window_bounds = array<i64: 1, 128>}, {pipeline_mode = #tpu.pipeline_mode<synchronous>, transform_indices = @transform_5, window_bounds = array<i64: 128, 128>}, {pipeline_mode = #tpu.pipeline_mode<synchronous>, transform_indices = @transform_6, window_bounds = array<i64: 1, 128>}, {pipeline_mode = #tpu.pipeline_mode<synchronous>, transform_indices = @transform_7, window_bounds = array<i64: 128, 128>}, {pipeline_mode = #tpu.pipeline_mode<synchronous>, transform_indices = @transform_8, window_bounds = array<i64: 1, 128>}, {pipeline_mode = #tpu.pipeline_mode<synchronous>, transform_indices = @transform_9, window_bounds = array<i64: 1, 128>}]} {
    %eq3A = arith.constant 0 : i32
    %eq3A_0 = arith.cmpi eq, %arg0, %eq3A : i32
    %convert_element_type3A = arith.extui %eq3A_0 : i1 to i32
    %cond3A = arith.constant 0 : i32
    %cond3A_1 = arith.cmpi ne, %convert_element_type3A, %cond3A : i32
    scf.if %cond3A_1 {
      %broadcast_in_dim3A_51 = arith.constant 0.000000e+00 : f32
      %broadcast_in_dim3A_52 = vector.broadcast %broadcast_in_dim3A_51 : f32 to vector<8x128xf32>
      %swap3A_53 = arith.constant 0 : index
      %swap3A_54 = arith.constant 0 : index
      %swap3A_55 = vector.load %arg11[%swap3A_53, %swap3A_54] : memref<8x128xf32, #tpu.memory_space<vmem>>, vector<8x128xf32>
      tpu.vector_store %arg11[%swap3A_53, %swap3A_54], %broadcast_in_dim3A_52 {strides = array<i32>} : memref<8x128xf32, #tpu.memory_space<vmem>>, vector<8x128xf32>,
    } else {
    }
    %get3A = arith.constant 0 : index
    %get3A_2 = arith.constant 0 : index
    %get3A_3 = arith.constant 0 : index
    %get3A_4 = vector.load %arg1[%get3A, %get3A_2, %get3A_3] : memref<2x1280x128xf32, #tpu.memory_space<vmem>>, vector<1x1280x128xf32>
    %get3A_5 = vector.shape_cast %get3A_4 : vector<1x1280x128xf32> to vector<1280x128xf32>
    %get3A_6 = arith.constant 1 : index
    %get3A_7 = arith.constant 0 : index
    %get3A_8 = arith.constant 0 : index
    %get3A_9 = vector.load %arg1[%get3A_6, %get3A_7, %get3A_8] : memref<2x1280x128xf32, #tpu.memory_space<vmem>>, vector<1x1280x128xf32>
    %get3A_10 = vector.shape_cast %get3A_9 : vector<1x1280x128xf32> to vector<1280x128xf32>
    %add3A = arith.addf %get3A_5, %get3A_10 : vector<1280x128xf32>
    %get3A_11 = arith.constant 0 : index
    %get3A_12 = arith.constant 0 : index
    %get3A_13 = vector.load %arg4[%get3A_11, %get3A_12] : memref<1280x1xf32, #tpu.memory_space<vmem>>, vector<1280x1xf32>
    %mul3A = vector.broadcast %get3A_13 : vector<1280x1xf32> to vector<1280x128xf32>
    %mul3A_14 = arith.mulf %mul3A, %add3A : vector<1280x128xf32>
    %get3A_15 = arith.constant 0 : index
    %get3A_16 = arith.constant 0 : index
    %get3A_17 = vector.load %arg5[%get3A_15, %get3A_16] : memref<1x128xf32, #tpu.memory_space<vmem>>, vector<1x128xf32>
    %add3A_18 = vector.broadcast %get3A_17 : vector<1x128xf32> to vector<1280x128xf32>
    %add3A_19 = arith.addf %mul3A_14, %add3A_18 : vector<1280x128xf32>
    %max3A = arith.constant 0.000000e+00 : f32
    %max3A_20 = vector.broadcast %max3A : f32 to vector<1280x128xf32>
    %max3A_21 = arith.maximumf %add3A_19, %max3A_20 : vector<1280x128xf32>
    %get3A_22 = arith.constant 0 : index
    %get3A_23 = arith.constant 0 : index
    %get3A_24 = vector.load %arg3[%get3A_22, %get3A_23] : memref<1280x1xf32, #tpu.memory_space<vmem>>, vector<1280x1xf32>
    %get3A_25 = arith.constant 0 : index
    %get3A_26 = arith.constant 0 : index
    %get3A_27 = arith.constant 0 : index
    %get3A_28 = vector.load %arg2[%get3A_25, %get3A_26, %get3A_27] : memref<2x1280x1xf32, #tpu.memory_space<vmem>>, vector<1x1280x1xf32>
    %get3A_29 = vector.shape_cast %get3A_28 : vector<1x1280x1xf32> to vector<1280x1xf32>
    %get3A_30 = arith.constant 1 : index
    %get3A_31 = arith.constant 0 : index
    %get3A_32 = arith.constant 0 : index
    %get3A_33 = vector.load %arg2[%get3A_30, %get3A_31, %get3A_32] : memref<2x1280x1xf32, #tpu.memory_space<vmem>>, vector<1x1280x1xf32>
    %get3A_34 = vector.shape_cast %get3A_33 : vector<1x1280x1xf32> to vector<1280x1xf32>
    %add3A_35 = arith.addf %get3A_29, %get3A_34 : vector<1280x1xf32>
    %mul3A_36 = arith.mulf %get3A_24, %add3A_35 : vector<1280x1xf32>
    %get3A_37 = arith.constant 0 : index
    %get3A_38 = arith.constant 0 : index
    %get3A_39 = vector.load %arg11[%get3A_37, %get3A_38] : memref<8x128xf32, #tpu.memory_space<vmem>>, vector<1x128xf32>
    %mul3A_40 = vector.broadcast %mul3A_36 : vector<1280x1xf32> to vector<1280x128xf32>
    %mul3A_41 = arith.mulf %mul3A_40, %max3A_21 : vector<1280x128xf32>
    %reduce_sum3A = arith.constant dense<0.000000e+00> : vector<128xf32>
    %reduce_sum3A_42 = vector.multi_reduction <add>, %mul3A_41, %reduce_sum3A [0] : vector<1280x128xf32> to vector<128xf32>
    %broadcast_in_dim3A = vector.shape_cast %reduce_sum3A_42 : vector<128xf32> to vector<1x128xf32>
    %add3A_43 = arith.addf %get3A_39, %broadcast_in_dim3A : vector<1x128xf32>
    %swap3A = arith.constant 0 : index
    %swap3A_44 = arith.constant 0 : index
    %swap3A_45 = vector.load %arg11[%swap3A, %swap3A_44] : memref<8x128xf32, #tpu.memory_space<vmem>>, vector<1x128xf32>
    tpu.vector_store %arg11[%swap3A, %swap3A_44], %add3A_43 {strides = array<i32>} : memref<8x128xf32, #tpu.memory_space<vmem>>, vector<1x128xf32>,
    %eq3A_46 = arith.constant 7 : i32
    %eq3A_47 = arith.cmpi eq, %arg0, %eq3A_46 : i32
    %convert_element_type3A_48 = arith.extui %eq3A_47 : i1 to i32
    %cond3A_49 = arith.constant 0 : i32
    %cond3A_50 = arith.cmpi ne, %convert_element_type3A_48, %cond3A_49 : i32
    scf.if %cond3A_50 {
      %get3A_51 = arith.constant 0 : index
      %get3A_52 = arith.constant 0 : index
      %get3A_53 = vector.load %arg11[%get3A_51, %get3A_52] : memref<8x128xf32, #tpu.memory_space<vmem>>, vector<1x128xf32>
      %get3A_54 = arith.constant 0 : index
      %get3A_55 = arith.constant 0 : index
      %get3A_56 = vector.load %arg6[%get3A_54, %get3A_55] : memref<128x128xf32, #tpu.memory_space<vmem>>, vector<128x128xf32>
      %dot_general3A = arith.constant dense<0.000000e+00> : vector<1x128xf32>
      %dot_general3A_57 = tpu.matmul %get3A_53, %get3A_56, %dot_general3A {dimension_numbers = #tpu.dot_dimension_numbers<[1], [0], [0], [1], [0, 0, 1, 1], [], []>, transpose_lhs_hint = false} : vector<1x128xf32>, vector<128x128xf32>, vector<1x128xf32> -> vector<1x128xf32>
      %get3A_58 = arith.constant 0 : index
      %get3A_59 = arith.constant 0 : index
      %get3A_60 = vector.load %arg7[%get3A_58, %get3A_59] : memref<1x128xf32, #tpu.memory_space<vmem>>, vector<1x128xf32>
      %mul3A_61 = arith.constant 1.000000e+04 : f32
      %mul3A_62 = vector.broadcast %mul3A_61 : f32 to vector<1x128xf32>
      %mul3A_63 = arith.mulf %mul3A_62, %get3A_60 : vector<1x128xf32>
      %add3A_64 = arith.addf %dot_general3A_57, %mul3A_63 : vector<1x128xf32>
      %get3A_65 = arith.constant 0 : index
      %get3A_66 = arith.constant 0 : index
      %get3A_67 = vector.load %arg8[%get3A_65, %get3A_66] : memref<128x128xf32, #tpu.memory_space<vmem>>, vector<128x128xf32>
      %dot_general3A_68 = arith.constant dense<0.000000e+00> : vector<1x128xf32>
      %dot_general3A_69 = tpu.matmul %add3A_64, %get3A_67, %dot_general3A_68 {dimension_numbers = #tpu.dot_dimension_numbers<[1], [0], [0], [1], [0, 0, 1, 1], [], []>, transpose_lhs_hint = false} : vector<1x128xf32>, vector<128x128xf32>, vector<1x128xf32> -> vector<1x128xf32>
      %get3A_70 = arith.constant 0 : index
      %get3A_71 = arith.constant 0 : index
      %get3A_72 = vector.load %arg9[%get3A_70, %get3A_71] : memref<1x128xf32, #tpu.memory_space<vmem>>, vector<1x128xf32>
      %add3A_73 = arith.addf %dot_general3A_69, %get3A_72 : vector<1x128xf32>
      %swap3A_74 = arith.constant 0 : index
      %swap3A_75 = arith.constant 0 : index
      %swap3A_76 = vector.load %arg10[%swap3A_74, %swap3A_75] : memref<1x128xf32, #tpu.memory_space<vmem>>, vector<1x128xf32>
      tpu.vector_store %arg10[%swap3A_74, %swap3A_75], %add3A_73 {strides = array<i32>} : memref<1x128xf32, #tpu.memory_space<vmem>>, vector<1x128xf32>,
    } else {
    }
    return
  }
  func.func @transform_0(%arg0: i32) -> (i32, i32, i32) {
    %c0_i32 = arith.constant 0 : i32
    %c0_i32_0 = arith.constant 0 : i32
    %c0_i32_1 = arith.constant 0 : i32
    return %c0_i32, %arg0, %c0_i32_0 : i32, i32, i32
  }
  func.func @transform_1(%arg0: i32) -> (i32, i32, i32) {
    %c0_i32 = arith.constant 0 : i32
    %c0_i32_0 = arith.constant 0 : i32
    %c0_i32_1 = arith.constant 0 : i32
    return %c0_i32, %arg0, %c0_i32_0 : i32, i32, i32
  }
  func.func @transform_2(%arg0: i32) -> (i32, i32) {
    %c0_i32 = arith.constant 0 : i32
    %c0_i32_0 = arith.constant 0 : i32
    return %arg0, %c0_i32 : i32, i32
  }
  func.func @transform_3(%arg0: i32) -> (i32, i32) {
    %c0_i32 = arith.constant 0 : i32
    %c0_i32_0 = arith.constant 0 : i32
    return %arg0, %c0_i32 : i32, i32
  }
  func.func @transform_4(%arg0: i32) -> (i32, i32) {
    %c0_i32 = arith.constant 0 : i32
    %c0_i32_0 = arith.constant 0 : i32
    %c0_i32_1 = arith.constant 0 : i32
    return %c0_i32, %c0_i32_0 : i32, i32
  }
  func.func @transform_5(%arg0: i32) -> (i32, i32) {
    %c0_i32 = arith.constant 0 : i32
    %c0_i32_0 = arith.constant 0 : i32
    %c0_i32_1 = arith.constant 0 : i32
    return %c0_i32, %c0_i32_0 : i32, i32
  }
  func.func @transform_6(%arg0: i32) -> (i32, i32) {
    %c0_i32 = arith.constant 0 : i32
    %c0_i32_0 = arith.constant 0 : i32
    %c0_i32_1 = arith.constant 0 : i32
    return %c0_i32, %c0_i32_0 : i32, i32
  }
  func.func @transform_7(%arg0: i32) -> (i32, i32) {
    %c0_i32 = arith.constant 0 : i32
    %c0_i32_0 = arith.constant 0 : i32
    %c0_i32_1 = arith.constant 0 : i32
    return %c0_i32, %c0_i32_0 : i32, i32
  }
  func.func @transform_8(%arg0: i32) -> (i32, i32) {
    %c0_i32 = arith.constant 0 : i32
    %c0_i32_0 = arith.constant 0 : i32
    %c0_i32_1 = arith.constant 0 : i32
    return %c0_i32, %c0_i32_0 : i32, i32
  }
  func.func @transform_9(%arg0: i32) -> (i32, i32) {
    %c0_i32 = arith.constant 0 : i32
    %c0_i32_0 = arith.constant 0 : i32
    %c0_i32_1 = arith.constant 0 : i32
    return %c0_i32, %c0_i32_0 : i32, i32
  }
}

</mosaic_0001>

<sc_bundles>
// kernel: kernel.12.cloned.1.call-start
scs
__scs_entry_jumppad:
0x0: {  	(pc) =	sbr.rel $0x88, $3  }
0x1: {  	(tag) =	ssettag $0x0;
	lr =	simm.s32 $0x1  }
0x2: {  	[smem:$0x3F95] =	sst lr;
	_ =	strace $0xD0000000  }
0x3: {  	_ = 	snop  }
0x4: {  	_ = 	snop  }
0x5: {  	_ = 	snop  }
0x6: {  	_ = 	snop  }
0x7: {  	_ = 	snop  }
__scs_overlays_trampoline_lowered:
0x8: {  	[smem:$0x3FA4] =	sst s0  }
0x9: {  	[smem:$0x3FA5] =	sst s1  }
0xa: {  	[smem:$0x3FA6] =	sst s2  }
0xb: {  	[smem:$0x3FA7] =	sst s3  }
0xc: {  	[smem:$0x3FA8] =	sst s4  }
0xd: {  	[smem:$0x3FA9] =	sst s5  }
0xe: {  	[smem:$0x3FAA] =	sst s6  }
0xf: {  	[smem:$0x3FAB] =	sst s7  }
0x10: {  	[smem:$0x3FAC] =	sst s8  }
0x11: {  	[smem:$0x3FAD] =	sst s9;
	s0 =	simm.s32 @!p0 $0x0  }
0x12: {  	s1 =	sld [smem:$0x3F93];
	s0 =	simm.s32 @p0 $0x1  }
0x13: {  	[smem:$0x3FAE] =	sst s0;
	s0 =	simm.s32 @!p1 $0x0  }
0x14: {  	s2 =	sld [smem:$0x3F92];
	s0 =	simm.s32 @p1 $0x1  }
0x15: {  	[smem:$0x3FAF] =	sst s0;
	s0 =	simm.s32 @!p2 $0x0  }
0x16: {  	s3 =	sld [smem:$0x3FDB];
	s0 =	simm.s32 @p2 $0x1  }
0x17: {  	s4 =	simm.s32 $0x1BF5;
	[smem:$0x3FB1] =	sst s0  }
0x18: {  	s0 =	sld [smem:$0x3F94];
	_ =	swait.ge [sflag:s4], $0x0  }
0x19: {  	s7 =	sld [smem:$0x3F95]  }
0x1a: {  	s8 =	sadd.s32 $0xFFFFE003, lr  }
0x1b: {  	s9 =	sadd.s32 $0xFFFFFEF7, lr;
	s5 =	simm.s32 $0xFFFFFFFF;
	p2 =	slt.u32 s8, $0xFFFFF086  }
0x1c: {  	p1 =	slt.u32 s9, $0xF7A;
	s5 =	simm.s32 @!p2 $0x0  }
0x1d: {  	s5 =	simm.s32 @p1 $0x1;
	p0 =	seq.s32 s7, s2  }
0x1e: {  	s7 =	smul.u32 @!p0 $0xF7A, s2;
	p2 =	seq.s32 @!p0 s5, $0x0  }
0x1f: {  	s9 =	smul.u32 $0xF7A, s1;
	s8 =	simm.s32 @!p0 $0x1BF5;
	p2 =	por !p2, p0  }
0x20: {  	[sflag:s8] =	ssyncset.s32 @!p0 $0xFFFFF086;
	s6 =	sadd.s32 @!p0 s3, s7;
	s7 =	simm.s32 @!p0 $0x108  }
0x21: {  	s3 =	sadd.s32 s3, s9;
	s6 =	sadd.s32 @!p0 $0x88, s6;
	s7 =	simm.s32 @p2 $0x1082  }
0x22: {  	[simem:s7], [sflag:s8] =	dma.local @!p0 [hbm:s6], $0xF7A  }
0x23: {  	s9 =	sor.u32 $0xD0000000, s2;
	s6 =	simm.s32 $0x108;
	_ =	swait.ge @!p0 [sflag:s8], $0x0  }
0x24: {  	s3 =	sadd.s32 $0x88, s3;
	s6 =	simm.s32 @!p1 $0x1082;
	[sflag:s4] =	ssyncset.s32 $0xFFFFF086  }
0x25: {  	[simem:s6], [sflag:s4] =	dma.local [hbm:s3], $0xF7A  }
0x26: {  	[smem:$0x3F95] =	sst s1;
	(tag) =	ssettag s2;
	_ =	strace s9  }
0x27: {  	s1 =	sld [smem:$0x3FA5]  }
0x28: {  	s2 =	sld [smem:$0x3FA6]  }
0x29: {  	s4 =	sld [smem:$0x3FA8]  }
0x2a: {  	p0 =	seq.s32 s5, $0x0;
	s5 =	sld [smem:$0x3FA9]  }
0x2b: {  	s6 =	sld [smem:$0x3FAA]  }
0x2c: {  	s7 =	sld [smem:$0x3FAB]  }
0x2d: {  	s3 =	simm.s32 $0x108;
	s8 =	sld [smem:$0x3FAC]  }
0x2e: {  	s3 =	simm.s32 @!p0 $0x1082;
	s9 =	sld [smem:$0x3FAD]  }
0x2f: {  	lr =	sadd.s32 s0, s3;
	s0 =	sld [smem:$0x3FA4]  }
0x30: {  	s3 =	sld [smem:$0x3FA7]  }
0x31: {  	[smem:$0x3FB0] =	sst s10  }
0x32: {  	s10 =	sld [smem:$0x3FAE];
	_ =	sdelay $0x3  }
0x33: {  	p0 =	seq.s32 s10, $0x1;
	s10 =	sld [smem:$0x3FB0];
	_ =	sdelay $0x3  }
0x34: {  	[smem:$0x3FB0] =	sst s10  }
0x35: {  	s10 =	sld [smem:$0x3FAF];
	_ =	sdelay $0x3  }
0x36: {  	p1 =	seq.s32 s10, $0x1;
	s10 =	sld [smem:$0x3FB0];
	_ =	sdelay $0x3  }
0x37: {  	[smem:$0x3FB0] =	sst s10  }
0x38: {  	s10 =	sld [smem:$0x3FB1]  }
0x39: {  	_ = 	snop;
	(pc) =	sbr.ind lr, $3  }
0x3a: {  	_ = 	snop  }
0x3b: {  	_ = 	snop  }
0x3c: {  	p2 =	seq.s32 s10, $0x1;
	s10 =	sld [smem:$0x3FB0]  }
0x3d: {  	_ =	shalt  }
0x3e: {  	_ =	shalt  }
0x3f: {  	_ =	shalt  }
0x40: {  	_ =	shalt  }
0x41: {  	_ =	shalt  }
0x42: {  	_ =	shalt  }
0x43: {  	_ =	shalt  }
0x44: {  	_ =	shalt  }
0x45: {  	_ =	shalt  }
0x46: {  	_ =	shalt  }
0x47: {  	_ =	shalt  }
0x48: {  	_ =	shalt  }
0x49: {  	_ =	shalt  }
0x4a: {  	_ =	shalt  }
0x4b: {  	_ =	shalt  }
0x4c: {  	_ =	shalt  }
0x4d: {  	_ =	shalt  }
0x4e: {  	_ =	shalt  }
0x4f: {  	_ =	shalt  }
0x50: {  	_ =	shalt  }
0x51: {  	_ =	shalt  }
0x52: {  	_ =	shalt  }
0x53: {  	_ =	shalt  }
0x54: {  	_ =	shalt  }
0x55: {  	_ =	shalt  }
0x56: {  	_ =	shalt  }
0x57: {  	_ =	shalt  }
0x58: {  	_ =	shalt  }
0x59: {  	_ =	shalt  }
0x5a: {  	_ =	shalt  }
0x5b: {  	_ =	shalt  }
0x5c: {  	_ =	shalt  }
0x5d: {  	_ =	shalt  }
0x5e: {  	_ =	shalt  }
0x5f: {  	_ =	shalt  }
0x60: {  	_ =	shalt  }
0x61: {  	_ =	shalt  }
0x62: {  	_ =	shalt  }
0x63: {  	_ =	shalt  }
0x64: {  	_ =	shalt  }
0x65: {  	_ =	shalt  }
0x66: {  	_ =	shalt  }
0x67: {  	_ =	shalt  }
0x68: {  	_ =	shalt  }
0x69: {  	_ =	shalt  }
0x6a: {  	_ =	shalt  }
0x6b: {  	_ =	shalt  }
0x6c: {  	_ =	shalt  }
0x6d: {  	_ =	shalt  }
0x6e: {  	_ =	shalt  }
0x6f: {  	_ =	shalt  }
0x70: {  	_ =	shalt  }
0x71: {  	_ =	shalt  }
0x72: {  	_ =	shalt  }
0x73: {  	_ =	shalt  }
0x74: {  	_ =	shalt  }
0x75: {  	_ =	shalt  }
0x76: {  	_ =	shalt  }
0x77: {  	_ =	shalt  }
0x78: {  	_ =	shalt  }
0x79: {  	_ =	shalt  }
0x7a: {  	_ =	shalt  }
0x7b: {  	_ =	shalt  }
0x7c: {  	_ =	shalt  }
0x7d: {  	_ =	shalt  }
0x7e: {  	_ =	shalt  }
0x7f: {  	_ =	shalt  }
0x80: {  	_ =	shalt  }
0x81: {  	_ =	shalt  }
0x82: {  	_ =	shalt  }
0x83: {  	_ =	shalt  }
0x84: {  	_ =	shalt  }
0x85: {  	_ =	shalt  }
0x86: {  	_ =	shalt  }
0x87: {  	_ =	shalt  }
.Lfunc_end0:
.L_simem_size_0:
called_computation.1_lowered:
.L_overlay_start_0:
0x88: {  	s2 =	sld [smem:$0x3FD9]  }
0x89: {  	s3 =	sld [smem:$0x3FFE];
	_ =	sdelay $0x1  }
0x8a: {  	s1 =	srdreg.scid  }
0x8b: {  	s0 =	sand.u32 $0x1, s1  }
0x8c: {  	s16 =	sshll.u32 s0, $0xA;
	s2 =	sadd.s32 s3, s2  }
0x8d: {  	s2 =	sadd.s32 s2, s16  }
0x8e: {  	[smem:$0x3FBC] =	sst s2  }
0x8f: {  	_ = 	snop  }
0x90: {  	(tm) =	ssettm $0x1  }
0x91: {  	s17 =	sld [smem:$0x3FFB];
	_ =	sdelay $0x3  }
0x92: {  	_ =	strace s17  }
0x93: {  	s2 =	sld [smem:$0x3FFC];
	_ =	sdelay $0x3  }
0x94: {  	_ =	strace s2  }
0x95: {  	s2 =	sld [smem:$0x3FFD];
	_ =	sdelay $0x3  }
0x96: {  	_ =	strace s2  }
0x97: {  	_ =	strace $0x8FFFFFFF  }
0x98: {  	s18 =	sld [smem:$0x3FDB];
	_ =	sdelay $0x1  }
0x99: {  	s19 =	simm.s32 $_scs_section_size  }
0x9a: {  	s4 =	simm.s32 $_size__tile_overlayer_lowered;
	s5 =	simm.s32 $_tile_overlayer_lowered  }
0x9b: {  	s22 =	simm.s32 $0x1BFF;
	s21 =	sshll.u32 s5, $0x1;
	s2 =	sadd.s32 s19, s18  }
0x9c: {  	s6 =	simm.s32 $0x0;
	s20 =	sshll.u32 s4, $0x1;
	s4 =	sadd.s32 s21, s2  }
0x9d: {  	[timem:s6], [sflag:s22] =	dma.local [hbm:s4], s20  }
0x9e: {  	_ =	swait.ge [sflag:s22], s20  }
0x9f: {  	s3 =	ssub.s32 $0x0, s20;
	[sflag:s22] =	ssyncset.done $0x0  }
0xa0: {  	[sflag:s22] =	ssyncadd.s32 s3;
	_ =	sdelay $0x1  }
0xa1: {  	s23 =	simm.s32 $0x1B8B  }
0xa2: {  	_ =	swait.ge [sflag:s23], $0x1  }
0xa3: {  	[sflag:s23] =	ssyncset.done $0x0  }
0xa4: {  	s25 =	simm.s32 $0x1B8E;
	s24 =	sld [smem:$0x3FFE];
	[sflag:s23] =	ssyncadd.s32 $0xFFFFFFFF  }
0xa5: {  	s26 =	simm.s32 $execute0_lowered;
	[smem:$0x3FD2] =	sst s25  }
0xa6: {  	s4 =	sshll.u32 s26, $0x1;
	_ =	strace $0x80000049;
	[dreg:$0x1] =	wrdreg $0xFFFFFFFF  }
0xa7: {  	s28 =	simm.s32 $_size_execute0_lowered;
	s2 =	sadd.s32 s2, s4;
	[dreg:$0x0] =	wrdreg $0x0  }
0xa8: {  	s4 =	sshll.u32 s28, $0x1;
	[dreg:$0x2] =	wrdreg s2  }
0xa9: {  	[dreg:$0x3] =	wrdreg s4  }
0xaa: {  	[dreg:$0x4] =	wrdreg $0xC0  }
0xab: {  	_ =	task [dreg:s6], $0x5FFFF  }
0xac: {  	[dreg:$0x1] =	wrdreg $0xFFFFFFFF  }
0xad: {  	[dreg:$0x0] =	wrdreg $0x60  }
0xae: {  	[dreg:$0x2] =	wrdreg s24  }
0xaf: {  	[dreg:$0x3] =	wrdreg $0x94000  }
0xb0: {  	[dreg:$0x4] =	wrdreg $0x1D7800  }
0xb1: {  	[dreg:$0x5] =	wrdreg $0x9  }
0xb2: {  	_ =	task.clear_ibuf [dreg:s6], $0x6FFFF;
	_ =	strace $0x90000049  }
0xb3: {  	s29 =	simm.s32 $0x9;
	_ =	strace $0x8000004B  }
0xb4: {  	_ =	swait.ge [sflag:s29], $0x1  }
0xb5: {  	[sflag:s29] =	ssyncadd.s32 $0xFFFFFFFF  }
0xb6: {  	_ =	strace $0x9000004B  }
0xb7: {  	_ =	sfence  }
0xb8: {  	s30 =	sld [smem:$0x0];
	_ =	sdelay $0x2  }
0xb9: {  	s31 =	sshll.u32 s1, $0xD;
	s1 =	sshrl.u32 s1, $0x2  }
0xba: {  	s3 =	sand.u32 $0x4000, s31;
	s1 =	sadd.s32 s1, s30  }
0xbb: {  	s0 =	sor.u32 s3, s0;
	s1 =	sshll.u32 s1, $0x11  }
0xbc: {  	s0 =	sor.u32 s1, s0  }
0xbd: {  	s0 =	sadd.s32 $0x8F2B, s0  }
0xbe: {  	[sflag:s0] =	ssyncadd.remote.s32 $0x1  }
0xbf: {  	_ =	sfence.sel $0xFFFF  }
0xc0: {  	[dreg:$0x0] =	wrdreg $0xFFFFFFFF;
	(pc) =	sbr.abs _section_cstart, $3  }
0xc1: {  	[dreg:$0x1] =	wrdreg $0xFFFFFFFF  }
0xc2: {  	_ =	task.clear_ibuf [dreg:s6], $0x2FFFF;
	_ =	strace $0x9FFFFFFF  }
0xc3: {  	(tm) =	ssettm $0x7FFFFFFF  }
tec
execute0_lowered:
.L_overlay_start_1:
0x0: {  	(tag) =	ssettag $0x1  }
0x1: {  	s0 =	rddreg [dreg:$0x0]  }
0x2: {  	s1 =	rddreg [dreg:$0x1]  }
0x3: {  	s2 =	rddreg [dreg:$0x2];
	s3 =	simm.s32 $0x0;
	s4 =	srdreg.scid  }
0x4: {  	s22 =	stileid.u32;
	s29 =	simm.s32 $0x1D500;
	s30 =	simm.s32 $0x0  }
0x5: {  	[smem:$0x7FF] =	sst s3;
	s5 =	sadd.s32 $0x17000, s0;
	s6 =	sadd.s32 $0xCE00, s0  }
0x6: {  	s7 =	sadd.s32 $0x2E00, s0;
	s8 =	sadd.s32 $0x3F600, s0;
	s4 =	sand.u32 $0x1, s4  }
0x7: {  	s18 =	sshll.u32 s22, $0x1;
	s9 =	sadd.s32 $0x3F000, s0;
	s13 =	smul.u32 $0x280, s22  }
0x8: {  	s11 =	sadd.s32 $0x16E00, s0;
	s23 =	smul.u32 $0x2800, s22;
	_ =	strace $0x8000004A  }
0x9: {  	[dreg:$0x6] =	wrdreg s8;
	s10 =	smul.u32 $0x28000, s4;
	s8 =	sor.u32 s4, s18  }
0xa: {  	[dreg:$0x7] =	wrdreg s11;
	s19 =	sshll.u32 s4, $0x4;
	s4 =	ssub.s32 $0x2, s4  }
0xb: {  	s12 =	smul.u32 $0xA, s8;
	s20 =	sshrl.u32 s4, $0x1;
	s11 =	sadd.s32 $0x80, s13  }
0xc: {  	s16 =	sadd.s32 $0x100, s13;
	s17 =	sadd.s32 $0x180, s13;
	s18 =	sadd.s32 $0x200, s13  }
0xd: {  	s8 =	smul.u32 $0x500, s8;
	s28 =	sadd.s32 s13, s2;
	s13 =	simm.s32 $0x1D400  }
0xe: {  	s10 =	sadd.s32 s10, s0;
	s0 =	sadd.s32 s19, s0;
	s4 =	ssub.s32 s4, s20  }
0xf: {  	s15 =	sshll.u32 s11, $0x4;
	s19 =	sshll.u32 s16, $0x4;
	s20 =	sshll.u32 s17, $0x4  }
0x10: {  	[dreg:$0xd] =	wrdreg s28;
	s14 =	sadd.s32 $0x2, s12;
	s21 =	sadd.s32 $0x3, s12  }
0x11: {  	s12 =	smul.u32 $0x50000, s22;
	s10 =	sadd.s32 $0x3F800, s10;
	[dreg:$0x4] =	wrdreg s14  }
0x12: {  	s0 =	sadd.s32 $0x8F800, s0;
	[dreg:$0x5] =	wrdreg s21;
	s14 =	sadd.s32 s23, s10  }
0x13: {  	s21 =	sshll.u32 s18, $0x4;
	s24 =	sadd.s32 s15, s10;
	[dreg:$0x8] =	wrdreg s14  }
0x14: {  	s25 =	sadd.s32 s19, s10;
	s26 =	sadd.s32 s20, s10;
	[dreg:$0x9] =	wrdreg s24  }
0x15: {  	s15 =	sadd.s32 s6, s8;
	s19 =	sadd.s32 s7, s8;
	[dreg:$0xa] =	wrdreg s25  }
0x16: {  	s20 =	sor.u32 $0x80, s8;
	s23 =	sshll.u32 s17, $0x7;
	[dreg:$0xb] =	wrdreg s26  }
0x17: {  	s17 =	simm.s32 $0x2;
	s10 =	sadd.s32 s21, s10;
	[dreg:$0x10] =	wrdreg s15  }
0x18: {  	s14 =	smul.u32 $0xA0, s22;
	s12 =	sshrl.u32 s12, $0x2;
	[dreg:$0x11] =	wrdreg s19  }
0x19: {  	s8 =	sadd.s32 s6, s20;
	s21 =	sshll.u32 s11, $0x7;
	s22 =	sshll.u32 s16, $0x7  }
0x1a: {  	s24 =	sadd.s32 s23, s1;
	s25 =	sshll.u32 s18, $0x7;
	s26 =	smax.u32 s4, $0x1  }
0x1b: {  	s4 =	simm.s32 $0x400;
	s11 =	simm.s32 $0x1000;
	[dreg:$0xc] =	wrdreg s10  }
0x1c: {  	s15 =	simm.s32 $0x1D480;
	s18 =	simm.s32 $0x3;
	[dreg:$0x12] =	wrdreg s8  }
0x1d: {  	s19 =	simm.s32 $0x7;
	s16 =	simm.s32 $0xA;
	[dreg:$0x16] =	wrdreg s24  }
0x1e: {  	s23 =	simm.s32 $0x1;
	s31 =	sadd.s32 s12, s1;
	[dreg:$0x18] =	wrdreg s26  }
0x1f: {  	s8 =	simm.s32 $0xC00;
	s10 =	simm.s32 $0x80;
	s12 =	simm.s32 $0x5000  }
0x20: {  	s24 =	simm.s32 $0x4;
	s0 =	sadd.s32 s14, s0;
	[dreg:$0xe] =	wrdreg s31  }
0x21: {  	s26 =	simm.s32 $0x6;
	[dreg:$0xf] =	wrdreg s0;
	s0 =	sadd.s32 s7, s20  }
0x22: {  	s20 =	simm.s32 $0x5;
	[dreg:$0x13] =	wrdreg s0;
	s0 =	sadd.s32 s21, s1  }
0x23: {  	s21 =	simm.s32 $0xB;
	[dreg:$0x14] =	wrdreg s0;
	s0 =	sadd.s32 s22, s1  }
0x24: {  	s22 =	simm.s32 $0x9;
	[dreg:$0x15] =	wrdreg s0;
	s0 =	sadd.s32 s25, s1  }
0x25: {  	s25 =	simm.s32 $0x8;
	[dreg:$0x17] =	wrdreg s0;
	s0 =	simm.s32 $0x800  }
.LBB2_1:
0x26: {  	[dreg:$0x19] =	wrdreg s30  }
0x27: {  	s14 =	rddreg [dreg:$0x7]  }
0x28: {  	[tilespmem:s29], [sflag:$0xB] =	stream.linear.gather [hbm4b:s14+s3], $0x280, $0x38;
	[tilespmem:$0x1DA00] =	vst v63  }
0x29: {  	_ =	swait.ge [sflag:s21], $0x280  }
0x2a: {  	[sflag:s21] =	ssyncset.done $0x0  }
0x2b: {  	[sflag:s21] =	ssyncadd.s32 $0xFFFFFD80  }
0x2c: {  	[spmem:s28] =	stream.linear.scatter [tilespmem:s29], [sflag:$0xB], $0x280, $0x38;
	[tilespmem:$0x1DA00] =	vst v63  }
0x2d: {  	_ =	swait.ge [sflag:s21], $0x280  }
0x2e: {  	[sflag:s21] =	ssyncset.done $0x0  }
0x2f: {  	s28 =	simm.s32 $0x9000;
	s30 =	rddreg [dreg:$0x6];
	[sflag:s21] =	ssyncadd.s32 $0xFFFFFD80  }
0x30: {  	[tilespmem:s28], [sflag:$0xB] =	stream.linear.gather [hbm4b:s30+s3], $0x400, $0x38;
	[tilespmem:$0x1DA00] =	vst v63  }
0x31: {  	_ =	swait.ge [sflag:s21], $0x400  }
0x32: {  	[sflag:s21] =	ssyncset.done $0x0  }
0x33: {  	s14 =	simm.s32 $0x9000;
	s28 =	sadd.s32 $0x0, s31;
	[sflag:s21] =	ssyncadd.s32 $0xFFFFFC00  }
0x34: {  	[spmem:s28] =	stream.linear.scatter [tilespmem:s14], [sflag:$0xB], $0x400, $0x38;
	[tilespmem:$0x1DA00] =	vst v63  }
0x35: {  	s28 =	simm.s32 $0x1000;
	_ =	swait.ge [sflag:s21], $0x400  }
.LBB2_2:
0x36: {  	s29 =	sshra.s32 s28, $0x2;
	[sflag:s21] =	ssyncset.done $0x0;
	p0 =	sne.s32 s28, $0x4F000  }
.Ltmp0:
0x37: {  	s29 =	sadd.s32 s29, s31;
	[sflag:s21] =	ssyncadd.s32 $0xFFFFFC00;
	(pc) =	sbr.rel @p0 .LBB2_2-.Ltmp0, $3  }
0x38: {  	[spmem:s29] =	stream.linear.scatter [tilespmem:s14], [sflag:$0xB], $0x400, $0x38;
	[tilespmem:$0x1DA00] =	vst v63  }
0x39: {  	s28 =	sadd.s32 $0x1000, s28;
	_ =	sdelay $0x1  }
0x3a: {  	_ =	swait.ge [sflag:s21], $0x400  }
0x3b: {  	[sflag:s21] =	ssyncset.done $0x0  }
0x3c: {  	s28 =	simm.s32 $0x0;
	s14 =	rddreg [dreg:$0x10];
	[sflag:s21] =	ssyncadd.s32 $0xFFFFFC00  }
0x3d: {  	[tilespmem:s28], [sflag:$0xB] =	stream.linear.gather [hbm4b:s14+s28], $0x400, $0x38;
	[tilespmem:$0x1DA00] =	vst v63  }
0x3e: {  	_ =	swait.ge [sflag:s21], $0x400  }
0x3f: {  	[sflag:s21] =	ssyncset.done $0x0  }
0x40: {  	s3 =	rddreg [dreg:$0x11];
	[sflag:s21] =	ssyncadd.s32 $0xFFFFFC00  }
0x41: {  	[tilespmem:s0], [sflag:$0xB] =	stream.linear.gather [hbm4b:s3+s28], $0x400, $0x38;
	[tilespmem:$0x1DA00] =	vst v63  }
0x42: {  	_ =	swait.ge [sflag:s21], $0x400  }
0x43: {  	[sflag:s21] =	ssyncset.done $0x0  }
0x44: {  	[sflag:s21] =	ssyncadd.s32 $0xFFFFFC00;
	s21 =	rddreg [dreg:$0x12]  }
0x45: {  	[tilespmem:s4], [sflag:$0x2] =	stream.linear.gather [hbm4b:s21+s28], $0x400, $0x38;
	[tilespmem:$0x1DA00] =	vst v63  }
0x46: {  	s30 =	rddreg [dreg:$0x13]  }
0x47: {  	[tilespmem:s8], [sflag:$0x2] =	stream.linear.gather [hbm4b:s30+s28], $0x400, $0x38;
	[tilespmem:$0x1DA00] =	vst v63  }
0x48: {  	[bflag:$0x0] =	sbarrier.arrive $0xFFFF  }
0x49: {  	[tilespmem:s11], [sflag:$0x3] =	stream.indirect.gather [hbm4b:s5+s10], $0x80, s28, s10, $0xb8;
	[tilespmem:$0x1DA00] =	vst v63  }
0x4a: {  	_ = 	snop  }
0x4b: {  	[tilespmem:s12], [sflag:$0x4] =	stream.indirect.gather [hbm4b:s5+s10], $0x80, s10, s10, $0xb8;
	[tilespmem:$0x1DA00] =	vst v63  }
0x4c: {  	_ = 	snop  }
0x4d: {  	[tilespmem:s13], [sflag:$0x7] =	stream.indirect.gather [hbm4b:s9+s10], $0x1, s0, s10, $0xb8;
	[tilespmem:$0x1DA00] =	vst v63  }
0x4e: {  	s30 =	simm.s32 $0x880  }
0x4f: {  	[tilespmem:s15], [sflag:$0x8] =	stream.indirect.gather [hbm4b:s9+s10], $0x1, s30, s10, $0xb8;
	[tilespmem:$0x1DA00] =	vst v63  }
0x50: {  	_ =	swait.ge [sflag:s18], $0x4000  }
0x51: {  	[sflag:s18] =	ssyncset.done $0x0  }
0x52: {  	[sflag:s18] =	ssyncadd.s32 $0xFFFFC000  }
0x53: {  	[spmem:s1] =	stream.indirect.scatter.add.f32 [tilespmem:s11], [sflag:$0x5], $0x80, s0, s10, $0xb8;
	[tilespmem:$0x1DA00] =	vst v63  }
0x54: {  	_ =	swait.ge [sflag:s19], $0x80  }
0x55: {  	[sflag:s19] =	ssyncset.done $0x0  }
0x56: {  	s3 =	simm.s32 $0x0;
	[sflag:s19] =	ssyncadd.s32 $0xFFFFFF80  }
0x57: {  	[spmem:s2] =	stream.indirect.scatter.add.f32 [tilespmem:s13], [sflag:$0x9], $0x1, s3, s10, $0xb8;
	[tilespmem:$0x1DA00] =	vst v63  }
0x58: {  	_ =	swait.ge [sflag:s20], $0x4000  }
0x59: {  	[sflag:s20] =	ssyncset.done $0x0  }
0x5a: {  	s14 =	simm.s32 $0x100;
	[sflag:s20] =	ssyncadd.s32 $0xFFFFC000  }
0x5b: {  	[tilespmem:s11], [sflag:$0x3] =	stream.indirect.gather [hbm4b:s5+s10], $0x80, s14, s10, $0xb8;
	[tilespmem:$0x1DA00] =	vst v63  }
0x5c: {  	_ =	swait.ge [sflag:s22], $0x80  }
0x5d: {  	[sflag:s22] =	ssyncset.done $0x0  }
0x5e: {  	s21 =	simm.s32 $0x900;
	[sflag:s22] =	ssyncadd.s32 $0xFFFFFF80  }
0x5f: {  	[tilespmem:s13], [sflag:$0x7] =	stream.indirect.gather [hbm4b:s9+s10], $0x1, s21, s10, $0xb8;
	[tilespmem:$0x1DA00] =	vst v63  }
0x60: {  	_ =	swait.ge [sflag:s24], $0x4000  }
0x61: {  	[sflag:s24] =	ssyncset.done $0x0  }
0x62: {  	[sflag:s24] =	ssyncadd.s32 $0xFFFFC000  }
0x63: {  	[spmem:s1] =	stream.indirect.scatter.add.f32 [tilespmem:s12], [sflag:$0x6], $0x80, s30, s10, $0xb8;
	[tilespmem:$0x1DA00] =	vst v63  }
0x64: {  	_ =	swait.ge [sflag:s25], $0x80  }
0x65: {  	[sflag:s25] =	ssyncset.done $0x0  }
0x66: {  	[sflag:s25] =	ssyncadd.s32 $0xFFFFFF80  }
0x67: {  	[spmem:s2] =	stream.indirect.scatter.add.f32 [tilespmem:s15], [sflag:$0xA], $0x1, s10, s10, $0xb8;
	[tilespmem:$0x1DA00] =	vst v63  }
0x68: {  	_ =	swait.ge [sflag:s26], $0x4000  }
0x69: {  	[sflag:s26] =	ssyncset.done $0x0  }
0x6a: {  	s29 =	simm.s32 $0x180;
	[sflag:s26] =	ssyncadd.s32 $0xFFFFC000  }
0x6b: {  	[tilespmem:s12], [sflag:$0x4] =	stream.indirect.gather [hbm4b:s5+s10], $0x80, s29, s10, $0xb8;
	[tilespmem:$0x1DA00] =	vst v63  }
0x6c: {  	_ =	swait.ge [sflag:s16], $0x80  }
0x6d: {  	[sflag:s16] =	ssyncset.done $0x0  }
0x6e: {  	s31 =	simm.s32 $0x980;
	[sflag:s16] =	ssyncadd.s32 $0xFFFFFF80  }
0x6f: {  	[tilespmem:s15], [sflag:$0x8] =	stream.indirect.gather [hbm4b:s9+s10], $0x1, s31, s10, $0xb8;
	[tilespmem:$0x1DA00] =	vst v63  }
0x70: {  	_ =	swait.ge [sflag:s18], $0x4000  }
0x71: {  	[sflag:s18] =	ssyncset.done $0x0  }
0x72: {  	[sflag:s18] =	ssyncadd.s32 $0xFFFFC000  }
0x73: {  	[spmem:s1] =	stream.indirect.scatter.add.f32 [tilespmem:s11], [sflag:$0x5], $0x80, s21, s10, $0xb8;
	[tilespmem:$0x1DA00] =	vst v63  }
0x74: {  	_ =	swait.ge [sflag:s19], $0x80  }
0x75: {  	[sflag:s19] =	ssyncset.done $0x0  }
0x76: {  	[sflag:s19] =	ssyncadd.s32 $0xFFFFFF80  }
0x77: {  	[spmem:s2] =	stream.indirect.scatter.add.f32 [tilespmem:s13], [sflag:$0x9], $0x1, s14, s10, $0xb8;
	[tilespmem:$0x1DA00] =	vst v63  }
0x78: {  	_ =	swait.ge [sflag:s20], $0x4000  }
0x79: {  	[sflag:s20] =	ssyncset.done $0x0  }
0x7a: {  	s14 =	simm.s32 $0x200;
	[sflag:s20] =	ssyncadd.s32 $0xFFFFC000  }
0x7b: {  	[tilespmem:s11], [sflag:$0x3] =	stream.indirect.gather [hbm4b:s5+s10], $0x80, s14, s10, $0xb8;
	[tilespmem:$0x1DA00] =	vst v63  }
0x7c: {  	_ =	swait.ge [sflag:s22], $0x80  }
0x7d: {  	[sflag:s22] =	ssyncset.done $0x0  }
0x7e: {  	s21 =	simm.s32 $0xA00;
	[sflag:s22] =	ssyncadd.s32 $0xFFFFFF80  }
0x7f: {  	[tilespmem:s13], [sflag:$0x7] =	stream.indirect.gather [hbm4b:s9+s10], $0x1, s21, s10, $0xb8;
	[tilespmem:$0x1DA00] =	vst v63  }
0x80: {  	_ =	swait.ge [sflag:s24], $0x4000  }
0x81: {  	[sflag:s24] =	ssyncset.done $0x0  }
0x82: {  	[sflag:s24] =	ssyncadd.s32 $0xFFFFC000  }
0x83: {  	[spmem:s1] =	stream.indirect.scatter.add.f32 [tilespmem:s12], [sflag:$0x6], $0x80, s31, s10, $0xb8;
	[tilespmem:$0x1DA00] =	vst v63  }
0x84: {  	_ =	swait.ge [sflag:s25], $0x80  }
0x85: {  	[sflag:s25] =	ssyncset.done $0x0  }
0x86: {  	[sflag:s25] =	ssyncadd.s32 $0xFFFFFF80  }
0x87: {  	[spmem:s2] =	stream.indirect.scatter.add.f32 [tilespmem:s15], [sflag:$0xA], $0x1, s29, s10, $0xb8;
	[tilespmem:$0x1DA00] =	vst v63  }
0x88: {  	_ =	swait.ge [sflag:s26], $0x4000  }
0x89: {  	[sflag:s26] =	ssyncset.done $0x0  }
0x8a: {  	s29 =	simm.s32 $0x280;
	[sflag:s26] =	ssyncadd.s32 $0xFFFFC000  }
0x8b: {  	[tilespmem:s12], [sflag:$0x4] =	stream.indirect.gather [hbm4b:s5+s10], $0x80, s29, s10, $0xb8;
	[tilespmem:$0x1DA00] =	vst v63  }
0x8c: {  	_ =	swait.ge [sflag:s16], $0x80  }
0x8d: {  	[sflag:s16] =	ssyncset.done $0x0  }
0x8e: {  	s31 =	simm.s32 $0xA80;
	[sflag:s16] =	ssyncadd.s32 $0xFFFFFF80  }
0x8f: {  	[tilespmem:s15], [sflag:$0x8] =	stream.indirect.gather [hbm4b:s9+s10], $0x1, s31, s10, $0xb8;
	[tilespmem:$0x1DA00] =	vst v63  }
0x90: {  	_ =	swait.ge [sflag:s18], $0x4000  }
0x91: {  	[sflag:s18] =	ssyncset.done $0x0  }
0x92: {  	[sflag:s18] =	ssyncadd.s32 $0xFFFFC000  }
0x93: {  	[spmem:s1] =	stream.indirect.scatter.add.f32 [tilespmem:s11], [sflag:$0x5], $0x80, s21, s10, $0xb8;
	[tilespmem:$0x1DA00] =	vst v63  }
0x94: {  	_ =	swait.ge [sflag:s19], $0x80  }
0x95: {  	[sflag:s19] =	ssyncset.done $0x0  }
0x96: {  	[sflag:s19] =	ssyncadd.s32 $0xFFFFFF80  }
0x97: {  	[spmem:s2] =	stream.indirect.scatter.add.f32 [tilespmem:s13], [sflag:$0x9], $0x1, s14, s10, $0xb8;
	[tilespmem:$0x1DA00] =	vst v63  }
0x98: {  	_ =	swait.ge [sflag:s20], $0x4000  }
0x99: {  	[sflag:s20] =	ssyncset.done $0x0  }
0x9a: {  	s14 =	simm.s32 $0x300;
	[sflag:s20] =	ssyncadd.s32 $0xFFFFC000  }
0x9b: {  	[tilespmem:s11], [sflag:$0x3] =	stream.indirect.gather [hbm4b:s5+s10], $0x80, s14, s10, $0xb8;
	[tilespmem:$0x1DA00] =	vst v63  }
0x9c: {  	_ =	swait.ge [sflag:s22], $0x80  }
0x9d: {  	[sflag:s22] =	ssyncset.done $0x0  }
0x9e: {  	s21 =	simm.s32 $0xB00;
	[sflag:s22] =	ssyncadd.s32 $0xFFFFFF80  }
0x9f: {  	[tilespmem:s13], [sflag:$0x7] =	stream.indirect.gather [hbm4b:s9+s10], $0x1, s21, s10, $0xb8;
	[tilespmem:$0x1DA00] =	vst v63  }
0xa0: {  	_ =	swait.ge [sflag:s24], $0x4000  }
0xa1: {  	[sflag:s24] =	ssyncset.done $0x0  }
0xa2: {  	[sflag:s24] =	ssyncadd.s32 $0xFFFFC000  }
0xa3: {  	[spmem:s1] =	stream.indirect.scatter.add.f32 [tilespmem:s12], [sflag:$0x6], $0x80, s31, s10, $0xb8;
	[tilespmem:$0x1DA00] =	vst v63  }
0xa4: {  	_ =	swait.ge [sflag:s25], $0x80  }
0xa5: {  	[sflag:s25] =	ssyncset.done $0x0  }
0xa6: {  	[sflag:s25] =	ssyncadd.s32 $0xFFFFFF80  }
0xa7: {  	[spmem:s2] =	stream.indirect.scatter.add.f32 [tilespmem:s15], [sflag:$0xA], $0x1, s29, s10, $0xb8;
	[tilespmem:$0x1DA00] =	vst v63  }
0xa8: {  	_ =	swait.ge [sflag:s26], $0x4000  }
0xa9: {  	[sflag:s26] =	ssyncset.done $0x0  }
0xaa: {  	s29 =	simm.s32 $0x380;
	[sflag:s26] =	ssyncadd.s32 $0xFFFFC000  }
0xab: {  	[tilespmem:s12], [sflag:$0x4] =	stream.indirect.gather [hbm4b:s5+s10], $0x80, s29, s10, $0xb8;
	[tilespmem:$0x1DA00] =	vst v63  }
0xac: {  	_ =	swait.ge [sflag:s16], $0x80  }
0xad: {  	[sflag:s16] =	ssyncset.done $0x0  }
0xae: {  	s31 =	simm.s32 $0xB80;
	[sflag:s16] =	ssyncadd.s32 $0xFFFFFF80  }
0xaf: {  	[tilespmem:s15], [sflag:$0x8] =	stream.indirect.gather [hbm4b:s9+s10], $0x1, s31, s10, $0xb8;
	[tilespmem:$0x1DA00] =	vst v63  }
0xb0: {  	_ =	swait.ge [sflag:s17], $0x400  }
0xb1: {  	[sflag:s17] =	ssyncset.done $0x0  }
0xb2: {  	[sflag:s17] =	ssyncadd.s32 $0xFFFFFC00  }
0xb3: {  	_ =	swait.ge [sflag:s17], $0x400  }
0xb4: {  	[sflag:s17] =	ssyncset.done $0x0  }
0xb5: {  	[sflag:s17] =	ssyncadd.s32 $0xFFFFFC00  }
0xb6: {  	_ =	swait.ge [sflag:s18], $0x4000  }
0xb7: {  	[sflag:s18] =	ssyncset.done $0x0  }
0xb8: {  	[sflag:s18] =	ssyncadd.s32 $0xFFFFC000  }
0xb9: {  	[spmem:s1] =	stream.indirect.scatter.add.f32 [tilespmem:s11], [sflag:$0x5], $0x80, s21, s10, $0xb8;
	[tilespmem:$0x1DA00] =	vst v63  }
0xba: {  	_ =	swait.ge [sflag:s19], $0x80  }
0xbb: {  	[sflag:s19] =	ssyncset.done $0x0  }
0xbc: {  	[sflag:s19] =	ssyncadd.s32 $0xFFFFFF80  }
0xbd: {  	[spmem:s2] =	stream.indirect.scatter.add.f32 [tilespmem:s13], [sflag:$0x9], $0x1, s14, s10, $0xb8;
	[tilespmem:$0x1DA00] =	vst v63  }
0xbe: {  	_ =	swait.ge [sflag:s20], $0x4000  }
0xbf: {  	[sflag:s20] =	ssyncset.done $0x0  }
0xc0: {  	[sflag:s20] =	ssyncadd.s32 $0xFFFFC000  }
0xc1: {  	[tilespmem:s11], [sflag:$0x3] =	stream.indirect.gather [hbm4b:s5+s10], $0x80, s4, s10, $0xb8;
	[tilespmem:$0x1DA00] =	vst v63  }
0xc2: {  	_ =	swait.ge [sflag:s22], $0x80  }
0xc3: {  	[sflag:s22] =	ssyncset.done $0x0  }
0xc4: {  	[sflag:s22] =	ssyncadd.s32 $0xFFFFFF80  }
0xc5: {  	[tilespmem:s13], [sflag:$0x7] =	stream.indirect.gather [hbm4b:s9+s10], $0x1, s8, s10, $0xb8;
	[tilespmem:$0x1DA00] =	vst v63  }
0xc6: {  	_ =	swait.ge [sflag:s24], $0x4000  }
0xc7: {  	[sflag:s24] =	ssyncset.done $0x0  }
0xc8: {  	[sflag:s24] =	ssyncadd.s32 $0xFFFFC000  }
0xc9: {  	[spmem:s1] =	stream.indirect.scatter.add.f32 [tilespmem:s12], [sflag:$0x6], $0x80, s31, s10, $0xb8;
	[tilespmem:$0x1DA00] =	vst v63  }
0xca: {  	_ =	swait.ge [sflag:s25], $0x80  }
0xcb: {  	[sflag:s25] =	ssyncset.done $0x0  }
0xcc: {  	[sflag:s25] =	ssyncadd.s32 $0xFFFFFF80  }
0xcd: {  	[spmem:s2] =	stream.indirect.scatter.add.f32 [tilespmem:s15], [sflag:$0xA], $0x1, s29, s10, $0xb8;
	[tilespmem:$0x1DA00] =	vst v63  }
0xce: {  	_ =	swait.ge [sflag:s26], $0x4000  }
0xcf: {  	[sflag:s26] =	ssyncset.done $0x0  }
0xd0: {  	s14 =	simm.s32 $0x480;
	[sflag:s26] =	ssyncadd.s32 $0xFFFFC000  }
0xd1: {  	[tilespmem:s12], [sflag:$0x4] =	stream.indirect.gather [hbm4b:s5+s10], $0x80, s14, s10, $0xb8;
	[tilespmem:$0x1DA00] =	vst v63  }
0xd2: {  	_ =	swait.ge [sflag:s16], $0x80  }
0xd3: {  	s31 =	smin.u32 s28, $0x7;
	[sflag:s16] =	ssyncset.done $0x0;
	s29 =	rddreg [dreg:$0x4]  }
0xd4: {  	s21 =	simm.s32 $0xC80;
	[sflag:s16] =	ssyncadd.s32 $0xFFFFFF80;
	s29 =	sadd.s32 s31, s29  }
0xd5: {  	[tilespmem:s15], [sflag:$0x8] =	stream.indirect.gather [hbm4b:s9+s10], $0x1, s21, s10, $0xb8;
	[tilespmem:$0x1DA00] =	vst v63  }
0xd6: {  	s29 =	sshll.u32 s29, $0x7  }
0xd7: {  	s31 =	sadd.s32 s6, s29  }
0xd8: {  	[tilespmem:s3], [sflag:$0x1] =	stream.linear.gather [hbm4b:s31+s3], $0x400, $0x38;
	[tilespmem:$0x1DA00] =	vst v63  }
0xd9: {  	s29 =	sadd.s32 s7, s29  }
0xda: {  	[tilespmem:s0], [sflag:$0x1] =	stream.linear.gather [hbm4b:s29+s3], $0x400, $0x38;
	[tilespmem:$0x1DA00] =	vst v63  }
0xdb: {  	_ =	swait.ge [sflag:s18], $0x4000  }
0xdc: {  	[sflag:s18] =	ssyncset.done $0x0  }
0xdd: {  	[sflag:s18] =	ssyncadd.s32 $0xFFFFC000  }
0xde: {  	[spmem:s1] =	stream.indirect.scatter.add.f32 [tilespmem:s11], [sflag:$0x5], $0x80, s8, s10, $0xb8;
	[tilespmem:$0x1DA00] =	vst v63  }
0xdf: {  	_ =	swait.ge [sflag:s19], $0x80  }
0xe0: {  	[sflag:s19] =	ssyncset.done $0x0  }
0xe1: {  	[sflag:s19] =	ssyncadd.s32 $0xFFFFFF80  }
0xe2: {  	[spmem:s2] =	stream.indirect.scatter.add.f32 [tilespmem:s13], [sflag:$0x9], $0x1, s4, s10, $0xb8;
	[tilespmem:$0x1DA00] =	vst v63  }
0xe3: {  	_ =	swait.ge [sflag:s20], $0x4000  }
0xe4: {  	[sflag:s20] =	ssyncset.done $0x0  }
0xe5: {  	s0 =	simm.s32 $0x500;
	[sflag:s20] =	ssyncadd.s32 $0xFFFFC000  }
0xe6: {  	[tilespmem:s11], [sflag:$0x3] =	stream.indirect.gather [hbm4b:s5+s10], $0x80, s0, s10, $0xb8;
	[tilespmem:$0x1DA00] =	vst v63  }
0xe7: {  	_ =	swait.ge [sflag:s22], $0x80  }
0xe8: {  	[sflag:s22] =	ssyncset.done $0x0  }
0xe9: {  	s3 =	simm.s32 $0xD00;
	[sflag:s22] =	ssyncadd.s32 $0xFFFFFF80  }
0xea: {  	[tilespmem:s13], [sflag:$0x7] =	stream.indirect.gather [hbm4b:s9+s10], $0x1, s3, s10, $0xb8;
	[tilespmem:$0x1DA00] =	vst v63  }
0xeb: {  	_ =	swait.ge [sflag:s24], $0x4000  }
0xec: {  	[sflag:s24] =	ssyncset.done $0x0  }
0xed: {  	[sflag:s24] =	ssyncadd.s32 $0xFFFFC000  }
0xee: {  	[spmem:s1] =	stream.indirect.scatter.add.f32 [tilespmem:s12], [sflag:$0x6], $0x80, s21, s10, $0xb8;
	[tilespmem:$0x1DA00] =	vst v63  }
0xef: {  	_ =	swait.ge [sflag:s25], $0x80  }
0xf0: {  	[sflag:s25] =	ssyncset.done $0x0  }
0xf1: {  	[sflag:s25] =	ssyncadd.s32 $0xFFFFFF80  }
0xf2: {  	[spmem:s2] =	stream.indirect.scatter.add.f32 [tilespmem:s15], [sflag:$0xA], $0x1, s14, s10, $0xb8;
	[tilespmem:$0x1DA00] =	vst v63  }
0xf3: {  	_ =	swait.ge [sflag:s26], $0x4000  }
0xf4: {  	[sflag:s26] =	ssyncset.done $0x0  }
0xf5: {  	s8 =	simm.s32 $0x580;
	[sflag:s26] =	ssyncadd.s32 $0xFFFFC000  }
0xf6: {  	[tilespmem:s12], [sflag:$0x4] =	stream.indirect.gather [hbm4b:s5+s10], $0x80, s8, s10, $0xb8;
	[tilespmem:$0x1DA00] =	vst v63  }
0xf7: {  	_ =	swait.ge [sflag:s16], $0x80  }
0xf8: {  	[sflag:s16] =	ssyncset.done $0x0  }
0xf9: {  	s21 =	simm.s32 $0xD80;
	[sflag:s16] =	ssyncadd.s32 $0xFFFFFF80  }
0xfa: {  	[tilespmem:s15], [sflag:$0x8] =	stream.indirect.gather [hbm4b:s9+s10], $0x1, s21, s10, $0xb8;
	[tilespmem:$0x1DA00] =	vst v63  }
0xfb: {  	_ =	swait.ge [sflag:s18], $0x4000  }
0xfc: {  	[sflag:s18] =	ssyncset.done $0x0  }
0xfd: {  	[sflag:s18] =	ssyncadd.s32 $0xFFFFC000  }
0xfe: {  	[spmem:s1] =	stream.indirect.scatter.add.f32 [tilespmem:s11], [sflag:$0x5], $0x80, s3, s10, $0xb8;
	[tilespmem:$0x1DA00] =	vst v63  }
0xff: {  	_ =	swait.ge [sflag:s19], $0x80  }
0x100: {  	[sflag:s19] =	ssyncset.done $0x0  }
0x101: {  	[sflag:s19] =	ssyncadd.s32 $0xFFFFFF80  }
0x102: {  	[spmem:s2] =	stream.indirect.scatter.add.f32 [tilespmem:s13], [sflag:$0x9], $0x1, s0, s10, $0xb8;
	[tilespmem:$0x1DA00] =	vst v63  }
0x103: {  	_ =	swait.ge [sflag:s20], $0x4000  }
0x104: {  	[sflag:s20] =	ssyncset.done $0x0  }
0x105: {  	s0 =	simm.s32 $0x600;
	[sflag:s20] =	ssyncadd.s32 $0xFFFFC000  }
0x106: {  	[tilespmem:s11], [sflag:$0x3] =	stream.indirect.gather [hbm4b:s5+s10], $0x80, s0, s10, $0xb8;
	[tilespmem:$0x1DA00] =	vst v63  }
0x107: {  	_ =	swait.ge [sflag:s22], $0x80  }
0x108: {  	[sflag:s22] =	ssyncset.done $0x0  }
0x109: {  	s4 =	simm.s32 $0xE00;
	[sflag:s22] =	ssyncadd.s32 $0xFFFFFF80  }
0x10a: {  	[tilespmem:s13], [sflag:$0x7] =	stream.indirect.gather [hbm4b:s9+s10], $0x1, s4, s10, $0xb8;
	[tilespmem:$0x1DA00] =	vst v63  }
0x10b: {  	_ =	swait.ge [sflag:s24], $0x4000  }
0x10c: {  	[sflag:s24] =	ssyncset.done $0x0  }
0x10d: {  	[sflag:s24] =	ssyncadd.s32 $0xFFFFC000  }
0x10e: {  	[spmem:s1] =	stream.indirect.scatter.add.f32 [tilespmem:s12], [sflag:$0x6], $0x80, s21, s10, $0xb8;
	[tilespmem:$0x1DA00] =	vst v63  }
0x10f: {  	_ =	swait.ge [sflag:s25], $0x80  }
0x110: {  	[sflag:s25] =	ssyncset.done $0x0  }
0x111: {  	[sflag:s25] =	ssyncadd.s32 $0xFFFFFF80  }
0x112: {  	[spmem:s2] =	stream.indirect.scatter.add.f32 [tilespmem:s15], [sflag:$0xA], $0x1, s8, s10, $0xb8;
	[tilespmem:$0x1DA00] =	vst v63  }
0x113: {  	_ =	swait.ge [sflag:s26], $0x4000  }
0x114: {  	[sflag:s26] =	ssyncset.done $0x0  }
0x115: {  	s14 =	simm.s32 $0x680;
	[sflag:s26] =	ssyncadd.s32 $0xFFFFC000  }
0x116: {  	[tilespmem:s12], [sflag:$0x4] =	stream.indirect.gather [hbm4b:s5+s10], $0x80, s14, s10, $0xb8;
	[tilespmem:$0x1DA00] =	vst v63  }
0x117: {  	_ =	swait.ge [sflag:s16], $0x80  }
0x118: {  	[sflag:s16] =	ssyncset.done $0x0  }
0x119: {  	s21 =	simm.s32 $0xE80;
	[sflag:s16] =	ssyncadd.s32 $0xFFFFFF80  }
0x11a: {  	[tilespmem:s15], [sflag:$0x8] =	stream.indirect.gather [hbm4b:s9+s10], $0x1, s21, s10, $0xb8;
	[tilespmem:$0x1DA00] =	vst v63  }
0x11b: {  	_ =	swait.ge [sflag:s18], $0x4000  }
0x11c: {  	[sflag:s18] =	ssyncset.done $0x0  }
0x11d: {  	[sflag:s18] =	ssyncadd.s32 $0xFFFFC000  }
0x11e: {  	[spmem:s1] =	stream.indirect.scatter.add.f32 [tilespmem:s11], [sflag:$0x5], $0x80, s4, s10, $0xb8;
	[tilespmem:$0x1DA00] =	vst v63  }
0x11f: {  	_ =	swait.ge [sflag:s19], $0x80  }
0x120: {  	[sflag:s19] =	ssyncset.done $0x0  }
0x121: {  	[sflag:s19] =	ssyncadd.s32 $0xFFFFFF80  }
0x122: {  	[spmem:s2] =	stream.indirect.scatter.add.f32 [tilespmem:s13], [sflag:$0x9], $0x1, s0, s10, $0xb8;
	[tilespmem:$0x1DA00] =	vst v63  }
0x123: {  	_ =	swait.ge [sflag:s20], $0x4000  }
0x124: {  	[sflag:s20] =	ssyncset.done $0x0  }
0x125: {  	s0 =	simm.s32 $0x700;
	[sflag:s20] =	ssyncadd.s32 $0xFFFFC000  }
0x126: {  	[tilespmem:s11], [sflag:$0x3] =	stream.indirect.gather [hbm4b:s5+s10], $0x80, s0, s10, $0xb8;
	[tilespmem:$0x1DA00] =	vst v63  }
0x127: {  	_ =	swait.ge [sflag:s22], $0x80  }
0x128: {  	[sflag:s22] =	ssyncset.done $0x0  }
0x129: {  	s4 =	simm.s32 $0xF00;
	[sflag:s22] =	ssyncadd.s32 $0xFFFFFF80  }
0x12a: {  	[tilespmem:s13], [sflag:$0x7] =	stream.indirect.gather [hbm4b:s9+s10], $0x1, s4, s10, $0xb8;
	[tilespmem:$0x1DA00] =	vst v63  }
0x12b: {  	_ =	swait.ge [sflag:s24], $0x4000  }
0x12c: {  	[sflag:s24] =	ssyncset.done $0x0  }
0x12d: {  	[sflag:s24] =	ssyncadd.s32 $0xFFFFC000  }
0x12e: {  	[spmem:s1] =	stream.indirect.scatter.add.f32 [tilespmem:s12], [sflag:$0x6], $0x80, s21, s10, $0xb8;
	[tilespmem:$0x1DA00] =	vst v63  }
0x12f: {  	_ =	swait.ge [sflag:s25], $0x80  }
0x130: {  	[sflag:s25] =	ssyncset.done $0x0  }
0x131: {  	[sflag:s25] =	ssyncadd.s32 $0xFFFFFF80  }
0x132: {  	[spmem:s2] =	stream.indirect.scatter.add.f32 [tilespmem:s15], [sflag:$0xA], $0x1, s14, s10, $0xb8;
	[tilespmem:$0x1DA00] =	vst v63  }
0x133: {  	_ =	swait.ge [sflag:s26], $0x4000  }
0x134: {  	[sflag:s26] =	ssyncset.done $0x0  }
0x135: {  	s14 =	simm.s32 $0x780;
	[sflag:s26] =	ssyncadd.s32 $0xFFFFC000  }
0x136: {  	[tilespmem:s12], [sflag:$0x4] =	stream.indirect.gather [hbm4b:s5+s10], $0x80, s14, s10, $0xb8;
	[tilespmem:$0x1DA00] =	vst v63  }
0x137: {  	_ =	swait.ge [sflag:s16], $0x80  }
0x138: {  	[sflag:s16] =	ssyncset.done $0x0  }
0x139: {  	s21 =	simm.s32 $0xF80;
	[sflag:s16] =	ssyncadd.s32 $0xFFFFFF80  }
0x13a: {  	[tilespmem:s15], [sflag:$0x8] =	stream.indirect.gather [hbm4b:s9+s10], $0x1, s21, s10, $0xb8;
	[tilespmem:$0x1DA00] =	vst v63  }
0x13b: {  	_ =	swait.ge [sflag:s23], $0x400  }
0x13c: {  	[sflag:s23] =	ssyncset.done $0x0  }
0x13d: {  	[sflag:s23] =	ssyncadd.s32 $0xFFFFFC00  }
0x13e: {  	_ =	swait.ge [sflag:s23], $0x400  }
0x13f: {  	[sflag:s23] =	ssyncset.done $0x0  }
0x140: {  	[sflag:s23] =	ssyncadd.s32 $0xFFFFFC00  }
0x141: {  	_ =	swait.ge [sflag:s18], $0x4000  }
0x142: {  	[sflag:s18] =	ssyncset.done $0x0  }
0x143: {  	[sflag:s18] =	ssyncadd.s32 $0xFFFFC000  }
0x144: {  	[spmem:s1] =	stream.indirect.scatter.add.f32 [tilespmem:s11], [sflag:$0x5], $0x80, s4, s10, $0xb8;
	[tilespmem:$0x1DA00] =	vst v63  }
0x145: {  	_ =	swait.ge [sflag:s19], $0x80  }
0x146: {  	[sflag:s19] =	ssyncset.done $0x0  }
0x147: {  	[sflag:s19] =	ssyncadd.s32 $0xFFFFFF80  }
0x148: {  	[spmem:s2] =	stream.indirect.scatter.add.f32 [tilespmem:s13], [sflag:$0x9], $0x1, s0, s10, $0xb8;
	[tilespmem:$0x1DA00] =	vst v63  }
0x149: {  	_ =	swait.ge [sflag:s20], $0x4000  }
0x14a: {  	[sflag:s20] =	ssyncset.done $0x0  }
0x14b: {  	s8 =	simm.s32 $0x0;
	[sflag:s20] =	ssyncadd.s32 $0xFFFFC000  }
0x14c: {  	[tilespmem:s11], [sflag:$0x3] =	stream.indirect.gather [hbm4b:s5+s10], $0x80, s8, s10, $0xb8;
	[tilespmem:$0x1DA00] =	vst v63  }
0x14d: {  	_ =	swait.ge [sflag:s22], $0x80  }
0x14e: {  	[sflag:s22] =	ssyncset.done $0x0  }
0x14f: {  	s3 =	simm.s32 $0x800;
	[sflag:s22] =	ssyncadd.s32 $0xFFFFFF80  }
0x150: {  	[tilespmem:s13], [sflag:$0x7] =	stream.indirect.gather [hbm4b:s9+s10], $0x1, s3, s10, $0xb8;
	[tilespmem:$0x1DA00] =	vst v63  }
0x151: {  	_ =	swait.ge [sflag:s24], $0x4000  }
0x152: {  	[sflag:s24] =	ssyncset.done $0x0  }
0x153: {  	[sflag:s24] =	ssyncadd.s32 $0xFFFFC000  }
0x154: {  	[spmem:s1] =	stream.indirect.scatter.add.f32 [tilespmem:s12], [sflag:$0x6], $0x80, s21, s10, $0xb8;
	[tilespmem:$0x1DA00] =	vst v63  }
0x155: {  	_ =	swait.ge [sflag:s25], $0x80  }
0x156: {  	[sflag:s25] =	ssyncset.done $0x0  }
0x157: {  	[sflag:s25] =	ssyncadd.s32 $0xFFFFFF80  }
0x158: {  	[spmem:s2] =	stream.indirect.scatter.add.f32 [tilespmem:s15], [sflag:$0xA], $0x1, s14, s10, $0xb8;
	[tilespmem:$0x1DA00] =	vst v63  }
0x159: {  	_ =	swait.ge [sflag:s26], $0x4000  }
0x15a: {  	[sflag:s26] =	ssyncset.done $0x0  }
0x15b: {  	[sflag:s26] =	ssyncadd.s32 $0xFFFFC000  }
0x15c: {  	[tilespmem:s12], [sflag:$0x4] =	stream.indirect.gather [hbm4b:s5+s10], $0x80, s10, s10, $0xb8;
	[tilespmem:$0x1DA00] =	vst v63  }
0x15d: {  	_ =	swait.ge [sflag:s16], $0x80  }
0x15e: {  	s28 =	smin.u32 s28, $0x6;
	[sflag:s16] =	ssyncset.done $0x0;
	s29 =	rddreg [dreg:$0x5]  }
0x15f: {  	[sflag:s16] =	ssyncadd.s32 $0xFFFFFF80;
	s28 =	sadd.s32 s28, s29  }
0x160: {  	[tilespmem:s15], [sflag:$0x8] =	stream.indirect.gather [hbm4b:s9+s10], $0x1, s30, s10, $0xb8;
	[tilespmem:$0x1DA00] =	vst v63  }
0x161: {  	s31 =	sshll.u32 s28, $0x7  }
0x162: {  	s28 =	simm.s32 $0x2;
	s29 =	sadd.s32 s6, s31;
	s31 =	sadd.s32 s7, s31  }
.LBB2_4:
0x163: {  	s3 =	simm.s32 $0x400  }
0x164: {  	[tilespmem:s3], [sflag:$0x2] =	stream.linear.gather [hbm4b:s29+s8], $0x400, $0x38;
	[tilespmem:$0x1DA00] =	vst v63  }
0x165: {  	s4 =	simm.s32 $0xC00  }
0x166: {  	[tilespmem:s4], [sflag:$0x2] =	stream.linear.gather [hbm4b:s31+s8], $0x400, $0x38;
	[tilespmem:$0x1DA00] =	vst v63  }
0x167: {  	_ =	swait.ge [sflag:s18], $0x4000  }
0x168: {  	[sflag:s18] =	ssyncset.done $0x0  }
0x169: {  	s0 =	simm.s32 $0x800;
	[sflag:s18] =	ssyncadd.s32 $0xFFFFC000  }
0x16a: {  	[spmem:s1] =	stream.indirect.scatter.add.f32 [tilespmem:s11], [sflag:$0x5], $0x80, s0, s10, $0xb8;
	[tilespmem:$0x1DA00] =	vst v63  }
0x16b: {  	_ =	swait.ge [sflag:s19], $0x80  }
0x16c: {  	[sflag:s19] =	ssyncset.done $0x0  }
0x16d: {  	[sflag:s19] =	ssyncadd.s32 $0xFFFFFF80  }
0x16e: {  	[spmem:s2] =	stream.indirect.scatter.add.f32 [tilespmem:s13], [sflag:$0x9], $0x1, s8, s10, $0xb8;
	[tilespmem:$0x1DA00] =	vst v63  }
0x16f: {  	_ =	swait.ge [sflag:s20], $0x4000  }
0x170: {  	[sflag:s20] =	ssyncset.done $0x0  }
0x171: {  	s14 =	simm.s32 $0x100;
	[sflag:s20] =	ssyncadd.s32 $0xFFFFC000  }
0x172: {  	[tilespmem:s11], [sflag:$0x3] =	stream.indirect.gather [hbm4b:s5+s10], $0x80, s14, s10, $0xb8;
	[tilespmem:$0x1DA00] =	vst v63  }
0x173: {  	_ =	swait.ge [sflag:s22], $0x80  }
0x174: {  	[sflag:s22] =	ssyncset.done $0x0  }
0x175: {  	s30 =	simm.s32 $0x900;
	[sflag:s22] =	ssyncadd.s32 $0xFFFFFF80  }
0x176: {  	[tilespmem:s13], [sflag:$0x7] =	stream.indirect.gather [hbm4b:s9+s10], $0x1, s30, s10, $0xb8;
	[tilespmem:$0x1DA00] =	vst v63  }
0x177: {  	_ =	swait.ge [sflag:s24], $0x4000  }
0x178: {  	[sflag:s24] =	ssyncset.done $0x0  }
0x179: {  	s21 =	simm.s32 $0x880;
	[sflag:s24] =	ssyncadd.s32 $0xFFFFC000  }
0x17a: {  	[spmem:s1] =	stream.indirect.scatter.add.f32 [tilespmem:s12], [sflag:$0x6], $0x80, s21, s10, $0xb8;
	[tilespmem:$0x1DA00] =	vst v63  }
0x17b: {  	_ =	swait.ge [sflag:s25], $0x80  }
0x17c: {  	[sflag:s25] =	ssyncset.done $0x0  }
0x17d: {  	[sflag:s25] =	ssyncadd.s32 $0xFFFFFF80  }
0x17e: {  	[spmem:s2] =	stream.indirect.scatter.add.f32 [tilespmem:s15], [sflag:$0xA], $0x1, s10, s10, $0xb8;
	[tilespmem:$0x1DA00] =	vst v63  }
0x17f: {  	_ =	swait.ge [sflag:s26], $0x4000  }
0x180: {  	[sflag:s26] =	ssyncset.done $0x0  }
0x181: {  	s31 =	simm.s32 $0x180;
	[sflag:s26] =	ssyncadd.s32 $0xFFFFC000  }
0x182: {  	[tilespmem:s12], [sflag:$0x4] =	stream.indirect.gather [hbm4b:s5+s10], $0x80, s31, s10, $0xb8;
	[tilespmem:$0x1DA00] =	vst v63  }
0x183: {  	_ =	swait.ge [sflag:s16], $0x80  }
0x184: {  	[sflag:s16] =	ssyncset.done $0x0  }
0x185: {  	s21 =	simm.s32 $0x980;
	[sflag:s16] =	ssyncadd.s32 $0xFFFFFF80  }
0x186: {  	[tilespmem:s15], [sflag:$0x8] =	stream.indirect.gather [hbm4b:s9+s10], $0x1, s21, s10, $0xb8;
	[tilespmem:$0x1DA00] =	vst v63  }
0x187: {  	_ =	swait.ge [sflag:s18], $0x4000  }
0x188: {  	[sflag:s18] =	ssyncset.done $0x0  }
0x189: {  	[sflag:s18] =	ssyncadd.s32 $0xFFFFC000  }
0x18a: {  	[spmem:s1] =	stream.indirect.scatter.add.f32 [tilespmem:s11], [sflag:$0x5], $0x80, s30, s10, $0xb8;
	[tilespmem:$0x1DA00] =	vst v63  }
0x18b: {  	_ =	swait.ge [sflag:s19], $0x80  }
0x18c: {  	[sflag:s19] =	ssyncset.done $0x0  }
0x18d: {  	[sflag:s19] =	ssyncadd.s32 $0xFFFFFF80  }
0x18e: {  	[spmem:s2] =	stream.indirect.scatter.add.f32 [tilespmem:s13], [sflag:$0x9], $0x1, s14, s10, $0xb8;
	[tilespmem:$0x1DA00] =	vst v63  }
0x18f: {  	_ =	swait.ge [sflag:s20], $0x4000  }
0x190: {  	[sflag:s20] =	ssyncset.done $0x0  }
0x191: {  	s14 =	simm.s32 $0x200;
	[sflag:s20] =	ssyncadd.s32 $0xFFFFC000  }
0x192: {  	[tilespmem:s11], [sflag:$0x3] =	stream.indirect.gather [hbm4b:s5+s10], $0x80, s14, s10, $0xb8;
	[tilespmem:$0x1DA00] =	vst v63  }
0x193: {  	_ =	swait.ge [sflag:s22], $0x80  }
0x194: {  	[sflag:s22] =	ssyncset.done $0x0  }
0x195: {  	s8 =	simm.s32 $0xA00;
	[sflag:s22] =	ssyncadd.s32 $0xFFFFFF80  }
0x196: {  	[tilespmem:s13], [sflag:$0x7] =	stream.indirect.gather [hbm4b:s9+s10], $0x1, s8, s10, $0xb8;
	[tilespmem:$0x1DA00] =	vst v63  }
0x197: {  	_ =	swait.ge [sflag:s24], $0x4000  }
0x198: {  	[sflag:s24] =	ssyncset.done $0x0  }
0x199: {  	[sflag:s24] =	ssyncadd.s32 $0xFFFFC000  }
0x19a: {  	[spmem:s1] =	stream.indirect.scatter.add.f32 [tilespmem:s12], [sflag:$0x6], $0x80, s21, s10, $0xb8;
	[tilespmem:$0x1DA00] =	vst v63  }
0x19b: {  	_ =	swait.ge [sflag:s25], $0x80  }
0x19c: {  	[sflag:s25] =	ssyncset.done $0x0  }
0x19d: {  	[sflag:s25] =	ssyncadd.s32 $0xFFFFFF80  }
0x19e: {  	[spmem:s2] =	stream.indirect.scatter.add.f32 [tilespmem:s15], [sflag:$0xA], $0x1, s31, s10, $0xb8;
	[tilespmem:$0x1DA00] =	vst v63  }
0x19f: {  	_ =	swait.ge [sflag:s26], $0x4000  }
0x1a0: {  	[sflag:s26] =	ssyncset.done $0x0  }
0x1a1: {  	s21 =	simm.s32 $0x280;
	[sflag:s26] =	ssyncadd.s32 $0xFFFFC000  }
0x1a2: {  	[tilespmem:s12], [sflag:$0x4] =	stream.indirect.gather [hbm4b:s5+s10], $0x80, s21, s10, $0xb8;
	[tilespmem:$0x1DA00] =	vst v63  }
0x1a3: {  	_ =	swait.ge [sflag:s16], $0x80  }
0x1a4: {  	[sflag:s16] =	ssyncset.done $0x0  }
0x1a5: {  	s31 =	simm.s32 $0xA80;
	[sflag:s16] =	ssyncadd.s32 $0xFFFFFF80  }
0x1a6: {  	[tilespmem:s15], [sflag:$0x8] =	stream.indirect.gather [hbm4b:s9+s10], $0x1, s31, s10, $0xb8;
	[tilespmem:$0x1DA00] =	vst v63  }
0x1a7: {  	_ =	swait.ge [sflag:s18], $0x4000  }
0x1a8: {  	[sflag:s18] =	ssyncset.done $0x0  }
0x1a9: {  	[sflag:s18] =	ssyncadd.s32 $0xFFFFC000  }
0x1aa: {  	[spmem:s1] =	stream.indirect.scatter.add.f32 [tilespmem:s11], [sflag:$0x5], $0x80, s8, s10, $0xb8;
	[tilespmem:$0x1DA00] =	vst v63  }
0x1ab: {  	_ =	swait.ge [sflag:s19], $0x80  }
0x1ac: {  	[sflag:s19] =	ssyncset.done $0x0  }
0x1ad: {  	[sflag:s19] =	ssyncadd.s32 $0xFFFFFF80  }
0x1ae: {  	[spmem:s2] =	stream.indirect.scatter.add.f32 [tilespmem:s13], [sflag:$0x9], $0x1, s14, s10, $0xb8;
	[tilespmem:$0x1DA00] =	vst v63  }
0x1af: {  	_ =	swait.ge [sflag:s20], $0x4000  }
0x1b0: {  	[sflag:s20] =	ssyncset.done $0x0  }
0x1b1: {  	s8 =	simm.s32 $0x300;
	[sflag:s20] =	ssyncadd.s32 $0xFFFFC000  }
0x1b2: {  	[tilespmem:s11], [sflag:$0x3] =	stream.indirect.gather [hbm4b:s5+s10], $0x80, s8, s10, $0xb8;
	[tilespmem:$0x1DA00] =	vst v63  }
0x1b3: {  	_ =	swait.ge [sflag:s22], $0x80  }
0x1b4: {  	[sflag:s22] =	ssyncset.done $0x0  }
0x1b5: {  	s14 =	simm.s32 $0xB00;
	[sflag:s22] =	ssyncadd.s32 $0xFFFFFF80  }
0x1b6: {  	[tilespmem:s13], [sflag:$0x7] =	stream.indirect.gather [hbm4b:s9+s10], $0x1, s14, s10, $0xb8;
	[tilespmem:$0x1DA00] =	vst v63  }
0x1b7: {  	_ =	swait.ge [sflag:s24], $0x4000  }
0x1b8: {  	[sflag:s24] =	ssyncset.done $0x0  }
0x1b9: {  	[sflag:s24] =	ssyncadd.s32 $0xFFFFC000  }
0x1ba: {  	[spmem:s1] =	stream.indirect.scatter.add.f32 [tilespmem:s12], [sflag:$0x6], $0x80, s31, s10, $0xb8;
	[tilespmem:$0x1DA00] =	vst v63  }
0x1bb: {  	_ =	swait.ge [sflag:s25], $0x80  }
0x1bc: {  	[sflag:s25] =	ssyncset.done $0x0  }
0x1bd: {  	[sflag:s25] =	ssyncadd.s32 $0xFFFFFF80  }
0x1be: {  	[spmem:s2] =	stream.indirect.scatter.add.f32 [tilespmem:s15], [sflag:$0xA], $0x1, s21, s10, $0xb8;
	[tilespmem:$0x1DA00] =	vst v63  }
0x1bf: {  	_ =	swait.ge [sflag:s26], $0x4000  }
0x1c0: {  	[sflag:s26] =	ssyncset.done $0x0  }
0x1c1: {  	s21 =	simm.s32 $0x380;
	[sflag:s26] =	ssyncadd.s32 $0xFFFFC000  }
0x1c2: {  	[tilespmem:s12], [sflag:$0x4] =	stream.indirect.gather [hbm4b:s5+s10], $0x80, s21, s10, $0xb8;
	[tilespmem:$0x1DA00] =	vst v63  }
0x1c3: {  	_ =	swait.ge [sflag:s16], $0x80  }
0x1c4: {  	[sflag:s16] =	ssyncset.done $0x0  }
0x1c5: {  	s31 =	simm.s32 $0xB80;
	[sflag:s16] =	ssyncadd.s32 $0xFFFFFF80  }
0x1c6: {  	[tilespmem:s15], [sflag:$0x8] =	stream.indirect.gather [hbm4b:s9+s10], $0x1, s31, s10, $0xb8;
	[tilespmem:$0x1DA00] =	vst v63  }
0x1c7: {  	_ =	swait.ge [sflag:s17], $0x400  }
0x1c8: {  	[sflag:s17] =	ssyncset.done $0x0  }
0x1c9: {  	[sflag:s17] =	ssyncadd.s32 $0xFFFFFC00  }
0x1ca: {  	_ =	swait.ge [sflag:s17], $0x400  }
0x1cb: {  	[sflag:s17] =	ssyncset.done $0x0  }
0x1cc: {  	[sflag:s17] =	ssyncadd.s32 $0xFFFFFC00  }
0x1cd: {  	_ =	swait.ge [sflag:s18], $0x4000  }
0x1ce: {  	[sflag:s18] =	ssyncset.done $0x0  }
0x1cf: {  	[sflag:s18] =	ssyncadd.s32 $0xFFFFC000  }
0x1d0: {  	[spmem:s1] =	stream.indirect.scatter.add.f32 [tilespmem:s11], [sflag:$0x5], $0x80, s14, s10, $0xb8;
	[tilespmem:$0x1DA00] =	vst v63  }
0x1d1: {  	_ =	swait.ge [sflag:s19], $0x80  }
0x1d2: {  	[sflag:s19] =	ssyncset.done $0x0  }
0x1d3: {  	[sflag:s19] =	ssyncadd.s32 $0xFFFFFF80  }
0x1d4: {  	[spmem:s2] =	stream.indirect.scatter.add.f32 [tilespmem:s13], [sflag:$0x9], $0x1, s8, s10, $0xb8;
	[tilespmem:$0x1DA00] =	vst v63  }
0x1d5: {  	_ =	swait.ge [sflag:s20], $0x4000  }
0x1d6: {  	[sflag:s20] =	ssyncset.done $0x0  }
0x1d7: {  	[sflag:s20] =	ssyncadd.s32 $0xFFFFC000  }
0x1d8: {  	[tilespmem:s11], [sflag:$0x3] =	stream.indirect.gather [hbm4b:s5+s10], $0x80, s3, s10, $0xb8;
	[tilespmem:$0x1DA00] =	vst v63  }
0x1d9: {  	_ =	swait.ge [sflag:s22], $0x80  }
0x1da: {  	[sflag:s22] =	ssyncset.done $0x0  }
0x1db: {  	[sflag:s22] =	ssyncadd.s32 $0xFFFFFF80  }
0x1dc: {  	[tilespmem:s13], [sflag:$0x7] =	stream.indirect.gather [hbm4b:s9+s10], $0x1, s4, s10, $0xb8;
	[tilespmem:$0x1DA00] =	vst v63  }
0x1dd: {  	_ =	swait.ge [sflag:s24], $0x4000  }
0x1de: {  	[sflag:s24] =	ssyncset.done $0x0  }
0x1df: {  	[sflag:s24] =	ssyncadd.s32 $0xFFFFC000  }
0x1e0: {  	[spmem:s1] =	stream.indirect.scatter.add.f32 [tilespmem:s12], [sflag:$0x6], $0x80, s31, s10, $0xb8;
	[tilespmem:$0x1DA00] =	vst v63  }
0x1e1: {  	_ =	swait.ge [sflag:s25], $0x80  }
0x1e2: {  	[sflag:s25] =	ssyncset.done $0x0  }
0x1e3: {  	[sflag:s25] =	ssyncadd.s32 $0xFFFFFF80  }
0x1e4: {  	[spmem:s2] =	stream.indirect.scatter.add.f32 [tilespmem:s15], [sflag:$0xA], $0x1, s21, s10, $0xb8;
	[tilespmem:$0x1DA00] =	vst v63  }
0x1e5: {  	_ =	swait.ge [sflag:s26], $0x4000  }
0x1e6: {  	[sflag:s26] =	ssyncset.done $0x0  }
0x1e7: {  	s8 =	simm.s32 $0x480;
	[sflag:s26] =	ssyncadd.s32 $0xFFFFC000  }
0x1e8: {  	[tilespmem:s12], [sflag:$0x4] =	stream.indirect.gather [hbm4b:s5+s10], $0x80, s8, s10, $0xb8;
	[tilespmem:$0x1DA00] =	vst v63  }
0x1e9: {  	s29 =	smov.u32 s28;
	_ =	swait.ge [sflag:s16], $0x80  }
0x1ea: {  	s14 =	smin.u32 s29, $0x7;
	[sflag:s16] =	ssyncset.done $0x0;
	s31 =	rddreg [dreg:$0x4]  }
0x1eb: {  	s21 =	simm.s32 $0xC80;
	[sflag:s16] =	ssyncadd.s32 $0xFFFFFF80;
	s14 =	sadd.s32 s14, s31  }
0x1ec: {  	[tilespmem:s15], [sflag:$0x8] =	stream.indirect.gather [hbm4b:s9+s10], $0x1, s21, s10, $0xb8;
	[tilespmem:$0x1DA00] =	vst v63  }
0x1ed: {  	s14 =	sshll.u32 s14, $0x7  }
0x1ee: {  	s30 =	simm.s32 $0x0;
	s31 =	sadd.s32 s6, s14  }
0x1ef: {  	[tilespmem:s30], [sflag:$0x1] =	stream.linear.gather [hbm4b:s31+s30], $0x400, $0x38;
	[tilespmem:$0x1DA00] =	vst v63  }
0x1f0: {  	s14 =	sadd.s32 s7, s14  }
0x1f1: {  	[tilespmem:s0], [sflag:$0x1] =	stream.linear.gather [hbm4b:s14+s30], $0x400, $0x38;
	[tilespmem:$0x1DA00] =	vst v63  }
0x1f2: {  	_ =	swait.ge [sflag:s18], $0x4000  }
0x1f3: {  	[sflag:s18] =	ssyncset.done $0x0  }
0x1f4: {  	[sflag:s18] =	ssyncadd.s32 $0xFFFFC000  }
0x1f5: {  	[spmem:s1] =	stream.indirect.scatter.add.f32 [tilespmem:s11], [sflag:$0x5], $0x80, s4, s10, $0xb8;
	[tilespmem:$0x1DA00] =	vst v63  }
0x1f6: {  	_ =	swait.ge [sflag:s19], $0x80  }
0x1f7: {  	[sflag:s19] =	ssyncset.done $0x0  }
0x1f8: {  	[sflag:s19] =	ssyncadd.s32 $0xFFFFFF80  }
0x1f9: {  	[spmem:s2] =	stream.indirect.scatter.add.f32 [tilespmem:s13], [sflag:$0x9], $0x1, s3, s10, $0xb8;
	[tilespmem:$0x1DA00] =	vst v63  }
0x1fa: {  	_ =	swait.ge [sflag:s20], $0x4000  }
0x1fb: {  	[sflag:s20] =	ssyncset.done $0x0  }
0x1fc: {  	s3 =	simm.s32 $0x500;
	[sflag:s20] =	ssyncadd.s32 $0xFFFFC000  }
0x1fd: {  	[tilespmem:s11], [sflag:$0x3] =	stream.indirect.gather [hbm4b:s5+s10], $0x80, s3, s10, $0xb8;
	[tilespmem:$0x1DA00] =	vst v63  }
0x1fe: {  	_ =	swait.ge [sflag:s22], $0x80  }
0x1ff: {  	[sflag:s22] =	ssyncset.done $0x0  }
0x200: {  	s31 =	simm.s32 $0xD00;
	[sflag:s22] =	ssyncadd.s32 $0xFFFFFF80  }
0x201: {  	[tilespmem:s13], [sflag:$0x7] =	stream.indirect.gather [hbm4b:s9+s10], $0x1, s31, s10, $0xb8;
	[tilespmem:$0x1DA00] =	vst v63  }
0x202: {  	_ =	swait.ge [sflag:s24], $0x4000  }
0x203: {  	[sflag:s24] =	ssyncset.done $0x0  }
0x204: {  	[sflag:s24] =	ssyncadd.s32 $0xFFFFC000  }
0x205: {  	[spmem:s1] =	stream.indirect.scatter.add.f32 [tilespmem:s12], [sflag:$0x6], $0x80, s21, s10, $0xb8;
	[tilespmem:$0x1DA00] =	vst v63  }
0x206: {  	_ =	swait.ge [sflag:s25], $0x80  }
0x207: {  	[sflag:s25] =	ssyncset.done $0x0  }
0x208: {  	[sflag:s25] =	ssyncadd.s32 $0xFFFFFF80  }
0x209: {  	[spmem:s2] =	stream.indirect.scatter.add.f32 [tilespmem:s15], [sflag:$0xA], $0x1, s8, s10, $0xb8;
	[tilespmem:$0x1DA00] =	vst v63  }
0x20a: {  	_ =	swait.ge [sflag:s26], $0x4000  }
0x20b: {  	[sflag:s26] =	ssyncset.done $0x0  }
0x20c: {  	s8 =	simm.s32 $0x580;
	[sflag:s26] =	ssyncadd.s32 $0xFFFFC000  }
0x20d: {  	[tilespmem:s12], [sflag:$0x4] =	stream.indirect.gather [hbm4b:s5+s10], $0x80, s8, s10, $0xb8;
	[tilespmem:$0x1DA00] =	vst v63  }
0x20e: {  	_ =	swait.ge [sflag:s16], $0x80  }
0x20f: {  	[sflag:s16] =	ssyncset.done $0x0  }
0x210: {  	s21 =	simm.s32 $0xD80;
	[sflag:s16] =	ssyncadd.s32 $0xFFFFFF80  }
0x211: {  	[tilespmem:s15], [sflag:$0x8] =	stream.indirect.gather [hbm4b:s9+s10], $0x1, s21, s10, $0xb8;
	[tilespmem:$0x1DA00] =	vst v63  }
0x212: {  	_ =	swait.ge [sflag:s18], $0x4000  }
0x213: {  	[sflag:s18] =	ssyncset.done $0x0  }
0x214: {  	[sflag:s18] =	ssyncadd.s32 $0xFFFFC000  }
0x215: {  	[spmem:s1] =	stream.indirect.scatter.add.f32 [tilespmem:s11], [sflag:$0x5], $0x80, s31, s10, $0xb8;
	[tilespmem:$0x1DA00] =	vst v63  }
0x216: {  	_ =	swait.ge [sflag:s19], $0x80  }
0x217: {  	[sflag:s19] =	ssyncset.done $0x0  }
0x218: {  	[sflag:s19] =	ssyncadd.s32 $0xFFFFFF80  }
0x219: {  	[spmem:s2] =	stream.indirect.scatter.add.f32 [tilespmem:s13], [sflag:$0x9], $0x1, s3, s10, $0xb8;
	[tilespmem:$0x1DA00] =	vst v63  }
0x21a: {  	_ =	swait.ge [sflag:s20], $0x4000  }
0x21b: {  	[sflag:s20] =	ssyncset.done $0x0  }
0x21c: {  	s3 =	simm.s32 $0x600;
	[sflag:s20] =	ssyncadd.s32 $0xFFFFC000  }
0x21d: {  	[tilespmem:s11], [sflag:$0x3] =	stream.indirect.gather [hbm4b:s5+s10], $0x80, s3, s10, $0xb8;
	[tilespmem:$0x1DA00] =	vst v63  }
0x21e: {  	_ =	swait.ge [sflag:s22], $0x80  }
0x21f: {  	[sflag:s22] =	ssyncset.done $0x0  }
0x220: {  	s14 =	simm.s32 $0xE00;
	[sflag:s22] =	ssyncadd.s32 $0xFFFFFF80  }
0x221: {  	[tilespmem:s13], [sflag:$0x7] =	stream.indirect.gather [hbm4b:s9+s10], $0x1, s14, s10, $0xb8;
	[tilespmem:$0x1DA00] =	vst v63  }
0x222: {  	_ =	swait.ge [sflag:s24], $0x4000  }
0x223: {  	[sflag:s24] =	ssyncset.done $0x0  }
0x224: {  	[sflag:s24] =	ssyncadd.s32 $0xFFFFC000  }
0x225: {  	[spmem:s1] =	stream.indirect.scatter.add.f32 [tilespmem:s12], [sflag:$0x6], $0x80, s21, s10, $0xb8;
	[tilespmem:$0x1DA00] =	vst v63  }
0x226: {  	_ =	swait.ge [sflag:s25], $0x80  }
0x227: {  	[sflag:s25] =	ssyncset.done $0x0  }
0x228: {  	[sflag:s25] =	ssyncadd.s32 $0xFFFFFF80  }
0x229: {  	[spmem:s2] =	stream.indirect.scatter.add.f32 [tilespmem:s15], [sflag:$0xA], $0x1, s8, s10, $0xb8;
	[tilespmem:$0x1DA00] =	vst v63  }
0x22a: {  	_ =	swait.ge [sflag:s26], $0x4000  }
0x22b: {  	[sflag:s26] =	ssyncset.done $0x0  }
0x22c: {  	s21 =	simm.s32 $0x680;
	[sflag:s26] =	ssyncadd.s32 $0xFFFFC000  }
0x22d: {  	[tilespmem:s12], [sflag:$0x4] =	stream.indirect.gather [hbm4b:s5+s10], $0x80, s21, s10, $0xb8;
	[tilespmem:$0x1DA00] =	vst v63  }
0x22e: {  	_ =	swait.ge [sflag:s16], $0x80  }
0x22f: {  	[sflag:s16] =	ssyncset.done $0x0  }
0x230: {  	s31 =	simm.s32 $0xE80;
	[sflag:s16] =	ssyncadd.s32 $0xFFFFFF80  }
0x231: {  	[tilespmem:s15], [sflag:$0x8] =	stream.indirect.gather [hbm4b:s9+s10], $0x1, s31, s10, $0xb8;
	[tilespmem:$0x1DA00] =	vst v63  }
0x232: {  	_ =	swait.ge [sflag:s18], $0x4000  }
0x233: {  	[sflag:s18] =	ssyncset.done $0x0  }
0x234: {  	[sflag:s18] =	ssyncadd.s32 $0xFFFFC000  }
0x235: {  	[spmem:s1] =	stream.indirect.scatter.add.f32 [tilespmem:s11], [sflag:$0x5], $0x80, s14, s10, $0xb8;
	[tilespmem:$0x1DA00] =	vst v63  }
0x236: {  	_ =	swait.ge [sflag:s19], $0x80  }
0x237: {  	[sflag:s19] =	ssyncset.done $0x0  }
0x238: {  	[sflag:s19] =	ssyncadd.s32 $0xFFFFFF80  }
0x239: {  	[spmem:s2] =	stream.indirect.scatter.add.f32 [tilespmem:s13], [sflag:$0x9], $0x1, s3, s10, $0xb8;
	[tilespmem:$0x1DA00] =	vst v63  }
0x23a: {  	_ =	swait.ge [sflag:s20], $0x4000  }
0x23b: {  	[sflag:s20] =	ssyncset.done $0x0  }
0x23c: {  	s3 =	simm.s32 $0x700;
	[sflag:s20] =	ssyncadd.s32 $0xFFFFC000  }
0x23d: {  	[tilespmem:s11], [sflag:$0x3] =	stream.indirect.gather [hbm4b:s5+s10], $0x80, s3, s10, $0xb8;
	[tilespmem:$0x1DA00] =	vst v63  }
0x23e: {  	_ =	swait.ge [sflag:s22], $0x80  }
0x23f: {  	[sflag:s22] =	ssyncset.done $0x0  }
0x240: {  	s14 =	simm.s32 $0xF00;
	[sflag:s22] =	ssyncadd.s32 $0xFFFFFF80  }
0x241: {  	[tilespmem:s13], [sflag:$0x7] =	stream.indirect.gather [hbm4b:s9+s10], $0x1, s14, s10, $0xb8;
	[tilespmem:$0x1DA00] =	vst v63  }
0x242: {  	_ =	swait.ge [sflag:s24], $0x4000  }
0x243: {  	[sflag:s24] =	ssyncset.done $0x0  }
0x244: {  	[sflag:s24] =	ssyncadd.s32 $0xFFFFC000  }
0x245: {  	[spmem:s1] =	stream.indirect.scatter.add.f32 [tilespmem:s12], [sflag:$0x6], $0x80, s31, s10, $0xb8;
	[tilespmem:$0x1DA00] =	vst v63  }
0x246: {  	_ =	swait.ge [sflag:s25], $0x80  }
0x247: {  	[sflag:s25] =	ssyncset.done $0x0  }
0x248: {  	[sflag:s25] =	ssyncadd.s32 $0xFFFFFF80  }
0x249: {  	[spmem:s2] =	stream.indirect.scatter.add.f32 [tilespmem:s15], [sflag:$0xA], $0x1, s21, s10, $0xb8;
	[tilespmem:$0x1DA00] =	vst v63  }
0x24a: {  	_ =	swait.ge [sflag:s26], $0x4000  }
0x24b: {  	[sflag:s26] =	ssyncset.done $0x0  }
0x24c: {  	s21 =	simm.s32 $0x780;
	[sflag:s26] =	ssyncadd.s32 $0xFFFFC000  }
0x24d: {  	[tilespmem:s12], [sflag:$0x4] =	stream.indirect.gather [hbm4b:s5+s10], $0x80, s21, s10, $0xb8;
	[tilespmem:$0x1DA00] =	vst v63  }
0x24e: {  	_ =	swait.ge [sflag:s16], $0x80  }
0x24f: {  	[sflag:s16] =	ssyncset.done $0x0  }
0x250: {  	s31 =	simm.s32 $0xF80;
	[sflag:s16] =	ssyncadd.s32 $0xFFFFFF80  }
0x251: {  	[tilespmem:s15], [sflag:$0x8] =	stream.indirect.gather [hbm4b:s9+s10], $0x1, s31, s10, $0xb8;
	[tilespmem:$0x1DA00] =	vst v63  }
0x252: {  	_ =	swait.ge [sflag:s23], $0x400  }
0x253: {  	[sflag:s23] =	ssyncset.done $0x0  }
0x254: {  	[sflag:s23] =	ssyncadd.s32 $0xFFFFFC00  }
0x255: {  	_ =	swait.ge [sflag:s23], $0x400  }
0x256: {  	[sflag:s23] =	ssyncset.done $0x0  }
0x257: {  	[sflag:s23] =	ssyncadd.s32 $0xFFFFFC00  }
0x258: {  	_ =	swait.ge [sflag:s18], $0x4000  }
0x259: {  	[sflag:s18] =	ssyncset.done $0x0  }
0x25a: {  	[sflag:s18] =	ssyncadd.s32 $0xFFFFC000  }
0x25b: {  	[spmem:s1] =	stream.indirect.scatter.add.f32 [tilespmem:s11], [sflag:$0x5], $0x80, s14, s10, $0xb8;
	[tilespmem:$0x1DA00] =	vst v63  }
0x25c: {  	_ =	swait.ge [sflag:s19], $0x80  }
0x25d: {  	[sflag:s19] =	ssyncset.done $0x0  }
0x25e: {  	[sflag:s19] =	ssyncadd.s32 $0xFFFFFF80  }
0x25f: {  	[spmem:s2] =	stream.indirect.scatter.add.f32 [tilespmem:s13], [sflag:$0x9], $0x1, s3, s10, $0xb8;
	[tilespmem:$0x1DA00] =	vst v63  }
0x260: {  	_ =	swait.ge [sflag:s20], $0x4000  }
0x261: {  	[sflag:s20] =	ssyncset.done $0x0  }
0x262: {  	s8 =	simm.s32 $0x0;
	[sflag:s20] =	ssyncadd.s32 $0xFFFFC000  }
0x263: {  	[tilespmem:s11], [sflag:$0x3] =	stream.indirect.gather [hbm4b:s5+s10], $0x80, s8, s10, $0xb8;
	[tilespmem:$0x1DA00] =	vst v63  }
0x264: {  	_ =	swait.ge [sflag:s22], $0x80  }
0x265: {  	[sflag:s22] =	ssyncset.done $0x0  }
0x266: {  	[sflag:s22] =	ssyncadd.s32 $0xFFFFFF80  }
0x267: {  	[tilespmem:s13], [sflag:$0x7] =	stream.indirect.gather [hbm4b:s9+s10], $0x1, s0, s10, $0xb8;
	[tilespmem:$0x1DA00] =	vst v63  }
0x268: {  	_ =	swait.ge [sflag:s24], $0x4000  }
0x269: {  	[sflag:s24] =	ssyncset.done $0x0  }
0x26a: {  	[sflag:s24] =	ssyncadd.s32 $0xFFFFC000  }
0x26b: {  	[spmem:s1] =	stream.indirect.scatter.add.f32 [tilespmem:s12], [sflag:$0x6], $0x80, s31, s10, $0xb8;
	[tilespmem:$0x1DA00] =	vst v63  }
0x26c: {  	_ =	swait.ge [sflag:s25], $0x80  }
0x26d: {  	[sflag:s25] =	ssyncset.done $0x0  }
0x26e: {  	[sflag:s25] =	ssyncadd.s32 $0xFFFFFF80  }
0x26f: {  	[spmem:s2] =	stream.indirect.scatter.add.f32 [tilespmem:s15], [sflag:$0xA], $0x1, s21, s10, $0xb8;
	[tilespmem:$0x1DA00] =	vst v63  }
0x270: {  	_ =	swait.ge [sflag:s26], $0x4000  }
0x271: {  	[sflag:s26] =	ssyncset.done $0x0  }
0x272: {  	[sflag:s26] =	ssyncadd.s32 $0xFFFFC000  }
0x273: {  	[tilespmem:s12], [sflag:$0x4] =	stream.indirect.gather [hbm4b:s5+s10], $0x80, s10, s10, $0xb8;
	[tilespmem:$0x1DA00] =	vst v63  }
0x274: {  	p0 =	sne.s32 s28, $0x8;
	s3 =	smin.u32 s29, $0x6;
	_ =	swait.ge [sflag:s16], $0x80  }
.Ltmp1:
0x275: {  	[sflag:s16] =	ssyncset.done $0x0;
	s29 =	rddreg [dreg:$0x5];
	(pc) =	sbr.rel @p0 .LBB2_4-.Ltmp1, $4  }
0x276: {  	s21 =	simm.s32 $0x880;
	[sflag:s16] =	ssyncadd.s32 $0xFFFFFF80;
	s14 =	sadd.s32 s3, s29  }
0x277: {  	[tilespmem:s15], [sflag:$0x8] =	stream.indirect.gather [hbm4b:s9+s10], $0x1, s21, s10, $0xb8;
	[tilespmem:$0x1DA00] =	vst v63  }
0x278: {  	s28 =	sadd.s32 $0x2, s28;
	s30 =	simm.s32 $0xC00;
	s14 =	sshll.u32 s14, $0x7  }
0x279: {  	s4 =	simm.s32 $0x400;
	s29 =	sadd.s32 s6, s14;
	s31 =	sadd.s32 s7, s14  }
0x27a: {  	[tilespmem:s4], [sflag:$0x2] =	stream.linear.gather [hbm4b:s29+s8], $0x400, $0x38;
	[tilespmem:$0x1DA00] =	vst v63  }
0x27b: {  	_ = 	snop  }
0x27c: {  	[tilespmem:s30], [sflag:$0x2] =	stream.linear.gather [hbm4b:s31+s8], $0x400, $0x38;
	[tilespmem:$0x1DA00] =	vst v63  }
0x27d: {  	_ =	swait.ge [sflag:s18], $0x4000  }
0x27e: {  	[sflag:s18] =	ssyncset.done $0x0  }
0x27f: {  	[sflag:s18] =	ssyncadd.s32 $0xFFFFC000  }
0x280: {  	_ =	swait.ge [sflag:s24], $0x4000  }
0x281: {  	[sflag:s24] =	ssyncset.done $0x0  }
0x282: {  	[sflag:s24] =	ssyncadd.s32 $0xFFFFC000  }
0x283: {  	_ =	swait.ge [sflag:s17], $0x400  }
0x284: {  	[sflag:s17] =	ssyncset.done $0x0  }
0x285: {  	[sflag:s17] =	ssyncadd.s32 $0xFFFFFC00  }
0x286: {  	_ =	swait.ge [sflag:s17], $0x400  }
0x287: {  	[sflag:s17] =	ssyncset.done $0x0  }
0x288: {  	[sflag:s17] =	ssyncadd.s32 $0xFFFFFC00  }
0x289: {  	[bflag:$0x0] =	sbarrier.arrive $0xFFFF  }
0x28a: {  	s21 =	simm.s32 $0xB;
	s31 =	rddreg [dreg:$0xe]  }
0x28b: {  	[tilespmem:s11], [sflag:$0xB] =	stream.linear.gather [spmem:s31], $0x4000, $0x38;
	[tilespmem:$0x1DA00] =	vst v63  }
0x28c: {  	_ =	swait.ge [sflag:s21], $0x4000  }
0x28d: {  	[sflag:s21] =	ssyncset.done $0x0  }
0x28e: {  	s14 =	rddreg [dreg:$0x8];
	[sflag:s21] =	ssyncadd.s32 $0xFFFFC000  }
0x28f: {  	[hbm4b:s14+s8] =	stream.linear.scatter [tilespmem:s11], [sflag:$0xB], $0x4000, $0x38;
	[tilespmem:$0x1DA00] =	vst v63  }
0x290: {  	_ =	swait.ge [sflag:s21], $0x4000  }
0x291: {  	[sflag:s21] =	ssyncset.done $0x0  }
0x292: {  	s0 =	rddreg [dreg:$0x14];
	[sflag:s21] =	ssyncadd.s32 $0xFFFFC000  }
0x293: {  	[tilespmem:s11], [sflag:$0xB] =	stream.linear.gather [spmem:s0], $0x4000, $0x38;
	[tilespmem:$0x1DA00] =	vst v63  }
0x294: {  	_ =	swait.ge [sflag:s21], $0x4000  }
0x295: {  	[sflag:s21] =	ssyncset.done $0x0  }
0x296: {  	s3 =	rddreg [dreg:$0x9];
	[sflag:s21] =	ssyncadd.s32 $0xFFFFC000  }
0x297: {  	[hbm4b:s3+s8] =	stream.linear.scatter [tilespmem:s11], [sflag:$0xB], $0x4000, $0x38;
	[tilespmem:$0x1DA00] =	vst v63  }
0x298: {  	_ =	swait.ge [sflag:s21], $0x4000  }
0x299: {  	[sflag:s21] =	ssyncset.done $0x0  }
0x29a: {  	s4 =	rddreg [dreg:$0x15];
	[sflag:s21] =	ssyncadd.s32 $0xFFFFC000  }
0x29b: {  	[tilespmem:s11], [sflag:$0xB] =	stream.linear.gather [spmem:s4], $0x4000, $0x38;
	[tilespmem:$0x1DA00] =	vst v63  }
0x29c: {  	_ =	swait.ge [sflag:s21], $0x4000  }
0x29d: {  	[sflag:s21] =	ssyncset.done $0x0  }
0x29e: {  	s0 =	rddreg [dreg:$0xa];
	[sflag:s21] =	ssyncadd.s32 $0xFFFFC000  }
0x29f: {  	[hbm4b:s0+s8] =	stream.linear.scatter [tilespmem:s11], [sflag:$0xB], $0x4000, $0x38;
	[tilespmem:$0x1DA00] =	vst v63  }
0x2a0: {  	_ =	swait.ge [sflag:s21], $0x4000  }
0x2a1: {  	[sflag:s21] =	ssyncset.done $0x0  }
0x2a2: {  	s3 =	rddreg [dreg:$0x16];
	[sflag:s21] =	ssyncadd.s32 $0xFFFFC000  }
0x2a3: {  	[tilespmem:s11], [sflag:$0xB] =	stream.linear.gather [spmem:s3], $0x4000, $0x38;
	[tilespmem:$0x1DA00] =	vst v63  }
0x2a4: {  	_ =	swait.ge [sflag:s21], $0x4000  }
0x2a5: {  	[sflag:s21] =	ssyncset.done $0x0  }
0x2a6: {  	s4 =	rddreg [dreg:$0xb];
	[sflag:s21] =	ssyncadd.s32 $0xFFFFC000  }
0x2a7: {  	[hbm4b:s4+s8] =	stream.linear.scatter [tilespmem:s11], [sflag:$0xB], $0x4000, $0x38;
	[tilespmem:$0x1DA00] =	vst v63  }
0x2a8: {  	_ =	swait.ge [sflag:s21], $0x4000  }
0x2a9: {  	[sflag:s21] =	ssyncset.done $0x0  }
0x2aa: {  	s0 =	rddreg [dreg:$0x17];
	[sflag:s21] =	ssyncadd.s32 $0xFFFFC000  }
0x2ab: {  	[tilespmem:s11], [sflag:$0xB] =	stream.linear.gather [spmem:s0], $0x4000, $0x38;
	[tilespmem:$0x1DA00] =	vst v63  }
0x2ac: {  	_ =	swait.ge [sflag:s21], $0x4000  }
0x2ad: {  	[sflag:s21] =	ssyncset.done $0x0  }
0x2ae: {  	s3 =	rddreg [dreg:$0xc];
	[sflag:s21] =	ssyncadd.s32 $0xFFFFC000  }
0x2af: {  	[hbm4b:s3+s8] =	stream.linear.scatter [tilespmem:s11], [sflag:$0xB], $0x4000, $0x38;
	[tilespmem:$0x1DA00] =	vst v63  }
0x2b0: {  	_ =	swait.ge [sflag:s21], $0x4000  }
0x2b1: {  	[sflag:s21] =	ssyncset.done $0x0  }
0x2b2: {  	s29 =	simm.s32 $0x1D500;
	s28 =	rddreg [dreg:$0xd];
	[sflag:s21] =	ssyncadd.s32 $0xFFFFC000  }
0x2b3: {  	[tilespmem:s29], [sflag:$0xB] =	stream.linear.gather [spmem:s28], $0x280, $0x38;
	[tilespmem:$0x1DA00] =	vst v63  }
0x2b4: {  	_ =	swait.ge [sflag:s21], $0x280  }
0x2b5: {  	[sflag:s21] =	ssyncset.done $0x0  }
0x2b6: {  	s0 =	simm.s32 $0x100;
	s4 =	rddreg [dreg:$0xf];
	[sflag:s21] =	ssyncadd.s32 $0xFFFFFD80  }
0x2b7: {  	[hbm4b:s4+s10] =	stream.strided.scatter [tilespmem:s29], [sflag:$0xB], $0x280, s0, s10, $0x38;
	[tilespmem:$0x1DA00] =	vst v63  }
0x2b8: {  	_ =	swait.ge [sflag:s21], $0x280  }
0x2b9: {  	[sflag:s21] =	ssyncset.done $0x0  }
0x2ba: {  	[sflag:s21] =	ssyncadd.s32 $0xFFFFFD80  }
0x2bb: {  	_ =	swait.ge [sflag:s19], $0x80  }
0x2bc: {  	[sflag:s19] =	ssyncset.done $0x0  }
0x2bd: {  	[sflag:s19] =	ssyncadd.s32 $0xFFFFFF80  }
0x2be: {  	_ =	swait.ge [sflag:s25], $0x80  }
0x2bf: {  	s30 =	rddreg [dreg:$0x19]  }
0x2c0: {  	s8 =	rddreg [dreg:$0x18];
	s30 =	sadd.s32 $0x1, s30  }
0x2c1: {  	p0 =	sne.s32 s30, s8  }
.Ltmp2:
0x2c2: {  	_ = 	snop;
	(pc) =	sbr.rel @p0 .LBB2_1-.Ltmp2, $3  }
0x2c3: {  	_ =	sdelay $0x1  }
0x2c4: {  	s3 =	simm.s32 $0x0;
	s0 =	simm.s32 $0x800;
	[sflag:s25] =	ssyncset.done $0x0  }
0x2c5: {  	s4 =	simm.s32 $0x400;
	[sflag:s25] =	ssyncadd.s32 $0xFFFFFF80;
	s8 =	simm.s32 $0xC00  }
0x2c6: {  	_ =	sfence.sel $0x180000  }
0x2c7: {  	[bflag:$0x0] =	sbarrier.arrive $0xFFFF  }
0x2c8: {  	_ =	strace $0x9000004A  }
0x2c9: {  	s0 =	stileid.u32;
	[bflag:$0x2] =	sbarrier.arrive $0xFFFF  }
0x2ca: {  	p0 =	sne.s32 s0, $0x0;
	s0 =	rddreg [dreg:$0x3]  }
0x2cb: {  	s0 =	sadd.s32 @!p0 $0x100000, s0  }
0x2cc: {  	[sflag:s0] =	ssyncadd.tile.s32 @!p0 $0x1;
	_ =	shalt  }
.Lfunc_end2:
_tile_overlayer_lowered:
.L_overlay_start_2:
0x2cd: {  	(tag) =	ssettag $0x2  }
0x2ce: {  	s0 =	rddreg [dreg:$0x0];
	s2 =	stileid.u32  }
0x2cf: {  	s1 =	rddreg [dreg:$0x1];
	p0 =	sne.s32 s2, $0x0  }
0x2d0: {  	s3 =	rddreg [dreg:$0x2];
	[bflag:$0x3] =	sbarrier.arrive $0xFFFF;
	s2 =	simm.s32 @!p0 $0x1C0B  }
0x2d1: {  	[timem:s3], [sflag:s2] =	dma.local @!p0 [hbm:s0], s1  }
0x2d2: {  	s0 =	simm.s32 @!p0 $0xB  }
0x2d3: {  	_ =	swait.ge @!p0 [sflag:s0], s1  }
0x2d4: {  	s1 =	ssub.s32 @!p0 $0x0, s1;
	[sflag:s0] =	ssyncset.done @!p0 $0x0  }
0x2d5: {  	[sflag:s0] =	ssyncadd.s32 @!p0 s1  }
0x2d6: {  	[bflag:$0x3] =	sbarrier.arrive $0xFFFF  }
0x2d7: {  	_ =	shalt  }

// kernel: kernel.15.cloned.1.call-start
scs
__scs_entry_jumppad:
0x0: {  	(pc) =	sbr.rel $0x88, $3  }
0x1: {  	(tag) =	ssettag $0x0;
	lr =	simm.s32 $0x1  }
0x2: {  	[smem:$0x3F95] =	sst lr;
	_ =	strace $0xD0000000  }
0x3: {  	_ = 	snop  }
0x4: {  	_ = 	snop  }
0x5: {  	_ = 	snop  }
0x6: {  	_ = 	snop  }
0x7: {  	_ = 	snop  }
__scs_overlays_trampoline_lowered:
0x8: {  	[smem:$0x3FA4] =	sst s0  }
0x9: {  	[smem:$0x3FA5] =	sst s1  }
0xa: {  	[smem:$0x3FA6] =	sst s2  }
0xb: {  	[smem:$0x3FA7] =	sst s3  }
0xc: {  	[smem:$0x3FA8] =	sst s4  }
0xd: {  	[smem:$0x3FA9] =	sst s5  }
0xe: {  	[smem:$0x3FAA] =	sst s6  }
0xf: {  	[smem:$0x3FAB] =	sst s7  }
0x10: {  	[smem:$0x3FAC] =	sst s8  }
0x11: {  	[smem:$0x3FAD] =	sst s9;
	s0 =	simm.s32 @!p0 $0x0  }
0x12: {  	s1 =	sld [smem:$0x3F93];
	s0 =	simm.s32 @p0 $0x1  }
0x13: {  	[smem:$0x3FAE] =	sst s0;
	s0 =	simm.s32 @!p1 $0x0  }
0x14: {  	s2 =	sld [smem:$0x3F92];
	s0 =	simm.s32 @p1 $0x1  }
0x15: {  	[smem:$0x3FAF] =	sst s0;
	s0 =	simm.s32 @!p2 $0x0  }
0x16: {  	s3 =	sld [smem:$0x3FDB];
	s0 =	simm.s32 @p2 $0x1  }
0x17: {  	s4 =	simm.s32 $0x1BF5;
	[smem:$0x3FB1] =	sst s0  }
0x18: {  	s0 =	sld [smem:$0x3F94];
	_ =	swait.ge [sflag:s4], $0x0  }
0x19: {  	s7 =	sld [smem:$0x3F95]  }
0x1a: {  	s8 =	sadd.s32 $0xFFFFE003, lr  }
0x1b: {  	s9 =	sadd.s32 $0xFFFFFEF7, lr;
	s5 =	simm.s32 $0xFFFFFFFF;
	p2 =	slt.u32 s8, $0xFFFFF086  }
0x1c: {  	p1 =	slt.u32 s9, $0xF7A;
	s5 =	simm.s32 @!p2 $0x0  }
0x1d: {  	s5 =	simm.s32 @p1 $0x1;
	p0 =	seq.s32 s7, s2  }
0x1e: {  	s7 =	smul.u32 @!p0 $0xF7A, s2;
	p2 =	seq.s32 @!p0 s5, $0x0  }
0x1f: {  	s9 =	smul.u32 $0xF7A, s1;
	s8 =	simm.s32 @!p0 $0x1BF5;
	p2 =	por !p2, p0  }
0x20: {  	[sflag:s8] =	ssyncset.s32 @!p0 $0xFFFFF086;
	s6 =	sadd.s32 @!p0 s3, s7;
	s7 =	simm.s32 @!p0 $0x108  }
0x21: {  	s3 =	sadd.s32 s3, s9;
	s6 =	sadd.s32 @!p0 $0x88, s6;
	s7 =	simm.s32 @p2 $0x1082  }
0x22: {  	[simem:s7], [sflag:s8] =	dma.local @!p0 [hbm:s6], $0xF7A  }
0x23: {  	s9 =	sor.u32 $0xD0000000, s2;
	s6 =	simm.s32 $0x108;
	_ =	swait.ge @!p0 [sflag:s8], $0x0  }
0x24: {  	s3 =	sadd.s32 $0x88, s3;
	s6 =	simm.s32 @!p1 $0x1082;
	[sflag:s4] =	ssyncset.s32 $0xFFFFF086  }
0x25: {  	[simem:s6], [sflag:s4] =	dma.local [hbm:s3], $0xF7A  }
0x26: {  	[smem:$0x3F95] =	sst s1;
	(tag) =	ssettag s2;
	_ =	strace s9  }
0x27: {  	s1 =	sld [smem:$0x3FA5]  }
0x28: {  	s2 =	sld [smem:$0x3FA6]  }
0x29: {  	s4 =	sld [smem:$0x3FA8]  }
0x2a: {  	p0 =	seq.s32 s5, $0x0;
	s5 =	sld [smem:$0x3FA9]  }
0x2b: {  	s6 =	sld [smem:$0x3FAA]  }
0x2c: {  	s7 =	sld [smem:$0x3FAB]  }
0x2d: {  	s3 =	simm.s32 $0x108;
	s8 =	sld [smem:$0x3FAC]  }
0x2e: {  	s3 =	simm.s32 @!p0 $0x1082;
	s9 =	sld [smem:$0x3FAD]  }
0x2f: {  	lr =	sadd.s32 s0, s3;
	s0 =	sld [smem:$0x3FA4]  }
0x30: {  	s3 =	sld [smem:$0x3FA7]  }
0x31: {  	[smem:$0x3FB0] =	sst s10  }
0x32: {  	s10 =	sld [smem:$0x3FAE];
	_ =	sdelay $0x3  }
0x33: {  	p0 =	seq.s32 s10, $0x1;
	s10 =	sld [smem:$0x3FB0];
	_ =	sdelay $0x3  }
0x34: {  	[smem:$0x3FB0] =	sst s10  }
0x35: {  	s10 =	sld [smem:$0x3FAF];
	_ =	sdelay $0x3  }
0x36: {  	p1 =	seq.s32 s10, $0x1;
	s10 =	sld [smem:$0x3FB0];
	_ =	sdelay $0x3  }
0x37: {  	[smem:$0x3FB0] =	sst s10  }
0x38: {  	s10 =	sld [smem:$0x3FB1]  }
0x39: {  	_ = 	snop;
	(pc) =	sbr.ind lr, $3  }
0x3a: {  	_ = 	snop  }
0x3b: {  	_ = 	snop  }
0x3c: {  	p2 =	seq.s32 s10, $0x1;
	s10 =	sld [smem:$0x3FB0]  }
0x3d: {  	_ =	shalt  }
0x3e: {  	_ =	shalt  }
0x3f: {  	_ =	shalt  }
0x40: {  	_ =	shalt  }
0x41: {  	_ =	shalt  }
0x42: {  	_ =	shalt  }
0x43: {  	_ =	shalt  }
0x44: {  	_ =	shalt  }
0x45: {  	_ =	shalt  }
0x46: {  	_ =	shalt  }
0x47: {  	_ =	shalt  }
0x48: {  	_ =	shalt  }
0x49: {  	_ =	shalt  }
0x4a: {  	_ =	shalt  }
0x4b: {  	_ =	shalt  }
0x4c: {  	_ =	shalt  }
0x4d: {  	_ =	shalt  }
0x4e: {  	_ =	shalt  }
0x4f: {  	_ =	shalt  }
0x50: {  	_ =	shalt  }
0x51: {  	_ =	shalt  }
0x52: {  	_ =	shalt  }
0x53: {  	_ =	shalt  }
0x54: {  	_ =	shalt  }
0x55: {  	_ =	shalt  }
0x56: {  	_ =	shalt  }
0x57: {  	_ =	shalt  }
0x58: {  	_ =	shalt  }
0x59: {  	_ =	shalt  }
0x5a: {  	_ =	shalt  }
0x5b: {  	_ =	shalt  }
0x5c: {  	_ =	shalt  }
0x5d: {  	_ =	shalt  }
0x5e: {  	_ =	shalt  }
0x5f: {  	_ =	shalt  }
0x60: {  	_ =	shalt  }
0x61: {  	_ =	shalt  }
0x62: {  	_ =	shalt  }
0x63: {  	_ =	shalt  }
0x64: {  	_ =	shalt  }
0x65: {  	_ =	shalt  }
0x66: {  	_ =	shalt  }
0x67: {  	_ =	shalt  }
0x68: {  	_ =	shalt  }
0x69: {  	_ =	shalt  }
0x6a: {  	_ =	shalt  }
0x6b: {  	_ =	shalt  }
0x6c: {  	_ =	shalt  }
0x6d: {  	_ =	shalt  }
0x6e: {  	_ =	shalt  }
0x6f: {  	_ =	shalt  }
0x70: {  	_ =	shalt  }
0x71: {  	_ =	shalt  }
0x72: {  	_ =	shalt  }
0x73: {  	_ =	shalt  }
0x74: {  	_ =	shalt  }
0x75: {  	_ =	shalt  }
0x76: {  	_ =	shalt  }
0x77: {  	_ =	shalt  }
0x78: {  	_ =	shalt  }
0x79: {  	_ =	shalt  }
0x7a: {  	_ =	shalt  }
0x7b: {  	_ =	shalt  }
0x7c: {  	_ =	shalt  }
0x7d: {  	_ =	shalt  }
0x7e: {  	_ =	shalt  }
0x7f: {  	_ =	shalt  }
0x80: {  	_ =	shalt  }
0x81: {  	_ =	shalt  }
0x82: {  	_ =	shalt  }
0x83: {  	_ =	shalt  }
0x84: {  	_ =	shalt  }
0x85: {  	_ =	shalt  }
0x86: {  	_ =	shalt  }
0x87: {  	_ =	shalt  }
.Lfunc_end0:
.L_simem_size_0:
called_computation.2_lowered:
.L_overlay_start_0:
0x88: {  	s2 =	sld [smem:$0x3FD9]  }
0x89: {  	s3 =	sld [smem:$0x3FFE];
	_ =	sdelay $0x1  }
0x8a: {  	s1 =	srdreg.scid  }
0x8b: {  	s0 =	sand.u32 $0x1, s1  }
0x8c: {  	s16 =	sshll.u32 s0, $0xA;
	s2 =	sadd.s32 s3, s2  }
0x8d: {  	s2 =	sadd.s32 s2, s16  }
0x8e: {  	[smem:$0x3FBC] =	sst s2  }
0x8f: {  	_ = 	snop  }
0x90: {  	(tm) =	ssettm $0x1  }
0x91: {  	s17 =	sld [smem:$0x3FFB];
	_ =	sdelay $0x3  }
0x92: {  	_ =	strace s17  }
0x93: {  	s2 =	sld [smem:$0x3FFC];
	_ =	sdelay $0x3  }
0x94: {  	_ =	strace s2  }
0x95: {  	s2 =	sld [smem:$0x3FFD];
	_ =	sdelay $0x3  }
0x96: {  	_ =	strace s2  }
0x97: {  	_ =	strace $0x8FFFFFFF  }
0x98: {  	s18 =	sld [smem:$0x3FDB];
	_ =	sdelay $0x1  }
0x99: {  	s19 =	simm.s32 $_scs_section_size  }
0x9a: {  	s4 =	simm.s32 $_size__tile_overlayer_lowered;
	s5 =	simm.s32 $_tile_overlayer_lowered  }
0x9b: {  	s22 =	simm.s32 $0x1BFF;
	s21 =	sshll.u32 s5, $0x1;
	s2 =	sadd.s32 s19, s18  }
0x9c: {  	s6 =	simm.s32 $0x0;
	s20 =	sshll.u32 s4, $0x1;
	s4 =	sadd.s32 s21, s2  }
0x9d: {  	[timem:s6], [sflag:s22] =	dma.local [hbm:s4], s20  }
0x9e: {  	_ =	swait.ge [sflag:s22], s20  }
0x9f: {  	s3 =	ssub.s32 $0x0, s20;
	[sflag:s22] =	ssyncset.done $0x0  }
0xa0: {  	[sflag:s22] =	ssyncadd.s32 s3;
	_ =	sdelay $0x1  }
0xa1: {  	s23 =	simm.s32 $0x1B8B  }
0xa2: {  	_ =	swait.ge [sflag:s23], $0x1  }
0xa3: {  	[sflag:s23] =	ssyncset.done $0x0  }
0xa4: {  	s25 =	simm.s32 $0x1B8E;
	s24 =	sld [smem:$0x3FFE];
	[sflag:s23] =	ssyncadd.s32 $0xFFFFFFFF  }
0xa5: {  	s26 =	simm.s32 $execute0_lowered;
	[smem:$0x3FD2] =	sst s25  }
0xa6: {  	s4 =	sshll.u32 s26, $0x1;
	_ =	strace $0x8000004C;
	[dreg:$0x1] =	wrdreg $0xFFFFFFFF  }
0xa7: {  	s28 =	simm.s32 $_size_execute0_lowered;
	s2 =	sadd.s32 s2, s4;
	[dreg:$0x0] =	wrdreg $0x0  }
0xa8: {  	s4 =	sshll.u32 s28, $0x1;
	[dreg:$0x2] =	wrdreg s2  }
0xa9: {  	[dreg:$0x3] =	wrdreg s4  }
0xaa: {  	[dreg:$0x4] =	wrdreg $0xC0  }
0xab: {  	_ =	task [dreg:s6], $0x5FFFF  }
0xac: {  	[dreg:$0x1] =	wrdreg $0xFFFFFFFF  }
0xad: {  	[dreg:$0x0] =	wrdreg $0x60  }
0xae: {  	[dreg:$0x2] =	wrdreg s24  }
0xaf: {  	[dreg:$0x3] =	wrdreg $0x94000  }
0xb0: {  	[dreg:$0x4] =	wrdreg $0x9  }
0xb1: {  	_ =	task.clear_ibuf [dreg:s6], $0x5FFFF;
	_ =	strace $0x9000004C  }
0xb2: {  	s29 =	simm.s32 $0x9;
	_ =	strace $0x8000004E  }
0xb3: {  	_ =	swait.ge [sflag:s29], $0x1  }
0xb4: {  	[sflag:s29] =	ssyncadd.s32 $0xFFFFFFFF  }
0xb5: {  	_ =	strace $0x9000004E  }
0xb6: {  	_ =	sfence  }
0xb7: {  	s30 =	sld [smem:$0x0];
	_ =	sdelay $0x2  }
0xb8: {  	s31 =	sshll.u32 s1, $0xD;
	s1 =	sshrl.u32 s1, $0x2  }
0xb9: {  	s3 =	sand.u32 $0x4000, s31;
	s1 =	sadd.s32 s1, s30  }
0xba: {  	s0 =	sor.u32 s3, s0;
	s1 =	sshll.u32 s1, $0x11  }
0xbb: {  	s0 =	sor.u32 s1, s0  }
0xbc: {  	s0 =	sadd.s32 $0x8F2B, s0  }
0xbd: {  	[sflag:s0] =	ssyncadd.remote.s32 $0x1  }
0xbe: {  	_ =	sfence.sel $0xFFFF  }
0xbf: {  	[dreg:$0x0] =	wrdreg $0xFFFFFFFF;
	(pc) =	sbr.abs _section_cstart, $3  }
0xc0: {  	[dreg:$0x1] =	wrdreg $0xFFFFFFFF  }
0xc1: {  	_ =	task.clear_ibuf [dreg:s6], $0x2FFFF;
	_ =	strace $0x9FFFFFFF  }
0xc2: {  	(tm) =	ssettm $0x7FFFFFFF  }
0xc3: {  	_ =	shalt  }
tec
execute0_lowered:
.L_overlay_start_1:
0x0: {  	(tag) =	ssettag $0x1  }
0x1: {  	s0 =	rddreg [dreg:$0x0]  }
0x2: {  	s1 =	rddreg [dreg:$0x1]  }
0x3: {  	s2 =	simm.s32 $0x0;
	s3 =	srdreg.scid;
	s13 =	stileid.u32  }
0x4: {  	s21 =	simm.s32 $0x100;
	s22 =	simm.s32 $0x880;
	s23 =	simm.s32 $0x180  }
0x5: {  	s24 =	simm.s32 $0x900;
	s25 =	simm.s32 $0x200;
	s28 =	simm.s32 $0xC00  }
0x6: {  	s29 =	simm.s32 $0x80;
	s30 =	simm.s32 $0x1000;
	s31 =	simm.s32 $0x5000  }
0x7: {  	[smem:$0x7FF] =	sst s2;
	s4 =	sadd.s32 $0x16E00, s0;
	s10 =	sadd.s32 $0x3F600, s0  }
0x8: {  	s3 =	sand.u32 $0x1, s3;
	_ =	strace $0x8000004D;
	[dreg:$0x1c] =	wrdreg s10  }
0x9: {  	s5 =	sadd.s32 $0xCE00, s0;
	s9 =	smul.u32 $0x50000, s13;
	[dreg:$0x5] =	wrdreg s21  }
0xa: {  	s8 =	sshll.u32 s13, $0x1;
	s12 =	smul.u32 $0x280, s13;
	[dreg:$0x6] =	wrdreg s22  }
0xb: {  	s6 =	sadd.s32 $0x2E00, s0;
	s7 =	smul.u32 $0x28000, s3;
	[dreg:$0x7] =	wrdreg s23  }
0xc: {  	s8 =	sor.u32 s3, s8;
	s3 =	ssub.s32 $0x2, s3;
	[dreg:$0x8] =	wrdreg s24  }
0xd: {  	[dreg:$0x9] =	wrdreg s25;
	s21 =	simm.s32 $0x380;
	s22 =	simm.s32 $0xB00  }
0xe: {  	s23 =	simm.s32 $0xB80;
	s25 =	simm.s32 $0x480;
	[dreg:$0xf] =	wrdreg s21  }
0xf: {  	s26 =	smul.u32 $0x500, s8;
	s14 =	sshrl.u32 s3, $0x1;
	[dreg:$0x10] =	wrdreg s22  }
0x10: {  	s11 =	smul.u32 $0xA, s8;
	s15 =	sshrl.u32 s9, $0x2;
	[dreg:$0x11] =	wrdreg s23  }
0x11: {  	s24 =	sadd.s32 $0x180, s12;
	[dreg:$0x12] =	wrdreg s25;
	s21 =	simm.s32 $0xE00  }
0x12: {  	s22 =	simm.s32 $0x700;
	s7 =	sadd.s32 s7, s0;
	[dreg:$0x1a] =	wrdreg s21  }
0x13: {  	s8 =	sadd.s32 s15, s1;
	s15 =	simm.s32 $0x280;
	[dreg:$0x1b] =	wrdreg s22  }
0x14: {  	s0 =	ssub.s32 s3, s14;
	s16 =	sadd.s32 s5, s26;
	[dreg:$0xb] =	wrdreg s15  }
0x15: {  	s17 =	sadd.s32 $0x2, s11;
	s18 =	sadd.s32 s6, s26;
	[dreg:$0x1d] =	wrdreg s16  }
0x16: {  	s19 =	sadd.s32 $0x3, s11;
	s20 =	sor.u32 $0x80, s26;
	[dreg:$0x1e] =	wrdreg s18  }
0x17: {  	s3 =	sadd.s32 $0x3F800, s7;
	s26 =	sadd.s32 $0x80, s12;
	[dreg:$0x3] =	wrdreg s17  }
0x18: {  	s15 =	simm.s32 $0x580;
	s0 =	smax.u32 s0, $0x1;
	[dreg:$0x4] =	wrdreg s19  }
0x19: {  	s7 =	simm.s32 $0x4;
	s10 =	sadd.s32 s5, s20;
	[dreg:$0x15] =	wrdreg s15  }
0x1a: {  	s9 =	sadd.s32 s6, s20;
	s14 =	sshll.u32 s26, $0x7;
	[smem:$0x7F9] =	sst s0  }
0x1b: {  	s16 =	simm.s32 $0xA00;
	s17 =	simm.s32 $0x300;
	[dreg:$0x1f] =	wrdreg s10  }
0x1c: {  	s18 =	sadd.s32 $0x100, s12;
	s19 =	simm.s32 $0xA80;
	[smem:$0x7F4] =	sst s9  }
0x1d: {  	s12 =	sadd.s32 $0x200, s12;
	s0 =	simm.s32 $0x3;
	[dreg:$0xc] =	wrdreg s16  }
0x1e: {  	s15 =	simm.s32 $0xF80;
	s9 =	smul.u32 $0x2800, s13;
	[dreg:$0xd] =	wrdreg s17  }
0x1f: {  	s13 =	simm.s32 $0x980;
	s11 =	sadd.s32 s14, s1;
	[dreg:$0xe] =	wrdreg s19  }
0x20: {  	s10 =	sshll.u32 s26, $0x4;
	s20 =	sshll.u32 s18, $0x7;
	[dreg:$0xa] =	wrdreg s13  }
0x21: {  	s14 =	sshll.u32 s24, $0x7;
	s26 =	simm.s32 $0x500;
	[smem:$0x7F5] =	sst s11  }
0x22: {  	s16 =	simm.s32 $0xD00;
	s17 =	sshll.u32 s12, $0x7;
	[dreg:$0x13] =	wrdreg s26  }
0x23: {  	s19 =	simm.s32 $0xD80;
	s12 =	sshll.u32 s12, $0x4;
	[dreg:$0x16] =	wrdreg s16  }
0x24: {  	s13 =	sadd.s32 s20, s1;
	s11 =	sshll.u32 s18, $0x4;
	[dreg:$0x18] =	wrdreg s19  }
0x25: {  	s14 =	sadd.s32 s14, s1;
	s18 =	simm.s32 $0x600;
	[smem:$0x7F6] =	sst s13  }
0x26: {  	s20 =	simm.s32 $0x680;
	s19 =	simm.s32 $0x7;
	[smem:$0x7F7] =	sst s14  }
0x27: {  	s16 =	simm.s32 $0x0;
	s14 =	simm.s32 $0xC80;
	[dreg:$0x17] =	wrdreg s18  }
0x28: {  	s13 =	sshll.u32 s24, $0x4;
	[dreg:$0x19] =	wrdreg s20;
	s18 =	simm.s32 $0x9000  }
0x29: {  	s23 =	sadd.s32 s9, s3;
	s24 =	sadd.s32 s10, s3;
	[dreg:$0x14] =	wrdreg s14  }
0x2a: {  	s25 =	sadd.s32 s11, s3;
	s9 =	simm.s32 $0x6;
	[smem:$0x7FA] =	sst s23  }
0x2b: {  	s10 =	simm.s32 $0x2;
	s11 =	simm.s32 $0xE80;
	[smem:$0x7FB] =	sst s24  }
0x2c: {  	s14 =	sadd.s32 s17, s1;
	[smem:$0x7FC] =	sst s25;
	s26 =	sadd.s32 s13, s3  }
0x2d: {  	s24 =	sadd.s32 s12, s3;
	s25 =	simm.s32 $0x800;
	s3 =	simm.s32 $0x5  }
0x2e: {  	s12 =	simm.s32 $0x780;
	s13 =	simm.s32 $0x1;
	[smem:$0x7F8] =	sst s14  }
0x2f: {  	[smem:$0x7FD] =	sst s26;
	s26 =	simm.s32 $0x400;
	s14 =	simm.s32 $0xF00  }
.LBB2_1:
0x30: {  	s17 =	rddreg [dreg:$0x1c]  }
0x31: {  	[tilespmem:s18], [sflag:$0x7] =	stream.linear.gather [hbm4b:s17+s2], $0x400, $0x38;
	[tilespmem:$0x1D400] =	vst v63  }
0x32: {  	_ =	swait.ge [sflag:s19], $0x400  }
0x33: {  	[sflag:s19] =	ssyncset.done $0x0  }
0x34: {  	s23 =	sadd.s32 $0x0, s8;
	[sflag:s19] =	ssyncadd.s32 $0xFFFFFC00  }
0x35: {  	[spmem:s23] =	stream.linear.scatter [tilespmem:s18], [sflag:$0x7], $0x400, $0x38;
	[tilespmem:$0x1D400] =	vst v63  }
0x36: {  	s17 =	simm.s32 $0x1000;
	_ =	swait.ge [sflag:s19], $0x400  }
.LBB2_2:
0x37: {  	s20 =	sshra.s32 s17, $0x2;
	[sflag:s19] =	ssyncset.done $0x0;
	p0 =	sne.s32 s17, $0x4F000  }
.Ltmp0:
0x38: {  	s20 =	sadd.s32 s20, s8;
	[sflag:s19] =	ssyncadd.s32 $0xFFFFFC00;
	(pc) =	sbr.rel @p0 .LBB2_2-.Ltmp0, $3  }
0x39: {  	[spmem:s20] =	stream.linear.scatter [tilespmem:s18], [sflag:$0x7], $0x400, $0x38;
	[tilespmem:$0x1D400] =	vst v63  }
0x3a: {  	s17 =	sadd.s32 $0x1000, s17;
	_ =	sdelay $0x1  }
0x3b: {  	_ =	swait.ge [sflag:s19], $0x400  }
0x3c: {  	[sflag:s19] =	ssyncset.done $0x0  }
0x3d: {  	s17 =	simm.s32 $0x0;
	s20 =	rddreg [dreg:$0x1d];
	[sflag:s19] =	ssyncadd.s32 $0xFFFFFC00  }
0x3e: {  	[tilespmem:s17], [sflag:$0x7] =	stream.linear.gather [hbm4b:s20+s17], $0x400, $0x38;
	[tilespmem:$0x1D400] =	vst v63  }
0x3f: {  	_ =	swait.ge [sflag:s19], $0x400  }
0x40: {  	[sflag:s19] =	ssyncset.done $0x0  }
0x41: {  	s22 =	rddreg [dreg:$0x1e];
	[sflag:s19] =	ssyncadd.s32 $0xFFFFFC00  }
0x42: {  	[tilespmem:s25], [sflag:$0x7] =	stream.linear.gather [hbm4b:s22+s17], $0x400, $0x38;
	[tilespmem:$0x1D400] =	vst v63  }
0x43: {  	_ =	swait.ge [sflag:s19], $0x400  }
0x44: {  	[sflag:s19] =	ssyncset.done $0x0;
	s23 =	rddreg [dreg:$0x1f]  }
0x45: {  	s21 =	sld [smem:$0x7F4];
	[sflag:s19] =	ssyncadd.s32 $0xFFFFFC00  }
0x46: {  	[tilespmem:s26], [sflag:$0x2] =	stream.linear.gather [hbm4b:s23+s17], $0x400, $0x38;
	[tilespmem:$0x1D400] =	vst v63  }
0x47: {  	_ = 	snop  }
0x48: {  	[tilespmem:s28], [sflag:$0x2] =	stream.linear.gather [hbm4b:s21+s17], $0x400, $0x38;
	[tilespmem:$0x1D400] =	vst v63  }
0x49: {  	[bflag:$0x0] =	sbarrier.arrive $0xFFFF  }
0x4a: {  	[tilespmem:s30], [sflag:$0x3] =	stream.indirect.gather [hbm4b:s4+s29], $0x80, s17, s29, $0xb8;
	[tilespmem:$0x1D400] =	vst v63  }
0x4b: {  	_ = 	snop  }
0x4c: {  	[tilespmem:s31], [sflag:$0x4] =	stream.indirect.gather [hbm4b:s4+s29], $0x80, s29, s29, $0xb8;
	[tilespmem:$0x1D400] =	vst v63  }
0x4d: {  	_ =	swait.ge [sflag:s0], $0x4000  }
0x4e: {  	[sflag:s0] =	ssyncset.done $0x0  }
0x4f: {  	[sflag:s0] =	ssyncadd.s32 $0xFFFFC000  }
0x50: {  	[spmem:s1] =	stream.indirect.scatter.add.f32 [tilespmem:s30], [sflag:$0x5], $0x80, s25, s29, $0xb8;
	[tilespmem:$0x1D400] =	vst v63  }
0x51: {  	_ =	swait.ge [sflag:s3], $0x4000  }
0x52: {  	[sflag:s3] =	ssyncset.done $0x0  }
0x53: {  	s22 =	rddreg [dreg:$0x5];
	[sflag:s3] =	ssyncadd.s32 $0xFFFFC000  }
0x54: {  	[tilespmem:s30], [sflag:$0x3] =	stream.indirect.gather [hbm4b:s4+s29], $0x80, s22, s29, $0xb8;
	[tilespmem:$0x1D400] =	vst v63  }
0x55: {  	_ =	swait.ge [sflag:s7], $0x4000  }
0x56: {  	[sflag:s7] =	ssyncset.done $0x0  }
0x57: {  	s23 =	rddreg [dreg:$0x6];
	[sflag:s7] =	ssyncadd.s32 $0xFFFFC000  }
0x58: {  	[spmem:s1] =	stream.indirect.scatter.add.f32 [tilespmem:s31], [sflag:$0x6], $0x80, s23, s29, $0xb8;
	[tilespmem:$0x1D400] =	vst v63  }
0x59: {  	_ =	swait.ge [sflag:s9], $0x4000  }
0x5a: {  	[sflag:s9] =	ssyncset.done $0x0  }
0x5b: {  	s21 =	rddreg [dreg:$0x7];
	[sflag:s9] =	ssyncadd.s32 $0xFFFFC000  }
0x5c: {  	[tilespmem:s31], [sflag:$0x4] =	stream.indirect.gather [hbm4b:s4+s29], $0x80, s21, s29, $0xb8;
	[tilespmem:$0x1D400] =	vst v63  }
0x5d: {  	_ =	swait.ge [sflag:s0], $0x4000  }
0x5e: {  	[sflag:s0] =	ssyncset.done $0x0  }
0x5f: {  	s22 =	rddreg [dreg:$0x8];
	[sflag:s0] =	ssyncadd.s32 $0xFFFFC000  }
0x60: {  	[spmem:s1] =	stream.indirect.scatter.add.f32 [tilespmem:s30], [sflag:$0x5], $0x80, s22, s29, $0xb8;
	[tilespmem:$0x1D400] =	vst v63  }
0x61: {  	_ =	swait.ge [sflag:s3], $0x4000  }
0x62: {  	[sflag:s3] =	ssyncset.done $0x0  }
0x63: {  	s23 =	rddreg [dreg:$0x9];
	[sflag:s3] =	ssyncadd.s32 $0xFFFFC000  }
0x64: {  	[tilespmem:s30], [sflag:$0x3] =	stream.indirect.gather [hbm4b:s4+s29], $0x80, s23, s29, $0xb8;
	[tilespmem:$0x1D400] =	vst v63  }
0x65: {  	_ =	swait.ge [sflag:s7], $0x4000  }
0x66: {  	[sflag:s7] =	ssyncset.done $0x0  }
0x67: {  	s21 =	rddreg [dreg:$0xa];
	[sflag:s7] =	ssyncadd.s32 $0xFFFFC000  }
0x68: {  	[spmem:s1] =	stream.indirect.scatter.add.f32 [tilespmem:s31], [sflag:$0x6], $0x80, s21, s29, $0xb8;
	[tilespmem:$0x1D400] =	vst v63  }
0x69: {  	_ =	swait.ge [sflag:s9], $0x4000  }
0x6a: {  	[sflag:s9] =	ssyncset.done $0x0  }
0x6b: {  	s22 =	rddreg [dreg:$0xb];
	[sflag:s9] =	ssyncadd.s32 $0xFFFFC000  }
0x6c: {  	[tilespmem:s31], [sflag:$0x4] =	stream.indirect.gather [hbm4b:s4+s29], $0x80, s22, s29, $0xb8;
	[tilespmem:$0x1D400] =	vst v63  }
0x6d: {  	_ =	swait.ge [sflag:s0], $0x4000  }
0x6e: {  	[sflag:s0] =	ssyncset.done $0x0  }
0x6f: {  	s23 =	rddreg [dreg:$0xc];
	[sflag:s0] =	ssyncadd.s32 $0xFFFFC000  }
0x70: {  	[spmem:s1] =	stream.indirect.scatter.add.f32 [tilespmem:s30], [sflag:$0x5], $0x80, s23, s29, $0xb8;
	[tilespmem:$0x1D400] =	vst v63  }
0x71: {  	_ =	swait.ge [sflag:s3], $0x4000  }
0x72: {  	[sflag:s3] =	ssyncset.done $0x0  }
0x73: {  	s21 =	rddreg [dreg:$0xd];
	[sflag:s3] =	ssyncadd.s32 $0xFFFFC000  }
0x74: {  	[tilespmem:s30], [sflag:$0x3] =	stream.indirect.gather [hbm4b:s4+s29], $0x80, s21, s29, $0xb8;
	[tilespmem:$0x1D400] =	vst v63  }
0x75: {  	_ =	swait.ge [sflag:s7], $0x4000  }
0x76: {  	[sflag:s7] =	ssyncset.done $0x0  }
0x77: {  	s22 =	rddreg [dreg:$0xe];
	[sflag:s7] =	ssyncadd.s32 $0xFFFFC000  }
0x78: {  	[spmem:s1] =	stream.indirect.scatter.add.f32 [tilespmem:s31], [sflag:$0x6], $0x80, s22, s29, $0xb8;
	[tilespmem:$0x1D400] =	vst v63  }
0x79: {  	_ =	swait.ge [sflag:s9], $0x4000  }
0x7a: {  	[sflag:s9] =	ssyncset.done $0x0  }
0x7b: {  	s23 =	rddreg [dreg:$0xf];
	[sflag:s9] =	ssyncadd.s32 $0xFFFFC000  }
0x7c: {  	[tilespmem:s31], [sflag:$0x4] =	stream.indirect.gather [hbm4b:s4+s29], $0x80, s23, s29, $0xb8;
	[tilespmem:$0x1D400] =	vst v63  }
0x7d: {  	_ =	swait.ge [sflag:s10], $0x400  }
0x7e: {  	[sflag:s10] =	ssyncset.done $0x0  }
0x7f: {  	[sflag:s10] =	ssyncadd.s32 $0xFFFFFC00  }
0x80: {  	_ =	swait.ge [sflag:s10], $0x400  }
0x81: {  	[sflag:s10] =	ssyncset.done $0x0  }
0x82: {  	[sflag:s10] =	ssyncadd.s32 $0xFFFFFC00  }
0x83: {  	_ =	swait.ge [sflag:s0], $0x4000  }
0x84: {  	[sflag:s0] =	ssyncset.done $0x0  }
0x85: {  	s21 =	rddreg [dreg:$0x10];
	[sflag:s0] =	ssyncadd.s32 $0xFFFFC000  }
0x86: {  	[spmem:s1] =	stream.indirect.scatter.add.f32 [tilespmem:s30], [sflag:$0x5], $0x80, s21, s29, $0xb8;
	[tilespmem:$0x1D400] =	vst v63  }
0x87: {  	_ =	swait.ge [sflag:s3], $0x4000  }
0x88: {  	[sflag:s3] =	ssyncset.done $0x0  }
0x89: {  	[sflag:s3] =	ssyncadd.s32 $0xFFFFC000  }
0x8a: {  	[tilespmem:s30], [sflag:$0x3] =	stream.indirect.gather [hbm4b:s4+s29], $0x80, s26, s29, $0xb8;
	[tilespmem:$0x1D400] =	vst v63  }
0x8b: {  	_ =	swait.ge [sflag:s7], $0x4000  }
0x8c: {  	[sflag:s7] =	ssyncset.done $0x0  }
0x8d: {  	s22 =	rddreg [dreg:$0x11];
	[sflag:s7] =	ssyncadd.s32 $0xFFFFC000  }
0x8e: {  	[spmem:s1] =	stream.indirect.scatter.add.f32 [tilespmem:s31], [sflag:$0x6], $0x80, s22, s29, $0xb8;
	[tilespmem:$0x1D400] =	vst v63  }
0x8f: {  	_ =	swait.ge [sflag:s9], $0x4000  }
0x90: {  	s22 =	smin.u32 s17, $0x7;
	s23 =	rddreg [dreg:$0x3]  }
0x91: {  	[sflag:s9] =	ssyncset.done $0x0;
	s20 =	sadd.s32 s22, s23  }
0x92: {  	s21 =	rddreg [dreg:$0x12];
	[sflag:s9] =	ssyncadd.s32 $0xFFFFC000;
	s20 =	sshll.u32 s20, $0x7  }
0x93: {  	[tilespmem:s31], [sflag:$0x4] =	stream.indirect.gather [hbm4b:s4+s29], $0x80, s21, s29, $0xb8;
	[tilespmem:$0x1D400] =	vst v63  }
0x94: {  	s23 =	sadd.s32 s5, s20  }
0x95: {  	[tilespmem:s2], [sflag:$0x1] =	stream.linear.gather [hbm4b:s23+s2], $0x400, $0x38;
	[tilespmem:$0x1D400] =	vst v63  }
0x96: {  	s20 =	sadd.s32 s6, s20  }
0x97: {  	[tilespmem:s25], [sflag:$0x1] =	stream.linear.gather [hbm4b:s20+s2], $0x400, $0x38;
	[tilespmem:$0x1D400] =	vst v63  }
0x98: {  	_ =	swait.ge [sflag:s0], $0x4000  }
0x99: {  	[sflag:s0] =	ssyncset.done $0x0  }
0x9a: {  	[sflag:s0] =	ssyncadd.s32 $0xFFFFC000  }
0x9b: {  	[spmem:s1] =	stream.indirect.scatter.add.f32 [tilespmem:s30], [sflag:$0x5], $0x80, s28, s29, $0xb8;
	[tilespmem:$0x1D400] =	vst v63  }
0x9c: {  	_ =	swait.ge [sflag:s3], $0x4000  }
0x9d: {  	[sflag:s3] =	ssyncset.done $0x0  }
0x9e: {  	s22 =	rddreg [dreg:$0x13];
	[sflag:s3] =	ssyncadd.s32 $0xFFFFC000  }
0x9f: {  	[tilespmem:s30], [sflag:$0x3] =	stream.indirect.gather [hbm4b:s4+s29], $0x80, s22, s29, $0xb8;
	[tilespmem:$0x1D400] =	vst v63  }
0xa0: {  	_ =	swait.ge [sflag:s7], $0x4000  }
0xa1: {  	[sflag:s7] =	ssyncset.done $0x0  }
0xa2: {  	s23 =	rddreg [dreg:$0x14];
	[sflag:s7] =	ssyncadd.s32 $0xFFFFC000  }
0xa3: {  	[spmem:s1] =	stream.indirect.scatter.add.f32 [tilespmem:s31], [sflag:$0x6], $0x80, s23, s29, $0xb8;
	[tilespmem:$0x1D400] =	vst v63  }
0xa4: {  	_ =	swait.ge [sflag:s9], $0x4000  }
0xa5: {  	[sflag:s9] =	ssyncset.done $0x0  }
0xa6: {  	s21 =	rddreg [dreg:$0x15];
	[sflag:s9] =	ssyncadd.s32 $0xFFFFC000  }
0xa7: {  	[tilespmem:s31], [sflag:$0x4] =	stream.indirect.gather [hbm4b:s4+s29], $0x80, s21, s29, $0xb8;
	[tilespmem:$0x1D400] =	vst v63  }
0xa8: {  	_ =	swait.ge [sflag:s0], $0x4000  }
0xa9: {  	[sflag:s0] =	ssyncset.done $0x0  }
0xaa: {  	s22 =	rddreg [dreg:$0x16];
	[sflag:s0] =	ssyncadd.s32 $0xFFFFC000  }
0xab: {  	[spmem:s1] =	stream.indirect.scatter.add.f32 [tilespmem:s30], [sflag:$0x5], $0x80, s22, s29, $0xb8;
	[tilespmem:$0x1D400] =	vst v63  }
0xac: {  	_ =	swait.ge [sflag:s3], $0x4000  }
0xad: {  	[sflag:s3] =	ssyncset.done $0x0  }
0xae: {  	s23 =	rddreg [dreg:$0x17];
	[sflag:s3] =	ssyncadd.s32 $0xFFFFC000  }
0xaf: {  	[tilespmem:s30], [sflag:$0x3] =	stream.indirect.gather [hbm4b:s4+s29], $0x80, s23, s29, $0xb8;
	[tilespmem:$0x1D400] =	vst v63  }
0xb0: {  	_ =	swait.ge [sflag:s7], $0x4000  }
0xb1: {  	[sflag:s7] =	ssyncset.done $0x0  }
0xb2: {  	s21 =	rddreg [dreg:$0x18];
	[sflag:s7] =	ssyncadd.s32 $0xFFFFC000  }
0xb3: {  	[spmem:s1] =	stream.indirect.scatter.add.f32 [tilespmem:s31], [sflag:$0x6], $0x80, s21, s29, $0xb8;
	[tilespmem:$0x1D400] =	vst v63  }
0xb4: {  	_ =	swait.ge [sflag:s9], $0x4000  }
0xb5: {  	[sflag:s9] =	ssyncset.done $0x0  }
0xb6: {  	s22 =	rddreg [dreg:$0x19];
	[sflag:s9] =	ssyncadd.s32 $0xFFFFC000  }
0xb7: {  	[tilespmem:s31], [sflag:$0x4] =	stream.indirect.gather [hbm4b:s4+s29], $0x80, s22, s29, $0xb8;
	[tilespmem:$0x1D400] =	vst v63  }
0xb8: {  	_ =	swait.ge [sflag:s0], $0x4000  }
0xb9: {  	[sflag:s0] =	ssyncset.done $0x0  }
0xba: {  	s23 =	rddreg [dreg:$0x1a];
	[sflag:s0] =	ssyncadd.s32 $0xFFFFC000  }
0xbb: {  	[spmem:s1] =	stream.indirect.scatter.add.f32 [tilespmem:s30], [sflag:$0x5], $0x80, s23, s29, $0xb8;
	[tilespmem:$0x1D400] =	vst v63  }
0xbc: {  	_ =	swait.ge [sflag:s3], $0x4000  }
0xbd: {  	[sflag:s3] =	ssyncset.done $0x0  }
0xbe: {  	s21 =	rddreg [dreg:$0x1b];
	[sflag:s3] =	ssyncadd.s32 $0xFFFFC000  }
0xbf: {  	[tilespmem:s30], [sflag:$0x3] =	stream.indirect.gather [hbm4b:s4+s29], $0x80, s21, s29, $0xb8;
	[tilespmem:$0x1D400] =	vst v63  }
0xc0: {  	_ =	swait.ge [sflag:s7], $0x4000  }
0xc1: {  	[sflag:s7] =	ssyncset.done $0x0  }
0xc2: {  	[sflag:s7] =	ssyncadd.s32 $0xFFFFC000  }
0xc3: {  	[spmem:s1] =	stream.indirect.scatter.add.f32 [tilespmem:s31], [sflag:$0x6], $0x80, s11, s29, $0xb8;
	[tilespmem:$0x1D400] =	vst v63  }
0xc4: {  	_ =	swait.ge [sflag:s9], $0x4000  }
0xc5: {  	[sflag:s9] =	ssyncset.done $0x0  }
0xc6: {  	[sflag:s9] =	ssyncadd.s32 $0xFFFFC000  }
0xc7: {  	[tilespmem:s31], [sflag:$0x4] =	stream.indirect.gather [hbm4b:s4+s29], $0x80, s12, s29, $0xb8;
	[tilespmem:$0x1D400] =	vst v63  }
0xc8: {  	_ =	swait.ge [sflag:s13], $0x400  }
0xc9: {  	[sflag:s13] =	ssyncset.done $0x0  }
0xca: {  	[sflag:s13] =	ssyncadd.s32 $0xFFFFFC00  }
0xcb: {  	_ =	swait.ge [sflag:s13], $0x400  }
0xcc: {  	[sflag:s13] =	ssyncset.done $0x0  }
0xcd: {  	[sflag:s13] =	ssyncadd.s32 $0xFFFFFC00  }
0xce: {  	_ =	swait.ge [sflag:s0], $0x4000  }
0xcf: {  	[sflag:s0] =	ssyncset.done $0x0  }
0xd0: {  	[sflag:s0] =	ssyncadd.s32 $0xFFFFC000  }
0xd1: {  	[spmem:s1] =	stream.indirect.scatter.add.f32 [tilespmem:s30], [sflag:$0x5], $0x80, s14, s29, $0xb8;
	[tilespmem:$0x1D400] =	vst v63  }
0xd2: {  	_ =	swait.ge [sflag:s3], $0x4000  }
0xd3: {  	[sflag:s3] =	ssyncset.done $0x0  }
0xd4: {  	[sflag:s3] =	ssyncadd.s32 $0xFFFFC000  }
0xd5: {  	[tilespmem:s30], [sflag:$0x3] =	stream.indirect.gather [hbm4b:s4+s29], $0x80, s2, s29, $0xb8;
	[tilespmem:$0x1D400] =	vst v63  }
0xd6: {  	_ =	swait.ge [sflag:s7], $0x4000  }
0xd7: {  	[sflag:s7] =	ssyncset.done $0x0  }
0xd8: {  	[sflag:s7] =	ssyncadd.s32 $0xFFFFC000  }
0xd9: {  	[spmem:s1] =	stream.indirect.scatter.add.f32 [tilespmem:s31], [sflag:$0x6], $0x80, s15, s29, $0xb8;
	[tilespmem:$0x1D400] =	vst v63  }
0xda: {  	_ =	swait.ge [sflag:s9], $0x4000  }
0xdb: {  	s17 =	smin.u32 s17, $0x6;
	[sflag:s9] =	ssyncset.done $0x0;
	s22 =	rddreg [dreg:$0x4]  }
0xdc: {  	[sflag:s9] =	ssyncadd.s32 $0xFFFFC000;
	s17 =	sadd.s32 s17, s22  }
0xdd: {  	[tilespmem:s31], [sflag:$0x4] =	stream.indirect.gather [hbm4b:s4+s29], $0x80, s29, s29, $0xb8;
	[tilespmem:$0x1D400] =	vst v63  }
0xde: {  	s23 =	sshll.u32 s17, $0x7  }
0xdf: {  	s17 =	simm.s32 $0x2;
	s20 =	sadd.s32 s5, s23;
	s21 =	sadd.s32 s6, s23  }
.LBB2_4:
0xe0: {  	[tilespmem:s26], [sflag:$0x2] =	stream.linear.gather [hbm4b:s20+s2], $0x400, $0x38;
	[tilespmem:$0x1D400] =	vst v63  }
0xe1: {  	_ = 	snop  }
0xe2: {  	[tilespmem:s28], [sflag:$0x2] =	stream.linear.gather [hbm4b:s21+s2], $0x400, $0x38;
	[tilespmem:$0x1D400] =	vst v63  }
0xe3: {  	_ =	swait.ge [sflag:s0], $0x4000  }
0xe4: {  	[sflag:s0] =	ssyncset.done $0x0  }
0xe5: {  	[sflag:s0] =	ssyncadd.s32 $0xFFFFC000  }
0xe6: {  	[spmem:s1] =	stream.indirect.scatter.add.f32 [tilespmem:s30], [sflag:$0x5], $0x80, s25, s29, $0xb8;
	[tilespmem:$0x1D400] =	vst v63  }
0xe7: {  	_ =	swait.ge [sflag:s3], $0x4000  }
0xe8: {  	[sflag:s3] =	ssyncset.done $0x0  }
0xe9: {  	s23 =	rddreg [dreg:$0x5];
	[sflag:s3] =	ssyncadd.s32 $0xFFFFC000  }
0xea: {  	[tilespmem:s30], [sflag:$0x3] =	stream.indirect.gather [hbm4b:s4+s29], $0x80, s23, s29, $0xb8;
	[tilespmem:$0x1D400] =	vst v63  }
0xeb: {  	_ =	swait.ge [sflag:s7], $0x4000  }
0xec: {  	[sflag:s7] =	ssyncset.done $0x0  }
0xed: {  	s22 =	rddreg [dreg:$0x6];
	[sflag:s7] =	ssyncadd.s32 $0xFFFFC000  }
0xee: {  	[spmem:s1] =	stream.indirect.scatter.add.f32 [tilespmem:s31], [sflag:$0x6], $0x80, s22, s29, $0xb8;
	[tilespmem:$0x1D400] =	vst v63  }
0xef: {  	_ =	swait.ge [sflag:s9], $0x4000  }
0xf0: {  	[sflag:s9] =	ssyncset.done $0x0  }
0xf1: {  	s23 =	rddreg [dreg:$0x7];
	[sflag:s9] =	ssyncadd.s32 $0xFFFFC000  }
0xf2: {  	[tilespmem:s31], [sflag:$0x4] =	stream.indirect.gather [hbm4b:s4+s29], $0x80, s23, s29, $0xb8;
	[tilespmem:$0x1D400] =	vst v63  }
0xf3: {  	_ =	swait.ge [sflag:s0], $0x4000  }
0xf4: {  	[sflag:s0] =	ssyncset.done $0x0  }
0xf5: {  	s22 =	rddreg [dreg:$0x8];
	[sflag:s0] =	ssyncadd.s32 $0xFFFFC000  }
0xf6: {  	[spmem:s1] =	stream.indirect.scatter.add.f32 [tilespmem:s30], [sflag:$0x5], $0x80, s22, s29, $0xb8;
	[tilespmem:$0x1D400] =	vst v63  }
0xf7: {  	_ =	swait.ge [sflag:s3], $0x4000  }
0xf8: {  	[sflag:s3] =	ssyncset.done $0x0  }
0xf9: {  	s23 =	rddreg [dreg:$0x9];
	[sflag:s3] =	ssyncadd.s32 $0xFFFFC000  }
0xfa: {  	[tilespmem:s30], [sflag:$0x3] =	stream.indirect.gather [hbm4b:s4+s29], $0x80, s23, s29, $0xb8;
	[tilespmem:$0x1D400] =	vst v63  }
0xfb: {  	_ =	swait.ge [sflag:s7], $0x4000  }
0xfc: {  	[sflag:s7] =	ssyncset.done $0x0  }
0xfd: {  	s22 =	rddreg [dreg:$0xa];
	[sflag:s7] =	ssyncadd.s32 $0xFFFFC000  }
0xfe: {  	[spmem:s1] =	stream.indirect.scatter.add.f32 [tilespmem:s31], [sflag:$0x6], $0x80, s22, s29, $0xb8;
	[tilespmem:$0x1D400] =	vst v63  }
0xff: {  	_ =	swait.ge [sflag:s9], $0x4000  }
0x100: {  	[sflag:s9] =	ssyncset.done $0x0  }
0x101: {  	s23 =	rddreg [dreg:$0xb];
	[sflag:s9] =	ssyncadd.s32 $0xFFFFC000  }
0x102: {  	[tilespmem:s31], [sflag:$0x4] =	stream.indirect.gather [hbm4b:s4+s29], $0x80, s23, s29, $0xb8;
	[tilespmem:$0x1D400] =	vst v63  }
0x103: {  	_ =	swait.ge [sflag:s0], $0x4000  }
0x104: {  	[sflag:s0] =	ssyncset.done $0x0  }
0x105: {  	s22 =	rddreg [dreg:$0xc];
	[sflag:s0] =	ssyncadd.s32 $0xFFFFC000  }
0x106: {  	[spmem:s1] =	stream.indirect.scatter.add.f32 [tilespmem:s30], [sflag:$0x5], $0x80, s22, s29, $0xb8;
	[tilespmem:$0x1D400] =	vst v63  }
0x107: {  	_ =	swait.ge [sflag:s3], $0x4000  }
0x108: {  	[sflag:s3] =	ssyncset.done $0x0  }
0x109: {  	s23 =	rddreg [dreg:$0xd];
	[sflag:s3] =	ssyncadd.s32 $0xFFFFC000  }
0x10a: {  	[tilespmem:s30], [sflag:$0x3] =	stream.indirect.gather [hbm4b:s4+s29], $0x80, s23, s29, $0xb8;
	[tilespmem:$0x1D400] =	vst v63  }
0x10b: {  	_ =	swait.ge [sflag:s7], $0x4000  }
0x10c: {  	[sflag:s7] =	ssyncset.done $0x0  }
0x10d: {  	s22 =	rddreg [dreg:$0xe];
	[sflag:s7] =	ssyncadd.s32 $0xFFFFC000  }
0x10e: {  	[spmem:s1] =	stream.indirect.scatter.add.f32 [tilespmem:s31], [sflag:$0x6], $0x80, s22, s29, $0xb8;
	[tilespmem:$0x1D400] =	vst v63  }
0x10f: {  	_ =	swait.ge [sflag:s9], $0x4000  }
0x110: {  	[sflag:s9] =	ssyncset.done $0x0  }
0x111: {  	s23 =	rddreg [dreg:$0xf];
	[sflag:s9] =	ssyncadd.s32 $0xFFFFC000  }
0x112: {  	[tilespmem:s31], [sflag:$0x4] =	stream.indirect.gather [hbm4b:s4+s29], $0x80, s23, s29, $0xb8;
	[tilespmem:$0x1D400] =	vst v63  }
0x113: {  	_ =	swait.ge [sflag:s10], $0x400  }
0x114: {  	[sflag:s10] =	ssyncset.done $0x0  }
0x115: {  	[sflag:s10] =	ssyncadd.s32 $0xFFFFFC00  }
0x116: {  	_ =	swait.ge [sflag:s10], $0x400  }
0x117: {  	[sflag:s10] =	ssyncset.done $0x0  }
0x118: {  	[sflag:s10] =	ssyncadd.s32 $0xFFFFFC00  }
0x119: {  	_ =	swait.ge [sflag:s0], $0x4000  }
0x11a: {  	[sflag:s0] =	ssyncset.done $0x0  }
0x11b: {  	s22 =	rddreg [dreg:$0x10];
	[sflag:s0] =	ssyncadd.s32 $0xFFFFC000  }
0x11c: {  	[spmem:s1] =	stream.indirect.scatter.add.f32 [tilespmem:s30], [sflag:$0x5], $0x80, s22, s29, $0xb8;
	[tilespmem:$0x1D400] =	vst v63  }
0x11d: {  	_ =	swait.ge [sflag:s3], $0x4000  }
0x11e: {  	[sflag:s3] =	ssyncset.done $0x0  }
0x11f: {  	[sflag:s3] =	ssyncadd.s32 $0xFFFFC000  }
0x120: {  	[tilespmem:s30], [sflag:$0x3] =	stream.indirect.gather [hbm4b:s4+s29], $0x80, s26, s29, $0xb8;
	[tilespmem:$0x1D400] =	vst v63  }
0x121: {  	_ =	swait.ge [sflag:s7], $0x4000  }
0x122: {  	[sflag:s7] =	ssyncset.done $0x0  }
0x123: {  	s23 =	rddreg [dreg:$0x11];
	[sflag:s7] =	ssyncadd.s32 $0xFFFFC000  }
0x124: {  	[spmem:s1] =	stream.indirect.scatter.add.f32 [tilespmem:s31], [sflag:$0x6], $0x80, s23, s29, $0xb8;
	[tilespmem:$0x1D400] =	vst v63  }
0x125: {  	s20 =	smov.u32 s17;
	_ =	swait.ge [sflag:s9], $0x4000  }
0x126: {  	s23 =	smin.u32 s20, $0x7;
	s21 =	rddreg [dreg:$0x3]  }
0x127: {  	[sflag:s9] =	ssyncset.done $0x0;
	s21 =	sadd.s32 s23, s21  }
0x128: {  	s22 =	rddreg [dreg:$0x12];
	[sflag:s9] =	ssyncadd.s32 $0xFFFFC000;
	s21 =	sshll.u32 s21, $0x7  }
0x129: {  	[tilespmem:s31], [sflag:$0x4] =	stream.indirect.gather [hbm4b:s4+s29], $0x80, s22, s29, $0xb8;
	[tilespmem:$0x1D400] =	vst v63  }
0x12a: {  	s23 =	sadd.s32 s5, s21  }
0x12b: {  	[tilespmem:s2], [sflag:$0x1] =	stream.linear.gather [hbm4b:s23+s2], $0x400, $0x38;
	[tilespmem:$0x1D400] =	vst v63  }
0x12c: {  	s21 =	sadd.s32 s6, s21  }
0x12d: {  	[tilespmem:s25], [sflag:$0x1] =	stream.linear.gather [hbm4b:s21+s2], $0x400, $0x38;
	[tilespmem:$0x1D400] =	vst v63  }
0x12e: {  	_ =	swait.ge [sflag:s0], $0x4000  }
0x12f: {  	[sflag:s0] =	ssyncset.done $0x0  }
0x130: {  	[sflag:s0] =	ssyncadd.s32 $0xFFFFC000  }
0x131: {  	[spmem:s1] =	stream.indirect.scatter.add.f32 [tilespmem:s30], [sflag:$0x5], $0x80, s28, s29, $0xb8;
	[tilespmem:$0x1D400] =	vst v63  }
0x132: {  	_ =	swait.ge [sflag:s3], $0x4000  }
0x133: {  	[sflag:s3] =	ssyncset.done $0x0  }
0x134: {  	s22 =	rddreg [dreg:$0x13];
	[sflag:s3] =	ssyncadd.s32 $0xFFFFC000  }
0x135: {  	[tilespmem:s30], [sflag:$0x3] =	stream.indirect.gather [hbm4b:s4+s29], $0x80, s22, s29, $0xb8;
	[tilespmem:$0x1D400] =	vst v63  }
0x136: {  	_ =	swait.ge [sflag:s7], $0x4000  }
0x137: {  	[sflag:s7] =	ssyncset.done $0x0  }
0x138: {  	s23 =	rddreg [dreg:$0x14];
	[sflag:s7] =	ssyncadd.s32 $0xFFFFC000  }
0x139: {  	[spmem:s1] =	stream.indirect.scatter.add.f32 [tilespmem:s31], [sflag:$0x6], $0x80, s23, s29, $0xb8;
	[tilespmem:$0x1D400] =	vst v63  }
0x13a: {  	_ =	swait.ge [sflag:s9], $0x4000  }
0x13b: {  	[sflag:s9] =	ssyncset.done $0x0  }
0x13c: {  	s22 =	rddreg [dreg:$0x15];
	[sflag:s9] =	ssyncadd.s32 $0xFFFFC000  }
0x13d: {  	[tilespmem:s31], [sflag:$0x4] =	stream.indirect.gather [hbm4b:s4+s29], $0x80, s22, s29, $0xb8;
	[tilespmem:$0x1D400] =	vst v63  }
0x13e: {  	_ =	swait.ge [sflag:s0], $0x4000  }
0x13f: {  	[sflag:s0] =	ssyncset.done $0x0  }
0x140: {  	s23 =	rddreg [dreg:$0x16];
	[sflag:s0] =	ssyncadd.s32 $0xFFFFC000  }
0x141: {  	[spmem:s1] =	stream.indirect.scatter.add.f32 [tilespmem:s30], [sflag:$0x5], $0x80, s23, s29, $0xb8;
	[tilespmem:$0x1D400] =	vst v63  }
0x142: {  	_ =	swait.ge [sflag:s3], $0x4000  }
0x143: {  	[sflag:s3] =	ssyncset.done $0x0  }
0x144: {  	s22 =	rddreg [dreg:$0x17];
	[sflag:s3] =	ssyncadd.s32 $0xFFFFC000  }
0x145: {  	[tilespmem:s30], [sflag:$0x3] =	stream.indirect.gather [hbm4b:s4+s29], $0x80, s22, s29, $0xb8;
	[tilespmem:$0x1D400] =	vst v63  }
0x146: {  	_ =	swait.ge [sflag:s7], $0x4000  }
0x147: {  	[sflag:s7] =	ssyncset.done $0x0  }
0x148: {  	s23 =	rddreg [dreg:$0x18];
	[sflag:s7] =	ssyncadd.s32 $0xFFFFC000  }
0x149: {  	[spmem:s1] =	stream.indirect.scatter.add.f32 [tilespmem:s31], [sflag:$0x6], $0x80, s23, s29, $0xb8;
	[tilespmem:$0x1D400] =	vst v63  }
0x14a: {  	_ =	swait.ge [sflag:s9], $0x4000  }
0x14b: {  	[sflag:s9] =	ssyncset.done $0x0  }
0x14c: {  	s22 =	rddreg [dreg:$0x19];
	[sflag:s9] =	ssyncadd.s32 $0xFFFFC000  }
0x14d: {  	[tilespmem:s31], [sflag:$0x4] =	stream.indirect.gather [hbm4b:s4+s29], $0x80, s22, s29, $0xb8;
	[tilespmem:$0x1D400] =	vst v63  }
0x14e: {  	_ =	swait.ge [sflag:s0], $0x4000  }
0x14f: {  	[sflag:s0] =	ssyncset.done $0x0  }
0x150: {  	s23 =	rddreg [dreg:$0x1a];
	[sflag:s0] =	ssyncadd.s32 $0xFFFFC000  }
0x151: {  	[spmem:s1] =	stream.indirect.scatter.add.f32 [tilespmem:s30], [sflag:$0x5], $0x80, s23, s29, $0xb8;
	[tilespmem:$0x1D400] =	vst v63  }
0x152: {  	_ =	swait.ge [sflag:s3], $0x4000  }
0x153: {  	[sflag:s3] =	ssyncset.done $0x0  }
0x154: {  	s22 =	rddreg [dreg:$0x1b];
	[sflag:s3] =	ssyncadd.s32 $0xFFFFC000  }
0x155: {  	[tilespmem:s30], [sflag:$0x3] =	stream.indirect.gather [hbm4b:s4+s29], $0x80, s22, s29, $0xb8;
	[tilespmem:$0x1D400] =	vst v63  }
0x156: {  	_ =	swait.ge [sflag:s7], $0x4000  }
0x157: {  	[sflag:s7] =	ssyncset.done $0x0  }
0x158: {  	[sflag:s7] =	ssyncadd.s32 $0xFFFFC000  }
0x159: {  	[spmem:s1] =	stream.indirect.scatter.add.f32 [tilespmem:s31], [sflag:$0x6], $0x80, s11, s29, $0xb8;
	[tilespmem:$0x1D400] =	vst v63  }
0x15a: {  	_ =	swait.ge [sflag:s9], $0x4000  }
0x15b: {  	[sflag:s9] =	ssyncset.done $0x0  }
0x15c: {  	[sflag:s9] =	ssyncadd.s32 $0xFFFFC000  }
0x15d: {  	[tilespmem:s31], [sflag:$0x4] =	stream.indirect.gather [hbm4b:s4+s29], $0x80, s12, s29, $0xb8;
	[tilespmem:$0x1D400] =	vst v63  }
0x15e: {  	_ =	swait.ge [sflag:s13], $0x400  }
0x15f: {  	[sflag:s13] =	ssyncset.done $0x0  }
0x160: {  	[sflag:s13] =	ssyncadd.s32 $0xFFFFFC00  }
0x161: {  	_ =	swait.ge [sflag:s13], $0x400  }
0x162: {  	[sflag:s13] =	ssyncset.done $0x0  }
0x163: {  	[sflag:s13] =	ssyncadd.s32 $0xFFFFFC00  }
0x164: {  	_ =	swait.ge [sflag:s0], $0x4000  }
0x165: {  	[sflag:s0] =	ssyncset.done $0x0  }
0x166: {  	[sflag:s0] =	ssyncadd.s32 $0xFFFFC000  }
0x167: {  	[spmem:s1] =	stream.indirect.scatter.add.f32 [tilespmem:s30], [sflag:$0x5], $0x80, s14, s29, $0xb8;
	[tilespmem:$0x1D400] =	vst v63  }
0x168: {  	_ =	swait.ge [sflag:s3], $0x4000  }
0x169: {  	[sflag:s3] =	ssyncset.done $0x0  }
0x16a: {  	[sflag:s3] =	ssyncadd.s32 $0xFFFFC000  }
0x16b: {  	[tilespmem:s30], [sflag:$0x3] =	stream.indirect.gather [hbm4b:s4+s29], $0x80, s2, s29, $0xb8;
	[tilespmem:$0x1D400] =	vst v63  }
0x16c: {  	_ =	swait.ge [sflag:s7], $0x4000  }
0x16d: {  	[sflag:s7] =	ssyncset.done $0x0  }
0x16e: {  	[sflag:s7] =	ssyncadd.s32 $0xFFFFC000  }
0x16f: {  	[spmem:s1] =	stream.indirect.scatter.add.f32 [tilespmem:s31], [sflag:$0x6], $0x80, s15, s29, $0xb8;
	[tilespmem:$0x1D400] =	vst v63  }
0x170: {  	p0 =	sne.s32 s17, $0x8;
	s20 =	smin.u32 s20, $0x6;
	_ =	swait.ge [sflag:s9], $0x4000  }
.Ltmp1:
0x171: {  	[sflag:s9] =	ssyncset.done $0x0;
	s23 =	rddreg [dreg:$0x4];
	(pc) =	sbr.rel @p0 .LBB2_4-.Ltmp1, $4  }
0x172: {  	[sflag:s9] =	ssyncadd.s32 $0xFFFFC000;
	s20 =	sadd.s32 s20, s23  }
0x173: {  	[tilespmem:s31], [sflag:$0x4] =	stream.indirect.gather [hbm4b:s4+s29], $0x80, s29, s29, $0xb8;
	[tilespmem:$0x1D400] =	vst v63  }
0x174: {  	s21 =	sshll.u32 s20, $0x7  }
0x175: {  	s17 =	sadd.s32 $0x2, s17;
	s20 =	sadd.s32 s5, s21;
	s21 =	sadd.s32 s6, s21  }
0x176: {  	[tilespmem:s26], [sflag:$0x2] =	stream.linear.gather [hbm4b:s20+s2], $0x400, $0x38;
	[tilespmem:$0x1D400] =	vst v63  }
0x177: {  	_ = 	snop  }
0x178: {  	[tilespmem:s28], [sflag:$0x2] =	stream.linear.gather [hbm4b:s21+s2], $0x400, $0x38;
	[tilespmem:$0x1D400] =	vst v63  }
0x179: {  	_ =	swait.ge [sflag:s0], $0x4000  }
0x17a: {  	[sflag:s0] =	ssyncset.done $0x0  }
0x17b: {  	[sflag:s0] =	ssyncadd.s32 $0xFFFFC000  }
0x17c: {  	_ =	swait.ge [sflag:s7], $0x4000  }
0x17d: {  	[sflag:s7] =	ssyncset.done $0x0  }
0x17e: {  	[sflag:s7] =	ssyncadd.s32 $0xFFFFC000  }
0x17f: {  	_ =	swait.ge [sflag:s10], $0x400  }
0x180: {  	[sflag:s10] =	ssyncset.done $0x0  }
0x181: {  	[sflag:s10] =	ssyncadd.s32 $0xFFFFFC00  }
0x182: {  	_ =	swait.ge [sflag:s10], $0x400  }
0x183: {  	[sflag:s10] =	ssyncset.done $0x0  }
0x184: {  	[sflag:s10] =	ssyncadd.s32 $0xFFFFFC00  }
0x185: {  	[bflag:$0x0] =	sbarrier.arrive $0xFFFF  }
0x186: {  	[tilespmem:s30], [sflag:$0x7] =	stream.linear.gather [spmem:s8], $0x4000, $0x38;
	[tilespmem:$0x1D400] =	vst v63  }
0x187: {  	_ =	swait.ge [sflag:s19], $0x4000  }
0x188: {  	s17 =	sld [smem:$0x7FA]  }
0x189: {  	[sflag:s19] =	ssyncset.done $0x0  }
0x18a: {  	[sflag:s19] =	ssyncadd.s32 $0xFFFFC000  }
0x18b: {  	[hbm4b:s17+s2] =	stream.linear.scatter [tilespmem:s30], [sflag:$0x7], $0x4000, $0x38;
	[tilespmem:$0x1D400] =	vst v63  }
0x18c: {  	_ =	swait.ge [sflag:s19], $0x4000  }
0x18d: {  	s20 =	sld [smem:$0x7F5]  }
0x18e: {  	[sflag:s19] =	ssyncset.done $0x0  }
0x18f: {  	[sflag:s19] =	ssyncadd.s32 $0xFFFFC000  }
0x190: {  	[tilespmem:s30], [sflag:$0x7] =	stream.linear.gather [spmem:s20], $0x4000, $0x38;
	[tilespmem:$0x1D400] =	vst v63  }
0x191: {  	_ =	swait.ge [sflag:s19], $0x4000  }
0x192: {  	s21 =	sld [smem:$0x7FB]  }
0x193: {  	[sflag:s19] =	ssyncset.done $0x0  }
0x194: {  	[sflag:s19] =	ssyncadd.s32 $0xFFFFC000  }
0x195: {  	[hbm4b:s21+s2] =	stream.linear.scatter [tilespmem:s30], [sflag:$0x7], $0x4000, $0x38;
	[tilespmem:$0x1D400] =	vst v63  }
0x196: {  	_ =	swait.ge [sflag:s19], $0x4000  }
0x197: {  	s22 =	sld [smem:$0x7F6]  }
0x198: {  	[sflag:s19] =	ssyncset.done $0x0  }
0x199: {  	[sflag:s19] =	ssyncadd.s32 $0xFFFFC000  }
0x19a: {  	[tilespmem:s30], [sflag:$0x7] =	stream.linear.gather [spmem:s22], $0x4000, $0x38;
	[tilespmem:$0x1D400] =	vst v63  }
0x19b: {  	_ =	swait.ge [sflag:s19], $0x4000  }
0x19c: {  	s23 =	sld [smem:$0x7FC]  }
0x19d: {  	[sflag:s19] =	ssyncset.done $0x0  }
0x19e: {  	[sflag:s19] =	ssyncadd.s32 $0xFFFFC000  }
0x19f: {  	[hbm4b:s23+s2] =	stream.linear.scatter [tilespmem:s30], [sflag:$0x7], $0x4000, $0x38;
	[tilespmem:$0x1D400] =	vst v63  }
0x1a0: {  	_ =	swait.ge [sflag:s19], $0x4000  }
0x1a1: {  	s20 =	sld [smem:$0x7F7]  }
0x1a2: {  	[sflag:s19] =	ssyncset.done $0x0  }
0x1a3: {  	[sflag:s19] =	ssyncadd.s32 $0xFFFFC000  }
0x1a4: {  	[tilespmem:s30], [sflag:$0x7] =	stream.linear.gather [spmem:s20], $0x4000, $0x38;
	[tilespmem:$0x1D400] =	vst v63  }
0x1a5: {  	_ =	swait.ge [sflag:s19], $0x4000  }
0x1a6: {  	s21 =	sld [smem:$0x7FD]  }
0x1a7: {  	[sflag:s19] =	ssyncset.done $0x0  }
0x1a8: {  	[sflag:s19] =	ssyncadd.s32 $0xFFFFC000  }
0x1a9: {  	[hbm4b:s21+s2] =	stream.linear.scatter [tilespmem:s30], [sflag:$0x7], $0x4000, $0x38;
	[tilespmem:$0x1D400] =	vst v63  }
0x1aa: {  	_ =	swait.ge [sflag:s19], $0x4000  }
0x1ab: {  	s22 =	sld [smem:$0x7F8]  }
0x1ac: {  	[sflag:s19] =	ssyncset.done $0x0  }
0x1ad: {  	[sflag:s19] =	ssyncadd.s32 $0xFFFFC000  }
0x1ae: {  	[tilespmem:s30], [sflag:$0x7] =	stream.linear.gather [spmem:s22], $0x4000, $0x38;
	[tilespmem:$0x1D400] =	vst v63  }
0x1af: {  	_ =	swait.ge [sflag:s19], $0x4000  }
0x1b0: {  	[sflag:s19] =	ssyncset.done $0x0  }
0x1b1: {  	[sflag:s19] =	ssyncadd.s32 $0xFFFFC000  }
0x1b2: {  	[hbm4b:s24+s2] =	stream.linear.scatter [tilespmem:s30], [sflag:$0x7], $0x4000, $0x38;
	[tilespmem:$0x1D400] =	vst v63  }
0x1b3: {  	_ =	swait.ge [sflag:s19], $0x4000  }
0x1b4: {  	s23 =	sld [smem:$0x7F9];
	_ =	sdelay $0x1  }
0x1b5: {  	s16 =	sadd.s32 $0x1, s16  }
0x1b6: {  	p0 =	sne.s32 s16, s23  }
.Ltmp2:
0x1b7: {  	_ = 	snop;
	(pc) =	sbr.rel @p0 .LBB2_1-.Ltmp2, $3  }
0x1b8: {  	_ =	sdelay $0x1  }
0x1b9: {  	[sflag:s19] =	ssyncset.done $0x0  }
0x1ba: {  	[sflag:s19] =	ssyncadd.s32 $0xFFFFC000  }
0x1bb: {  	_ =	sfence.sel $0x180000  }
0x1bc: {  	[bflag:$0x0] =	sbarrier.arrive $0xFFFF  }
0x1bd: {  	_ =	strace $0x9000004D  }
0x1be: {  	s0 =	stileid.u32;
	[bflag:$0x2] =	sbarrier.arrive $0xFFFF  }
0x1bf: {  	p0 =	sne.s32 s0, $0x0;
	s0 =	rddreg [dreg:$0x2]  }
0x1c0: {  	s0 =	sadd.s32 @!p0 $0x100000, s0  }
0x1c1: {  	[sflag:s0] =	ssyncadd.tile.s32 @!p0 $0x1;
	_ =	shalt  }
.Lfunc_end2:
_tile_overlayer_lowered:
.L_overlay_start_2:
0x1c2: {  	(tag) =	ssettag $0x2  }
0x1c3: {  	s0 =	rddreg [dreg:$0x0];
	s2 =	stileid.u32  }
0x1c4: {  	s1 =	rddreg [dreg:$0x1];
	p0 =	sne.s32 s2, $0x0  }
0x1c5: {  	s3 =	rddreg [dreg:$0x2];
	[bflag:$0x3] =	sbarrier.arrive $0xFFFF;
	s2 =	simm.s32 @!p0 $0x1C07  }
0x1c6: {  	[timem:s3], [sflag:s2] =	dma.local @!p0 [hbm:s0], s1  }
0x1c7: {  	s0 =	simm.s32 @!p0 $0x7  }
0x1c8: {  	_ =	swait.ge @!p0 [sflag:s0], s1  }
0x1c9: {  	s1 =	ssub.s32 @!p0 $0x0, s1;
	[sflag:s0] =	ssyncset.done @!p0 $0x0  }
0x1ca: {  	[sflag:s0] =	ssyncadd.s32 @!p0 s1  }
0x1cb: {  	[bflag:$0x3] =	sbarrier.arrive $0xFFFF  }
0x1cc: {  	_ =	shalt  }

// kernel: kernel.9.cloned.1.call-start
scs
__scs_entry_jumppad:
0x0: {  	(pc) =	sbr.rel $0x88, $3  }
0x1: {  	(tag) =	ssettag $0x0;
	lr =	simm.s32 $0x1  }
0x2: {  	[smem:$0x3F95] =	sst lr;
	_ =	strace $0xD0000000  }
0x3: {  	_ = 	snop  }
0x4: {  	_ = 	snop  }
0x5: {  	_ = 	snop  }
0x6: {  	_ = 	snop  }
0x7: {  	_ = 	snop  }
__scs_overlays_trampoline_lowered:
0x8: {  	[smem:$0x3FA4] =	sst s0  }
0x9: {  	[smem:$0x3FA5] =	sst s1  }
0xa: {  	[smem:$0x3FA6] =	sst s2  }
0xb: {  	[smem:$0x3FA7] =	sst s3  }
0xc: {  	[smem:$0x3FA8] =	sst s4  }
0xd: {  	[smem:$0x3FA9] =	sst s5  }
0xe: {  	[smem:$0x3FAA] =	sst s6  }
0xf: {  	[smem:$0x3FAB] =	sst s7  }
0x10: {  	[smem:$0x3FAC] =	sst s8  }
0x11: {  	[smem:$0x3FAD] =	sst s9;
	s0 =	simm.s32 @!p0 $0x0  }
0x12: {  	s1 =	sld [smem:$0x3F93];
	s0 =	simm.s32 @p0 $0x1  }
0x13: {  	[smem:$0x3FAE] =	sst s0;
	s0 =	simm.s32 @!p1 $0x0  }
0x14: {  	s2 =	sld [smem:$0x3F92];
	s0 =	simm.s32 @p1 $0x1  }
0x15: {  	[smem:$0x3FAF] =	sst s0;
	s0 =	simm.s32 @!p2 $0x0  }
0x16: {  	s3 =	sld [smem:$0x3FDB];
	s0 =	simm.s32 @p2 $0x1  }
0x17: {  	s4 =	simm.s32 $0x1BF5;
	[smem:$0x3FB1] =	sst s0  }
0x18: {  	s0 =	sld [smem:$0x3F94];
	_ =	swait.ge [sflag:s4], $0x0  }
0x19: {  	s7 =	sld [smem:$0x3F95]  }
0x1a: {  	s8 =	sadd.s32 $0xFFFFE003, lr  }
0x1b: {  	s9 =	sadd.s32 $0xFFFFFEF7, lr;
	s5 =	simm.s32 $0xFFFFFFFF;
	p2 =	slt.u32 s8, $0xFFFFF086  }
0x1c: {  	p1 =	slt.u32 s9, $0xF7A;
	s5 =	simm.s32 @!p2 $0x0  }
0x1d: {  	s5 =	simm.s32 @p1 $0x1;
	p0 =	seq.s32 s7, s2  }
0x1e: {  	s7 =	smul.u32 @!p0 $0xF7A, s2;
	p2 =	seq.s32 @!p0 s5, $0x0  }
0x1f: {  	s9 =	smul.u32 $0xF7A, s1;
	s8 =	simm.s32 @!p0 $0x1BF5;
	p2 =	por !p2, p0  }
0x20: {  	[sflag:s8] =	ssyncset.s32 @!p0 $0xFFFFF086;
	s6 =	sadd.s32 @!p0 s3, s7;
	s7 =	simm.s32 @!p0 $0x108  }
0x21: {  	s3 =	sadd.s32 s3, s9;
	s6 =	sadd.s32 @!p0 $0x88, s6;
	s7 =	simm.s32 @p2 $0x1082  }
0x22: {  	[simem:s7], [sflag:s8] =	dma.local @!p0 [hbm:s6], $0xF7A  }
0x23: {  	s9 =	sor.u32 $0xD0000000, s2;
	s6 =	simm.s32 $0x108;
	_ =	swait.ge @!p0 [sflag:s8], $0x0  }
0x24: {  	s3 =	sadd.s32 $0x88, s3;
	s6 =	simm.s32 @!p1 $0x1082;
	[sflag:s4] =	ssyncset.s32 $0xFFFFF086  }
0x25: {  	[simem:s6], [sflag:s4] =	dma.local [hbm:s3], $0xF7A  }
0x26: {  	[smem:$0x3F95] =	sst s1;
	(tag) =	ssettag s2;
	_ =	strace s9  }
0x27: {  	s1 =	sld [smem:$0x3FA5]  }
0x28: {  	s2 =	sld [smem:$0x3FA6]  }
0x29: {  	s4 =	sld [smem:$0x3FA8]  }
0x2a: {  	p0 =	seq.s32 s5, $0x0;
	s5 =	sld [smem:$0x3FA9]  }
0x2b: {  	s6 =	sld [smem:$0x3FAA]  }
0x2c: {  	s7 =	sld [smem:$0x3FAB]  }
0x2d: {  	s3 =	simm.s32 $0x108;
	s8 =	sld [smem:$0x3FAC]  }
0x2e: {  	s3 =	simm.s32 @!p0 $0x1082;
	s9 =	sld [smem:$0x3FAD]  }
0x2f: {  	lr =	sadd.s32 s0, s3;
	s0 =	sld [smem:$0x3FA4]  }
0x30: {  	s3 =	sld [smem:$0x3FA7]  }
0x31: {  	[smem:$0x3FB0] =	sst s10  }
0x32: {  	s10 =	sld [smem:$0x3FAE];
	_ =	sdelay $0x3  }
0x33: {  	p0 =	seq.s32 s10, $0x1;
	s10 =	sld [smem:$0x3FB0];
	_ =	sdelay $0x3  }
0x34: {  	[smem:$0x3FB0] =	sst s10  }
0x35: {  	s10 =	sld [smem:$0x3FAF];
	_ =	sdelay $0x3  }
0x36: {  	p1 =	seq.s32 s10, $0x1;
	s10 =	sld [smem:$0x3FB0];
	_ =	sdelay $0x3  }
0x37: {  	[smem:$0x3FB0] =	sst s10  }
0x38: {  	s10 =	sld [smem:$0x3FB1]  }
0x39: {  	_ = 	snop;
	(pc) =	sbr.ind lr, $3  }
0x3a: {  	_ = 	snop  }
0x3b: {  	_ = 	snop  }
0x3c: {  	p2 =	seq.s32 s10, $0x1;
	s10 =	sld [smem:$0x3FB0]  }
0x3d: {  	_ =	shalt  }
0x3e: {  	_ =	shalt  }
0x3f: {  	_ =	shalt  }
0x40: {  	_ =	shalt  }
0x41: {  	_ =	shalt  }
0x42: {  	_ =	shalt  }
0x43: {  	_ =	shalt  }
0x44: {  	_ =	shalt  }
0x45: {  	_ =	shalt  }
0x46: {  	_ =	shalt  }
0x47: {  	_ =	shalt  }
0x48: {  	_ =	shalt  }
0x49: {  	_ =	shalt  }
0x4a: {  	_ =	shalt  }
0x4b: {  	_ =	shalt  }
0x4c: {  	_ =	shalt  }
0x4d: {  	_ =	shalt  }
0x4e: {  	_ =	shalt  }
0x4f: {  	_ =	shalt  }
0x50: {  	_ =	shalt  }
0x51: {  	_ =	shalt  }
0x52: {  	_ =	shalt  }
0x53: {  	_ =	shalt  }
0x54: {  	_ =	shalt  }
0x55: {  	_ =	shalt  }
0x56: {  	_ =	shalt  }
0x57: {  	_ =	shalt  }
0x58: {  	_ =	shalt  }
0x59: {  	_ =	shalt  }
0x5a: {  	_ =	shalt  }
0x5b: {  	_ =	shalt  }
0x5c: {  	_ =	shalt  }
0x5d: {  	_ =	shalt  }
0x5e: {  	_ =	shalt  }
0x5f: {  	_ =	shalt  }
0x60: {  	_ =	shalt  }
0x61: {  	_ =	shalt  }
0x62: {  	_ =	shalt  }
0x63: {  	_ =	shalt  }
0x64: {  	_ =	shalt  }
0x65: {  	_ =	shalt  }
0x66: {  	_ =	shalt  }
0x67: {  	_ =	shalt  }
0x68: {  	_ =	shalt  }
0x69: {  	_ =	shalt  }
0x6a: {  	_ =	shalt  }
0x6b: {  	_ =	shalt  }
0x6c: {  	_ =	shalt  }
0x6d: {  	_ =	shalt  }
0x6e: {  	_ =	shalt  }
0x6f: {  	_ =	shalt  }
0x70: {  	_ =	shalt  }
0x71: {  	_ =	shalt  }
0x72: {  	_ =	shalt  }
0x73: {  	_ =	shalt  }
0x74: {  	_ =	shalt  }
0x75: {  	_ =	shalt  }
0x76: {  	_ =	shalt  }
0x77: {  	_ =	shalt  }
0x78: {  	_ =	shalt  }
0x79: {  	_ =	shalt  }
0x7a: {  	_ =	shalt  }
0x7b: {  	_ =	shalt  }
0x7c: {  	_ =	shalt  }
0x7d: {  	_ =	shalt  }
0x7e: {  	_ =	shalt  }
0x7f: {  	_ =	shalt  }
0x80: {  	_ =	shalt  }
0x81: {  	_ =	shalt  }
0x82: {  	_ =	shalt  }
0x83: {  	_ =	shalt  }
0x84: {  	_ =	shalt  }
0x85: {  	_ =	shalt  }
0x86: {  	_ =	shalt  }
0x87: {  	_ =	shalt  }
.Lfunc_end0:
.L_simem_size_0:
called_computation_lowered:
.L_overlay_start_0:
0x88: {  	s2 =	sld [smem:$0x3FD9]  }
0x89: {  	s3 =	sld [smem:$0x3FFE];
	_ =	sdelay $0x1  }
0x8a: {  	s1 =	srdreg.scid  }
0x8b: {  	s0 =	sand.u32 $0x1, s1  }
0x8c: {  	s16 =	sshll.u32 s0, $0xA;
	s2 =	sadd.s32 s3, s2  }
0x8d: {  	s2 =	sadd.s32 s2, s16  }
0x8e: {  	[smem:$0x3FBC] =	sst s2  }
0x8f: {  	_ = 	snop  }
0x90: {  	(tm) =	ssettm $0x1  }
0x91: {  	s17 =	sld [smem:$0x3FFB];
	_ =	sdelay $0x3  }
0x92: {  	_ =	strace s17  }
0x93: {  	s2 =	sld [smem:$0x3FFC];
	_ =	sdelay $0x3  }
0x94: {  	_ =	strace s2  }
0x95: {  	s2 =	sld [smem:$0x3FFD];
	_ =	sdelay $0x3  }
0x96: {  	_ =	strace s2  }
0x97: {  	_ =	strace $0x8FFFFFFF  }
0x98: {  	s18 =	sld [smem:$0x3FDB];
	_ =	sdelay $0x1  }
0x99: {  	s19 =	simm.s32 $_scs_section_size  }
0x9a: {  	s4 =	simm.s32 $_size__tile_overlayer_lowered;
	s5 =	simm.s32 $_tile_overlayer_lowered  }
0x9b: {  	s22 =	simm.s32 $0x1BFF;
	s21 =	sshll.u32 s5, $0x1;
	s2 =	sadd.s32 s19, s18  }
0x9c: {  	s6 =	simm.s32 $0x0;
	s20 =	sshll.u32 s4, $0x1;
	s4 =	sadd.s32 s21, s2  }
0x9d: {  	[timem:s6], [sflag:s22] =	dma.local [hbm:s4], s20  }
0x9e: {  	_ =	swait.ge [sflag:s22], s20  }
0x9f: {  	s3 =	ssub.s32 $0x0, s20;
	[sflag:s22] =	ssyncset.done $0x0  }
0xa0: {  	[sflag:s22] =	ssyncadd.s32 s3;
	_ =	sdelay $0x1  }
0xa1: {  	s23 =	simm.s32 $0x1B8B  }
0xa2: {  	_ =	swait.ge [sflag:s23], $0x1  }
0xa3: {  	[sflag:s23] =	ssyncset.done $0x0  }
0xa4: {  	s25 =	simm.s32 $0x1B8E;
	s24 =	sld [smem:$0x3FFE];
	[sflag:s23] =	ssyncadd.s32 $0xFFFFFFFF  }
0xa5: {  	s26 =	simm.s32 $execute0_lowered;
	[smem:$0x3FD2] =	sst s25  }
0xa6: {  	s4 =	sshll.u32 s26, $0x1;
	_ =	strace $0x80000046;
	[dreg:$0x1] =	wrdreg $0xFFFFFFFF  }
0xa7: {  	s28 =	simm.s32 $_size_execute0_lowered;
	s2 =	sadd.s32 s2, s4;
	[dreg:$0x0] =	wrdreg $0x0  }
0xa8: {  	s4 =	sshll.u32 s28, $0x1;
	[dreg:$0x2] =	wrdreg s2  }
0xa9: {  	[dreg:$0x3] =	wrdreg s4  }
0xaa: {  	[dreg:$0x4] =	wrdreg $0xC0  }
0xab: {  	_ =	task [dreg:s6], $0x5FFFF  }
0xac: {  	[dreg:$0x1] =	wrdreg $0xFFFFFFFF  }
0xad: {  	[dreg:$0x0] =	wrdreg $0x60  }
0xae: {  	[dreg:$0x2] =	wrdreg s24  }
0xaf: {  	[dreg:$0x3] =	wrdreg $0x53000  }
0xb0: {  	[dreg:$0x4] =	wrdreg $0x9  }
0xb1: {  	_ =	task.clear_ibuf [dreg:s6], $0x5FFFF;
	_ =	strace $0x90000046  }
0xb2: {  	s29 =	simm.s32 $0x9;
	_ =	strace $0x80000048  }
0xb3: {  	_ =	swait.ge [sflag:s29], $0x1  }
0xb4: {  	[sflag:s29] =	ssyncadd.s32 $0xFFFFFFFF  }
0xb5: {  	_ =	strace $0x90000048  }
0xb6: {  	_ =	sfence  }
0xb7: {  	s30 =	sld [smem:$0x0];
	_ =	sdelay $0x2  }
0xb8: {  	s31 =	sshll.u32 s1, $0xD;
	s1 =	sshrl.u32 s1, $0x2  }
0xb9: {  	s3 =	sand.u32 $0x4000, s31;
	s1 =	sadd.s32 s1, s30  }
0xba: {  	s0 =	sor.u32 s3, s0;
	s1 =	sshll.u32 s1, $0x11  }
0xbb: {  	s0 =	sor.u32 s1, s0  }
0xbc: {  	s0 =	sadd.s32 $0x8F2B, s0  }
0xbd: {  	[sflag:s0] =	ssyncadd.remote.s32 $0x1  }
0xbe: {  	_ =	sfence.sel $0xFFFF  }
0xbf: {  	[dreg:$0x0] =	wrdreg $0xFFFFFFFF;
	(pc) =	sbr.abs _section_cstart, $3  }
0xc0: {  	[dreg:$0x1] =	wrdreg $0xFFFFFFFF  }
0xc1: {  	_ =	task.clear_ibuf [dreg:s6], $0x2FFFF;
	_ =	strace $0x9FFFFFFF  }
0xc2: {  	(tm) =	ssettm $0x7FFFFFFF  }
0xc3: {  	_ =	shalt  }
tec
execute0_lowered:
.L_overlay_start_1:
0x0: {  	(tag) =	ssettag $0x1  }
0x1: {  	s6 =	rddreg [dreg:$0x0]  }
0x2: {  	s1 =	rddreg [dreg:$0x1]  }
0x3: {  	s0 =	rddreg [dreg:$0x2]  }
0x4: {  	s2 =	simm.s32 $0x0;
	s3 =	srdreg.scid;
	s12 =	simm.s32 $0x2E00  }
0x5: {  	[smem:$0x7FF] =	sst s2;
	s5 =	sand.u32 $0x1, s3;
	s3 =	stileid.u32  }
0x6: {  	s4 =	sadd.s32 $0x16E00, s6;
	_ =	strace $0x80000047;
	s7 =	sshll.u32 s5, $0x4  }
0x7: {  	s8 =	ssub.s32 $0x2, s5;
	s9 =	smul.u32 $0xA00, s3;
	p0 =	seq.s32 s5, $0x1  }
0x8: {  	s14 =	smul.u32 $0xA0, s3;
	s7 =	sadd.s32 s7, s6;
	s10 =	sshrl.u32 s8, $0x1  }
0x9: {  	s12 =	simm.s32 @!p0 $0xCE00;
	s11 =	sshrl.u32 s9, $0x2;
	s8 =	ssub.s32 s8, s10  }
0xa: {  	s13 =	sadd.s32 $0x17000, s7;
	s31 =	sadd.s32 s12, s6;
	s10 =	simm.s32 $0x80  }
0xb: {  	s5 =	sadd.s32 s11, s1;
	s6 =	smax.u32 s8, $0x1;
	s7 =	sadd.s32 s31, s9  }
0xc: {  	s8 =	simm.s32 $0x5080;
	s9 =	simm.s32 $0x1;
	s11 =	simm.s32 $0x5000  }
0xd: {  	v0 =	vimm.f32 $1.000000000e+00;
	s12 =	sadd.s32 s14, s13;
	s13 =	simm.s32 $0x100;
	s14 =	simm.s32 $0x0  }
.LBB2_1:
0xe: {  	[tilespmem:$0x5000] =	vst v0  }
0xf: {  	[tilespmem:$0x5010] =	vst v0  }
0x10: {  	[tilespmem:$0x5020] =	vst v0  }
0x11: {  	[tilespmem:$0x5030] =	vst v0  }
0x12: {  	[tilespmem:$0x5040] =	vst v0  }
0x13: {  	[tilespmem:$0x5050] =	vst v0  }
0x14: {  	[tilespmem:$0x5060] =	vst v0  }
0x15: {  	[tilespmem:$0x5070] =	vst v0  }
0x16: {  	[tilespmem:s8], [sflag:$0x1] =	stream.linear.gather [hbm4b:s4+s2], $0x280, $0x38;
	[tilespmem:$0x5580] =	vst v63  }
0x17: {  	_ =	swait.ge [sflag:s9], $0x280  }
0x18: {  	[sflag:s9] =	ssyncset.done $0x0  }
0x19: {  	[sflag:s9] =	ssyncadd.s32 $0xFFFFFD80  }
0x1a: {  	[spmem:s5] =	stream.linear.scatter [tilespmem:s8], [sflag:$0x1], $0x280, $0x38;
	[tilespmem:$0x5580] =	vst v63  }
0x1b: {  	_ =	swait.ge [sflag:s9], $0x280  }
0x1c: {  	[sflag:s9] =	ssyncset.done $0x0  }
0x1d: {  	[sflag:s9] =	ssyncadd.s32 $0xFFFFFD80  }
0x1e: {  	[tilespmem:s2], [sflag:$0x1] =	stream.linear.gather [hbm4b:s7+s2], $0x5000, $0x38;
	[tilespmem:$0x5580] =	vst v63  }
0x1f: {  	_ =	swait.ge [sflag:s9], $0x5000  }
0x20: {  	[sflag:s9] =	ssyncset.done $0x0  }
0x21: {  	[sflag:s9] =	ssyncadd.s32 $0xFFFFB000  }
0x22: {  	s15 =	simm.s32 $0x0;
	[bflag:$0x0] =	sbarrier.arrive $0xFFFF  }
0x23: {  	[spmem:s1] =	stream.indirect.scatter.add.f32 [tilespmem:s11], [sflag:$0x1], $0x1, s15, s10, $0xb8;
	[tilespmem:$0x5580] =	vst v63  }
0x24: {  	_ =	swait.ge [sflag:s9], $0x80  }
0x25: {  	s15 =	simm.s32 $0x200;
	[sflag:s9] =	ssyncset.done $0x0  }
.LBB2_2:
0x26: {  	s16 =	sshra.s32 s15, $0x2;
	[sflag:s9] =	ssyncadd.s32 $0xFFFFFF80;
	p0 =	sne.s32 s15, $0x13E00  }
0x27: {  	[spmem:s1] =	stream.indirect.scatter.add.f32 [tilespmem:s11], [sflag:$0x1], $0x1, s16, s10, $0xb8;
	[tilespmem:$0x5580] =	vst v63  }
.Ltmp0:
0x28: {  	_ = 	snop;
	(pc) =	sbr.rel @p0 .LBB2_2-.Ltmp0, $4  }
0x29: {  	_ = 	snop  }
0x2a: {  	s15 =	sadd.s32 $0x200, s15  }
0x2b: {  	_ =	swait.ge [sflag:s9], $0x80  }
0x2c: {  	[sflag:s9] =	ssyncset.done $0x0  }
0x2d: {  	[sflag:s9] =	ssyncadd.s32 $0xFFFFFF80  }
0x2e: {  	[bflag:$0x0] =	sbarrier.arrive $0xFFFF  }
0x2f: {  	[tilespmem:s8], [sflag:$0x1] =	stream.linear.gather [spmem:s5], $0x280, $0x38;
	[tilespmem:$0x5580] =	vst v63  }
0x30: {  	s14 =	sadd.s32 $0x1, s14;
	_ =	swait.ge [sflag:s9], $0x280  }
0x31: {  	p0 =	sne.s32 s14, s6;
	[sflag:s9] =	ssyncset.done $0x0  }
.Ltmp1:
0x32: {  	[sflag:s9] =	ssyncadd.s32 $0xFFFFFD80;
	(pc) =	sbr.rel @p0 .LBB2_1-.Ltmp1, $4  }
0x33: {  	[hbm4b:s12+s10] =	stream.strided.scatter [tilespmem:s8], [sflag:$0x1], $0x280, s13, s10, $0x38;
	[tilespmem:$0x5580] =	vst v63  }
0x34: {  	_ =	swait.ge [sflag:s9], $0x280  }
0x35: {  	[sflag:s9] =	ssyncset.done $0x0  }
0x36: {  	[sflag:s9] =	ssyncadd.s32 $0xFFFFFD80  }
0x37: {  	_ =	sfence.sel $0x180000  }
0x38: {  	[bflag:$0x0] =	sbarrier.arrive $0xFFFF  }
0x39: {  	p0 =	sne.s32 s3, $0x0;
	_ =	strace $0x90000047  }
0x3a: {  	s0 =	sadd.s32 @!p0 $0x100000, s0;
	[bflag:$0x2] =	sbarrier.arrive $0xFFFF  }
0x3b: {  	[sflag:s0] =	ssyncadd.tile.s32 @!p0 $0x1;
	_ =	shalt  }
.Lfunc_end2:
_tile_overlayer_lowered:
.L_overlay_start_2:
0x3c: {  	(tag) =	ssettag $0x2  }
0x3d: {  	s0 =	rddreg [dreg:$0x0];
	s2 =	stileid.u32  }
0x3e: {  	s1 =	rddreg [dreg:$0x1];
	p0 =	sne.s32 s2, $0x0  }
0x3f: {  	s3 =	rddreg [dreg:$0x2];
	[bflag:$0x3] =	sbarrier.arrive $0xFFFF;
	s2 =	simm.s32 @!p0 $0x1C01  }
0x40: {  	[timem:s3], [sflag:s2] =	dma.local @!p0 [hbm:s0], s1  }
0x41: {  	s0 =	simm.s32 @!p0 $0x1  }
0x42: {  	_ =	swait.ge @!p0 [sflag:s0], s1  }
0x43: {  	s1 =	ssub.s32 @!p0 $0x0, s1;
	[sflag:s0] =	ssyncset.done @!p0 $0x0  }
0x44: {  	[sflag:s0] =	ssyncadd.s32 @!p0 s1  }
0x45: {  	[bflag:$0x3] =	sbarrier.arrive $0xFFFF  }
0x46: {  	_ =	shalt  }

</sc_bundles>
